<compile_context>
chip_gen: v7x
topology: tpu7x:2x2x1
jax: 0.10.2.dev20260603
libtpu: 0.0.44.dev20260713+nightly
codegen_flags: <defaults>
</compile_context>

<pallas_src>
import functools

import jax
import jax.numpy as jnp
from jax import lax
from jax.experimental import pallas as pl
from jax.experimental.pallas import tpu as pltpu
from jax.experimental.pallas import tpu_sc as plsc

N_NEG = 5
VOCAB = 1_000_000
DIM = 64
BSZ = 1024
PAD_LEN = 200

VPAD = 1 << 20
NT = 32
CHUNK_V = VPAD // NT
L = 16
G = 32
NCOARSE = VPAD // G
NNEG = N_NEG * PAD_LEN
NNEG_P = 1008
POS_P = 208
TOT_P = POS_P + NNEG_P
SAMP_PT = BSZ * NNEG_P // NT
SUB = 128
BATCH = 6 * SUB
NBATCH = SAMP_PT // BATCH
ROWS_PT = BSZ // NT
NEG_MASK_PAD = -30.0


def _mesh():
    return plsc.VectorSubcoreMesh(core_axis_name="c", subcore_axis_name="s",
                                  num_cores=2, num_subcores=16)


def _wid():
    return lax.axis_index("s") * 2 + lax.axis_index("c")


def _iota():
    return lax.iota(jnp.int32, 16)


def _k1_uniforms():

    def body(o_ref):
        pltpu.prng_seed(42)
        bits = pltpu.prng_random_bits((BSZ, NNEG_P))
        v = (jax.lax.shift_right_logical(bits.astype(jnp.uint32),
                                         jnp.uint32(8))
             ).astype(jnp.float32) * (2.0 ** -24)
        col = lax.broadcasted_iota(jnp.int32, (BSZ, NNEG_P), 1)
        u = jnp.where(col < NNEG, (col.astype(jnp.float32) + v) * (1.0 / NNEG),
                      0.0)
        o_ref[...] = u

    return pl.pallas_call(
        body, out_shape=jax.ShapeDtypeStruct((BSZ, NNEG_P), jnp.float32))()


def _k2_sums(dist_p):

    @functools.partial(
        pl.kernel,
        out_type=jax.ShapeDtypeStruct((NT, L), jnp.float32),
        mesh=_mesh(),
        compiler_params=pltpu.CompilerParams(needs_layout_passes=False, use_tc_tiling_on_sc=False),
        scratch_types=[pltpu.VMEM((CHUNK_V,), jnp.float32),
                       pltpu.VMEM((L,), jnp.float32)],
    )
    def k(dist_hbm, out_hbm, dvmem, svmem):
        wid = _wid()
        pltpu.sync_copy(dist_hbm.at[pl.ds(wid * CHUNK_V, CHUNK_V)], dvmem)

        def body(i, acc):
            return acc + dvmem[pl.ds(i * L, L)]

        acc = lax.fori_loop(0, CHUNK_V // L, body,
                            jnp.zeros((L,), jnp.float32))
        svmem[...] = jnp.broadcast_to(jnp.sum(acc), (L,))
        pltpu.sync_copy(svmem, out_hbm.at[wid])

    return k(dist_p)


def _k3_cdf(dist_p, tsums):

    @functools.partial(
        pl.kernel,
        out_type=(jax.ShapeDtypeStruct((VPAD,), jnp.float32),
                  jax.ShapeDtypeStruct((NCOARSE,), jnp.float32)),
        mesh=_mesh(),
        compiler_params=pltpu.CompilerParams(needs_layout_passes=False, use_tc_tiling_on_sc=False),
        scratch_types=[pltpu.VMEM((CHUNK_V,), jnp.float32),
                       pltpu.VMEM((CHUNK_V,), jnp.float32),
                       pltpu.VMEM((NT, L), jnp.float32),
                       pltpu.VMEM((CHUNK_V // G,), jnp.float32)],
    )
    def k(dist_hbm, tsums_hbm, cdf_hbm, coarse_hbm, dvmem, cvmem, tsvmem,
          crsvmem):
        wid = _wid()
        pltpu.sync_copy(tsums_hbm, tsvmem)
        pltpu.sync_copy(dist_hbm.at[pl.ds(wid * CHUNK_V, CHUNK_V)], dvmem)

        base = jnp.float32(0.0)
        for w2 in range(NT):
            s = jnp.max(tsvmem[w2])
            base = base + jnp.where(w2 < wid, s, 0.0)

        def cum_body(i, carry):
            v = dvmem[pl.ds(i * L, L)]
            cvmem[pl.ds(i * L, L)] = plsc.cumsum(v) + carry
            return carry + jnp.sum(v)

        lax.fori_loop(0, CHUNK_V // L, cum_body, base)

        iota = _iota()

        def crs_body(j, _):
            idx = (j * L + iota) * G + (G - 1)
            crsvmem[pl.ds(j * L, L)] = plsc.load_gather(cvmem, [idx])
            return 0

        lax.fori_loop(0, CHUNK_V // G // L, crs_body, 0)

        pltpu.sync_copy(cvmem, cdf_hbm.at[pl.ds(wid * CHUNK_V, CHUNK_V)])
        pltpu.sync_copy(
            crsvmem,
            coarse_hbm.at[pl.ds(wid * (CHUNK_V // G), CHUNK_V // G)])

    return k(dist_p, tsums)


def _k4_sample(coarse, cdf2d, u_flat):

    @functools.partial(
        pl.kernel,
        out_type=jax.ShapeDtypeStruct((BSZ * NNEG_P,), jnp.int32),
        mesh=_mesh(),
        compiler_params=pltpu.CompilerParams(needs_layout_passes=False, use_tc_tiling_on_sc=False),
        scratch_types=[pltpu.VMEM((NCOARSE,), jnp.float32),
                       pltpu.VMEM((BATCH,), jnp.float32),
                       pltpu.VMEM((BATCH,), jnp.int32),
                       pltpu.VMEM((BATCH, G), jnp.float32),
                       pltpu.VMEM((BATCH,), jnp.int32),
                       pltpu.SemaphoreType.DMA],
    )
    def k2(coarse_hbm, cdf2_hbm, u_hbm, tok_hbm, cvmem, uvmem, bidvmem,
           blkvmem, tokvmem, sem):
        wid = _wid()
        pltpu.sync_copy(coarse_hbm, cvmem)
        total = jnp.max(cvmem[pl.ds(NCOARSE - L, L)])
        iota = _iota()

        def batch_body(bi, _):
            base = wid * SAMP_PT + bi * BATCH
            pltpu.sync_copy(u_hbm.at[pl.ds(base, BATCH)], uvmem)

            def coarse_body(v, _):
                u = uvmem[pl.ds(v * L, L)] * total
                lo = jnp.zeros((L,), jnp.int32)
                hi = jnp.full((L,), NCOARSE - 1, jnp.int32)
                for _s in range(15):
                    mid = jax.lax.shift_right_logical(lo + hi, 1)
                    c = plsc.load_gather(cvmem, [mid])
                    pred = u < c
                    hi = jnp.where(pred, mid, hi)
                    lo = jnp.where(pred, lo, mid + 1)
                bidvmem[pl.ds(v * L, L)] = jnp.minimum(lo, NCOARSE - 1)
                return 0

            lax.fori_loop(0, BATCH // L, coarse_body, 0)

            copies = []
            for s in range(BATCH // SUB):
                copies.append(pltpu.async_copy(
                    cdf2_hbm.at[bidvmem.at[pl.ds(s * SUB, SUB)]],
                    blkvmem.at[pl.ds(s * SUB, SUB)], sem))
            for c in copies:
                c.wait()

            def fine_body(v, _):
                u = uvmem[pl.ds(v * L, L)] * total
                row = v * L + iota
                blk = bidvmem[pl.ds(v * L, L)]
                lo = jnp.zeros((L,), jnp.int32)
                hi = jnp.full((L,), G - 1, jnp.int32)
                for _s in range(5):
                    mid = jax.lax.shift_right_logical(lo + hi, 1)
                    c = plsc.load_gather(blkvmem, [row, mid])
                    pred = u < c
                    hi = jnp.where(pred, mid, hi)
                    lo = jnp.where(pred, lo, mid + 1)
                tok = jnp.minimum(blk * G + lo, VOCAB - 1)
                tokvmem[pl.ds(v * L, L)] = tok
                return 0

            lax.fori_loop(0, BATCH // L, fine_body, 0)
            pltpu.sync_copy(tokvmem, tok_hbm.at[pl.ds(base, BATCH)])
            return 0

        lax.fori_loop(0, NBATCH, batch_body, 0)

    return k2(coarse, cdf2d, u_flat)


def _k5_dots(emb_table, emb_e, tok_pos_p, tok_neg):

    @functools.partial(
        pl.kernel,
        out_type=jax.ShapeDtypeStruct((BSZ, TOT_P), jnp.float32),
        mesh=_mesh(),
        compiler_params=pltpu.CompilerParams(needs_layout_passes=False, use_tc_tiling_on_sc=False),
        scratch_types=[pltpu.VMEM((DIM,), jnp.float32),
                       pltpu.VMEM((POS_P,), jnp.int32),
                       pltpu.VMEM((NNEG_P,), jnp.int32),
                       pltpu.VMEM((TOT_P, DIM), jnp.float32),
                       pltpu.VMEM((TOT_P,), jnp.float32),
                       pltpu.SemaphoreType.DMA],
    )
    def k(table_hbm, embe_hbm, tpos_hbm, tneg_hbm, dots_hbm, evmem, pidvmem,
          nidvmem, rowsvmem, dotsvmem, sem):
        wid = _wid()
        iota = _iota()

        def row_body(bl, _):
            b = wid * ROWS_PT + bl
            pltpu.sync_copy(embe_hbm.at[b], evmem)
            pltpu.sync_copy(tpos_hbm.at[b], pidvmem)
            pltpu.sync_copy(tneg_hbm.at[b], nidvmem)
            copies = []
            for s in range(POS_P // 104):
                copies.append(pltpu.async_copy(
                    table_hbm.at[pidvmem.at[pl.ds(s * 104, 104)]],
                    rowsvmem.at[pl.ds(s * 104, 104)], sem))
            for s in range(NNEG_P // 112):
                copies.append(pltpu.async_copy(
                    table_hbm.at[nidvmem.at[pl.ds(s * 112, 112)]],
                    rowsvmem.at[pl.ds(POS_P + s * 112, 112)], sem))
            for c in copies:
                c.wait()

            evecs = [evmem[pl.ds(kk * L, L)] for kk in range(DIM // L)]
            es = [evecs[d // L][d % L] for d in range(DIM)]

            def pos_body(i, _):
                idx0 = i * L + iota
                acc = jnp.zeros((L,), jnp.float32)
                for d in range(DIM):
                    g = plsc.load_gather(
                        rowsvmem, [idx0, jnp.full((L,), d, jnp.int32)])
                    acc = acc - g * es[d]
                valid = (i * L + iota) < PAD_LEN
                dotsvmem[pl.ds(i * L, L)] = jnp.where(valid, acc,
                                                      NEG_MASK_PAD)
                return 0

            lax.fori_loop(0, POS_P // L, pos_body, 0)

            def neg_body(j, _):
                idx0 = POS_P + j * L + iota
                acc = jnp.zeros((L,), jnp.float32)
                for d in range(DIM):
                    g = plsc.load_gather(
                        rowsvmem, [idx0, jnp.full((L,), d, jnp.int32)])
                    acc = acc + g * es[d]
                valid = (j * L + iota) < NNEG
                dotsvmem[pl.ds(POS_P + j * L, L)] = jnp.where(
                    valid, acc, NEG_MASK_PAD)
                return 0

            lax.fori_loop(0, NNEG_P // L, neg_body, 0)
            pltpu.sync_copy(dotsvmem, dots_hbm.at[b])
            return 0

        lax.fori_loop(0, ROWS_PT, row_body, 0)

    return k(emb_table, emb_e, tok_pos_p, tok_neg)


def _k6_loss(dots, token_pos):
    def body(d_ref, t_ref, o_ref):
        d = d_ref[...]
        sp = jnp.maximum(d, 0.0) + jnp.log1p(jnp.exp(-jnp.abs(d)))
        cnt = jnp.sum((t_ref[...] != 0).astype(jnp.float32))
        o_ref[...] = (jnp.sum(sp) / (cnt * (N_NEG + 1)))[None, None]

    return pl.pallas_call(
        body, out_shape=jax.ShapeDtypeStruct((1, 1), jnp.float32))(
            dots, token_pos)


def kernel(emb_e, token_pos, emb_table, distribution):
    dist_p = jnp.concatenate(
        [distribution, jnp.zeros((VPAD - VOCAB,), jnp.float32)])
    tok_pos_p = jnp.pad(token_pos, ((0, 0), (0, POS_P - PAD_LEN)))
    u = _k1_uniforms()
    tsums = _k2_sums(dist_p)
    cdf, coarse = _k3_cdf(dist_p, tsums)
    tokens = _k4_sample(coarse, cdf.reshape(NCOARSE, G), u.reshape(-1))
    dots = _k5_dots(emb_table, emb_e, tok_pos_p,
                    tokens.reshape(BSZ, NNEG_P))
    out = _k6_loss(dots, token_pos)
    return out[0, 0]

# --- scband reference (transcript-rebuilt; emitter-appended) ---
"""Pipeline reference for scband-paragraph-vector-loss-32091995636393 (READ-ONLY COPY).

The authoritative reference and input builder live on the scoring server;
editing this copy changes nothing except your own understanding.
"""

import jax, jax.numpy as jnp
import numpy as np

N_NEG = 5
MAX_LEN = 256
VOCAB = 1000000
DIM = 64
BSZ = 1024
PAD_LEN = 200


def setup_inputs(seed: int = 0) -> dict:
    key = jax.random.key(seed)
    k1, k2, k3, k4 = jax.random.split(key, 4)
    emb_e = jax.random.normal(k1, (BSZ, DIM), dtype=jnp.float32)
    token_pos = jax.random.randint(k2, (BSZ, PAD_LEN), 0, VOCAB, dtype=jnp.int64 if jax.config.jax_enable_x64 else jnp.int32)
    emb_table = jax.random.normal(k3, (VOCAB, DIM), dtype=jnp.float32) * 0.02
    d = jax.random.uniform(k4, (VOCAB,), dtype=jnp.float32) + 1e-3
    distribution = d / d.sum()
    return {"emb_e": emb_e, "token_pos": token_pos, "emb_table": emb_table, "distribution": distribution}


def reference(emb_e, token_pos, emb_table, distribution):
    bsz, pad_len = token_pos.shape
    if pad_len > MAX_LEN:
        pad_len = MAX_LEN
        token_pos = token_pos[:, :pad_len]
    lens = (token_pos != 0).sum(axis=1)
    n_token = ((N_NEG + 1) * lens.sum()).astype(jnp.float32)
    # negative sampling with replacement from the unigram distribution (subtract=False)
    skey = jax.random.key(42)
    token_neg = jax.random.categorical(skey, jnp.log(distribution), shape=(bsz, pad_len * N_NEG))
    emb_v_pos = jnp.take(emb_table, token_pos, axis=0)
    emb_v_neg = jnp.take(emb_table, token_neg, axis=0)
    emb_v = jnp.concatenate((emb_v_pos, -emb_v_neg), axis=1)
    dot = (emb_e[:, None, :] * emb_v).sum(-1)
    loss = -jax.nn.log_sigmoid(dot).sum() / n_token
    return loss

if __name__ == "__main__":
    import jax
    _d = setup_inputs()
    print(jax.jit(kernel)(*tuple(_d.values())))

</pallas_src>

<mosaic_0001>
#map = affine_map<(d0, d1) -> (0)>
#map1 = affine_map<(d0, d1) -> (0, 0)>
module attributes {stable_mosaic.version = 14 : i64} {
  func.func @k2(%arg0: i32, %arg1: i32, %arg2: memref<32768xf32, #tpu.memory_space<hbm>>, %arg3: memref<32768x32xf32, #tpu.memory_space<hbm>>, %arg4: memref<1032192xf32, #tpu.memory_space<hbm>>, %arg5: memref<1032192xi32, #tpu.memory_space<hbm>>, %arg6: memref<32768xf32, #tpu.memory_space<vmem>>, %arg7: memref<768xf32, #tpu.memory_space<vmem>>, %arg8: memref<768xi32, #tpu.memory_space<vmem>>, %arg9: memref<768x32xf32, #tpu.memory_space<vmem>>, %arg10: memref<768xi32, #tpu.memory_space<vmem>>, %arg11: memref<!tpu.dma_semaphore, #tpu.memory_space<semaphore_mem>>) attributes {dimension_semantics = [#tpu.dimension_semantics<core_parallel>, #tpu.dimension_semantics<subcore_parallel>], iteration_bounds = array<i64: 2, 16>, scalar_prefetch = 0 : i64, scratch_operands = 6 : i64, tpu.core_type = #tpu.core_type<sc_vector_subcore>, window_params = [{transform_indices = #map}, {transform_indices = #map1}, {transform_indices = #map}, {transform_indices = #map}]} {
    %mul3A = arith.constant 2 : i32
    %mul3A_0 = arith.muli %arg1, %mul3A : i32
    %add3A = arith.addi %mul3A_0, %arg0 : i32
    "tpu.region"() ({
      %run_scoped3A = tpu.sem_alloc : memref<!tpu.dma_semaphore, #tpu.memory_space<semaphore_mem>>
      tpu.enqueue_dma source(%arg2 : memref<32768xf32, #tpu.memory_space<hbm>>) target(%arg6 : memref<32768xf32, #tpu.memory_space<vmem>>) target_semaphore(%run_scoped3A : memref<!tpu.dma_semaphore, #tpu.memory_space<semaphore_mem>>)
      tpu.wait_dma2 semaphore(%run_scoped3A : memref<!tpu.dma_semaphore, #tpu.memory_space<semaphore_mem>>) src(%arg2 : memref<32768xf32, #tpu.memory_space<hbm>>) dst(%arg6 : memref<32768xf32, #tpu.memory_space<vmem>>)
      tpu.yield
    }) : () -> ()
    %get3A = arith.constant 32752 : index
    %get3A_1 = tpu.vector_load %arg6[%get3A] {strides = array<i32>} : memref<32768xf32, #tpu.memory_space<vmem>>, vector<16xf32>,
    %reduce_max3A = arith.constant true
    %reduce_max3A_2 = vector.broadcast %reduce_max3A : i1 to vector<16xi1>
    %reduce_max3A_3 = tpu.scan <max>, %get3A_1 masked %reduce_max3A_2 : vector<16xf32>, vector<16xi1> -> vector<16xf32>
    %reduce_max3A_4 = vector.extract %reduce_max3A_3[15] : f32 from vector<16xf32>
    %iota3A = tpu.iota {dimensions = array<i32: 0>} : vector<16xi32>
    %scan3A = arith.constant 0 : i32
    %scan3A_5 = arith.constant 0 : i32
    %scan3A_6 = arith.constant 42 : i32
    %scan3A_7 = arith.addi %scan3A_5, %scan3A_6 : i32
    %scan3A_8 = arith.constant 1 : i32
    %scan3A_9 = scf.for %scan3A_11 = %scan3A_5 to %scan3A_7 step %scan3A_8 iter_args(%scan3A_12 = %scan3A) -> (i32)  : i32 {
      %mul3A_13 = arith.constant 32256 : i32
      %mul3A_14 = arith.muli %add3A, %mul3A_13 : i32
      %mul3A_15 = arith.constant 768 : i32
      %mul3A_16 = arith.muli %scan3A_11, %mul3A_15 : i32
      %add3A_17 = arith.addi %mul3A_14, %mul3A_16 : i32
      "tpu.region"() ({
        %run_scoped3A = tpu.sem_alloc : memref<!tpu.dma_semaphore, #tpu.memory_space<semaphore_mem>>
        %dma_start3A_127 = tpu.memref_slice %arg4[%add3A_17] : memref<1032192xf32, #tpu.memory_space<hbm>> -> memref<768xf32, #tpu.memory_space<hbm>>
        %dma_start3A_128 = tpu.memref_slice %arg4[%add3A_17] : memref<1032192xf32, #tpu.memory_space<hbm>> -> memref<768xf32, #tpu.memory_space<hbm>>
        tpu.enqueue_dma source(%dma_start3A_128 : memref<768xf32, #tpu.memory_space<hbm>>) target(%arg7 : memref<768xf32, #tpu.memory_space<vmem>>) target_semaphore(%run_scoped3A : memref<!tpu.dma_semaphore, #tpu.memory_space<semaphore_mem>>)
        %dma_wait3A_129 = tpu.memref_slice %arg4[%add3A_17] : memref<1032192xf32, #tpu.memory_space<hbm>> -> memref<768xf32, #tpu.memory_space<hbm>>
        %dma_wait3A_130 = tpu.memref_slice %arg4[%add3A_17] : memref<1032192xf32, #tpu.memory_space<hbm>> -> memref<768xf32, #tpu.memory_space<hbm>>
        tpu.wait_dma2 semaphore(%run_scoped3A : memref<!tpu.dma_semaphore, #tpu.memory_space<semaphore_mem>>) src(%dma_wait3A_130 : memref<768xf32, #tpu.memory_space<hbm>>) dst(%arg7 : memref<768xf32, #tpu.memory_space<vmem>>)
        tpu.yield
      }) : () -> ()
      %scan3A_18 = arith.constant 0 : i32
      %scan3A_19 = arith.constant 0 : i32
      %scan3A_20 = arith.constant 48 : i32
      %scan3A_21 = arith.addi %scan3A_19, %scan3A_20 : i32
      %scan3A_22 = arith.constant 1 : i32
      %scan3A_23 = scf.for %scan3A_127 = %scan3A_19 to %scan3A_21 step %scan3A_22 iter_args(%scan3A_128 = %scan3A_18) -> (i32)  : i32 {
        %mul3A_129 = arith.constant 16 : i32
        %mul3A_130 = arith.muli %scan3A_127, %mul3A_129 : i32
        %get3A_131 = arith.index_cast %mul3A_130 : i32 to index
        %get3A_132 = tpu.vector_load %arg7[%get3A_131] {strides = array<i32>} : memref<768xf32, #tpu.memory_space<vmem>>, vector<16xf32>,
        %mul3A_133 = vector.broadcast %reduce_max3A_4 : f32 to vector<16xf32>
        %mul3A_134 = arith.mulf %get3A_132, %mul3A_133 : vector<16xf32>
        %broadcast_in_dim3A = arith.constant 0 : i32
        %broadcast_in_dim3A_135 = vector.broadcast %broadcast_in_dim3A : i32 to vector<16xi32>
        %broadcast_in_dim3A_136 = arith.constant 32767 : i32
        %broadcast_in_dim3A_137 = vector.broadcast %broadcast_in_dim3A_136 : i32 to vector<16xi32>
        %add3A_138 = arith.addi %broadcast_in_dim3A_135, %broadcast_in_dim3A_137 : vector<16xi32>
        %shift_right_logical3A = arith.constant 1 : i32
        %shift_right_logical3A_139 = vector.broadcast %shift_right_logical3A : i32 to vector<16xi32>
        %shift_right_logical3A_140 = arith.shrui %add3A_138, %shift_right_logical3A_139 : vector<16xi32>
        %gather3A = tpu.vector_load_idx %arg6[%shift_right_logical3A_140] : memref<32768xf32, #tpu.memory_space<vmem>>[vector<16xi32>], vector<16xf32>,
        %lt3A = arith.cmpf olt, %mul3A_134, %gather3A : vector<16xf32>
        %select_n3A = arith.select %lt3A, %shift_right_logical3A_140, %broadcast_in_dim3A_137 : vector<16xi1>, vector<16xi32>
        %add3A_141 = arith.constant 1 : i32
        %add3A_142 = vector.broadcast %add3A_141 : i32 to vector<16xi32>
        %add3A_143 = arith.addi %shift_right_logical3A_140, %add3A_142 : vector<16xi32>
        %select_n3A_144 = arith.select %lt3A, %broadcast_in_dim3A_135, %add3A_143 : vector<16xi1>, vector<16xi32>
        %add3A_145 = arith.addi %select_n3A_144, %select_n3A : vector<16xi32>
        %shift_right_logical3A_146 = arith.constant 1 : i32
        %shift_right_logical3A_147 = vector.broadcast %shift_right_logical3A_146 : i32 to vector<16xi32>
        %shift_right_logical3A_148 = arith.shrui %add3A_145, %shift_right_logical3A_147 : vector<16xi32>
        %gather3A_149 = tpu.vector_load_idx %arg6[%shift_right_logical3A_148] : memref<32768xf32, #tpu.memory_space<vmem>>[vector<16xi32>], vector<16xf32>,
        %lt3A_150 = arith.cmpf olt, %mul3A_134, %gather3A_149 : vector<16xf32>
        %select_n3A_151 = arith.select %lt3A_150, %shift_right_logical3A_148, %select_n3A : vector<16xi1>, vector<16xi32>
        %add3A_152 = arith.constant 1 : i32
        %add3A_153 = vector.broadcast %add3A_152 : i32 to vector<16xi32>
        %add3A_154 = arith.addi %shift_right_logical3A_148, %add3A_153 : vector<16xi32>
        %select_n3A_155 = arith.select %lt3A_150, %select_n3A_144, %add3A_154 : vector<16xi1>, vector<16xi32>
        %add3A_156 = arith.addi %select_n3A_155, %select_n3A_151 : vector<16xi32>
        %shift_right_logical3A_157 = arith.constant 1 : i32
        %shift_right_logical3A_158 = vector.broadcast %shift_right_logical3A_157 : i32 to vector<16xi32>
        %shift_right_logical3A_159 = arith.shrui %add3A_156, %shift_right_logical3A_158 : vector<16xi32>
        %gather3A_160 = tpu.vector_load_idx %arg6[%shift_right_logical3A_159] : memref<32768xf32, #tpu.memory_space<vmem>>[vector<16xi32>], vector<16xf32>,
        %lt3A_161 = arith.cmpf olt, %mul3A_134, %gather3A_160 : vector<16xf32>
        %select_n3A_162 = arith.select %lt3A_161, %shift_right_logical3A_159, %select_n3A_151 : vector<16xi1>, vector<16xi32>
        %add3A_163 = arith.constant 1 : i32
        %add3A_164 = vector.broadcast %add3A_163 : i32 to vector<16xi32>
        %add3A_165 = arith.addi %shift_right_logical3A_159, %add3A_164 : vector<16xi32>
        %select_n3A_166 = arith.select %lt3A_161, %select_n3A_155, %add3A_165 : vector<16xi1>, vector<16xi32>
        %add3A_167 = arith.addi %select_n3A_166, %select_n3A_162 : vector<16xi32>
        %shift_right_logical3A_168 = arith.constant 1 : i32
        %shift_right_logical3A_169 = vector.broadcast %shift_right_logical3A_168 : i32 to vector<16xi32>
        %shift_right_logical3A_170 = arith.shrui %add3A_167, %shift_right_logical3A_169 : vector<16xi32>
        %gather3A_171 = tpu.vector_load_idx %arg6[%shift_right_logical3A_170] : memref<32768xf32, #tpu.memory_space<vmem>>[vector<16xi32>], vector<16xf32>,
        %lt3A_172 = arith.cmpf olt, %mul3A_134, %gather3A_171 : vector<16xf32>
        %select_n3A_173 = arith.select %lt3A_172, %shift_right_logical3A_170, %select_n3A_162 : vector<16xi1>, vector<16xi32>
        %add3A_174 = arith.constant 1 : i32
        %add3A_175 = vector.broadcast %add3A_174 : i32 to vector<16xi32>
        %add3A_176 = arith.addi %shift_right_logical3A_170, %add3A_175 : vector<16xi32>
        %select_n3A_177 = arith.select %lt3A_172, %select_n3A_166, %add3A_176 : vector<16xi1>, vector<16xi32>
        %add3A_178 = arith.addi %select_n3A_177, %select_n3A_173 : vector<16xi32>
        %shift_right_logical3A_179 = arith.constant 1 : i32
        %shift_right_logical3A_180 = vector.broadcast %shift_right_logical3A_179 : i32 to vector<16xi32>
        %shift_right_logical3A_181 = arith.shrui %add3A_178, %shift_right_logical3A_180 : vector<16xi32>
        %gather3A_182 = tpu.vector_load_idx %arg6[%shift_right_logical3A_181] : memref<32768xf32, #tpu.memory_space<vmem>>[vector<16xi32>], vector<16xf32>,
        %lt3A_183 = arith.cmpf olt, %mul3A_134, %gather3A_182 : vector<16xf32>
        %select_n3A_184 = arith.select %lt3A_183, %shift_right_logical3A_181, %select_n3A_173 : vector<16xi1>, vector<16xi32>
        %add3A_185 = arith.constant 1 : i32
        %add3A_186 = vector.broadcast %add3A_185 : i32 to vector<16xi32>
        %add3A_187 = arith.addi %shift_right_logical3A_181, %add3A_186 : vector<16xi32>
        %select_n3A_188 = arith.select %lt3A_183, %select_n3A_177, %add3A_187 : vector<16xi1>, vector<16xi32>
        %add3A_189 = arith.addi %select_n3A_188, %select_n3A_184 : vector<16xi32>
        %shift_right_logical3A_190 = arith.constant 1 : i32
        %shift_right_logical3A_191 = vector.broadcast %shift_right_logical3A_190 : i32 to vector<16xi32>
        %shift_right_logical3A_192 = arith.shrui %add3A_189, %shift_right_logical3A_191 : vector<16xi32>
        %gather3A_193 = tpu.vector_load_idx %arg6[%shift_right_logical3A_192] : memref<32768xf32, #tpu.memory_space<vmem>>[vector<16xi32>], vector<16xf32>,
        %lt3A_194 = arith.cmpf olt, %mul3A_134, %gather3A_193 : vector<16xf32>
        %select_n3A_195 = arith.select %lt3A_194, %shift_right_logical3A_192, %select_n3A_184 : vector<16xi1>, vector<16xi32>
        %add3A_196 = arith.constant 1 : i32
        %add3A_197 = vector.broadcast %add3A_196 : i32 to vector<16xi32>
        %add3A_198 = arith.addi %shift_right_logical3A_192, %add3A_197 : vector<16xi32>
        %select_n3A_199 = arith.select %lt3A_194, %select_n3A_188, %add3A_198 : vector<16xi1>, vector<16xi32>
        %add3A_200 = arith.addi %select_n3A_199, %select_n3A_195 : vector<16xi32>
        %shift_right_logical3A_201 = arith.constant 1 : i32
        %shift_right_logical3A_202 = vector.broadcast %shift_right_logical3A_201 : i32 to vector<16xi32>
        %shift_right_logical3A_203 = arith.shrui %add3A_200, %shift_right_logical3A_202 : vector<16xi32>
        %gather3A_204 = tpu.vector_load_idx %arg6[%shift_right_logical3A_203] : memref<32768xf32, #tpu.memory_space<vmem>>[vector<16xi32>], vector<16xf32>,
        %lt3A_205 = arith.cmpf olt, %mul3A_134, %gather3A_204 : vector<16xf32>
        %select_n3A_206 = arith.select %lt3A_205, %shift_right_logical3A_203, %select_n3A_195 : vector<16xi1>, vector<16xi32>
        %add3A_207 = arith.constant 1 : i32
        %add3A_208 = vector.broadcast %add3A_207 : i32 to vector<16xi32>
        %add3A_209 = arith.addi %shift_right_logical3A_203, %add3A_208 : vector<16xi32>
        %select_n3A_210 = arith.select %lt3A_205, %select_n3A_199, %add3A_209 : vector<16xi1>, vector<16xi32>
        %add3A_211 = arith.addi %select_n3A_210, %select_n3A_206 : vector<16xi32>
        %shift_right_logical3A_212 = arith.constant 1 : i32
        %shift_right_logical3A_213 = vector.broadcast %shift_right_logical3A_212 : i32 to vector<16xi32>
        %shift_right_logical3A_214 = arith.shrui %add3A_211, %shift_right_logical3A_213 : vector<16xi32>
        %gather3A_215 = tpu.vector_load_idx %arg6[%shift_right_logical3A_214] : memref<32768xf32, #tpu.memory_space<vmem>>[vector<16xi32>], vector<16xf32>,
        %lt3A_216 = arith.cmpf olt, %mul3A_134, %gather3A_215 : vector<16xf32>
        %select_n3A_217 = arith.select %lt3A_216, %shift_right_logical3A_214, %select_n3A_206 : vector<16xi1>, vector<16xi32>
        %add3A_218 = arith.constant 1 : i32
        %add3A_219 = vector.broadcast %add3A_218 : i32 to vector<16xi32>
        %add3A_220 = arith.addi %shift_right_logical3A_214, %add3A_219 : vector<16xi32>
        %select_n3A_221 = arith.select %lt3A_216, %select_n3A_210, %add3A_220 : vector<16xi1>, vector<16xi32>
        %add3A_222 = arith.addi %select_n3A_221, %select_n3A_217 : vector<16xi32>
        %shift_right_logical3A_223 = arith.constant 1 : i32
        %shift_right_logical3A_224 = vector.broadcast %shift_right_logical3A_223 : i32 to vector<16xi32>
        %shift_right_logical3A_225 = arith.shrui %add3A_222, %shift_right_logical3A_224 : vector<16xi32>
        %gather3A_226 = tpu.vector_load_idx %arg6[%shift_right_logical3A_225] : memref<32768xf32, #tpu.memory_space<vmem>>[vector<16xi32>], vector<16xf32>,
        %lt3A_227 = arith.cmpf olt, %mul3A_134, %gather3A_226 : vector<16xf32>
        %select_n3A_228 = arith.select %lt3A_227, %shift_right_logical3A_225, %select_n3A_217 : vector<16xi1>, vector<16xi32>
        %add3A_229 = arith.constant 1 : i32
        %add3A_230 = vector.broadcast %add3A_229 : i32 to vector<16xi32>
        %add3A_231 = arith.addi %shift_right_logical3A_225, %add3A_230 : vector<16xi32>
        %select_n3A_232 = arith.select %lt3A_227, %select_n3A_221, %add3A_231 : vector<16xi1>, vector<16xi32>
        %add3A_233 = arith.addi %select_n3A_232, %select_n3A_228 : vector<16xi32>
        %shift_right_logical3A_234 = arith.constant 1 : i32
        %shift_right_logical3A_235 = vector.broadcast %shift_right_logical3A_234 : i32 to vector<16xi32>
        %shift_right_logical3A_236 = arith.shrui %add3A_233, %shift_right_logical3A_235 : vector<16xi32>
        %gather3A_237 = tpu.vector_load_idx %arg6[%shift_right_logical3A_236] : memref<32768xf32, #tpu.memory_space<vmem>>[vector<16xi32>], vector<16xf32>,
        %lt3A_238 = arith.cmpf olt, %mul3A_134, %gather3A_237 : vector<16xf32>
        %select_n3A_239 = arith.select %lt3A_238, %shift_right_logical3A_236, %select_n3A_228 : vector<16xi1>, vector<16xi32>
        %add3A_240 = arith.constant 1 : i32
        %add3A_241 = vector.broadcast %add3A_240 : i32 to vector<16xi32>
        %add3A_242 = arith.addi %shift_right_logical3A_236, %add3A_241 : vector<16xi32>
        %select_n3A_243 = arith.select %lt3A_238, %select_n3A_232, %add3A_242 : vector<16xi1>, vector<16xi32>
        %add3A_244 = arith.addi %select_n3A_243, %select_n3A_239 : vector<16xi32>
        %shift_right_logical3A_245 = arith.constant 1 : i32
        %shift_right_logical3A_246 = vector.broadcast %shift_right_logical3A_245 : i32 to vector<16xi32>
        %shift_right_logical3A_247 = arith.shrui %add3A_244, %shift_right_logical3A_246 : vector<16xi32>
        %gather3A_248 = tpu.vector_load_idx %arg6[%shift_right_logical3A_247] : memref<32768xf32, #tpu.memory_space<vmem>>[vector<16xi32>], vector<16xf32>,
        %lt3A_249 = arith.cmpf olt, %mul3A_134, %gather3A_248 : vector<16xf32>
        %select_n3A_250 = arith.select %lt3A_249, %shift_right_logical3A_247, %select_n3A_239 : vector<16xi1>, vector<16xi32>
        %add3A_251 = arith.constant 1 : i32
        %add3A_252 = vector.broadcast %add3A_251 : i32 to vector<16xi32>
        %add3A_253 = arith.addi %shift_right_logical3A_247, %add3A_252 : vector<16xi32>
        %select_n3A_254 = arith.select %lt3A_249, %select_n3A_243, %add3A_253 : vector<16xi1>, vector<16xi32>
        %add3A_255 = arith.addi %select_n3A_254, %select_n3A_250 : vector<16xi32>
        %shift_right_logical3A_256 = arith.constant 1 : i32
        %shift_right_logical3A_257 = vector.broadcast %shift_right_logical3A_256 : i32 to vector<16xi32>
        %shift_right_logical3A_258 = arith.shrui %add3A_255, %shift_right_logical3A_257 : vector<16xi32>
        %gather3A_259 = tpu.vector_load_idx %arg6[%shift_right_logical3A_258] : memref<32768xf32, #tpu.memory_space<vmem>>[vector<16xi32>], vector<16xf32>,
        %lt3A_260 = arith.cmpf olt, %mul3A_134, %gather3A_259 : vector<16xf32>
        %select_n3A_261 = arith.select %lt3A_260, %shift_right_logical3A_258, %select_n3A_250 : vector<16xi1>, vector<16xi32>
        %add3A_262 = arith.constant 1 : i32
        %add3A_263 = vector.broadcast %add3A_262 : i32 to vector<16xi32>
        %add3A_264 = arith.addi %shift_right_logical3A_258, %add3A_263 : vector<16xi32>
        %select_n3A_265 = arith.select %lt3A_260, %select_n3A_254, %add3A_264 : vector<16xi1>, vector<16xi32>
        %add3A_266 = arith.addi %select_n3A_265, %select_n3A_261 : vector<16xi32>
        %shift_right_logical3A_267 = arith.constant 1 : i32
        %shift_right_logical3A_268 = vector.broadcast %shift_right_logical3A_267 : i32 to vector<16xi32>
        %shift_right_logical3A_269 = arith.shrui %add3A_266, %shift_right_logical3A_268 : vector<16xi32>
        %gather3A_270 = tpu.vector_load_idx %arg6[%shift_right_logical3A_269] : memref<32768xf32, #tpu.memory_space<vmem>>[vector<16xi32>], vector<16xf32>,
        %lt3A_271 = arith.cmpf olt, %mul3A_134, %gather3A_270 : vector<16xf32>
        %select_n3A_272 = arith.select %lt3A_271, %shift_right_logical3A_269, %select_n3A_261 : vector<16xi1>, vector<16xi32>
        %add3A_273 = arith.constant 1 : i32
        %add3A_274 = vector.broadcast %add3A_273 : i32 to vector<16xi32>
        %add3A_275 = arith.addi %shift_right_logical3A_269, %add3A_274 : vector<16xi32>
        %select_n3A_276 = arith.select %lt3A_271, %select_n3A_265, %add3A_275 : vector<16xi1>, vector<16xi32>
        %add3A_277 = arith.addi %select_n3A_276, %select_n3A_272 : vector<16xi32>
        %shift_right_logical3A_278 = arith.constant 1 : i32
        %shift_right_logical3A_279 = vector.broadcast %shift_right_logical3A_278 : i32 to vector<16xi32>
        %shift_right_logical3A_280 = arith.shrui %add3A_277, %shift_right_logical3A_279 : vector<16xi32>
        %gather3A_281 = tpu.vector_load_idx %arg6[%shift_right_logical3A_280] : memref<32768xf32, #tpu.memory_space<vmem>>[vector<16xi32>], vector<16xf32>,
        %lt3A_282 = arith.cmpf olt, %mul3A_134, %gather3A_281 : vector<16xf32>
        %select_n3A_283 = arith.select %lt3A_282, %shift_right_logical3A_280, %select_n3A_272 : vector<16xi1>, vector<16xi32>
        %add3A_284 = arith.constant 1 : i32
        %add3A_285 = vector.broadcast %add3A_284 : i32 to vector<16xi32>
        %add3A_286 = arith.addi %shift_right_logical3A_280, %add3A_285 : vector<16xi32>
        %select_n3A_287 = arith.select %lt3A_282, %select_n3A_276, %add3A_286 : vector<16xi1>, vector<16xi32>
        %add3A_288 = arith.addi %select_n3A_287, %select_n3A_283 : vector<16xi32>
        %shift_right_logical3A_289 = arith.constant 1 : i32
        %shift_right_logical3A_290 = vector.broadcast %shift_right_logical3A_289 : i32 to vector<16xi32>
        %shift_right_logical3A_291 = arith.shrui %add3A_288, %shift_right_logical3A_290 : vector<16xi32>
        %gather3A_292 = tpu.vector_load_idx %arg6[%shift_right_logical3A_291] : memref<32768xf32, #tpu.memory_space<vmem>>[vector<16xi32>], vector<16xf32>,
        %lt3A_293 = arith.cmpf olt, %mul3A_134, %gather3A_292 : vector<16xf32>
        %select_n3A_294 = arith.select %lt3A_293, %shift_right_logical3A_291, %select_n3A_283 : vector<16xi1>, vector<16xi32>
        %add3A_295 = arith.constant 1 : i32
        %add3A_296 = vector.broadcast %add3A_295 : i32 to vector<16xi32>
        %add3A_297 = arith.addi %shift_right_logical3A_291, %add3A_296 : vector<16xi32>
        %select_n3A_298 = arith.select %lt3A_293, %select_n3A_287, %add3A_297 : vector<16xi1>, vector<16xi32>
        %min3A = arith.constant 32767 : i32
        %min3A_299 = vector.broadcast %min3A : i32 to vector<16xi32>
        %min3A_300 = arith.minsi %select_n3A_298, %min3A_299 : vector<16xi32>
        %mul3A_301 = arith.constant 16 : i32
        %mul3A_302 = arith.muli %scan3A_127, %mul3A_301 : i32
        %swap3A = arith.index_cast %mul3A_302 : i32 to index
        %swap3A_303 = tpu.vector_load %arg8[%swap3A] {strides = array<i32>} : memref<768xi32, #tpu.memory_space<vmem>>, vector<16xi32>,
        tpu.vector_store %arg8[%swap3A], %min3A_300 {strides = array<i32>} : memref<768xi32, #tpu.memory_space<vmem>>, vector<16xi32>,
        %scan3A_304 = arith.constant 0 : i32
        scf.yield %scan3A_304 : i32
      }
      %scan3A_24 = arith.constant 48 : i32
      %dma_start3A = arith.constant 0 : i32
      %dma_start3A_25 = arith.constant 0 : i32
      %dma_start3A_26 = tpu.memref_slice %arg9[%dma_start3A, %dma_start3A_25] : memref<768x32xf32, #tpu.memory_space<vmem>> -> memref<128x32xf32, #tpu.memory_space<vmem>>
      %dma_start3A_27 = arith.constant 0 : i32
      %dma_start3A_28 = tpu.memref_slice %arg8[%dma_start3A_27] : memref<768xi32, #tpu.memory_space<vmem>> -> memref<128xi32, #tpu.memory_space<vmem>>
      %dma_start3A_29 = arith.constant 0 : i32
      %dma_start3A_30 = arith.constant 0 : i32
      %dma_start3A_31 = tpu.memref_slice %arg3[%dma_start3A_29, %dma_start3A_30] : memref<32768x32xf32, #tpu.memory_space<hbm>> -> memref<32768x32xf32, #tpu.memory_space<hbm>>
      tpu.enqueue_indirect_dma source(%dma_start3A_31 : memref<32768x32xf32, #tpu.memory_space<hbm>>) target(%dma_start3A_26 : memref<128x32xf32, #tpu.memory_space<vmem>>) offsets(%dma_start3A_28 : memref<128xi32, #tpu.memory_space<vmem>>) semaphore(%arg11 : memref<!tpu.dma_semaphore, #tpu.memory_space<semaphore_mem>>)
      %dma_start3A_32 = arith.constant 128 : i32
      %dma_start3A_33 = arith.constant 0 : i32
      %dma_start3A_34 = tpu.memref_slice %arg9[%dma_start3A_32, %dma_start3A_33] : memref<768x32xf32, #tpu.memory_space<vmem>> -> memref<128x32xf32, #tpu.memory_space<vmem>>
      %dma_start3A_35 = arith.constant 128 : i32
      %dma_start3A_36 = tpu.memref_slice %arg8[%dma_start3A_35] : memref<768xi32, #tpu.memory_space<vmem>> -> memref<128xi32, #tpu.memory_space<vmem>>
      %dma_start3A_37 = arith.constant 0 : i32
      %dma_start3A_38 = arith.constant 0 : i32
      %dma_start3A_39 = tpu.memref_slice %arg3[%dma_start3A_37, %dma_start3A_38] : memref<32768x32xf32, #tpu.memory_space<hbm>> -> memref<32768x32xf32, #tpu.memory_space<hbm>>
      tpu.enqueue_indirect_dma source(%dma_start3A_39 : memref<32768x32xf32, #tpu.memory_space<hbm>>) target(%dma_start3A_34 : memref<128x32xf32, #tpu.memory_space<vmem>>) offsets(%dma_start3A_36 : memref<128xi32, #tpu.memory_space<vmem>>) semaphore(%arg11 : memref<!tpu.dma_semaphore, #tpu.memory_space<semaphore_mem>>)
      %dma_start3A_40 = arith.constant 256 : i32
      %dma_start3A_41 = arith.constant 0 : i32
      %dma_start3A_42 = tpu.memref_slice %arg9[%dma_start3A_40, %dma_start3A_41] : memref<768x32xf32, #tpu.memory_space<vmem>> -> memref<128x32xf32, #tpu.memory_space<vmem>>
      %dma_start3A_43 = arith.constant 256 : i32
      %dma_start3A_44 = tpu.memref_slice %arg8[%dma_start3A_43] : memref<768xi32, #tpu.memory_space<vmem>> -> memref<128xi32, #tpu.memory_space<vmem>>
      %dma_start3A_45 = arith.constant 0 : i32
      %dma_start3A_46 = arith.constant 0 : i32
      %dma_start3A_47 = tpu.memref_slice %arg3[%dma_start3A_45, %dma_start3A_46] : memref<32768x32xf32, #tpu.memory_space<hbm>> -> memref<32768x32xf32, #tpu.memory_space<hbm>>
      tpu.enqueue_indirect_dma source(%dma_start3A_47 : memref<32768x32xf32, #tpu.memory_space<hbm>>) target(%dma_start3A_42 : memref<128x32xf32, #tpu.memory_space<vmem>>) offsets(%dma_start3A_44 : memref<128xi32, #tpu.memory_space<vmem>>) semaphore(%arg11 : memref<!tpu.dma_semaphore, #tpu.memory_space<semaphore_mem>>)
      %dma_start3A_48 = arith.constant 384 : i32
      %dma_start3A_49 = arith.constant 0 : i32
      %dma_start3A_50 = tpu.memref_slice %arg9[%dma_start3A_48, %dma_start3A_49] : memref<768x32xf32, #tpu.memory_space<vmem>> -> memref<128x32xf32, #tpu.memory_space<vmem>>
      %dma_start3A_51 = arith.constant 384 : i32
      %dma_start3A_52 = tpu.memref_slice %arg8[%dma_start3A_51] : memref<768xi32, #tpu.memory_space<vmem>> -> memref<128xi32, #tpu.memory_space<vmem>>
      %dma_start3A_53 = arith.constant 0 : i32
      %dma_start3A_54 = arith.constant 0 : i32
      %dma_start3A_55 = tpu.memref_slice %arg3[%dma_start3A_53, %dma_start3A_54] : memref<32768x32xf32, #tpu.memory_space<hbm>> -> memref<32768x32xf32, #tpu.memory_space<hbm>>
      tpu.enqueue_indirect_dma source(%dma_start3A_55 : memref<32768x32xf32, #tpu.memory_space<hbm>>) target(%dma_start3A_50 : memref<128x32xf32, #tpu.memory_space<vmem>>) offsets(%dma_start3A_52 : memref<128xi32, #tpu.memory_space<vmem>>) semaphore(%arg11 : memref<!tpu.dma_semaphore, #tpu.memory_space<semaphore_mem>>)
      %dma_start3A_56 = arith.constant 512 : i32
      %dma_start3A_57 = arith.constant 0 : i32
      %dma_start3A_58 = tpu.memref_slice %arg9[%dma_start3A_56, %dma_start3A_57] : memref<768x32xf32, #tpu.memory_space<vmem>> -> memref<128x32xf32, #tpu.memory_space<vmem>>
      %dma_start3A_59 = arith.constant 512 : i32
      %dma_start3A_60 = tpu.memref_slice %arg8[%dma_start3A_59] : memref<768xi32, #tpu.memory_space<vmem>> -> memref<128xi32, #tpu.memory_space<vmem>>
      %dma_start3A_61 = arith.constant 0 : i32
      %dma_start3A_62 = arith.constant 0 : i32
      %dma_start3A_63 = tpu.memref_slice %arg3[%dma_start3A_61, %dma_start3A_62] : memref<32768x32xf32, #tpu.memory_space<hbm>> -> memref<32768x32xf32, #tpu.memory_space<hbm>>
      tpu.enqueue_indirect_dma source(%dma_start3A_63 : memref<32768x32xf32, #tpu.memory_space<hbm>>) target(%dma_start3A_58 : memref<128x32xf32, #tpu.memory_space<vmem>>) offsets(%dma_start3A_60 : memref<128xi32, #tpu.memory_space<vmem>>) semaphore(%arg11 : memref<!tpu.dma_semaphore, #tpu.memory_space<semaphore_mem>>)
      %dma_start3A_64 = arith.constant 640 : i32
      %dma_start3A_65 = arith.constant 0 : i32
      %dma_start3A_66 = tpu.memref_slice %arg9[%dma_start3A_64, %dma_start3A_65] : memref<768x32xf32, #tpu.memory_space<vmem>> -> memref<128x32xf32, #tpu.memory_space<vmem>>
      %dma_start3A_67 = arith.constant 640 : i32
      %dma_start3A_68 = tpu.memref_slice %arg8[%dma_start3A_67] : memref<768xi32, #tpu.memory_space<vmem>> -> memref<128xi32, #tpu.memory_space<vmem>>
      %dma_start3A_69 = arith.constant 0 : i32
      %dma_start3A_70 = arith.constant 0 : i32
      %dma_start3A_71 = tpu.memref_slice %arg3[%dma_start3A_69, %dma_start3A_70] : memref<32768x32xf32, #tpu.memory_space<hbm>> -> memref<32768x32xf32, #tpu.memory_space<hbm>>
      tpu.enqueue_indirect_dma source(%dma_start3A_71 : memref<32768x32xf32, #tpu.memory_space<hbm>>) target(%dma_start3A_66 : memref<128x32xf32, #tpu.memory_space<vmem>>) offsets(%dma_start3A_68 : memref<128xi32, #tpu.memory_space<vmem>>) semaphore(%arg11 : memref<!tpu.dma_semaphore, #tpu.memory_space<semaphore_mem>>)
      %dma_wait3A = arith.constant 0 : i32
      %dma_wait3A_72 = arith.constant 0 : i32
      %dma_wait3A_73 = tpu.memref_slice %arg9[%dma_wait3A, %dma_wait3A_72] : memref<768x32xf32, #tpu.memory_space<vmem>> -> memref<128x32xf32, #tpu.memory_space<vmem>>
      %dma_wait3A_74 = arith.constant 0 : i32
      %dma_wait3A_75 = tpu.memref_slice %arg8[%dma_wait3A_74] : memref<768xi32, #tpu.memory_space<vmem>> -> memref<128xi32, #tpu.memory_space<vmem>>
      %dma_wait3A_76 = arith.constant 0 : i32
      %dma_wait3A_77 = arith.constant 0 : i32
      %dma_wait3A_78 = tpu.memref_slice %arg3[%dma_wait3A_76, %dma_wait3A_77] : memref<32768x32xf32, #tpu.memory_space<hbm>> -> memref<32768x32xf32, #tpu.memory_space<hbm>>
      tpu.wait_indirect_dma semaphore(%arg11 : memref<!tpu.dma_semaphore, #tpu.memory_space<semaphore_mem>>) src(%dma_wait3A_78 : memref<32768x32xf32, #tpu.memory_space<hbm>>) dst(%dma_wait3A_73 : memref<128x32xf32, #tpu.memory_space<vmem>>)
      %dma_wait3A_79 = arith.constant 128 : i32
      %dma_wait3A_80 = arith.constant 0 : i32
      %dma_wait3A_81 = tpu.memref_slice %arg9[%dma_wait3A_79, %dma_wait3A_80] : memref<768x32xf32, #tpu.memory_space<vmem>> -> memref<128x32xf32, #tpu.memory_space<vmem>>
      %dma_wait3A_82 = arith.constant 128 : i32
      %dma_wait3A_83 = tpu.memref_slice %arg8[%dma_wait3A_82] : memref<768xi32, #tpu.memory_space<vmem>> -> memref<128xi32, #tpu.memory_space<vmem>>
      %dma_wait3A_84 = arith.constant 0 : i32
      %dma_wait3A_85 = arith.constant 0 : i32
      %dma_wait3A_86 = tpu.memref_slice %arg3[%dma_wait3A_84, %dma_wait3A_85] : memref<32768x32xf32, #tpu.memory_space<hbm>> -> memref<32768x32xf32, #tpu.memory_space<hbm>>
      tpu.wait_indirect_dma semaphore(%arg11 : memref<!tpu.dma_semaphore, #tpu.memory_space<semaphore_mem>>) src(%dma_wait3A_86 : memref<32768x32xf32, #tpu.memory_space<hbm>>) dst(%dma_wait3A_81 : memref<128x32xf32, #tpu.memory_space<vmem>>)
      %dma_wait3A_87 = arith.constant 256 : i32
      %dma_wait3A_88 = arith.constant 0 : i32
      %dma_wait3A_89 = tpu.memref_slice %arg9[%dma_wait3A_87, %dma_wait3A_88] : memref<768x32xf32, #tpu.memory_space<vmem>> -> memref<128x32xf32, #tpu.memory_space<vmem>>
      %dma_wait3A_90 = arith.constant 256 : i32
      %dma_wait3A_91 = tpu.memref_slice %arg8[%dma_wait3A_90] : memref<768xi32, #tpu.memory_space<vmem>> -> memref<128xi32, #tpu.memory_space<vmem>>
      %dma_wait3A_92 = arith.constant 0 : i32
      %dma_wait3A_93 = arith.constant 0 : i32
      %dma_wait3A_94 = tpu.memref_slice %arg3[%dma_wait3A_92, %dma_wait3A_93] : memref<32768x32xf32, #tpu.memory_space<hbm>> -> memref<32768x32xf32, #tpu.memory_space<hbm>>
      tpu.wait_indirect_dma semaphore(%arg11 : memref<!tpu.dma_semaphore, #tpu.memory_space<semaphore_mem>>) src(%dma_wait3A_94 : memref<32768x32xf32, #tpu.memory_space<hbm>>) dst(%dma_wait3A_89 : memref<128x32xf32, #tpu.memory_space<vmem>>)
      %dma_wait3A_95 = arith.constant 384 : i32
      %dma_wait3A_96 = arith.constant 0 : i32
      %dma_wait3A_97 = tpu.memref_slice %arg9[%dma_wait3A_95, %dma_wait3A_96] : memref<768x32xf32, #tpu.memory_space<vmem>> -> memref<128x32xf32, #tpu.memory_space<vmem>>
      %dma_wait3A_98 = arith.constant 384 : i32
      %dma_wait3A_99 = tpu.memref_slice %arg8[%dma_wait3A_98] : memref<768xi32, #tpu.memory_space<vmem>> -> memref<128xi32, #tpu.memory_space<vmem>>
      %dma_wait3A_100 = arith.constant 0 : i32
      %dma_wait3A_101 = arith.constant 0 : i32
      %dma_wait3A_102 = tpu.memref_slice %arg3[%dma_wait3A_100, %dma_wait3A_101] : memref<32768x32xf32, #tpu.memory_space<hbm>> -> memref<32768x32xf32, #tpu.memory_space<hbm>>
      tpu.wait_indirect_dma semaphore(%arg11 : memref<!tpu.dma_semaphore, #tpu.memory_space<semaphore_mem>>) src(%dma_wait3A_102 : memref<32768x32xf32, #tpu.memory_space<hbm>>) dst(%dma_wait3A_97 : memref<128x32xf32, #tpu.memory_space<vmem>>)
      %dma_wait3A_103 = arith.constant 512 : i32
      %dma_wait3A_104 = arith.constant 0 : i32
      %dma_wait3A_105 = tpu.memref_slice %arg9[%dma_wait3A_103, %dma_wait3A_104] : memref<768x32xf32, #tpu.memory_space<vmem>> -> memref<128x32xf32, #tpu.memory_space<vmem>>
      %dma_wait3A_106 = arith.constant 512 : i32
      %dma_wait3A_107 = tpu.memref_slice %arg8[%dma_wait3A_106] : memref<768xi32, #tpu.memory_space<vmem>> -> memref<128xi32, #tpu.memory_space<vmem>>
      %dma_wait3A_108 = arith.constant 0 : i32
      %dma_wait3A_109 = arith.constant 0 : i32
      %dma_wait3A_110 = tpu.memref_slice %arg3[%dma_wait3A_108, %dma_wait3A_109] : memref<32768x32xf32, #tpu.memory_space<hbm>> -> memref<32768x32xf32, #tpu.memory_space<hbm>>
      tpu.wait_indirect_dma semaphore(%arg11 : memref<!tpu.dma_semaphore, #tpu.memory_space<semaphore_mem>>) src(%dma_wait3A_110 : memref<32768x32xf32, #tpu.memory_space<hbm>>) dst(%dma_wait3A_105 : memref<128x32xf32, #tpu.memory_space<vmem>>)
      %dma_wait3A_111 = arith.constant 640 : i32
      %dma_wait3A_112 = arith.constant 0 : i32
      %dma_wait3A_113 = tpu.memref_slice %arg9[%dma_wait3A_111, %dma_wait3A_112] : memref<768x32xf32, #tpu.memory_space<vmem>> -> memref<128x32xf32, #tpu.memory_space<vmem>>
      %dma_wait3A_114 = arith.constant 640 : i32
      %dma_wait3A_115 = tpu.memref_slice %arg8[%dma_wait3A_114] : memref<768xi32, #tpu.memory_space<vmem>> -> memref<128xi32, #tpu.memory_space<vmem>>
      %dma_wait3A_116 = arith.constant 0 : i32
      %dma_wait3A_117 = arith.constant 0 : i32
      %dma_wait3A_118 = tpu.memref_slice %arg3[%dma_wait3A_116, %dma_wait3A_117] : memref<32768x32xf32, #tpu.memory_space<hbm>> -> memref<32768x32xf32, #tpu.memory_space<hbm>>
      tpu.wait_indirect_dma semaphore(%arg11 : memref<!tpu.dma_semaphore, #tpu.memory_space<semaphore_mem>>) src(%dma_wait3A_118 : memref<32768x32xf32, #tpu.memory_space<hbm>>) dst(%dma_wait3A_113 : memref<128x32xf32, #tpu.memory_space<vmem>>)
      %scan3A_119 = arith.constant 0 : i32
      %scan3A_120 = arith.constant 0 : i32
      %scan3A_121 = arith.constant 48 : i32
      %scan3A_122 = arith.addi %scan3A_120, %scan3A_121 : i32
      %scan3A_123 = arith.constant 1 : i32
      %scan3A_124 = scf.for %scan3A_127 = %scan3A_120 to %scan3A_122 step %scan3A_123 iter_args(%scan3A_128 = %scan3A_119) -> (i32)  : i32 {
        %mul3A_129 = arith.constant 16 : i32
        %mul3A_130 = arith.muli %scan3A_127, %mul3A_129 : i32
        %get3A_131 = arith.index_cast %mul3A_130 : i32 to index
        %get3A_132 = tpu.vector_load %arg7[%get3A_131] {strides = array<i32>} : memref<768xf32, #tpu.memory_space<vmem>>, vector<16xf32>,
        %mul3A_133 = vector.broadcast %reduce_max3A_4 : f32 to vector<16xf32>
        %mul3A_134 = arith.mulf %get3A_132, %mul3A_133 : vector<16xf32>
        %mul3A_135 = arith.constant 16 : i32
        %mul3A_136 = arith.muli %scan3A_127, %mul3A_135 : i32
        %add3A_137 = vector.broadcast %mul3A_136 : i32 to vector<16xi32>
        %add3A_138 = arith.addi %add3A_137, %iota3A : vector<16xi32>
        %mul3A_139 = arith.constant 16 : i32
        %mul3A_140 = arith.muli %scan3A_127, %mul3A_139 : i32
        %get3A_141 = arith.index_cast %mul3A_140 : i32 to index
        %get3A_142 = tpu.vector_load %arg8[%get3A_141] {strides = array<i32>} : memref<768xi32, #tpu.memory_space<vmem>>, vector<16xi32>,
        %broadcast_in_dim3A = arith.constant 0 : i32
        %broadcast_in_dim3A_143 = vector.broadcast %broadcast_in_dim3A : i32 to vector<16xi32>
        %broadcast_in_dim3A_144 = arith.constant 31 : i32
        %broadcast_in_dim3A_145 = vector.broadcast %broadcast_in_dim3A_144 : i32 to vector<16xi32>
        %add3A_146 = arith.addi %broadcast_in_dim3A_143, %broadcast_in_dim3A_145 : vector<16xi32>
        %shift_right_logical3A = arith.constant 1 : i32
        %shift_right_logical3A_147 = vector.broadcast %shift_right_logical3A : i32 to vector<16xi32>
        %shift_right_logical3A_148 = arith.shrui %add3A_146, %shift_right_logical3A_147 : vector<16xi32>
        %gather3A = tpu.vector_load_idx %arg9[%add3A_138, %shift_right_logical3A_148] : memref<768x32xf32, #tpu.memory_space<vmem>>[vector<16xi32>, vector<16xi32>], vector<16xf32>,
        %lt3A = arith.cmpf olt, %mul3A_134, %gather3A : vector<16xf32>
        %select_n3A = arith.select %lt3A, %shift_right_logical3A_148, %broadcast_in_dim3A_145 : vector<16xi1>, vector<16xi32>
        %add3A_149 = arith.constant 1 : i32
        %add3A_150 = vector.broadcast %add3A_149 : i32 to vector<16xi32>
        %add3A_151 = arith.addi %shift_right_logical3A_148, %add3A_150 : vector<16xi32>
        %select_n3A_152 = arith.select %lt3A, %broadcast_in_dim3A_143, %add3A_151 : vector<16xi1>, vector<16xi32>
        %add3A_153 = arith.addi %select_n3A_152, %select_n3A : vector<16xi32>
        %shift_right_logical3A_154 = arith.constant 1 : i32
        %shift_right_logical3A_155 = vector.broadcast %shift_right_logical3A_154 : i32 to vector<16xi32>
        %shift_right_logical3A_156 = arith.shrui %add3A_153, %shift_right_logical3A_155 : vector<16xi32>
        %gather3A_157 = tpu.vector_load_idx %arg9[%add3A_138, %shift_right_logical3A_156] : memref<768x32xf32, #tpu.memory_space<vmem>>[vector<16xi32>, vector<16xi32>], vector<16xf32>,
        %lt3A_158 = arith.cmpf olt, %mul3A_134, %gather3A_157 : vector<16xf32>
        %select_n3A_159 = arith.select %lt3A_158, %shift_right_logical3A_156, %select_n3A : vector<16xi1>, vector<16xi32>
        %add3A_160 = arith.constant 1 : i32
        %add3A_161 = vector.broadcast %add3A_160 : i32 to vector<16xi32>
        %add3A_162 = arith.addi %shift_right_logical3A_156, %add3A_161 : vector<16xi32>
        %select_n3A_163 = arith.select %lt3A_158, %select_n3A_152, %add3A_162 : vector<16xi1>, vector<16xi32>
        %add3A_164 = arith.addi %select_n3A_163, %select_n3A_159 : vector<16xi32>
        %shift_right_logical3A_165 = arith.constant 1 : i32
        %shift_right_logical3A_166 = vector.broadcast %shift_right_logical3A_165 : i32 to vector<16xi32>
        %shift_right_logical3A_167 = arith.shrui %add3A_164, %shift_right_logical3A_166 : vector<16xi32>
        %gather3A_168 = tpu.vector_load_idx %arg9[%add3A_138, %shift_right_logical3A_167] : memref<768x32xf32, #tpu.memory_space<vmem>>[vector<16xi32>, vector<16xi32>], vector<16xf32>,
        %lt3A_169 = arith.cmpf olt, %mul3A_134, %gather3A_168 : vector<16xf32>
        %select_n3A_170 = arith.select %lt3A_169, %shift_right_logical3A_167, %select_n3A_159 : vector<16xi1>, vector<16xi32>
        %add3A_171 = arith.constant 1 : i32
        %add3A_172 = vector.broadcast %add3A_171 : i32 to vector<16xi32>
        %add3A_173 = arith.addi %shift_right_logical3A_167, %add3A_172 : vector<16xi32>
        %select_n3A_174 = arith.select %lt3A_169, %select_n3A_163, %add3A_173 : vector<16xi1>, vector<16xi32>
        %add3A_175 = arith.addi %select_n3A_174, %select_n3A_170 : vector<16xi32>
        %shift_right_logical3A_176 = arith.constant 1 : i32
        %shift_right_logical3A_177 = vector.broadcast %shift_right_logical3A_176 : i32 to vector<16xi32>
        %shift_right_logical3A_178 = arith.shrui %add3A_175, %shift_right_logical3A_177 : vector<16xi32>
        %gather3A_179 = tpu.vector_load_idx %arg9[%add3A_138, %shift_right_logical3A_178] : memref<768x32xf32, #tpu.memory_space<vmem>>[vector<16xi32>, vector<16xi32>], vector<16xf32>,
        %lt3A_180 = arith.cmpf olt, %mul3A_134, %gather3A_179 : vector<16xf32>
        %select_n3A_181 = arith.select %lt3A_180, %shift_right_logical3A_178, %select_n3A_170 : vector<16xi1>, vector<16xi32>
        %add3A_182 = arith.constant 1 : i32
        %add3A_183 = vector.broadcast %add3A_182 : i32 to vector<16xi32>
        %add3A_184 = arith.addi %shift_right_logical3A_178, %add3A_183 : vector<16xi32>
        %select_n3A_185 = arith.select %lt3A_180, %select_n3A_174, %add3A_184 : vector<16xi1>, vector<16xi32>
        %add3A_186 = arith.addi %select_n3A_185, %select_n3A_181 : vector<16xi32>
        %shift_right_logical3A_187 = arith.constant 1 : i32
        %shift_right_logical3A_188 = vector.broadcast %shift_right_logical3A_187 : i32 to vector<16xi32>
        %shift_right_logical3A_189 = arith.shrui %add3A_186, %shift_right_logical3A_188 : vector<16xi32>
        %gather3A_190 = tpu.vector_load_idx %arg9[%add3A_138, %shift_right_logical3A_189] : memref<768x32xf32, #tpu.memory_space<vmem>>[vector<16xi32>, vector<16xi32>], vector<16xf32>,
        %lt3A_191 = arith.cmpf olt, %mul3A_134, %gather3A_190 : vector<16xf32>
        %select_n3A_192 = arith.select %lt3A_191, %shift_right_logical3A_189, %select_n3A_181 : vector<16xi1>, vector<16xi32>
        %add3A_193 = arith.constant 1 : i32
        %add3A_194 = vector.broadcast %add3A_193 : i32 to vector<16xi32>
        %add3A_195 = arith.addi %shift_right_logical3A_189, %add3A_194 : vector<16xi32>
        %select_n3A_196 = arith.select %lt3A_191, %select_n3A_185, %add3A_195 : vector<16xi1>, vector<16xi32>
        %mul3A_197 = arith.constant 32 : i32
        %mul3A_198 = vector.broadcast %mul3A_197 : i32 to vector<16xi32>
        %mul3A_199 = arith.muli %get3A_142, %mul3A_198 : vector<16xi32>
        %add3A_200 = arith.addi %mul3A_199, %select_n3A_196 : vector<16xi32>
        %min3A = arith.constant 999999 : i32
        %min3A_201 = vector.broadcast %min3A : i32 to vector<16xi32>
        %min3A_202 = arith.minsi %add3A_200, %min3A_201 : vector<16xi32>
        %mul3A_203 = arith.constant 16 : i32
        %mul3A_204 = arith.muli %scan3A_127, %mul3A_203 : i32
        %swap3A = arith.index_cast %mul3A_204 : i32 to index
        %swap3A_205 = tpu.vector_load %arg10[%swap3A] {strides = array<i32>} : memref<768xi32, #tpu.memory_space<vmem>>, vector<16xi32>,
        tpu.vector_store %arg10[%swap3A], %min3A_202 {strides = array<i32>} : memref<768xi32, #tpu.memory_space<vmem>>, vector<16xi32>,
        %scan3A_206 = arith.constant 0 : i32
        scf.yield %scan3A_206 : i32
      }
      %scan3A_125 = arith.constant 48 : i32
      "tpu.region"() ({
        %run_scoped3A = tpu.sem_alloc : memref<!tpu.dma_semaphore, #tpu.memory_space<semaphore_mem>>
        %dma_start3A_127 = tpu.memref_slice %arg5[%add3A_17] : memref<1032192xi32, #tpu.memory_space<hbm>> -> memref<768xi32, #tpu.memory_space<hbm>>
        %dma_start3A_128 = tpu.memref_slice %arg5[%add3A_17] : memref<1032192xi32, #tpu.memory_space<hbm>> -> memref<768xi32, #tpu.memory_space<hbm>>
        tpu.enqueue_dma source(%arg10 : memref<768xi32, #tpu.memory_space<vmem>>) target(%dma_start3A_128 : memref<768xi32, #tpu.memory_space<hbm>>) target_semaphore(%run_scoped3A : memref<!tpu.dma_semaphore, #tpu.memory_space<semaphore_mem>>)
        %dma_wait3A_129 = tpu.memref_slice %arg5[%add3A_17] : memref<1032192xi32, #tpu.memory_space<hbm>> -> memref<768xi32, #tpu.memory_space<hbm>>
        %dma_wait3A_130 = tpu.memref_slice %arg5[%add3A_17] : memref<1032192xi32, #tpu.memory_space<hbm>> -> memref<768xi32, #tpu.memory_space<hbm>>
        tpu.wait_dma2 semaphore(%run_scoped3A : memref<!tpu.dma_semaphore, #tpu.memory_space<semaphore_mem>>) src(%arg10 : memref<768xi32, #tpu.memory_space<vmem>>) dst(%dma_wait3A_130 : memref<768xi32, #tpu.memory_space<hbm>>)
        tpu.yield
      }) : () -> ()
      %scan3A_126 = arith.constant 0 : i32
      scf.yield %scan3A_126 : i32
    }
    %scan3A_10 = arith.constant 42 : i32
    return
  }
}

#map = affine_map<(d0, d1) -> (0, 0)>
module attributes {stable_mosaic.version = 14 : i64} {
  func.func @k(%arg0: i32, %arg1: i32, %arg2: memref<1000000x64xf32, #tpu.memory_space<hbm>>, %arg3: memref<1024x64xf32, #tpu.memory_space<hbm>>, %arg4: memref<1024x208xi32, #tpu.memory_space<hbm>>, %arg5: memref<1024x1008xi32, #tpu.memory_space<hbm>>, %arg6: memref<1024x1216xf32, #tpu.memory_space<hbm>>, %arg7: memref<64xf32, #tpu.memory_space<vmem>>, %arg8: memref<208xi32, #tpu.memory_space<vmem>>, %arg9: memref<1008xi32, #tpu.memory_space<vmem>>, %arg10: memref<1216x64xf32, #tpu.memory_space<vmem>>, %arg11: memref<1216xf32, #tpu.memory_space<vmem>>, %arg12: memref<!tpu.dma_semaphore, #tpu.memory_space<semaphore_mem>>) attributes {dimension_semantics = [#tpu.dimension_semantics<core_parallel>, #tpu.dimension_semantics<subcore_parallel>], iteration_bounds = array<i64: 2, 16>, scalar_prefetch = 0 : i64, scratch_operands = 6 : i64, tpu.core_type = #tpu.core_type<sc_vector_subcore>, window_params = [{transform_indices = #map}, {transform_indices = #map}, {transform_indices = #map}, {transform_indices = #map}, {transform_indices = #map}]} {
    %mul3A = arith.constant 2 : i32
    %mul3A_0 = arith.muli %arg1, %mul3A : i32
    %add3A = arith.addi %mul3A_0, %arg0 : i32
    %iota3A = tpu.iota {dimensions = array<i32: 0>} : vector<16xi32>
    %scan3A = arith.constant 0 : i32
    %scan3A_1 = arith.constant 0 : i32
    %scan3A_2 = arith.constant 32 : i32
    %scan3A_3 = arith.addi %scan3A_1, %scan3A_2 : i32
    %scan3A_4 = arith.constant 1 : i32
    %scan3A_5 = scf.for %scan3A_7 = %scan3A_1 to %scan3A_3 step %scan3A_4 iter_args(%scan3A_8 = %scan3A) -> (i32)  : i32 {
      %mul3A_9 = arith.constant 32 : i32
      %mul3A_10 = arith.muli %add3A, %mul3A_9 : i32
      %add3A_11 = arith.addi %mul3A_10, %scan3A_7 : i32
      "tpu.region"() ({
        %run_scoped3A = tpu.sem_alloc : memref<!tpu.dma_semaphore, #tpu.memory_space<semaphore_mem>>
        %dma_start3A_334 = arith.constant 0 : i32
        %dma_start3A_335 = tpu.memref_slice %arg3[%add3A_11, %dma_start3A_334] : memref<1024x64xf32, #tpu.memory_space<hbm>> -> memref<1x64xf32, #tpu.memory_space<hbm>>
        %dma_start3A_336 = tpu.memref_squeeze %dma_start3A_335 : memref<1x64xf32, #tpu.memory_space<hbm>> -> memref<64xf32, #tpu.memory_space<hbm>>
        %dma_start3A_337 = arith.constant 0 : i32
        %dma_start3A_338 = tpu.memref_slice %arg3[%add3A_11, %dma_start3A_337] : memref<1024x64xf32, #tpu.memory_space<hbm>> -> memref<1x64xf32, #tpu.memory_space<hbm>>
        %dma_start3A_339 = tpu.memref_squeeze %dma_start3A_338 : memref<1x64xf32, #tpu.memory_space<hbm>> -> memref<64xf32, #tpu.memory_space<hbm>>
        tpu.enqueue_dma source(%dma_start3A_339 : memref<64xf32, #tpu.memory_space<hbm>>) target(%arg7 : memref<64xf32, #tpu.memory_space<vmem>>) target_semaphore(%run_scoped3A : memref<!tpu.dma_semaphore, #tpu.memory_space<semaphore_mem>>)
        %dma_wait3A_340 = arith.constant 0 : i32
        %dma_wait3A_341 = tpu.memref_slice %arg3[%add3A_11, %dma_wait3A_340] : memref<1024x64xf32, #tpu.memory_space<hbm>> -> memref<1x64xf32, #tpu.memory_space<hbm>>
        %dma_wait3A_342 = tpu.memref_squeeze %dma_wait3A_341 : memref<1x64xf32, #tpu.memory_space<hbm>> -> memref<64xf32, #tpu.memory_space<hbm>>
        %dma_wait3A_343 = arith.constant 0 : i32
        %dma_wait3A_344 = tpu.memref_slice %arg3[%add3A_11, %dma_wait3A_343] : memref<1024x64xf32, #tpu.memory_space<hbm>> -> memref<1x64xf32, #tpu.memory_space<hbm>>
        %dma_wait3A_345 = tpu.memref_squeeze %dma_wait3A_344 : memref<1x64xf32, #tpu.memory_space<hbm>> -> memref<64xf32, #tpu.memory_space<hbm>>
        tpu.wait_dma2 semaphore(%run_scoped3A : memref<!tpu.dma_semaphore, #tpu.memory_space<semaphore_mem>>) src(%dma_wait3A_345 : memref<64xf32, #tpu.memory_space<hbm>>) dst(%arg7 : memref<64xf32, #tpu.memory_space<vmem>>)
        tpu.yield
      }) : () -> ()
      "tpu.region"() ({
        %run_scoped3A = tpu.sem_alloc : memref<!tpu.dma_semaphore, #tpu.memory_space<semaphore_mem>>
        %dma_start3A_334 = arith.constant 0 : i32
        %dma_start3A_335 = tpu.memref_slice %arg4[%add3A_11, %dma_start3A_334] : memref<1024x208xi32, #tpu.memory_space<hbm>> -> memref<1x208xi32, #tpu.memory_space<hbm>>
        %dma_start3A_336 = tpu.memref_squeeze %dma_start3A_335 : memref<1x208xi32, #tpu.memory_space<hbm>> -> memref<208xi32, #tpu.memory_space<hbm>>
        %dma_start3A_337 = arith.constant 0 : i32
        %dma_start3A_338 = tpu.memref_slice %arg4[%add3A_11, %dma_start3A_337] : memref<1024x208xi32, #tpu.memory_space<hbm>> -> memref<1x208xi32, #tpu.memory_space<hbm>>
        %dma_start3A_339 = tpu.memref_squeeze %dma_start3A_338 : memref<1x208xi32, #tpu.memory_space<hbm>> -> memref<208xi32, #tpu.memory_space<hbm>>
        tpu.enqueue_dma source(%dma_start3A_339 : memref<208xi32, #tpu.memory_space<hbm>>) target(%arg8 : memref<208xi32, #tpu.memory_space<vmem>>) target_semaphore(%run_scoped3A : memref<!tpu.dma_semaphore, #tpu.memory_space<semaphore_mem>>)
        %dma_wait3A_340 = arith.constant 0 : i32
        %dma_wait3A_341 = tpu.memref_slice %arg4[%add3A_11, %dma_wait3A_340] : memref<1024x208xi32, #tpu.memory_space<hbm>> -> memref<1x208xi32, #tpu.memory_space<hbm>>
        %dma_wait3A_342 = tpu.memref_squeeze %dma_wait3A_341 : memref<1x208xi32, #tpu.memory_space<hbm>> -> memref<208xi32, #tpu.memory_space<hbm>>
        %dma_wait3A_343 = arith.constant 0 : i32
        %dma_wait3A_344 = tpu.memref_slice %arg4[%add3A_11, %dma_wait3A_343] : memref<1024x208xi32, #tpu.memory_space<hbm>> -> memref<1x208xi32, #tpu.memory_space<hbm>>
        %dma_wait3A_345 = tpu.memref_squeeze %dma_wait3A_344 : memref<1x208xi32, #tpu.memory_space<hbm>> -> memref<208xi32, #tpu.memory_space<hbm>>
        tpu.wait_dma2 semaphore(%run_scoped3A : memref<!tpu.dma_semaphore, #tpu.memory_space<semaphore_mem>>) src(%dma_wait3A_345 : memref<208xi32, #tpu.memory_space<hbm>>) dst(%arg8 : memref<208xi32, #tpu.memory_space<vmem>>)
        tpu.yield
      }) : () -> ()
      "tpu.region"() ({
        %run_scoped3A = tpu.sem_alloc : memref<!tpu.dma_semaphore, #tpu.memory_space<semaphore_mem>>
        %dma_start3A_334 = arith.constant 0 : i32
        %dma_start3A_335 = tpu.memref_slice %arg5[%add3A_11, %dma_start3A_334] : memref<1024x1008xi32, #tpu.memory_space<hbm>> -> memref<1x1008xi32, #tpu.memory_space<hbm>>
        %dma_start3A_336 = tpu.memref_squeeze %dma_start3A_335 : memref<1x1008xi32, #tpu.memory_space<hbm>> -> memref<1008xi32, #tpu.memory_space<hbm>>
        %dma_start3A_337 = arith.constant 0 : i32
        %dma_start3A_338 = tpu.memref_slice %arg5[%add3A_11, %dma_start3A_337] : memref<1024x1008xi32, #tpu.memory_space<hbm>> -> memref<1x1008xi32, #tpu.memory_space<hbm>>
        %dma_start3A_339 = tpu.memref_squeeze %dma_start3A_338 : memref<1x1008xi32, #tpu.memory_space<hbm>> -> memref<1008xi32, #tpu.memory_space<hbm>>
        tpu.enqueue_dma source(%dma_start3A_339 : memref<1008xi32, #tpu.memory_space<hbm>>) target(%arg9 : memref<1008xi32, #tpu.memory_space<vmem>>) target_semaphore(%run_scoped3A : memref<!tpu.dma_semaphore, #tpu.memory_space<semaphore_mem>>)
        %dma_wait3A_340 = arith.constant 0 : i32
        %dma_wait3A_341 = tpu.memref_slice %arg5[%add3A_11, %dma_wait3A_340] : memref<1024x1008xi32, #tpu.memory_space<hbm>> -> memref<1x1008xi32, #tpu.memory_space<hbm>>
        %dma_wait3A_342 = tpu.memref_squeeze %dma_wait3A_341 : memref<1x1008xi32, #tpu.memory_space<hbm>> -> memref<1008xi32, #tpu.memory_space<hbm>>
        %dma_wait3A_343 = arith.constant 0 : i32
        %dma_wait3A_344 = tpu.memref_slice %arg5[%add3A_11, %dma_wait3A_343] : memref<1024x1008xi32, #tpu.memory_space<hbm>> -> memref<1x1008xi32, #tpu.memory_space<hbm>>
        %dma_wait3A_345 = tpu.memref_squeeze %dma_wait3A_344 : memref<1x1008xi32, #tpu.memory_space<hbm>> -> memref<1008xi32, #tpu.memory_space<hbm>>
        tpu.wait_dma2 semaphore(%run_scoped3A : memref<!tpu.dma_semaphore, #tpu.memory_space<semaphore_mem>>) src(%dma_wait3A_345 : memref<1008xi32, #tpu.memory_space<hbm>>) dst(%arg9 : memref<1008xi32, #tpu.memory_space<vmem>>)
        tpu.yield
      }) : () -> ()
      %dma_start3A = arith.constant 0 : i32
      %dma_start3A_12 = arith.constant 0 : i32
      %dma_start3A_13 = tpu.memref_slice %arg10[%dma_start3A, %dma_start3A_12] : memref<1216x64xf32, #tpu.memory_space<vmem>> -> memref<104x64xf32, #tpu.memory_space<vmem>>
      %dma_start3A_14 = arith.constant 0 : i32
      %dma_start3A_15 = tpu.memref_slice %arg8[%dma_start3A_14] : memref<208xi32, #tpu.memory_space<vmem>> -> memref<104xi32, #tpu.memory_space<vmem>>
      %dma_start3A_16 = arith.constant 0 : i32
      %dma_start3A_17 = arith.constant 0 : i32
      %dma_start3A_18 = tpu.memref_slice %arg2[%dma_start3A_16, %dma_start3A_17] : memref<1000000x64xf32, #tpu.memory_space<hbm>> -> memref<1000000x64xf32, #tpu.memory_space<hbm>>
      tpu.enqueue_indirect_dma source(%dma_start3A_18 : memref<1000000x64xf32, #tpu.memory_space<hbm>>) target(%dma_start3A_13 : memref<104x64xf32, #tpu.memory_space<vmem>>) offsets(%dma_start3A_15 : memref<104xi32, #tpu.memory_space<vmem>>) semaphore(%arg12 : memref<!tpu.dma_semaphore, #tpu.memory_space<semaphore_mem>>)
      %dma_start3A_19 = arith.constant 104 : i32
      %dma_start3A_20 = arith.constant 0 : i32
      %dma_start3A_21 = tpu.memref_slice %arg10[%dma_start3A_19, %dma_start3A_20] : memref<1216x64xf32, #tpu.memory_space<vmem>> -> memref<104x64xf32, #tpu.memory_space<vmem>>
      %dma_start3A_22 = arith.constant 104 : i32
      %dma_start3A_23 = tpu.memref_slice %arg8[%dma_start3A_22] : memref<208xi32, #tpu.memory_space<vmem>> -> memref<104xi32, #tpu.memory_space<vmem>>
      %dma_start3A_24 = arith.constant 0 : i32
      %dma_start3A_25 = arith.constant 0 : i32
      %dma_start3A_26 = tpu.memref_slice %arg2[%dma_start3A_24, %dma_start3A_25] : memref<1000000x64xf32, #tpu.memory_space<hbm>> -> memref<1000000x64xf32, #tpu.memory_space<hbm>>
      tpu.enqueue_indirect_dma source(%dma_start3A_26 : memref<1000000x64xf32, #tpu.memory_space<hbm>>) target(%dma_start3A_21 : memref<104x64xf32, #tpu.memory_space<vmem>>) offsets(%dma_start3A_23 : memref<104xi32, #tpu.memory_space<vmem>>) semaphore(%arg12 : memref<!tpu.dma_semaphore, #tpu.memory_space<semaphore_mem>>)
      %dma_start3A_27 = arith.constant 208 : i32
      %dma_start3A_28 = arith.constant 0 : i32
      %dma_start3A_29 = tpu.memref_slice %arg10[%dma_start3A_27, %dma_start3A_28] : memref<1216x64xf32, #tpu.memory_space<vmem>> -> memref<112x64xf32, #tpu.memory_space<vmem>>
      %dma_start3A_30 = arith.constant 0 : i32
      %dma_start3A_31 = tpu.memref_slice %arg9[%dma_start3A_30] : memref<1008xi32, #tpu.memory_space<vmem>> -> memref<112xi32, #tpu.memory_space<vmem>>
      %dma_start3A_32 = arith.constant 0 : i32
      %dma_start3A_33 = arith.constant 0 : i32
      %dma_start3A_34 = tpu.memref_slice %arg2[%dma_start3A_32, %dma_start3A_33] : memref<1000000x64xf32, #tpu.memory_space<hbm>> -> memref<1000000x64xf32, #tpu.memory_space<hbm>>
      tpu.enqueue_indirect_dma source(%dma_start3A_34 : memref<1000000x64xf32, #tpu.memory_space<hbm>>) target(%dma_start3A_29 : memref<112x64xf32, #tpu.memory_space<vmem>>) offsets(%dma_start3A_31 : memref<112xi32, #tpu.memory_space<vmem>>) semaphore(%arg12 : memref<!tpu.dma_semaphore, #tpu.memory_space<semaphore_mem>>)
      %dma_start3A_35 = arith.constant 320 : i32
      %dma_start3A_36 = arith.constant 0 : i32
      %dma_start3A_37 = tpu.memref_slice %arg10[%dma_start3A_35, %dma_start3A_36] : memref<1216x64xf32, #tpu.memory_space<vmem>> -> memref<112x64xf32, #tpu.memory_space<vmem>>
      %dma_start3A_38 = arith.constant 112 : i32
      %dma_start3A_39 = tpu.memref_slice %arg9[%dma_start3A_38] : memref<1008xi32, #tpu.memory_space<vmem>> -> memref<112xi32, #tpu.memory_space<vmem>>
      %dma_start3A_40 = arith.constant 0 : i32
      %dma_start3A_41 = arith.constant 0 : i32
      %dma_start3A_42 = tpu.memref_slice %arg2[%dma_start3A_40, %dma_start3A_41] : memref<1000000x64xf32, #tpu.memory_space<hbm>> -> memref<1000000x64xf32, #tpu.memory_space<hbm>>
      tpu.enqueue_indirect_dma source(%dma_start3A_42 : memref<1000000x64xf32, #tpu.memory_space<hbm>>) target(%dma_start3A_37 : memref<112x64xf32, #tpu.memory_space<vmem>>) offsets(%dma_start3A_39 : memref<112xi32, #tpu.memory_space<vmem>>) semaphore(%arg12 : memref<!tpu.dma_semaphore, #tpu.memory_space<semaphore_mem>>)
      %dma_start3A_43 = arith.constant 432 : i32
      %dma_start3A_44 = arith.constant 0 : i32
      %dma_start3A_45 = tpu.memref_slice %arg10[%dma_start3A_43, %dma_start3A_44] : memref<1216x64xf32, #tpu.memory_space<vmem>> -> memref<112x64xf32, #tpu.memory_space<vmem>>
      %dma_start3A_46 = arith.constant 224 : i32
      %dma_start3A_47 = tpu.memref_slice %arg9[%dma_start3A_46] : memref<1008xi32, #tpu.memory_space<vmem>> -> memref<112xi32, #tpu.memory_space<vmem>>
      %dma_start3A_48 = arith.constant 0 : i32
      %dma_start3A_49 = arith.constant 0 : i32
      %dma_start3A_50 = tpu.memref_slice %arg2[%dma_start3A_48, %dma_start3A_49] : memref<1000000x64xf32, #tpu.memory_space<hbm>> -> memref<1000000x64xf32, #tpu.memory_space<hbm>>
      tpu.enqueue_indirect_dma source(%dma_start3A_50 : memref<1000000x64xf32, #tpu.memory_space<hbm>>) target(%dma_start3A_45 : memref<112x64xf32, #tpu.memory_space<vmem>>) offsets(%dma_start3A_47 : memref<112xi32, #tpu.memory_space<vmem>>) semaphore(%arg12 : memref<!tpu.dma_semaphore, #tpu.memory_space<semaphore_mem>>)
      %dma_start3A_51 = arith.constant 544 : i32
      %dma_start3A_52 = arith.constant 0 : i32
      %dma_start3A_53 = tpu.memref_slice %arg10[%dma_start3A_51, %dma_start3A_52] : memref<1216x64xf32, #tpu.memory_space<vmem>> -> memref<112x64xf32, #tpu.memory_space<vmem>>
      %dma_start3A_54 = arith.constant 336 : i32
      %dma_start3A_55 = tpu.memref_slice %arg9[%dma_start3A_54] : memref<1008xi32, #tpu.memory_space<vmem>> -> memref<112xi32, #tpu.memory_space<vmem>>
      %dma_start3A_56 = arith.constant 0 : i32
      %dma_start3A_57 = arith.constant 0 : i32
      %dma_start3A_58 = tpu.memref_slice %arg2[%dma_start3A_56, %dma_start3A_57] : memref<1000000x64xf32, #tpu.memory_space<hbm>> -> memref<1000000x64xf32, #tpu.memory_space<hbm>>
      tpu.enqueue_indirect_dma source(%dma_start3A_58 : memref<1000000x64xf32, #tpu.memory_space<hbm>>) target(%dma_start3A_53 : memref<112x64xf32, #tpu.memory_space<vmem>>) offsets(%dma_start3A_55 : memref<112xi32, #tpu.memory_space<vmem>>) semaphore(%arg12 : memref<!tpu.dma_semaphore, #tpu.memory_space<semaphore_mem>>)
      %dma_start3A_59 = arith.constant 656 : i32
      %dma_start3A_60 = arith.constant 0 : i32
      %dma_start3A_61 = tpu.memref_slice %arg10[%dma_start3A_59, %dma_start3A_60] : memref<1216x64xf32, #tpu.memory_space<vmem>> -> memref<112x64xf32, #tpu.memory_space<vmem>>
      %dma_start3A_62 = arith.constant 448 : i32
      %dma_start3A_63 = tpu.memref_slice %arg9[%dma_start3A_62] : memref<1008xi32, #tpu.memory_space<vmem>> -> memref<112xi32, #tpu.memory_space<vmem>>
      %dma_start3A_64 = arith.constant 0 : i32
      %dma_start3A_65 = arith.constant 0 : i32
      %dma_start3A_66 = tpu.memref_slice %arg2[%dma_start3A_64, %dma_start3A_65] : memref<1000000x64xf32, #tpu.memory_space<hbm>> -> memref<1000000x64xf32, #tpu.memory_space<hbm>>
      tpu.enqueue_indirect_dma source(%dma_start3A_66 : memref<1000000x64xf32, #tpu.memory_space<hbm>>) target(%dma_start3A_61 : memref<112x64xf32, #tpu.memory_space<vmem>>) offsets(%dma_start3A_63 : memref<112xi32, #tpu.memory_space<vmem>>) semaphore(%arg12 : memref<!tpu.dma_semaphore, #tpu.memory_space<semaphore_mem>>)
      %dma_start3A_67 = arith.constant 768 : i32
      %dma_start3A_68 = arith.constant 0 : i32
      %dma_start3A_69 = tpu.memref_slice %arg10[%dma_start3A_67, %dma_start3A_68] : memref<1216x64xf32, #tpu.memory_space<vmem>> -> memref<112x64xf32, #tpu.memory_space<vmem>>
      %dma_start3A_70 = arith.constant 560 : i32
      %dma_start3A_71 = tpu.memref_slice %arg9[%dma_start3A_70] : memref<1008xi32, #tpu.memory_space<vmem>> -> memref<112xi32, #tpu.memory_space<vmem>>
      %dma_start3A_72 = arith.constant 0 : i32
      %dma_start3A_73 = arith.constant 0 : i32
      %dma_start3A_74 = tpu.memref_slice %arg2[%dma_start3A_72, %dma_start3A_73] : memref<1000000x64xf32, #tpu.memory_space<hbm>> -> memref<1000000x64xf32, #tpu.memory_space<hbm>>
      tpu.enqueue_indirect_dma source(%dma_start3A_74 : memref<1000000x64xf32, #tpu.memory_space<hbm>>) target(%dma_start3A_69 : memref<112x64xf32, #tpu.memory_space<vmem>>) offsets(%dma_start3A_71 : memref<112xi32, #tpu.memory_space<vmem>>) semaphore(%arg12 : memref<!tpu.dma_semaphore, #tpu.memory_space<semaphore_mem>>)
      %dma_start3A_75 = arith.constant 880 : i32
      %dma_start3A_76 = arith.constant 0 : i32
      %dma_start3A_77 = tpu.memref_slice %arg10[%dma_start3A_75, %dma_start3A_76] : memref<1216x64xf32, #tpu.memory_space<vmem>> -> memref<112x64xf32, #tpu.memory_space<vmem>>
      %dma_start3A_78 = arith.constant 672 : i32
      %dma_start3A_79 = tpu.memref_slice %arg9[%dma_start3A_78] : memref<1008xi32, #tpu.memory_space<vmem>> -> memref<112xi32, #tpu.memory_space<vmem>>
      %dma_start3A_80 = arith.constant 0 : i32
      %dma_start3A_81 = arith.constant 0 : i32
      %dma_start3A_82 = tpu.memref_slice %arg2[%dma_start3A_80, %dma_start3A_81] : memref<1000000x64xf32, #tpu.memory_space<hbm>> -> memref<1000000x64xf32, #tpu.memory_space<hbm>>
      tpu.enqueue_indirect_dma source(%dma_start3A_82 : memref<1000000x64xf32, #tpu.memory_space<hbm>>) target(%dma_start3A_77 : memref<112x64xf32, #tpu.memory_space<vmem>>) offsets(%dma_start3A_79 : memref<112xi32, #tpu.memory_space<vmem>>) semaphore(%arg12 : memref<!tpu.dma_semaphore, #tpu.memory_space<semaphore_mem>>)
      %dma_start3A_83 = arith.constant 992 : i32
      %dma_start3A_84 = arith.constant 0 : i32
      %dma_start3A_85 = tpu.memref_slice %arg10[%dma_start3A_83, %dma_start3A_84] : memref<1216x64xf32, #tpu.memory_space<vmem>> -> memref<112x64xf32, #tpu.memory_space<vmem>>
      %dma_start3A_86 = arith.constant 784 : i32
      %dma_start3A_87 = tpu.memref_slice %arg9[%dma_start3A_86] : memref<1008xi32, #tpu.memory_space<vmem>> -> memref<112xi32, #tpu.memory_space<vmem>>
      %dma_start3A_88 = arith.constant 0 : i32
      %dma_start3A_89 = arith.constant 0 : i32
      %dma_start3A_90 = tpu.memref_slice %arg2[%dma_start3A_88, %dma_start3A_89] : memref<1000000x64xf32, #tpu.memory_space<hbm>> -> memref<1000000x64xf32, #tpu.memory_space<hbm>>
      tpu.enqueue_indirect_dma source(%dma_start3A_90 : memref<1000000x64xf32, #tpu.memory_space<hbm>>) target(%dma_start3A_85 : memref<112x64xf32, #tpu.memory_space<vmem>>) offsets(%dma_start3A_87 : memref<112xi32, #tpu.memory_space<vmem>>) semaphore(%arg12 : memref<!tpu.dma_semaphore, #tpu.memory_space<semaphore_mem>>)
      %dma_start3A_91 = arith.constant 1104 : i32
      %dma_start3A_92 = arith.constant 0 : i32
      %dma_start3A_93 = tpu.memref_slice %arg10[%dma_start3A_91, %dma_start3A_92] : memref<1216x64xf32, #tpu.memory_space<vmem>> -> memref<112x64xf32, #tpu.memory_space<vmem>>
      %dma_start3A_94 = arith.constant 896 : i32
      %dma_start3A_95 = tpu.memref_slice %arg9[%dma_start3A_94] : memref<1008xi32, #tpu.memory_space<vmem>> -> memref<112xi32, #tpu.memory_space<vmem>>
      %dma_start3A_96 = arith.constant 0 : i32
      %dma_start3A_97 = arith.constant 0 : i32
      %dma_start3A_98 = tpu.memref_slice %arg2[%dma_start3A_96, %dma_start3A_97] : memref<1000000x64xf32, #tpu.memory_space<hbm>> -> memref<1000000x64xf32, #tpu.memory_space<hbm>>
      tpu.enqueue_indirect_dma source(%dma_start3A_98 : memref<1000000x64xf32, #tpu.memory_space<hbm>>) target(%dma_start3A_93 : memref<112x64xf32, #tpu.memory_space<vmem>>) offsets(%dma_start3A_95 : memref<112xi32, #tpu.memory_space<vmem>>) semaphore(%arg12 : memref<!tpu.dma_semaphore, #tpu.memory_space<semaphore_mem>>)
      %dma_wait3A = arith.constant 0 : i32
      %dma_wait3A_99 = arith.constant 0 : i32
      %dma_wait3A_100 = tpu.memref_slice %arg10[%dma_wait3A, %dma_wait3A_99] : memref<1216x64xf32, #tpu.memory_space<vmem>> -> memref<104x64xf32, #tpu.memory_space<vmem>>
      %dma_wait3A_101 = arith.constant 0 : i32
      %dma_wait3A_102 = tpu.memref_slice %arg8[%dma_wait3A_101] : memref<208xi32, #tpu.memory_space<vmem>> -> memref<104xi32, #tpu.memory_space<vmem>>
      %dma_wait3A_103 = arith.constant 0 : i32
      %dma_wait3A_104 = arith.constant 0 : i32
      %dma_wait3A_105 = tpu.memref_slice %arg2[%dma_wait3A_103, %dma_wait3A_104] : memref<1000000x64xf32, #tpu.memory_space<hbm>> -> memref<1000000x64xf32, #tpu.memory_space<hbm>>
      tpu.wait_indirect_dma semaphore(%arg12 : memref<!tpu.dma_semaphore, #tpu.memory_space<semaphore_mem>>) src(%dma_wait3A_105 : memref<1000000x64xf32, #tpu.memory_space<hbm>>) dst(%dma_wait3A_100 : memref<104x64xf32, #tpu.memory_space<vmem>>)
      %dma_wait3A_106 = arith.constant 104 : i32
      %dma_wait3A_107 = arith.constant 0 : i32
      %dma_wait3A_108 = tpu.memref_slice %arg10[%dma_wait3A_106, %dma_wait3A_107] : memref<1216x64xf32, #tpu.memory_space<vmem>> -> memref<104x64xf32, #tpu.memory_space<vmem>>
      %dma_wait3A_109 = arith.constant 104 : i32
      %dma_wait3A_110 = tpu.memref_slice %arg8[%dma_wait3A_109] : memref<208xi32, #tpu.memory_space<vmem>> -> memref<104xi32, #tpu.memory_space<vmem>>
      %dma_wait3A_111 = arith.constant 0 : i32
      %dma_wait3A_112 = arith.constant 0 : i32
      %dma_wait3A_113 = tpu.memref_slice %arg2[%dma_wait3A_111, %dma_wait3A_112] : memref<1000000x64xf32, #tpu.memory_space<hbm>> -> memref<1000000x64xf32, #tpu.memory_space<hbm>>
      tpu.wait_indirect_dma semaphore(%arg12 : memref<!tpu.dma_semaphore, #tpu.memory_space<semaphore_mem>>) src(%dma_wait3A_113 : memref<1000000x64xf32, #tpu.memory_space<hbm>>) dst(%dma_wait3A_108 : memref<104x64xf32, #tpu.memory_space<vmem>>)
      %dma_wait3A_114 = arith.constant 208 : i32
      %dma_wait3A_115 = arith.constant 0 : i32
      %dma_wait3A_116 = tpu.memref_slice %arg10[%dma_wait3A_114, %dma_wait3A_115] : memref<1216x64xf32, #tpu.memory_space<vmem>> -> memref<112x64xf32, #tpu.memory_space<vmem>>
      %dma_wait3A_117 = arith.constant 0 : i32
      %dma_wait3A_118 = tpu.memref_slice %arg9[%dma_wait3A_117] : memref<1008xi32, #tpu.memory_space<vmem>> -> memref<112xi32, #tpu.memory_space<vmem>>
      %dma_wait3A_119 = arith.constant 0 : i32
      %dma_wait3A_120 = arith.constant 0 : i32
      %dma_wait3A_121 = tpu.memref_slice %arg2[%dma_wait3A_119, %dma_wait3A_120] : memref<1000000x64xf32, #tpu.memory_space<hbm>> -> memref<1000000x64xf32, #tpu.memory_space<hbm>>
      tpu.wait_indirect_dma semaphore(%arg12 : memref<!tpu.dma_semaphore, #tpu.memory_space<semaphore_mem>>) src(%dma_wait3A_121 : memref<1000000x64xf32, #tpu.memory_space<hbm>>) dst(%dma_wait3A_116 : memref<112x64xf32, #tpu.memory_space<vmem>>)
      %dma_wait3A_122 = arith.constant 320 : i32
      %dma_wait3A_123 = arith.constant 0 : i32
      %dma_wait3A_124 = tpu.memref_slice %arg10[%dma_wait3A_122, %dma_wait3A_123] : memref<1216x64xf32, #tpu.memory_space<vmem>> -> memref<112x64xf32, #tpu.memory_space<vmem>>
      %dma_wait3A_125 = arith.constant 112 : i32
      %dma_wait3A_126 = tpu.memref_slice %arg9[%dma_wait3A_125] : memref<1008xi32, #tpu.memory_space<vmem>> -> memref<112xi32, #tpu.memory_space<vmem>>
      %dma_wait3A_127 = arith.constant 0 : i32
      %dma_wait3A_128 = arith.constant 0 : i32
      %dma_wait3A_129 = tpu.memref_slice %arg2[%dma_wait3A_127, %dma_wait3A_128] : memref<1000000x64xf32, #tpu.memory_space<hbm>> -> memref<1000000x64xf32, #tpu.memory_space<hbm>>
      tpu.wait_indirect_dma semaphore(%arg12 : memref<!tpu.dma_semaphore, #tpu.memory_space<semaphore_mem>>) src(%dma_wait3A_129 : memref<1000000x64xf32, #tpu.memory_space<hbm>>) dst(%dma_wait3A_124 : memref<112x64xf32, #tpu.memory_space<vmem>>)
      %dma_wait3A_130 = arith.constant 432 : i32
      %dma_wait3A_131 = arith.constant 0 : i32
      %dma_wait3A_132 = tpu.memref_slice %arg10[%dma_wait3A_130, %dma_wait3A_131] : memref<1216x64xf32, #tpu.memory_space<vmem>> -> memref<112x64xf32, #tpu.memory_space<vmem>>
      %dma_wait3A_133 = arith.constant 224 : i32
      %dma_wait3A_134 = tpu.memref_slice %arg9[%dma_wait3A_133] : memref<1008xi32, #tpu.memory_space<vmem>> -> memref<112xi32, #tpu.memory_space<vmem>>
      %dma_wait3A_135 = arith.constant 0 : i32
      %dma_wait3A_136 = arith.constant 0 : i32
      %dma_wait3A_137 = tpu.memref_slice %arg2[%dma_wait3A_135, %dma_wait3A_136] : memref<1000000x64xf32, #tpu.memory_space<hbm>> -> memref<1000000x64xf32, #tpu.memory_space<hbm>>
      tpu.wait_indirect_dma semaphore(%arg12 : memref<!tpu.dma_semaphore, #tpu.memory_space<semaphore_mem>>) src(%dma_wait3A_137 : memref<1000000x64xf32, #tpu.memory_space<hbm>>) dst(%dma_wait3A_132 : memref<112x64xf32, #tpu.memory_space<vmem>>)
      %dma_wait3A_138 = arith.constant 544 : i32
      %dma_wait3A_139 = arith.constant 0 : i32
      %dma_wait3A_140 = tpu.memref_slice %arg10[%dma_wait3A_138, %dma_wait3A_139] : memref<1216x64xf32, #tpu.memory_space<vmem>> -> memref<112x64xf32, #tpu.memory_space<vmem>>
      %dma_wait3A_141 = arith.constant 336 : i32
      %dma_wait3A_142 = tpu.memref_slice %arg9[%dma_wait3A_141] : memref<1008xi32, #tpu.memory_space<vmem>> -> memref<112xi32, #tpu.memory_space<vmem>>
      %dma_wait3A_143 = arith.constant 0 : i32
      %dma_wait3A_144 = arith.constant 0 : i32
      %dma_wait3A_145 = tpu.memref_slice %arg2[%dma_wait3A_143, %dma_wait3A_144] : memref<1000000x64xf32, #tpu.memory_space<hbm>> -> memref<1000000x64xf32, #tpu.memory_space<hbm>>
      tpu.wait_indirect_dma semaphore(%arg12 : memref<!tpu.dma_semaphore, #tpu.memory_space<semaphore_mem>>) src(%dma_wait3A_145 : memref<1000000x64xf32, #tpu.memory_space<hbm>>) dst(%dma_wait3A_140 : memref<112x64xf32, #tpu.memory_space<vmem>>)
      %dma_wait3A_146 = arith.constant 656 : i32
      %dma_wait3A_147 = arith.constant 0 : i32
      %dma_wait3A_148 = tpu.memref_slice %arg10[%dma_wait3A_146, %dma_wait3A_147] : memref<1216x64xf32, #tpu.memory_space<vmem>> -> memref<112x64xf32, #tpu.memory_space<vmem>>
      %dma_wait3A_149 = arith.constant 448 : i32
      %dma_wait3A_150 = tpu.memref_slice %arg9[%dma_wait3A_149] : memref<1008xi32, #tpu.memory_space<vmem>> -> memref<112xi32, #tpu.memory_space<vmem>>
      %dma_wait3A_151 = arith.constant 0 : i32
      %dma_wait3A_152 = arith.constant 0 : i32
      %dma_wait3A_153 = tpu.memref_slice %arg2[%dma_wait3A_151, %dma_wait3A_152] : memref<1000000x64xf32, #tpu.memory_space<hbm>> -> memref<1000000x64xf32, #tpu.memory_space<hbm>>
      tpu.wait_indirect_dma semaphore(%arg12 : memref<!tpu.dma_semaphore, #tpu.memory_space<semaphore_mem>>) src(%dma_wait3A_153 : memref<1000000x64xf32, #tpu.memory_space<hbm>>) dst(%dma_wait3A_148 : memref<112x64xf32, #tpu.memory_space<vmem>>)
      %dma_wait3A_154 = arith.constant 768 : i32
      %dma_wait3A_155 = arith.constant 0 : i32
      %dma_wait3A_156 = tpu.memref_slice %arg10[%dma_wait3A_154, %dma_wait3A_155] : memref<1216x64xf32, #tpu.memory_space<vmem>> -> memref<112x64xf32, #tpu.memory_space<vmem>>
      %dma_wait3A_157 = arith.constant 560 : i32
      %dma_wait3A_158 = tpu.memref_slice %arg9[%dma_wait3A_157] : memref<1008xi32, #tpu.memory_space<vmem>> -> memref<112xi32, #tpu.memory_space<vmem>>
      %dma_wait3A_159 = arith.constant 0 : i32
      %dma_wait3A_160 = arith.constant 0 : i32
      %dma_wait3A_161 = tpu.memref_slice %arg2[%dma_wait3A_159, %dma_wait3A_160] : memref<1000000x64xf32, #tpu.memory_space<hbm>> -> memref<1000000x64xf32, #tpu.memory_space<hbm>>
      tpu.wait_indirect_dma semaphore(%arg12 : memref<!tpu.dma_semaphore, #tpu.memory_space<semaphore_mem>>) src(%dma_wait3A_161 : memref<1000000x64xf32, #tpu.memory_space<hbm>>) dst(%dma_wait3A_156 : memref<112x64xf32, #tpu.memory_space<vmem>>)
      %dma_wait3A_162 = arith.constant 880 : i32
      %dma_wait3A_163 = arith.constant 0 : i32
      %dma_wait3A_164 = tpu.memref_slice %arg10[%dma_wait3A_162, %dma_wait3A_163] : memref<1216x64xf32, #tpu.memory_space<vmem>> -> memref<112x64xf32, #tpu.memory_space<vmem>>
      %dma_wait3A_165 = arith.constant 672 : i32
      %dma_wait3A_166 = tpu.memref_slice %arg9[%dma_wait3A_165] : memref<1008xi32, #tpu.memory_space<vmem>> -> memref<112xi32, #tpu.memory_space<vmem>>
      %dma_wait3A_167 = arith.constant 0 : i32
      %dma_wait3A_168 = arith.constant 0 : i32
      %dma_wait3A_169 = tpu.memref_slice %arg2[%dma_wait3A_167, %dma_wait3A_168] : memref<1000000x64xf32, #tpu.memory_space<hbm>> -> memref<1000000x64xf32, #tpu.memory_space<hbm>>
      tpu.wait_indirect_dma semaphore(%arg12 : memref<!tpu.dma_semaphore, #tpu.memory_space<semaphore_mem>>) src(%dma_wait3A_169 : memref<1000000x64xf32, #tpu.memory_space<hbm>>) dst(%dma_wait3A_164 : memref<112x64xf32, #tpu.memory_space<vmem>>)
      %dma_wait3A_170 = arith.constant 992 : i32
      %dma_wait3A_171 = arith.constant 0 : i32
      %dma_wait3A_172 = tpu.memref_slice %arg10[%dma_wait3A_170, %dma_wait3A_171] : memref<1216x64xf32, #tpu.memory_space<vmem>> -> memref<112x64xf32, #tpu.memory_space<vmem>>
      %dma_wait3A_173 = arith.constant 784 : i32
      %dma_wait3A_174 = tpu.memref_slice %arg9[%dma_wait3A_173] : memref<1008xi32, #tpu.memory_space<vmem>> -> memref<112xi32, #tpu.memory_space<vmem>>
      %dma_wait3A_175 = arith.constant 0 : i32
      %dma_wait3A_176 = arith.constant 0 : i32
      %dma_wait3A_177 = tpu.memref_slice %arg2[%dma_wait3A_175, %dma_wait3A_176] : memref<1000000x64xf32, #tpu.memory_space<hbm>> -> memref<1000000x64xf32, #tpu.memory_space<hbm>>
      tpu.wait_indirect_dma semaphore(%arg12 : memref<!tpu.dma_semaphore, #tpu.memory_space<semaphore_mem>>) src(%dma_wait3A_177 : memref<1000000x64xf32, #tpu.memory_space<hbm>>) dst(%dma_wait3A_172 : memref<112x64xf32, #tpu.memory_space<vmem>>)
      %dma_wait3A_178 = arith.constant 1104 : i32
      %dma_wait3A_179 = arith.constant 0 : i32
      %dma_wait3A_180 = tpu.memref_slice %arg10[%dma_wait3A_178, %dma_wait3A_179] : memref<1216x64xf32, #tpu.memory_space<vmem>> -> memref<112x64xf32, #tpu.memory_space<vmem>>
      %dma_wait3A_181 = arith.constant 896 : i32
      %dma_wait3A_182 = tpu.memref_slice %arg9[%dma_wait3A_181] : memref<1008xi32, #tpu.memory_space<vmem>> -> memref<112xi32, #tpu.memory_space<vmem>>
      %dma_wait3A_183 = arith.constant 0 : i32
      %dma_wait3A_184 = arith.constant 0 : i32
      %dma_wait3A_185 = tpu.memref_slice %arg2[%dma_wait3A_183, %dma_wait3A_184] : memref<1000000x64xf32, #tpu.memory_space<hbm>> -> memref<1000000x64xf32, #tpu.memory_space<hbm>>
      tpu.wait_indirect_dma semaphore(%arg12 : memref<!tpu.dma_semaphore, #tpu.memory_space<semaphore_mem>>) src(%dma_wait3A_185 : memref<1000000x64xf32, #tpu.memory_space<hbm>>) dst(%dma_wait3A_180 : memref<112x64xf32, #tpu.memory_space<vmem>>)
      %get3A = arith.constant 0 : index
      %get3A_186 = tpu.vector_load %arg7[%get3A] {strides = array<i32>} : memref<64xf32, #tpu.memory_space<vmem>>, vector<16xf32>,
      %get3A_187 = arith.constant 16 : index
      %get3A_188 = tpu.vector_load %arg7[%get3A_187] {strides = array<i32>} : memref<64xf32, #tpu.memory_space<vmem>>, vector<16xf32>,
      %get3A_189 = arith.constant 32 : index
      %get3A_190 = tpu.vector_load %arg7[%get3A_189] {strides = array<i32>} : memref<64xf32, #tpu.memory_space<vmem>>, vector<16xf32>,
      %get3A_191 = arith.constant 48 : index
      %get3A_192 = tpu.vector_load %arg7[%get3A_191] {strides = array<i32>} : memref<64xf32, #tpu.memory_space<vmem>>, vector<16xf32>,
      %slice3A = vector.extract_strided_slice %get3A_186 {offsets = [0], sizes = [1], strides = [1]} : vector<16xf32> to vector<1xf32>
      %squeeze3A = vector.extract %slice3A[0] : f32 from vector<1xf32>
      %slice3A_193 = vector.extract_strided_slice %get3A_186 {offsets = [1], sizes = [1], strides = [1]} : vector<16xf32> to vector<1xf32>
      %squeeze3A_194 = vector.extract %slice3A_193[0] : f32 from vector<1xf32>
      %slice3A_195 = vector.extract_strided_slice %get3A_186 {offsets = [2], sizes = [1], strides = [1]} : vector<16xf32> to vector<1xf32>
      %squeeze3A_196 = vector.extract %slice3A_195[0] : f32 from vector<1xf32>
      %slice3A_197 = vector.extract_strided_slice %get3A_186 {offsets = [3], sizes = [1], strides = [1]} : vector<16xf32> to vector<1xf32>
      %squeeze3A_198 = vector.extract %slice3A_197[0] : f32 from vector<1xf32>
      %slice3A_199 = vector.extract_strided_slice %get3A_186 {offsets = [4], sizes = [1], strides = [1]} : vector<16xf32> to vector<1xf32>
      %squeeze3A_200 = vector.extract %slice3A_199[0] : f32 from vector<1xf32>
      %slice3A_201 = vector.extract_strided_slice %get3A_186 {offsets = [5], sizes = [1], strides = [1]} : vector<16xf32> to vector<1xf32>
      %squeeze3A_202 = vector.extract %slice3A_201[0] : f32 from vector<1xf32>
      %slice3A_203 = vector.extract_strided_slice %get3A_186 {offsets = [6], sizes = [1], strides = [1]} : vector<16xf32> to vector<1xf32>
      %squeeze3A_204 = vector.extract %slice3A_203[0] : f32 from vector<1xf32>
      %slice3A_205 = vector.extract_strided_slice %get3A_186 {offsets = [7], sizes = [1], strides = [1]} : vector<16xf32> to vector<1xf32>
      %squeeze3A_206 = vector.extract %slice3A_205[0] : f32 from vector<1xf32>
      %slice3A_207 = vector.extract_strided_slice %get3A_186 {offsets = [8], sizes = [1], strides = [1]} : vector<16xf32> to vector<1xf32>
      %squeeze3A_208 = vector.extract %slice3A_207[0] : f32 from vector<1xf32>
      %slice3A_209 = vector.extract_strided_slice %get3A_186 {offsets = [9], sizes = [1], strides = [1]} : vector<16xf32> to vector<1xf32>
      %squeeze3A_210 = vector.extract %slice3A_209[0] : f32 from vector<1xf32>
      %slice3A_211 = vector.extract_strided_slice %get3A_186 {offsets = [10], sizes = [1], strides = [1]} : vector<16xf32> to vector<1xf32>
      %squeeze3A_212 = vector.extract %slice3A_211[0] : f32 from vector<1xf32>
      %slice3A_213 = vector.extract_strided_slice %get3A_186 {offsets = [11], sizes = [1], strides = [1]} : vector<16xf32> to vector<1xf32>
      %squeeze3A_214 = vector.extract %slice3A_213[0] : f32 from vector<1xf32>
      %slice3A_215 = vector.extract_strided_slice %get3A_186 {offsets = [12], sizes = [1], strides = [1]} : vector<16xf32> to vector<1xf32>
      %squeeze3A_216 = vector.extract %slice3A_215[0] : f32 from vector<1xf32>
      %slice3A_217 = vector.extract_strided_slice %get3A_186 {offsets = [13], sizes = [1], strides = [1]} : vector<16xf32> to vector<1xf32>
      %squeeze3A_218 = vector.extract %slice3A_217[0] : f32 from vector<1xf32>
      %slice3A_219 = vector.extract_strided_slice %get3A_186 {offsets = [14], sizes = [1], strides = [1]} : vector<16xf32> to vector<1xf32>
      %squeeze3A_220 = vector.extract %slice3A_219[0] : f32 from vector<1xf32>
      %slice3A_221 = vector.extract_strided_slice %get3A_186 {offsets = [15], sizes = [1], strides = [1]} : vector<16xf32> to vector<1xf32>
      %squeeze3A_222 = vector.extract %slice3A_221[0] : f32 from vector<1xf32>
      %slice3A_223 = vector.extract_strided_slice %get3A_188 {offsets = [0], sizes = [1], strides = [1]} : vector<16xf32> to vector<1xf32>
      %squeeze3A_224 = vector.extract %slice3A_223[0] : f32 from vector<1xf32>
      %slice3A_225 = vector.extract_strided_slice %get3A_188 {offsets = [1], sizes = [1], strides = [1]} : vector<16xf32> to vector<1xf32>
      %squeeze3A_226 = vector.extract %slice3A_225[0] : f32 from vector<1xf32>
      %slice3A_227 = vector.extract_strided_slice %get3A_188 {offsets = [2], sizes = [1], strides = [1]} : vector<16xf32> to vector<1xf32>
      %squeeze3A_228 = vector.extract %slice3A_227[0] : f32 from vector<1xf32>
      %slice3A_229 = vector.extract_strided_slice %get3A_188 {offsets = [3], sizes = [1], strides = [1]} : vector<16xf32> to vector<1xf32>
      %squeeze3A_230 = vector.extract %slice3A_229[0] : f32 from vector<1xf32>
      %slice3A_231 = vector.extract_strided_slice %get3A_188 {offsets = [4], sizes = [1], strides = [1]} : vector<16xf32> to vector<1xf32>
      %squeeze3A_232 = vector.extract %slice3A_231[0] : f32 from vector<1xf32>
      %slice3A_233 = vector.extract_strided_slice %get3A_188 {offsets = [5], sizes = [1], strides = [1]} : vector<16xf32> to vector<1xf32>
      %squeeze3A_234 = vector.extract %slice3A_233[0] : f32 from vector<1xf32>
      %slice3A_235 = vector.extract_strided_slice %get3A_188 {offsets = [6], sizes = [1], strides = [1]} : vector<16xf32> to vector<1xf32>
      %squeeze3A_236 = vector.extract %slice3A_235[0] : f32 from vector<1xf32>
      %slice3A_237 = vector.extract_strided_slice %get3A_188 {offsets = [7], sizes = [1], strides = [1]} : vector<16xf32> to vector<1xf32>
      %squeeze3A_238 = vector.extract %slice3A_237[0] : f32 from vector<1xf32>
      %slice3A_239 = vector.extract_strided_slice %get3A_188 {offsets = [8], sizes = [1], strides = [1]} : vector<16xf32> to vector<1xf32>
      %squeeze3A_240 = vector.extract %slice3A_239[0] : f32 from vector<1xf32>
      %slice3A_241 = vector.extract_strided_slice %get3A_188 {offsets = [9], sizes = [1], strides = [1]} : vector<16xf32> to vector<1xf32>
      %squeeze3A_242 = vector.extract %slice3A_241[0] : f32 from vector<1xf32>
      %slice3A_243 = vector.extract_strided_slice %get3A_188 {offsets = [10], sizes = [1], strides = [1]} : vector<16xf32> to vector<1xf32>
      %squeeze3A_244 = vector.extract %slice3A_243[0] : f32 from vector<1xf32>
      %slice3A_245 = vector.extract_strided_slice %get3A_188 {offsets = [11], sizes = [1], strides = [1]} : vector<16xf32> to vector<1xf32>
      %squeeze3A_246 = vector.extract %slice3A_245[0] : f32 from vector<1xf32>
      %slice3A_247 = vector.extract_strided_slice %get3A_188 {offsets = [12], sizes = [1], strides = [1]} : vector<16xf32> to vector<1xf32>
      %squeeze3A_248 = vector.extract %slice3A_247[0] : f32 from vector<1xf32>
      %slice3A_249 = vector.extract_strided_slice %get3A_188 {offsets = [13], sizes = [1], strides = [1]} : vector<16xf32> to vector<1xf32>
      %squeeze3A_250 = vector.extract %slice3A_249[0] : f32 from vector<1xf32>
      %slice3A_251 = vector.extract_strided_slice %get3A_188 {offsets = [14], sizes = [1], strides = [1]} : vector<16xf32> to vector<1xf32>
      %squeeze3A_252 = vector.extract %slice3A_251[0] : f32 from vector<1xf32>
      %slice3A_253 = vector.extract_strided_slice %get3A_188 {offsets = [15], sizes = [1], strides = [1]} : vector<16xf32> to vector<1xf32>
      %squeeze3A_254 = vector.extract %slice3A_253[0] : f32 from vector<1xf32>
      %slice3A_255 = vector.extract_strided_slice %get3A_190 {offsets = [0], sizes = [1], strides = [1]} : vector<16xf32> to vector<1xf32>
      %squeeze3A_256 = vector.extract %slice3A_255[0] : f32 from vector<1xf32>
      %slice3A_257 = vector.extract_strided_slice %get3A_190 {offsets = [1], sizes = [1], strides = [1]} : vector<16xf32> to vector<1xf32>
      %squeeze3A_258 = vector.extract %slice3A_257[0] : f32 from vector<1xf32>
      %slice3A_259 = vector.extract_strided_slice %get3A_190 {offsets = [2], sizes = [1], strides = [1]} : vector<16xf32> to vector<1xf32>
      %squeeze3A_260 = vector.extract %slice3A_259[0] : f32 from vector<1xf32>
      %slice3A_261 = vector.extract_strided_slice %get3A_190 {offsets = [3], sizes = [1], strides = [1]} : vector<16xf32> to vector<1xf32>
      %squeeze3A_262 = vector.extract %slice3A_261[0] : f32 from vector<1xf32>
      %slice3A_263 = vector.extract_strided_slice %get3A_190 {offsets = [4], sizes = [1], strides = [1]} : vector<16xf32> to vector<1xf32>
      %squeeze3A_264 = vector.extract %slice3A_263[0] : f32 from vector<1xf32>
      %slice3A_265 = vector.extract_strided_slice %get3A_190 {offsets = [5], sizes = [1], strides = [1]} : vector<16xf32> to vector<1xf32>
      %squeeze3A_266 = vector.extract %slice3A_265[0] : f32 from vector<1xf32>
      %slice3A_267 = vector.extract_strided_slice %get3A_190 {offsets = [6], sizes = [1], strides = [1]} : vector<16xf32> to vector<1xf32>
      %squeeze3A_268 = vector.extract %slice3A_267[0] : f32 from vector<1xf32>
      %slice3A_269 = vector.extract_strided_slice %get3A_190 {offsets = [7], sizes = [1], strides = [1]} : vector<16xf32> to vector<1xf32>
      %squeeze3A_270 = vector.extract %slice3A_269[0] : f32 from vector<1xf32>
      %slice3A_271 = vector.extract_strided_slice %get3A_190 {offsets = [8], sizes = [1], strides = [1]} : vector<16xf32> to vector<1xf32>
      %squeeze3A_272 = vector.extract %slice3A_271[0] : f32 from vector<1xf32>
      %slice3A_273 = vector.extract_strided_slice %get3A_190 {offsets = [9], sizes = [1], strides = [1]} : vector<16xf32> to vector<1xf32>
      %squeeze3A_274 = vector.extract %slice3A_273[0] : f32 from vector<1xf32>
      %slice3A_275 = vector.extract_strided_slice %get3A_190 {offsets = [10], sizes = [1], strides = [1]} : vector<16xf32> to vector<1xf32>
      %squeeze3A_276 = vector.extract %slice3A_275[0] : f32 from vector<1xf32>
      %slice3A_277 = vector.extract_strided_slice %get3A_190 {offsets = [11], sizes = [1], strides = [1]} : vector<16xf32> to vector<1xf32>
      %squeeze3A_278 = vector.extract %slice3A_277[0] : f32 from vector<1xf32>
      %slice3A_279 = vector.extract_strided_slice %get3A_190 {offsets = [12], sizes = [1], strides = [1]} : vector<16xf32> to vector<1xf32>
      %squeeze3A_280 = vector.extract %slice3A_279[0] : f32 from vector<1xf32>
      %slice3A_281 = vector.extract_strided_slice %get3A_190 {offsets = [13], sizes = [1], strides = [1]} : vector<16xf32> to vector<1xf32>
      %squeeze3A_282 = vector.extract %slice3A_281[0] : f32 from vector<1xf32>
      %slice3A_283 = vector.extract_strided_slice %get3A_190 {offsets = [14], sizes = [1], strides = [1]} : vector<16xf32> to vector<1xf32>
      %squeeze3A_284 = vector.extract %slice3A_283[0] : f32 from vector<1xf32>
      %slice3A_285 = vector.extract_strided_slice %get3A_190 {offsets = [15], sizes = [1], strides = [1]} : vector<16xf32> to vector<1xf32>
      %squeeze3A_286 = vector.extract %slice3A_285[0] : f32 from vector<1xf32>
      %slice3A_287 = vector.extract_strided_slice %get3A_192 {offsets = [0], sizes = [1], strides = [1]} : vector<16xf32> to vector<1xf32>
      %squeeze3A_288 = vector.extract %slice3A_287[0] : f32 from vector<1xf32>
      %slice3A_289 = vector.extract_strided_slice %get3A_192 {offsets = [1], sizes = [1], strides = [1]} : vector<16xf32> to vector<1xf32>
      %squeeze3A_290 = vector.extract %slice3A_289[0] : f32 from vector<1xf32>
      %slice3A_291 = vector.extract_strided_slice %get3A_192 {offsets = [2], sizes = [1], strides = [1]} : vector<16xf32> to vector<1xf32>
      %squeeze3A_292 = vector.extract %slice3A_291[0] : f32 from vector<1xf32>
      %slice3A_293 = vector.extract_strided_slice %get3A_192 {offsets = [3], sizes = [1], strides = [1]} : vector<16xf32> to vector<1xf32>
      %squeeze3A_294 = vector.extract %slice3A_293[0] : f32 from vector<1xf32>
      %slice3A_295 = vector.extract_strided_slice %get3A_192 {offsets = [4], sizes = [1], strides = [1]} : vector<16xf32> to vector<1xf32>
      %squeeze3A_296 = vector.extract %slice3A_295[0] : f32 from vector<1xf32>
      %slice3A_297 = vector.extract_strided_slice %get3A_192 {offsets = [5], sizes = [1], strides = [1]} : vector<16xf32> to vector<1xf32>
      %squeeze3A_298 = vector.extract %slice3A_297[0] : f32 from vector<1xf32>
      %slice3A_299 = vector.extract_strided_slice %get3A_192 {offsets = [6], sizes = [1], strides = [1]} : vector<16xf32> to vector<1xf32>
      %squeeze3A_300 = vector.extract %slice3A_299[0] : f32 from vector<1xf32>
      %slice3A_301 = vector.extract_strided_slice %get3A_192 {offsets = [7], sizes = [1], strides = [1]} : vector<16xf32> to vector<1xf32>
      %squeeze3A_302 = vector.extract %slice3A_301[0] : f32 from vector<1xf32>
      %slice3A_303 = vector.extract_strided_slice %get3A_192 {offsets = [8], sizes = [1], strides = [1]} : vector<16xf32> to vector<1xf32>
      %squeeze3A_304 = vector.extract %slice3A_303[0] : f32 from vector<1xf32>
      %slice3A_305 = vector.extract_strided_slice %get3A_192 {offsets = [9], sizes = [1], strides = [1]} : vector<16xf32> to vector<1xf32>
      %squeeze3A_306 = vector.extract %slice3A_305[0] : f32 from vector<1xf32>
      %slice3A_307 = vector.extract_strided_slice %get3A_192 {offsets = [10], sizes = [1], strides = [1]} : vector<16xf32> to vector<1xf32>
      %squeeze3A_308 = vector.extract %slice3A_307[0] : f32 from vector<1xf32>
      %slice3A_309 = vector.extract_strided_slice %get3A_192 {offsets = [11], sizes = [1], strides = [1]} : vector<16xf32> to vector<1xf32>
      %squeeze3A_310 = vector.extract %slice3A_309[0] : f32 from vector<1xf32>
      %slice3A_311 = vector.extract_strided_slice %get3A_192 {offsets = [12], sizes = [1], strides = [1]} : vector<16xf32> to vector<1xf32>
      %squeeze3A_312 = vector.extract %slice3A_311[0] : f32 from vector<1xf32>
      %slice3A_313 = vector.extract_strided_slice %get3A_192 {offsets = [13], sizes = [1], strides = [1]} : vector<16xf32> to vector<1xf32>
      %squeeze3A_314 = vector.extract %slice3A_313[0] : f32 from vector<1xf32>
      %slice3A_315 = vector.extract_strided_slice %get3A_192 {offsets = [14], sizes = [1], strides = [1]} : vector<16xf32> to vector<1xf32>
      %squeeze3A_316 = vector.extract %slice3A_315[0] : f32 from vector<1xf32>
      %slice3A_317 = vector.extract_strided_slice %get3A_192 {offsets = [15], sizes = [1], strides = [1]} : vector<16xf32> to vector<1xf32>
      %squeeze3A_318 = vector.extract %slice3A_317[0] : f32 from vector<1xf32>
      %scan3A_319 = arith.constant 0 : i32
      %scan3A_320 = arith.constant 0 : i32
      %scan3A_321 = arith.constant 13 : i32
      %scan3A_322 = arith.addi %scan3A_320, %scan3A_321 : i32
      %scan3A_323 = arith.constant 1 : i32
      %scan3A_324 = scf.for %scan3A_334 = %scan3A_320 to %scan3A_322 step %scan3A_323 iter_args(%scan3A_335 = %scan3A_319) -> (i32)  : i32 {
        %mul3A_336 = arith.constant 16 : i32
        %mul3A_337 = arith.muli %scan3A_334, %mul3A_336 : i32
        %add3A_338 = vector.broadcast %mul3A_337 : i32 to vector<16xi32>
        %add3A_339 = arith.addi %add3A_338, %iota3A : vector<16xi32>
        %broadcast_in_dim3A = arith.constant 0.000000e+00 : f32
        %broadcast_in_dim3A_340 = vector.broadcast %broadcast_in_dim3A : f32 to vector<16xf32>
        %broadcast_in_dim3A_341 = arith.constant 0 : i32
        %broadcast_in_dim3A_342 = vector.broadcast %broadcast_in_dim3A_341 : i32 to vector<16xi32>
        %gather3A = tpu.vector_load_idx %arg10[%add3A_339, %broadcast_in_dim3A_342] : memref<1216x64xf32, #tpu.memory_space<vmem>>[vector<16xi32>, vector<16xi32>], vector<16xf32>,
        %mul3A_343 = vector.broadcast %squeeze3A : f32 to vector<16xf32>
        %mul3A_344 = arith.mulf %gather3A, %mul3A_343 : vector<16xf32>
        %sub3A = arith.subf %broadcast_in_dim3A_340, %mul3A_344 : vector<16xf32>
        %broadcast_in_dim3A_345 = arith.constant 1 : i32
        %broadcast_in_dim3A_346 = vector.broadcast %broadcast_in_dim3A_345 : i32 to vector<16xi32>
        %gather3A_347 = tpu.vector_load_idx %arg10[%add3A_339, %broadcast_in_dim3A_346] : memref<1216x64xf32, #tpu.memory_space<vmem>>[vector<16xi32>, vector<16xi32>], vector<16xf32>,
        %mul3A_348 = vector.broadcast %squeeze3A_194 : f32 to vector<16xf32>
        %mul3A_349 = arith.mulf %gather3A_347, %mul3A_348 : vector<16xf32>
        %sub3A_350 = arith.subf %sub3A, %mul3A_349 : vector<16xf32>
        %broadcast_in_dim3A_351 = arith.constant 2 : i32
        %broadcast_in_dim3A_352 = vector.broadcast %broadcast_in_dim3A_351 : i32 to vector<16xi32>
        %gather3A_353 = tpu.vector_load_idx %arg10[%add3A_339, %broadcast_in_dim3A_352] : memref<1216x64xf32, #tpu.memory_space<vmem>>[vector<16xi32>, vector<16xi32>], vector<16xf32>,
        %mul3A_354 = vector.broadcast %squeeze3A_196 : f32 to vector<16xf32>
        %mul3A_355 = arith.mulf %gather3A_353, %mul3A_354 : vector<16xf32>
        %sub3A_356 = arith.subf %sub3A_350, %mul3A_355 : vector<16xf32>
        %broadcast_in_dim3A_357 = arith.constant 3 : i32
        %broadcast_in_dim3A_358 = vector.broadcast %broadcast_in_dim3A_357 : i32 to vector<16xi32>
        %gather3A_359 = tpu.vector_load_idx %arg10[%add3A_339, %broadcast_in_dim3A_358] : memref<1216x64xf32, #tpu.memory_space<vmem>>[vector<16xi32>, vector<16xi32>], vector<16xf32>,
        %mul3A_360 = vector.broadcast %squeeze3A_198 : f32 to vector<16xf32>
        %mul3A_361 = arith.mulf %gather3A_359, %mul3A_360 : vector<16xf32>
        %sub3A_362 = arith.subf %sub3A_356, %mul3A_361 : vector<16xf32>
        %broadcast_in_dim3A_363 = arith.constant 4 : i32
        %broadcast_in_dim3A_364 = vector.broadcast %broadcast_in_dim3A_363 : i32 to vector<16xi32>
        %gather3A_365 = tpu.vector_load_idx %arg10[%add3A_339, %broadcast_in_dim3A_364] : memref<1216x64xf32, #tpu.memory_space<vmem>>[vector<16xi32>, vector<16xi32>], vector<16xf32>,
        %mul3A_366 = vector.broadcast %squeeze3A_200 : f32 to vector<16xf32>
        %mul3A_367 = arith.mulf %gather3A_365, %mul3A_366 : vector<16xf32>
        %sub3A_368 = arith.subf %sub3A_362, %mul3A_367 : vector<16xf32>
        %broadcast_in_dim3A_369 = arith.constant 5 : i32
        %broadcast_in_dim3A_370 = vector.broadcast %broadcast_in_dim3A_369 : i32 to vector<16xi32>
        %gather3A_371 = tpu.vector_load_idx %arg10[%add3A_339, %broadcast_in_dim3A_370] : memref<1216x64xf32, #tpu.memory_space<vmem>>[vector<16xi32>, vector<16xi32>], vector<16xf32>,
        %mul3A_372 = vector.broadcast %squeeze3A_202 : f32 to vector<16xf32>
        %mul3A_373 = arith.mulf %gather3A_371, %mul3A_372 : vector<16xf32>
        %sub3A_374 = arith.subf %sub3A_368, %mul3A_373 : vector<16xf32>
        %broadcast_in_dim3A_375 = arith.constant 6 : i32
        %broadcast_in_dim3A_376 = vector.broadcast %broadcast_in_dim3A_375 : i32 to vector<16xi32>
        %gather3A_377 = tpu.vector_load_idx %arg10[%add3A_339, %broadcast_in_dim3A_376] : memref<1216x64xf32, #tpu.memory_space<vmem>>[vector<16xi32>, vector<16xi32>], vector<16xf32>,
        %mul3A_378 = vector.broadcast %squeeze3A_204 : f32 to vector<16xf32>
        %mul3A_379 = arith.mulf %gather3A_377, %mul3A_378 : vector<16xf32>
        %sub3A_380 = arith.subf %sub3A_374, %mul3A_379 : vector<16xf32>
        %broadcast_in_dim3A_381 = arith.constant 7 : i32
        %broadcast_in_dim3A_382 = vector.broadcast %broadcast_in_dim3A_381 : i32 to vector<16xi32>
        %gather3A_383 = tpu.vector_load_idx %arg10[%add3A_339, %broadcast_in_dim3A_382] : memref<1216x64xf32, #tpu.memory_space<vmem>>[vector<16xi32>, vector<16xi32>], vector<16xf32>,
        %mul3A_384 = vector.broadcast %squeeze3A_206 : f32 to vector<16xf32>
        %mul3A_385 = arith.mulf %gather3A_383, %mul3A_384 : vector<16xf32>
        %sub3A_386 = arith.subf %sub3A_380, %mul3A_385 : vector<16xf32>
        %broadcast_in_dim3A_387 = arith.constant 8 : i32
        %broadcast_in_dim3A_388 = vector.broadcast %broadcast_in_dim3A_387 : i32 to vector<16xi32>
        %gather3A_389 = tpu.vector_load_idx %arg10[%add3A_339, %broadcast_in_dim3A_388] : memref<1216x64xf32, #tpu.memory_space<vmem>>[vector<16xi32>, vector<16xi32>], vector<16xf32>,
        %mul3A_390 = vector.broadcast %squeeze3A_208 : f32 to vector<16xf32>
        %mul3A_391 = arith.mulf %gather3A_389, %mul3A_390 : vector<16xf32>
        %sub3A_392 = arith.subf %sub3A_386, %mul3A_391 : vector<16xf32>
        %broadcast_in_dim3A_393 = arith.constant 9 : i32
        %broadcast_in_dim3A_394 = vector.broadcast %broadcast_in_dim3A_393 : i32 to vector<16xi32>
        %gather3A_395 = tpu.vector_load_idx %arg10[%add3A_339, %broadcast_in_dim3A_394] : memref<1216x64xf32, #tpu.memory_space<vmem>>[vector<16xi32>, vector<16xi32>], vector<16xf32>,
        %mul3A_396 = vector.broadcast %squeeze3A_210 : f32 to vector<16xf32>
        %mul3A_397 = arith.mulf %gather3A_395, %mul3A_396 : vector<16xf32>
        %sub3A_398 = arith.subf %sub3A_392, %mul3A_397 : vector<16xf32>
        %broadcast_in_dim3A_399 = arith.constant 10 : i32
        %broadcast_in_dim3A_400 = vector.broadcast %broadcast_in_dim3A_399 : i32 to vector<16xi32>
        %gather3A_401 = tpu.vector_load_idx %arg10[%add3A_339, %broadcast_in_dim3A_400] : memref<1216x64xf32, #tpu.memory_space<vmem>>[vector<16xi32>, vector<16xi32>], vector<16xf32>,
        %mul3A_402 = vector.broadcast %squeeze3A_212 : f32 to vector<16xf32>
        %mul3A_403 = arith.mulf %gather3A_401, %mul3A_402 : vector<16xf32>
        %sub3A_404 = arith.subf %sub3A_398, %mul3A_403 : vector<16xf32>
        %broadcast_in_dim3A_405 = arith.constant 11 : i32
        %broadcast_in_dim3A_406 = vector.broadcast %broadcast_in_dim3A_405 : i32 to vector<16xi32>
        %gather3A_407 = tpu.vector_load_idx %arg10[%add3A_339, %broadcast_in_dim3A_406] : memref<1216x64xf32, #tpu.memory_space<vmem>>[vector<16xi32>, vector<16xi32>], vector<16xf32>,
        %mul3A_408 = vector.broadcast %squeeze3A_214 : f32 to vector<16xf32>
        %mul3A_409 = arith.mulf %gather3A_407, %mul3A_408 : vector<16xf32>
        %sub3A_410 = arith.subf %sub3A_404, %mul3A_409 : vector<16xf32>
        %broadcast_in_dim3A_411 = arith.constant 12 : i32
        %broadcast_in_dim3A_412 = vector.broadcast %broadcast_in_dim3A_411 : i32 to vector<16xi32>
        %gather3A_413 = tpu.vector_load_idx %arg10[%add3A_339, %broadcast_in_dim3A_412] : memref<1216x64xf32, #tpu.memory_space<vmem>>[vector<16xi32>, vector<16xi32>], vector<16xf32>,
        %mul3A_414 = vector.broadcast %squeeze3A_216 : f32 to vector<16xf32>
        %mul3A_415 = arith.mulf %gather3A_413, %mul3A_414 : vector<16xf32>
        %sub3A_416 = arith.subf %sub3A_410, %mul3A_415 : vector<16xf32>
        %broadcast_in_dim3A_417 = arith.constant 13 : i32
        %broadcast_in_dim3A_418 = vector.broadcast %broadcast_in_dim3A_417 : i32 to vector<16xi32>
        %gather3A_419 = tpu.vector_load_idx %arg10[%add3A_339, %broadcast_in_dim3A_418] : memref<1216x64xf32, #tpu.memory_space<vmem>>[vector<16xi32>, vector<16xi32>], vector<16xf32>,
        %mul3A_420 = vector.broadcast %squeeze3A_218 : f32 to vector<16xf32>
        %mul3A_421 = arith.mulf %gather3A_419, %mul3A_420 : vector<16xf32>
        %sub3A_422 = arith.subf %sub3A_416, %mul3A_421 : vector<16xf32>
        %broadcast_in_dim3A_423 = arith.constant 14 : i32
        %broadcast_in_dim3A_424 = vector.broadcast %broadcast_in_dim3A_423 : i32 to vector<16xi32>
        %gather3A_425 = tpu.vector_load_idx %arg10[%add3A_339, %broadcast_in_dim3A_424] : memref<1216x64xf32, #tpu.memory_space<vmem>>[vector<16xi32>, vector<16xi32>], vector<16xf32>,
        %mul3A_426 = vector.broadcast %squeeze3A_220 : f32 to vector<16xf32>
        %mul3A_427 = arith.mulf %gather3A_425, %mul3A_426 : vector<16xf32>
        %sub3A_428 = arith.subf %sub3A_422, %mul3A_427 : vector<16xf32>
        %broadcast_in_dim3A_429 = arith.constant 15 : i32
        %broadcast_in_dim3A_430 = vector.broadcast %broadcast_in_dim3A_429 : i32 to vector<16xi32>
        %gather3A_431 = tpu.vector_load_idx %arg10[%add3A_339, %broadcast_in_dim3A_430] : memref<1216x64xf32, #tpu.memory_space<vmem>>[vector<16xi32>, vector<16xi32>], vector<16xf32>,
        %mul3A_432 = vector.broadcast %squeeze3A_222 : f32 to vector<16xf32>
        %mul3A_433 = arith.mulf %gather3A_431, %mul3A_432 : vector<16xf32>
        %sub3A_434 = arith.subf %sub3A_428, %mul3A_433 : vector<16xf32>
        %broadcast_in_dim3A_435 = arith.constant 16 : i32
        %broadcast_in_dim3A_436 = vector.broadcast %broadcast_in_dim3A_435 : i32 to vector<16xi32>
        %gather3A_437 = tpu.vector_load_idx %arg10[%add3A_339, %broadcast_in_dim3A_436] : memref<1216x64xf32, #tpu.memory_space<vmem>>[vector<16xi32>, vector<16xi32>], vector<16xf32>,
        %mul3A_438 = vector.broadcast %squeeze3A_224 : f32 to vector<16xf32>
        %mul3A_439 = arith.mulf %gather3A_437, %mul3A_438 : vector<16xf32>
        %sub3A_440 = arith.subf %sub3A_434, %mul3A_439 : vector<16xf32>
        %broadcast_in_dim3A_441 = arith.constant 17 : i32
        %broadcast_in_dim3A_442 = vector.broadcast %broadcast_in_dim3A_441 : i32 to vector<16xi32>
        %gather3A_443 = tpu.vector_load_idx %arg10[%add3A_339, %broadcast_in_dim3A_442] : memref<1216x64xf32, #tpu.memory_space<vmem>>[vector<16xi32>, vector<16xi32>], vector<16xf32>,
        %mul3A_444 = vector.broadcast %squeeze3A_226 : f32 to vector<16xf32>
        %mul3A_445 = arith.mulf %gather3A_443, %mul3A_444 : vector<16xf32>
        %sub3A_446 = arith.subf %sub3A_440, %mul3A_445 : vector<16xf32>
        %broadcast_in_dim3A_447 = arith.constant 18 : i32
        %broadcast_in_dim3A_448 = vector.broadcast %broadcast_in_dim3A_447 : i32 to vector<16xi32>
        %gather3A_449 = tpu.vector_load_idx %arg10[%add3A_339, %broadcast_in_dim3A_448] : memref<1216x64xf32, #tpu.memory_space<vmem>>[vector<16xi32>, vector<16xi32>], vector<16xf32>,
        %mul3A_450 = vector.broadcast %squeeze3A_228 : f32 to vector<16xf32>
        %mul3A_451 = arith.mulf %gather3A_449, %mul3A_450 : vector<16xf32>
        %sub3A_452 = arith.subf %sub3A_446, %mul3A_451 : vector<16xf32>
        %broadcast_in_dim3A_453 = arith.constant 19 : i32
        %broadcast_in_dim3A_454 = vector.broadcast %broadcast_in_dim3A_453 : i32 to vector<16xi32>
        %gather3A_455 = tpu.vector_load_idx %arg10[%add3A_339, %broadcast_in_dim3A_454] : memref<1216x64xf32, #tpu.memory_space<vmem>>[vector<16xi32>, vector<16xi32>], vector<16xf32>,
        %mul3A_456 = vector.broadcast %squeeze3A_230 : f32 to vector<16xf32>
        %mul3A_457 = arith.mulf %gather3A_455, %mul3A_456 : vector<16xf32>
        %sub3A_458 = arith.subf %sub3A_452, %mul3A_457 : vector<16xf32>
        %broadcast_in_dim3A_459 = arith.constant 20 : i32
        %broadcast_in_dim3A_460 = vector.broadcast %broadcast_in_dim3A_459 : i32 to vector<16xi32>
        %gather3A_461 = tpu.vector_load_idx %arg10[%add3A_339, %broadcast_in_dim3A_460] : memref<1216x64xf32, #tpu.memory_space<vmem>>[vector<16xi32>, vector<16xi32>], vector<16xf32>,
        %mul3A_462 = vector.broadcast %squeeze3A_232 : f32 to vector<16xf32>
        %mul3A_463 = arith.mulf %gather3A_461, %mul3A_462 : vector<16xf32>
        %sub3A_464 = arith.subf %sub3A_458, %mul3A_463 : vector<16xf32>
        %broadcast_in_dim3A_465 = arith.constant 21 : i32
        %broadcast_in_dim3A_466 = vector.broadcast %broadcast_in_dim3A_465 : i32 to vector<16xi32>
        %gather3A_467 = tpu.vector_load_idx %arg10[%add3A_339, %broadcast_in_dim3A_466] : memref<1216x64xf32, #tpu.memory_space<vmem>>[vector<16xi32>, vector<16xi32>], vector<16xf32>,
        %mul3A_468 = vector.broadcast %squeeze3A_234 : f32 to vector<16xf32>
        %mul3A_469 = arith.mulf %gather3A_467, %mul3A_468 : vector<16xf32>
        %sub3A_470 = arith.subf %sub3A_464, %mul3A_469 : vector<16xf32>
        %broadcast_in_dim3A_471 = arith.constant 22 : i32
        %broadcast_in_dim3A_472 = vector.broadcast %broadcast_in_dim3A_471 : i32 to vector<16xi32>
        %gather3A_473 = tpu.vector_load_idx %arg10[%add3A_339, %broadcast_in_dim3A_472] : memref<1216x64xf32, #tpu.memory_space<vmem>>[vector<16xi32>, vector<16xi32>], vector<16xf32>,
        %mul3A_474 = vector.broadcast %squeeze3A_236 : f32 to vector<16xf32>
        %mul3A_475 = arith.mulf %gather3A_473, %mul3A_474 : vector<16xf32>
        %sub3A_476 = arith.subf %sub3A_470, %mul3A_475 : vector<16xf32>
        %broadcast_in_dim3A_477 = arith.constant 23 : i32
        %broadcast_in_dim3A_478 = vector.broadcast %broadcast_in_dim3A_477 : i32 to vector<16xi32>
        %gather3A_479 = tpu.vector_load_idx %arg10[%add3A_339, %broadcast_in_dim3A_478] : memref<1216x64xf32, #tpu.memory_space<vmem>>[vector<16xi32>, vector<16xi32>], vector<16xf32>,
        %mul3A_480 = vector.broadcast %squeeze3A_238 : f32 to vector<16xf32>
        %mul3A_481 = arith.mulf %gather3A_479, %mul3A_480 : vector<16xf32>
        %sub3A_482 = arith.subf %sub3A_476, %mul3A_481 : vector<16xf32>
        %broadcast_in_dim3A_483 = arith.constant 24 : i32
        %broadcast_in_dim3A_484 = vector.broadcast %broadcast_in_dim3A_483 : i32 to vector<16xi32>
        %gather3A_485 = tpu.vector_load_idx %arg10[%add3A_339, %broadcast_in_dim3A_484] : memref<1216x64xf32, #tpu.memory_space<vmem>>[vector<16xi32>, vector<16xi32>], vector<16xf32>,
        %mul3A_486 = vector.broadcast %squeeze3A_240 : f32 to vector<16xf32>
        %mul3A_487 = arith.mulf %gather3A_485, %mul3A_486 : vector<16xf32>
        %sub3A_488 = arith.subf %sub3A_482, %mul3A_487 : vector<16xf32>
        %broadcast_in_dim3A_489 = arith.constant 25 : i32
        %broadcast_in_dim3A_490 = vector.broadcast %broadcast_in_dim3A_489 : i32 to vector<16xi32>
        %gather3A_491 = tpu.vector_load_idx %arg10[%add3A_339, %broadcast_in_dim3A_490] : memref<1216x64xf32, #tpu.memory_space<vmem>>[vector<16xi32>, vector<16xi32>], vector<16xf32>,
        %mul3A_492 = vector.broadcast %squeeze3A_242 : f32 to vector<16xf32>
        %mul3A_493 = arith.mulf %gather3A_491, %mul3A_492 : vector<16xf32>
        %sub3A_494 = arith.subf %sub3A_488, %mul3A_493 : vector<16xf32>
        %broadcast_in_dim3A_495 = arith.constant 26 : i32
        %broadcast_in_dim3A_496 = vector.broadcast %broadcast_in_dim3A_495 : i32 to vector<16xi32>
        %gather3A_497 = tpu.vector_load_idx %arg10[%add3A_339, %broadcast_in_dim3A_496] : memref<1216x64xf32, #tpu.memory_space<vmem>>[vector<16xi32>, vector<16xi32>], vector<16xf32>,
        %mul3A_498 = vector.broadcast %squeeze3A_244 : f32 to vector<16xf32>
        %mul3A_499 = arith.mulf %gather3A_497, %mul3A_498 : vector<16xf32>
        %sub3A_500 = arith.subf %sub3A_494, %mul3A_499 : vector<16xf32>
        %broadcast_in_dim3A_501 = arith.constant 27 : i32
        %broadcast_in_dim3A_502 = vector.broadcast %broadcast_in_dim3A_501 : i32 to vector<16xi32>
        %gather3A_503 = tpu.vector_load_idx %arg10[%add3A_339, %broadcast_in_dim3A_502] : memref<1216x64xf32, #tpu.memory_space<vmem>>[vector<16xi32>, vector<16xi32>], vector<16xf32>,
        %mul3A_504 = vector.broadcast %squeeze3A_246 : f32 to vector<16xf32>
        %mul3A_505 = arith.mulf %gather3A_503, %mul3A_504 : vector<16xf32>
        %sub3A_506 = arith.subf %sub3A_500, %mul3A_505 : vector<16xf32>
        %broadcast_in_dim3A_507 = arith.constant 28 : i32
        %broadcast_in_dim3A_508 = vector.broadcast %broadcast_in_dim3A_507 : i32 to vector<16xi32>
        %gather3A_509 = tpu.vector_load_idx %arg10[%add3A_339, %broadcast_in_dim3A_508] : memref<1216x64xf32, #tpu.memory_space<vmem>>[vector<16xi32>, vector<16xi32>], vector<16xf32>,
        %mul3A_510 = vector.broadcast %squeeze3A_248 : f32 to vector<16xf32>
        %mul3A_511 = arith.mulf %gather3A_509, %mul3A_510 : vector<16xf32>
        %sub3A_512 = arith.subf %sub3A_506, %mul3A_511 : vector<16xf32>
        %broadcast_in_dim3A_513 = arith.constant 29 : i32
        %broadcast_in_dim3A_514 = vector.broadcast %broadcast_in_dim3A_513 : i32 to vector<16xi32>
        %gather3A_515 = tpu.vector_load_idx %arg10[%add3A_339, %broadcast_in_dim3A_514] : memref<1216x64xf32, #tpu.memory_space<vmem>>[vector<16xi32>, vector<16xi32>], vector<16xf32>,
        %mul3A_516 = vector.broadcast %squeeze3A_250 : f32 to vector<16xf32>
        %mul3A_517 = arith.mulf %gather3A_515, %mul3A_516 : vector<16xf32>
        %sub3A_518 = arith.subf %sub3A_512, %mul3A_517 : vector<16xf32>
        %broadcast_in_dim3A_519 = arith.constant 30 : i32
        %broadcast_in_dim3A_520 = vector.broadcast %broadcast_in_dim3A_519 : i32 to vector<16xi32>
        %gather3A_521 = tpu.vector_load_idx %arg10[%add3A_339, %broadcast_in_dim3A_520] : memref<1216x64xf32, #tpu.memory_space<vmem>>[vector<16xi32>, vector<16xi32>], vector<16xf32>,
        %mul3A_522 = vector.broadcast %squeeze3A_252 : f32 to vector<16xf32>
        %mul3A_523 = arith.mulf %gather3A_521, %mul3A_522 : vector<16xf32>
        %sub3A_524 = arith.subf %sub3A_518, %mul3A_523 : vector<16xf32>
        %broadcast_in_dim3A_525 = arith.constant 31 : i32
        %broadcast_in_dim3A_526 = vector.broadcast %broadcast_in_dim3A_525 : i32 to vector<16xi32>
        %gather3A_527 = tpu.vector_load_idx %arg10[%add3A_339, %broadcast_in_dim3A_526] : memref<1216x64xf32, #tpu.memory_space<vmem>>[vector<16xi32>, vector<16xi32>], vector<16xf32>,
        %mul3A_528 = vector.broadcast %squeeze3A_254 : f32 to vector<16xf32>
        %mul3A_529 = arith.mulf %gather3A_527, %mul3A_528 : vector<16xf32>
        %sub3A_530 = arith.subf %sub3A_524, %mul3A_529 : vector<16xf32>
        %broadcast_in_dim3A_531 = arith.constant 32 : i32
        %broadcast_in_dim3A_532 = vector.broadcast %broadcast_in_dim3A_531 : i32 to vector<16xi32>
        %gather3A_533 = tpu.vector_load_idx %arg10[%add3A_339, %broadcast_in_dim3A_532] : memref<1216x64xf32, #tpu.memory_space<vmem>>[vector<16xi32>, vector<16xi32>], vector<16xf32>,
        %mul3A_534 = vector.broadcast %squeeze3A_256 : f32 to vector<16xf32>
        %mul3A_535 = arith.mulf %gather3A_533, %mul3A_534 : vector<16xf32>
        %sub3A_536 = arith.subf %sub3A_530, %mul3A_535 : vector<16xf32>
        %broadcast_in_dim3A_537 = arith.constant 33 : i32
        %broadcast_in_dim3A_538 = vector.broadcast %broadcast_in_dim3A_537 : i32 to vector<16xi32>
        %gather3A_539 = tpu.vector_load_idx %arg10[%add3A_339, %broadcast_in_dim3A_538] : memref<1216x64xf32, #tpu.memory_space<vmem>>[vector<16xi32>, vector<16xi32>], vector<16xf32>,
        %mul3A_540 = vector.broadcast %squeeze3A_258 : f32 to vector<16xf32>
        %mul3A_541 = arith.mulf %gather3A_539, %mul3A_540 : vector<16xf32>
        %sub3A_542 = arith.subf %sub3A_536, %mul3A_541 : vector<16xf32>
        %broadcast_in_dim3A_543 = arith.constant 34 : i32
        %broadcast_in_dim3A_544 = vector.broadcast %broadcast_in_dim3A_543 : i32 to vector<16xi32>
        %gather3A_545 = tpu.vector_load_idx %arg10[%add3A_339, %broadcast_in_dim3A_544] : memref<1216x64xf32, #tpu.memory_space<vmem>>[vector<16xi32>, vector<16xi32>], vector<16xf32>,
        %mul3A_546 = vector.broadcast %squeeze3A_260 : f32 to vector<16xf32>
        %mul3A_547 = arith.mulf %gather3A_545, %mul3A_546 : vector<16xf32>
        %sub3A_548 = arith.subf %sub3A_542, %mul3A_547 : vector<16xf32>
        %broadcast_in_dim3A_549 = arith.constant 35 : i32
        %broadcast_in_dim3A_550 = vector.broadcast %broadcast_in_dim3A_549 : i32 to vector<16xi32>
        %gather3A_551 = tpu.vector_load_idx %arg10[%add3A_339, %broadcast_in_dim3A_550] : memref<1216x64xf32, #tpu.memory_space<vmem>>[vector<16xi32>, vector<16xi32>], vector<16xf32>,
        %mul3A_552 = vector.broadcast %squeeze3A_262 : f32 to vector<16xf32>
        %mul3A_553 = arith.mulf %gather3A_551, %mul3A_552 : vector<16xf32>
        %sub3A_554 = arith.subf %sub3A_548, %mul3A_553 : vector<16xf32>
        %broadcast_in_dim3A_555 = arith.constant 36 : i32
        %broadcast_in_dim3A_556 = vector.broadcast %broadcast_in_dim3A_555 : i32 to vector<16xi32>
        %gather3A_557 = tpu.vector_load_idx %arg10[%add3A_339, %broadcast_in_dim3A_556] : memref<1216x64xf32, #tpu.memory_space<vmem>>[vector<16xi32>, vector<16xi32>], vector<16xf32>,
        %mul3A_558 = vector.broadcast %squeeze3A_264 : f32 to vector<16xf32>
        %mul3A_559 = arith.mulf %gather3A_557, %mul3A_558 : vector<16xf32>
        %sub3A_560 = arith.subf %sub3A_554, %mul3A_559 : vector<16xf32>
        %broadcast_in_dim3A_561 = arith.constant 37 : i32
        %broadcast_in_dim3A_562 = vector.broadcast %broadcast_in_dim3A_561 : i32 to vector<16xi32>
        %gather3A_563 = tpu.vector_load_idx %arg10[%add3A_339, %broadcast_in_dim3A_562] : memref<1216x64xf32, #tpu.memory_space<vmem>>[vector<16xi32>, vector<16xi32>], vector<16xf32>,
        %mul3A_564 = vector.broadcast %squeeze3A_266 : f32 to vector<16xf32>
        %mul3A_565 = arith.mulf %gather3A_563, %mul3A_564 : vector<16xf32>
        %sub3A_566 = arith.subf %sub3A_560, %mul3A_565 : vector<16xf32>
        %broadcast_in_dim3A_567 = arith.constant 38 : i32
        %broadcast_in_dim3A_568 = vector.broadcast %broadcast_in_dim3A_567 : i32 to vector<16xi32>
        %gather3A_569 = tpu.vector_load_idx %arg10[%add3A_339, %broadcast_in_dim3A_568] : memref<1216x64xf32, #tpu.memory_space<vmem>>[vector<16xi32>, vector<16xi32>], vector<16xf32>,
        %mul3A_570 = vector.broadcast %squeeze3A_268 : f32 to vector<16xf32>
        %mul3A_571 = arith.mulf %gather3A_569, %mul3A_570 : vector<16xf32>
        %sub3A_572 = arith.subf %sub3A_566, %mul3A_571 : vector<16xf32>
        %broadcast_in_dim3A_573 = arith.constant 39 : i32
        %broadcast_in_dim3A_574 = vector.broadcast %broadcast_in_dim3A_573 : i32 to vector<16xi32>
        %gather3A_575 = tpu.vector_load_idx %arg10[%add3A_339, %broadcast_in_dim3A_574] : memref<1216x64xf32, #tpu.memory_space<vmem>>[vector<16xi32>, vector<16xi32>], vector<16xf32>,
        %mul3A_576 = vector.broadcast %squeeze3A_270 : f32 to vector<16xf32>
        %mul3A_577 = arith.mulf %gather3A_575, %mul3A_576 : vector<16xf32>
        %sub3A_578 = arith.subf %sub3A_572, %mul3A_577 : vector<16xf32>
        %broadcast_in_dim3A_579 = arith.constant 40 : i32
        %broadcast_in_dim3A_580 = vector.broadcast %broadcast_in_dim3A_579 : i32 to vector<16xi32>
        %gather3A_581 = tpu.vector_load_idx %arg10[%add3A_339, %broadcast_in_dim3A_580] : memref<1216x64xf32, #tpu.memory_space<vmem>>[vector<16xi32>, vector<16xi32>], vector<16xf32>,
        %mul3A_582 = vector.broadcast %squeeze3A_272 : f32 to vector<16xf32>
        %mul3A_583 = arith.mulf %gather3A_581, %mul3A_582 : vector<16xf32>
        %sub3A_584 = arith.subf %sub3A_578, %mul3A_583 : vector<16xf32>
        %broadcast_in_dim3A_585 = arith.constant 41 : i32
        %broadcast_in_dim3A_586 = vector.broadcast %broadcast_in_dim3A_585 : i32 to vector<16xi32>
        %gather3A_587 = tpu.vector_load_idx %arg10[%add3A_339, %broadcast_in_dim3A_586] : memref<1216x64xf32, #tpu.memory_space<vmem>>[vector<16xi32>, vector<16xi32>], vector<16xf32>,
        %mul3A_588 = vector.broadcast %squeeze3A_274 : f32 to vector<16xf32>
        %mul3A_589 = arith.mulf %gather3A_587, %mul3A_588 : vector<16xf32>
        %sub3A_590 = arith.subf %sub3A_584, %mul3A_589 : vector<16xf32>
        %broadcast_in_dim3A_591 = arith.constant 42 : i32
        %broadcast_in_dim3A_592 = vector.broadcast %broadcast_in_dim3A_591 : i32 to vector<16xi32>
        %gather3A_593 = tpu.vector_load_idx %arg10[%add3A_339, %broadcast_in_dim3A_592] : memref<1216x64xf32, #tpu.memory_space<vmem>>[vector<16xi32>, vector<16xi32>], vector<16xf32>,
        %mul3A_594 = vector.broadcast %squeeze3A_276 : f32 to vector<16xf32>
        %mul3A_595 = arith.mulf %gather3A_593, %mul3A_594 : vector<16xf32>
        %sub3A_596 = arith.subf %sub3A_590, %mul3A_595 : vector<16xf32>
        %broadcast_in_dim3A_597 = arith.constant 43 : i32
        %broadcast_in_dim3A_598 = vector.broadcast %broadcast_in_dim3A_597 : i32 to vector<16xi32>
        %gather3A_599 = tpu.vector_load_idx %arg10[%add3A_339, %broadcast_in_dim3A_598] : memref<1216x64xf32, #tpu.memory_space<vmem>>[vector<16xi32>, vector<16xi32>], vector<16xf32>,
        %mul3A_600 = vector.broadcast %squeeze3A_278 : f32 to vector<16xf32>
        %mul3A_601 = arith.mulf %gather3A_599, %mul3A_600 : vector<16xf32>
        %sub3A_602 = arith.subf %sub3A_596, %mul3A_601 : vector<16xf32>
        %broadcast_in_dim3A_603 = arith.constant 44 : i32
        %broadcast_in_dim3A_604 = vector.broadcast %broadcast_in_dim3A_603 : i32 to vector<16xi32>
        %gather3A_605 = tpu.vector_load_idx %arg10[%add3A_339, %broadcast_in_dim3A_604] : memref<1216x64xf32, #tpu.memory_space<vmem>>[vector<16xi32>, vector<16xi32>], vector<16xf32>,
        %mul3A_606 = vector.broadcast %squeeze3A_280 : f32 to vector<16xf32>
        %mul3A_607 = arith.mulf %gather3A_605, %mul3A_606 : vector<16xf32>
        %sub3A_608 = arith.subf %sub3A_602, %mul3A_607 : vector<16xf32>
        %broadcast_in_dim3A_609 = arith.constant 45 : i32
        %broadcast_in_dim3A_610 = vector.broadcast %broadcast_in_dim3A_609 : i32 to vector<16xi32>
        %gather3A_611 = tpu.vector_load_idx %arg10[%add3A_339, %broadcast_in_dim3A_610] : memref<1216x64xf32, #tpu.memory_space<vmem>>[vector<16xi32>, vector<16xi32>], vector<16xf32>,
        %mul3A_612 = vector.broadcast %squeeze3A_282 : f32 to vector<16xf32>
        %mul3A_613 = arith.mulf %gather3A_611, %mul3A_612 : vector<16xf32>
        %sub3A_614 = arith.subf %sub3A_608, %mul3A_613 : vector<16xf32>
        %broadcast_in_dim3A_615 = arith.constant 46 : i32
        %broadcast_in_dim3A_616 = vector.broadcast %broadcast_in_dim3A_615 : i32 to vector<16xi32>
        %gather3A_617 = tpu.vector_load_idx %arg10[%add3A_339, %broadcast_in_dim3A_616] : memref<1216x64xf32, #tpu.memory_space<vmem>>[vector<16xi32>, vector<16xi32>], vector<16xf32>,
        %mul3A_618 = vector.broadcast %squeeze3A_284 : f32 to vector<16xf32>
        %mul3A_619 = arith.mulf %gather3A_617, %mul3A_618 : vector<16xf32>
        %sub3A_620 = arith.subf %sub3A_614, %mul3A_619 : vector<16xf32>
        %broadcast_in_dim3A_621 = arith.constant 47 : i32
        %broadcast_in_dim3A_622 = vector.broadcast %broadcast_in_dim3A_621 : i32 to vector<16xi32>
        %gather3A_623 = tpu.vector_load_idx %arg10[%add3A_339, %broadcast_in_dim3A_622] : memref<1216x64xf32, #tpu.memory_space<vmem>>[vector<16xi32>, vector<16xi32>], vector<16xf32>,
        %mul3A_624 = vector.broadcast %squeeze3A_286 : f32 to vector<16xf32>
        %mul3A_625 = arith.mulf %gather3A_623, %mul3A_624 : vector<16xf32>
        %sub3A_626 = arith.subf %sub3A_620, %mul3A_625 : vector<16xf32>
        %broadcast_in_dim3A_627 = arith.constant 48 : i32
        %broadcast_in_dim3A_628 = vector.broadcast %broadcast_in_dim3A_627 : i32 to vector<16xi32>
        %gather3A_629 = tpu.vector_load_idx %arg10[%add3A_339, %broadcast_in_dim3A_628] : memref<1216x64xf32, #tpu.memory_space<vmem>>[vector<16xi32>, vector<16xi32>], vector<16xf32>,
        %mul3A_630 = vector.broadcast %squeeze3A_288 : f32 to vector<16xf32>
        %mul3A_631 = arith.mulf %gather3A_629, %mul3A_630 : vector<16xf32>
        %sub3A_632 = arith.subf %sub3A_626, %mul3A_631 : vector<16xf32>
        %broadcast_in_dim3A_633 = arith.constant 49 : i32
        %broadcast_in_dim3A_634 = vector.broadcast %broadcast_in_dim3A_633 : i32 to vector<16xi32>
        %gather3A_635 = tpu.vector_load_idx %arg10[%add3A_339, %broadcast_in_dim3A_634] : memref<1216x64xf32, #tpu.memory_space<vmem>>[vector<16xi32>, vector<16xi32>], vector<16xf32>,
        %mul3A_636 = vector.broadcast %squeeze3A_290 : f32 to vector<16xf32>
        %mul3A_637 = arith.mulf %gather3A_635, %mul3A_636 : vector<16xf32>
        %sub3A_638 = arith.subf %sub3A_632, %mul3A_637 : vector<16xf32>
        %broadcast_in_dim3A_639 = arith.constant 50 : i32
        %broadcast_in_dim3A_640 = vector.broadcast %broadcast_in_dim3A_639 : i32 to vector<16xi32>
        %gather3A_641 = tpu.vector_load_idx %arg10[%add3A_339, %broadcast_in_dim3A_640] : memref<1216x64xf32, #tpu.memory_space<vmem>>[vector<16xi32>, vector<16xi32>], vector<16xf32>,
        %mul3A_642 = vector.broadcast %squeeze3A_292 : f32 to vector<16xf32>
        %mul3A_643 = arith.mulf %gather3A_641, %mul3A_642 : vector<16xf32>
        %sub3A_644 = arith.subf %sub3A_638, %mul3A_643 : vector<16xf32>
        %broadcast_in_dim3A_645 = arith.constant 51 : i32
        %broadcast_in_dim3A_646 = vector.broadcast %broadcast_in_dim3A_645 : i32 to vector<16xi32>
        %gather3A_647 = tpu.vector_load_idx %arg10[%add3A_339, %broadcast_in_dim3A_646] : memref<1216x64xf32, #tpu.memory_space<vmem>>[vector<16xi32>, vector<16xi32>], vector<16xf32>,
        %mul3A_648 = vector.broadcast %squeeze3A_294 : f32 to vector<16xf32>
        %mul3A_649 = arith.mulf %gather3A_647, %mul3A_648 : vector<16xf32>
        %sub3A_650 = arith.subf %sub3A_644, %mul3A_649 : vector<16xf32>
        %broadcast_in_dim3A_651 = arith.constant 52 : i32
        %broadcast_in_dim3A_652 = vector.broadcast %broadcast_in_dim3A_651 : i32 to vector<16xi32>
        %gather3A_653 = tpu.vector_load_idx %arg10[%add3A_339, %broadcast_in_dim3A_652] : memref<1216x64xf32, #tpu.memory_space<vmem>>[vector<16xi32>, vector<16xi32>], vector<16xf32>,
        %mul3A_654 = vector.broadcast %squeeze3A_296 : f32 to vector<16xf32>
        %mul3A_655 = arith.mulf %gather3A_653, %mul3A_654 : vector<16xf32>
        %sub3A_656 = arith.subf %sub3A_650, %mul3A_655 : vector<16xf32>
        %broadcast_in_dim3A_657 = arith.constant 53 : i32
        %broadcast_in_dim3A_658 = vector.broadcast %broadcast_in_dim3A_657 : i32 to vector<16xi32>
        %gather3A_659 = tpu.vector_load_idx %arg10[%add3A_339, %broadcast_in_dim3A_658] : memref<1216x64xf32, #tpu.memory_space<vmem>>[vector<16xi32>, vector<16xi32>], vector<16xf32>,
        %mul3A_660 = vector.broadcast %squeeze3A_298 : f32 to vector<16xf32>
        %mul3A_661 = arith.mulf %gather3A_659, %mul3A_660 : vector<16xf32>
        %sub3A_662 = arith.subf %sub3A_656, %mul3A_661 : vector<16xf32>
        %broadcast_in_dim3A_663 = arith.constant 54 : i32
        %broadcast_in_dim3A_664 = vector.broadcast %broadcast_in_dim3A_663 : i32 to vector<16xi32>
        %gather3A_665 = tpu.vector_load_idx %arg10[%add3A_339, %broadcast_in_dim3A_664] : memref<1216x64xf32, #tpu.memory_space<vmem>>[vector<16xi32>, vector<16xi32>], vector<16xf32>,
        %mul3A_666 = vector.broadcast %squeeze3A_300 : f32 to vector<16xf32>
        %mul3A_667 = arith.mulf %gather3A_665, %mul3A_666 : vector<16xf32>
        %sub3A_668 = arith.subf %sub3A_662, %mul3A_667 : vector<16xf32>
        %broadcast_in_dim3A_669 = arith.constant 55 : i32
        %broadcast_in_dim3A_670 = vector.broadcast %broadcast_in_dim3A_669 : i32 to vector<16xi32>
        %gather3A_671 = tpu.vector_load_idx %arg10[%add3A_339, %broadcast_in_dim3A_670] : memref<1216x64xf32, #tpu.memory_space<vmem>>[vector<16xi32>, vector<16xi32>], vector<16xf32>,
        %mul3A_672 = vector.broadcast %squeeze3A_302 : f32 to vector<16xf32>
        %mul3A_673 = arith.mulf %gather3A_671, %mul3A_672 : vector<16xf32>
        %sub3A_674 = arith.subf %sub3A_668, %mul3A_673 : vector<16xf32>
        %broadcast_in_dim3A_675 = arith.constant 56 : i32
        %broadcast_in_dim3A_676 = vector.broadcast %broadcast_in_dim3A_675 : i32 to vector<16xi32>
        %gather3A_677 = tpu.vector_load_idx %arg10[%add3A_339, %broadcast_in_dim3A_676] : memref<1216x64xf32, #tpu.memory_space<vmem>>[vector<16xi32>, vector<16xi32>], vector<16xf32>,
        %mul3A_678 = vector.broadcast %squeeze3A_304 : f32 to vector<16xf32>
        %mul3A_679 = arith.mulf %gather3A_677, %mul3A_678 : vector<16xf32>
        %sub3A_680 = arith.subf %sub3A_674, %mul3A_679 : vector<16xf32>
        %broadcast_in_dim3A_681 = arith.constant 57 : i32
        %broadcast_in_dim3A_682 = vector.broadcast %broadcast_in_dim3A_681 : i32 to vector<16xi32>
        %gather3A_683 = tpu.vector_load_idx %arg10[%add3A_339, %broadcast_in_dim3A_682] : memref<1216x64xf32, #tpu.memory_space<vmem>>[vector<16xi32>, vector<16xi32>], vector<16xf32>,
        %mul3A_684 = vector.broadcast %squeeze3A_306 : f32 to vector<16xf32>
        %mul3A_685 = arith.mulf %gather3A_683, %mul3A_684 : vector<16xf32>
        %sub3A_686 = arith.subf %sub3A_680, %mul3A_685 : vector<16xf32>
        %broadcast_in_dim3A_687 = arith.constant 58 : i32
        %broadcast_in_dim3A_688 = vector.broadcast %broadcast_in_dim3A_687 : i32 to vector<16xi32>
        %gather3A_689 = tpu.vector_load_idx %arg10[%add3A_339, %broadcast_in_dim3A_688] : memref<1216x64xf32, #tpu.memory_space<vmem>>[vector<16xi32>, vector<16xi32>], vector<16xf32>,
        %mul3A_690 = vector.broadcast %squeeze3A_308 : f32 to vector<16xf32>
        %mul3A_691 = arith.mulf %gather3A_689, %mul3A_690 : vector<16xf32>
        %sub3A_692 = arith.subf %sub3A_686, %mul3A_691 : vector<16xf32>
        %broadcast_in_dim3A_693 = arith.constant 59 : i32
        %broadcast_in_dim3A_694 = vector.broadcast %broadcast_in_dim3A_693 : i32 to vector<16xi32>
        %gather3A_695 = tpu.vector_load_idx %arg10[%add3A_339, %broadcast_in_dim3A_694] : memref<1216x64xf32, #tpu.memory_space<vmem>>[vector<16xi32>, vector<16xi32>], vector<16xf32>,
        %mul3A_696 = vector.broadcast %squeeze3A_310 : f32 to vector<16xf32>
        %mul3A_697 = arith.mulf %gather3A_695, %mul3A_696 : vector<16xf32>
        %sub3A_698 = arith.subf %sub3A_692, %mul3A_697 : vector<16xf32>
        %broadcast_in_dim3A_699 = arith.constant 60 : i32
        %broadcast_in_dim3A_700 = vector.broadcast %broadcast_in_dim3A_699 : i32 to vector<16xi32>
        %gather3A_701 = tpu.vector_load_idx %arg10[%add3A_339, %broadcast_in_dim3A_700] : memref<1216x64xf32, #tpu.memory_space<vmem>>[vector<16xi32>, vector<16xi32>], vector<16xf32>,
        %mul3A_702 = vector.broadcast %squeeze3A_312 : f32 to vector<16xf32>
        %mul3A_703 = arith.mulf %gather3A_701, %mul3A_702 : vector<16xf32>
        %sub3A_704 = arith.subf %sub3A_698, %mul3A_703 : vector<16xf32>
        %broadcast_in_dim3A_705 = arith.constant 61 : i32
        %broadcast_in_dim3A_706 = vector.broadcast %broadcast_in_dim3A_705 : i32 to vector<16xi32>
        %gather3A_707 = tpu.vector_load_idx %arg10[%add3A_339, %broadcast_in_dim3A_706] : memref<1216x64xf32, #tpu.memory_space<vmem>>[vector<16xi32>, vector<16xi32>], vector<16xf32>,
        %mul3A_708 = vector.broadcast %squeeze3A_314 : f32 to vector<16xf32>
        %mul3A_709 = arith.mulf %gather3A_707, %mul3A_708 : vector<16xf32>
        %sub3A_710 = arith.subf %sub3A_704, %mul3A_709 : vector<16xf32>
        %broadcast_in_dim3A_711 = arith.constant 62 : i32
        %broadcast_in_dim3A_712 = vector.broadcast %broadcast_in_dim3A_711 : i32 to vector<16xi32>
        %gather3A_713 = tpu.vector_load_idx %arg10[%add3A_339, %broadcast_in_dim3A_712] : memref<1216x64xf32, #tpu.memory_space<vmem>>[vector<16xi32>, vector<16xi32>], vector<16xf32>,
        %mul3A_714 = vector.broadcast %squeeze3A_316 : f32 to vector<16xf32>
        %mul3A_715 = arith.mulf %gather3A_713, %mul3A_714 : vector<16xf32>
        %sub3A_716 = arith.subf %sub3A_710, %mul3A_715 : vector<16xf32>
        %broadcast_in_dim3A_717 = arith.constant 63 : i32
        %broadcast_in_dim3A_718 = vector.broadcast %broadcast_in_dim3A_717 : i32 to vector<16xi32>
        %gather3A_719 = tpu.vector_load_idx %arg10[%add3A_339, %broadcast_in_dim3A_718] : memref<1216x64xf32, #tpu.memory_space<vmem>>[vector<16xi32>, vector<16xi32>], vector<16xf32>,
        %mul3A_720 = vector.broadcast %squeeze3A_318 : f32 to vector<16xf32>
        %mul3A_721 = arith.mulf %gather3A_719, %mul3A_720 : vector<16xf32>
        %sub3A_722 = arith.subf %sub3A_716, %mul3A_721 : vector<16xf32>
        %mul3A_723 = arith.constant 16 : i32
        %mul3A_724 = arith.muli %scan3A_334, %mul3A_723 : i32
        %add3A_725 = vector.broadcast %mul3A_724 : i32 to vector<16xi32>
        %add3A_726 = arith.addi %add3A_725, %iota3A : vector<16xi32>
        %lt3A = arith.constant 200 : i32
        %lt3A_727 = vector.broadcast %lt3A : i32 to vector<16xi32>
        %lt3A_728 = arith.cmpi slt, %add3A_726, %lt3A_727 : vector<16xi32>
        %jit3A = arith.constant -3.000000e+01 : f32
        %broadcast_in_dim3A_729 = vector.broadcast %jit3A : f32 to vector<16xf32>
        %select_n3A = arith.select %lt3A_728, %sub3A_722, %broadcast_in_dim3A_729 : vector<16xi1>, vector<16xf32>
        %mul3A_730 = arith.constant 16 : i32
        %mul3A_731 = arith.muli %scan3A_334, %mul3A_730 : i32
        %swap3A = arith.index_cast %mul3A_731 : i32 to index
        %swap3A_732 = tpu.vector_load %arg11[%swap3A] {strides = array<i32>} : memref<1216xf32, #tpu.memory_space<vmem>>, vector<16xf32>,
        tpu.vector_store %arg11[%swap3A], %select_n3A {strides = array<i32>} : memref<1216xf32, #tpu.memory_space<vmem>>, vector<16xf32>,
        %scan3A_733 = arith.constant 0 : i32
        scf.yield %scan3A_733 : i32
      }
      %scan3A_325 = arith.constant 13 : i32
      %scan3A_326 = arith.constant 0 : i32
      %scan3A_327 = arith.constant 0 : i32
      %scan3A_328 = arith.constant 63 : i32
      %scan3A_329 = arith.addi %scan3A_327, %scan3A_328 : i32
      %scan3A_330 = arith.constant 1 : i32
      %scan3A_331 = scf.for %scan3A_334 = %scan3A_327 to %scan3A_329 step %scan3A_330 iter_args(%scan3A_335 = %scan3A_326) -> (i32)  : i32 {
        %mul3A_336 = arith.constant 16 : i32
        %mul3A_337 = arith.muli %scan3A_334, %mul3A_336 : i32
        %add3A_338 = arith.constant 208 : i32
        %add3A_339 = arith.addi %add3A_338, %mul3A_337 : i32
        %add3A_340 = vector.broadcast %add3A_339 : i32 to vector<16xi32>
        %add3A_341 = arith.addi %add3A_340, %iota3A : vector<16xi32>
        %broadcast_in_dim3A = arith.constant 0.000000e+00 : f32
        %broadcast_in_dim3A_342 = vector.broadcast %broadcast_in_dim3A : f32 to vector<16xf32>
        %broadcast_in_dim3A_343 = arith.constant 0 : i32
        %broadcast_in_dim3A_344 = vector.broadcast %broadcast_in_dim3A_343 : i32 to vector<16xi32>
        %gather3A = tpu.vector_load_idx %arg10[%add3A_341, %broadcast_in_dim3A_344] : memref<1216x64xf32, #tpu.memory_space<vmem>>[vector<16xi32>, vector<16xi32>], vector<16xf32>,
        %mul3A_345 = vector.broadcast %squeeze3A : f32 to vector<16xf32>
        %mul3A_346 = arith.mulf %gather3A, %mul3A_345 : vector<16xf32>
        %add3A_347 = arith.addf %broadcast_in_dim3A_342, %mul3A_346 : vector<16xf32>
        %broadcast_in_dim3A_348 = arith.constant 1 : i32
        %broadcast_in_dim3A_349 = vector.broadcast %broadcast_in_dim3A_348 : i32 to vector<16xi32>
        %gather3A_350 = tpu.vector_load_idx %arg10[%add3A_341, %broadcast_in_dim3A_349] : memref<1216x64xf32, #tpu.memory_space<vmem>>[vector<16xi32>, vector<16xi32>], vector<16xf32>,
        %mul3A_351 = vector.broadcast %squeeze3A_194 : f32 to vector<16xf32>
        %mul3A_352 = arith.mulf %gather3A_350, %mul3A_351 : vector<16xf32>
        %add3A_353 = arith.addf %add3A_347, %mul3A_352 : vector<16xf32>
        %broadcast_in_dim3A_354 = arith.constant 2 : i32
        %broadcast_in_dim3A_355 = vector.broadcast %broadcast_in_dim3A_354 : i32 to vector<16xi32>
        %gather3A_356 = tpu.vector_load_idx %arg10[%add3A_341, %broadcast_in_dim3A_355] : memref<1216x64xf32, #tpu.memory_space<vmem>>[vector<16xi32>, vector<16xi32>], vector<16xf32>,
        %mul3A_357 = vector.broadcast %squeeze3A_196 : f32 to vector<16xf32>
        %mul3A_358 = arith.mulf %gather3A_356, %mul3A_357 : vector<16xf32>
        %add3A_359 = arith.addf %add3A_353, %mul3A_358 : vector<16xf32>
        %broadcast_in_dim3A_360 = arith.constant 3 : i32
        %broadcast_in_dim3A_361 = vector.broadcast %broadcast_in_dim3A_360 : i32 to vector<16xi32>
        %gather3A_362 = tpu.vector_load_idx %arg10[%add3A_341, %broadcast_in_dim3A_361] : memref<1216x64xf32, #tpu.memory_space<vmem>>[vector<16xi32>, vector<16xi32>], vector<16xf32>,
        %mul3A_363 = vector.broadcast %squeeze3A_198 : f32 to vector<16xf32>
        %mul3A_364 = arith.mulf %gather3A_362, %mul3A_363 : vector<16xf32>
        %add3A_365 = arith.addf %add3A_359, %mul3A_364 : vector<16xf32>
        %broadcast_in_dim3A_366 = arith.constant 4 : i32
        %broadcast_in_dim3A_367 = vector.broadcast %broadcast_in_dim3A_366 : i32 to vector<16xi32>
        %gather3A_368 = tpu.vector_load_idx %arg10[%add3A_341, %broadcast_in_dim3A_367] : memref<1216x64xf32, #tpu.memory_space<vmem>>[vector<16xi32>, vector<16xi32>], vector<16xf32>,
        %mul3A_369 = vector.broadcast %squeeze3A_200 : f32 to vector<16xf32>
        %mul3A_370 = arith.mulf %gather3A_368, %mul3A_369 : vector<16xf32>
        %add3A_371 = arith.addf %add3A_365, %mul3A_370 : vector<16xf32>
        %broadcast_in_dim3A_372 = arith.constant 5 : i32
        %broadcast_in_dim3A_373 = vector.broadcast %broadcast_in_dim3A_372 : i32 to vector<16xi32>
        %gather3A_374 = tpu.vector_load_idx %arg10[%add3A_341, %broadcast_in_dim3A_373] : memref<1216x64xf32, #tpu.memory_space<vmem>>[vector<16xi32>, vector<16xi32>], vector<16xf32>,
        %mul3A_375 = vector.broadcast %squeeze3A_202 : f32 to vector<16xf32>
        %mul3A_376 = arith.mulf %gather3A_374, %mul3A_375 : vector<16xf32>
        %add3A_377 = arith.addf %add3A_371, %mul3A_376 : vector<16xf32>
        %broadcast_in_dim3A_378 = arith.constant 6 : i32
        %broadcast_in_dim3A_379 = vector.broadcast %broadcast_in_dim3A_378 : i32 to vector<16xi32>
        %gather3A_380 = tpu.vector_load_idx %arg10[%add3A_341, %broadcast_in_dim3A_379] : memref<1216x64xf32, #tpu.memory_space<vmem>>[vector<16xi32>, vector<16xi32>], vector<16xf32>,
        %mul3A_381 = vector.broadcast %squeeze3A_204 : f32 to vector<16xf32>
        %mul3A_382 = arith.mulf %gather3A_380, %mul3A_381 : vector<16xf32>
        %add3A_383 = arith.addf %add3A_377, %mul3A_382 : vector<16xf32>
        %broadcast_in_dim3A_384 = arith.constant 7 : i32
        %broadcast_in_dim3A_385 = vector.broadcast %broadcast_in_dim3A_384 : i32 to vector<16xi32>
        %gather3A_386 = tpu.vector_load_idx %arg10[%add3A_341, %broadcast_in_dim3A_385] : memref<1216x64xf32, #tpu.memory_space<vmem>>[vector<16xi32>, vector<16xi32>], vector<16xf32>,
        %mul3A_387 = vector.broadcast %squeeze3A_206 : f32 to vector<16xf32>
        %mul3A_388 = arith.mulf %gather3A_386, %mul3A_387 : vector<16xf32>
        %add3A_389 = arith.addf %add3A_383, %mul3A_388 : vector<16xf32>
        %broadcast_in_dim3A_390 = arith.constant 8 : i32
        %broadcast_in_dim3A_391 = vector.broadcast %broadcast_in_dim3A_390 : i32 to vector<16xi32>
        %gather3A_392 = tpu.vector_load_idx %arg10[%add3A_341, %broadcast_in_dim3A_391] : memref<1216x64xf32, #tpu.memory_space<vmem>>[vector<16xi32>, vector<16xi32>], vector<16xf32>,
        %mul3A_393 = vector.broadcast %squeeze3A_208 : f32 to vector<16xf32>
        %mul3A_394 = arith.mulf %gather3A_392, %mul3A_393 : vector<16xf32>
        %add3A_395 = arith.addf %add3A_389, %mul3A_394 : vector<16xf32>
        %broadcast_in_dim3A_396 = arith.constant 9 : i32
        %broadcast_in_dim3A_397 = vector.broadcast %broadcast_in_dim3A_396 : i32 to vector<16xi32>
        %gather3A_398 = tpu.vector_load_idx %arg10[%add3A_341, %broadcast_in_dim3A_397] : memref<1216x64xf32, #tpu.memory_space<vmem>>[vector<16xi32>, vector<16xi32>], vector<16xf32>,
        %mul3A_399 = vector.broadcast %squeeze3A_210 : f32 to vector<16xf32>
        %mul3A_400 = arith.mulf %gather3A_398, %mul3A_399 : vector<16xf32>
        %add3A_401 = arith.addf %add3A_395, %mul3A_400 : vector<16xf32>
        %broadcast_in_dim3A_402 = arith.constant 10 : i32
        %broadcast_in_dim3A_403 = vector.broadcast %broadcast_in_dim3A_402 : i32 to vector<16xi32>
        %gather3A_404 = tpu.vector_load_idx %arg10[%add3A_341, %broadcast_in_dim3A_403] : memref<1216x64xf32, #tpu.memory_space<vmem>>[vector<16xi32>, vector<16xi32>], vector<16xf32>,
        %mul3A_405 = vector.broadcast %squeeze3A_212 : f32 to vector<16xf32>
        %mul3A_406 = arith.mulf %gather3A_404, %mul3A_405 : vector<16xf32>
        %add3A_407 = arith.addf %add3A_401, %mul3A_406 : vector<16xf32>
        %broadcast_in_dim3A_408 = arith.constant 11 : i32
        %broadcast_in_dim3A_409 = vector.broadcast %broadcast_in_dim3A_408 : i32 to vector<16xi32>
        %gather3A_410 = tpu.vector_load_idx %arg10[%add3A_341, %broadcast_in_dim3A_409] : memref<1216x64xf32, #tpu.memory_space<vmem>>[vector<16xi32>, vector<16xi32>], vector<16xf32>,
        %mul3A_411 = vector.broadcast %squeeze3A_214 : f32 to vector<16xf32>
        %mul3A_412 = arith.mulf %gather3A_410, %mul3A_411 : vector<16xf32>
        %add3A_413 = arith.addf %add3A_407, %mul3A_412 : vector<16xf32>
        %broadcast_in_dim3A_414 = arith.constant 12 : i32
        %broadcast_in_dim3A_415 = vector.broadcast %broadcast_in_dim3A_414 : i32 to vector<16xi32>
        %gather3A_416 = tpu.vector_load_idx %arg10[%add3A_341, %broadcast_in_dim3A_415] : memref<1216x64xf32, #tpu.memory_space<vmem>>[vector<16xi32>, vector<16xi32>], vector<16xf32>,
        %mul3A_417 = vector.broadcast %squeeze3A_216 : f32 to vector<16xf32>
        %mul3A_418 = arith.mulf %gather3A_416, %mul3A_417 : vector<16xf32>
        %add3A_419 = arith.addf %add3A_413, %mul3A_418 : vector<16xf32>
        %broadcast_in_dim3A_420 = arith.constant 13 : i32
        %broadcast_in_dim3A_421 = vector.broadcast %broadcast_in_dim3A_420 : i32 to vector<16xi32>
        %gather3A_422 = tpu.vector_load_idx %arg10[%add3A_341, %broadcast_in_dim3A_421] : memref<1216x64xf32, #tpu.memory_space<vmem>>[vector<16xi32>, vector<16xi32>], vector<16xf32>,
        %mul3A_423 = vector.broadcast %squeeze3A_218 : f32 to vector<16xf32>
        %mul3A_424 = arith.mulf %gather3A_422, %mul3A_423 : vector<16xf32>
        %add3A_425 = arith.addf %add3A_419, %mul3A_424 : vector<16xf32>
        %broadcast_in_dim3A_426 = arith.constant 14 : i32
        %broadcast_in_dim3A_427 = vector.broadcast %broadcast_in_dim3A_426 : i32 to vector<16xi32>
        %gather3A_428 = tpu.vector_load_idx %arg10[%add3A_341, %broadcast_in_dim3A_427] : memref<1216x64xf32, #tpu.memory_space<vmem>>[vector<16xi32>, vector<16xi32>], vector<16xf32>,
        %mul3A_429 = vector.broadcast %squeeze3A_220 : f32 to vector<16xf32>
        %mul3A_430 = arith.mulf %gather3A_428, %mul3A_429 : vector<16xf32>
        %add3A_431 = arith.addf %add3A_425, %mul3A_430 : vector<16xf32>
        %broadcast_in_dim3A_432 = arith.constant 15 : i32
        %broadcast_in_dim3A_433 = vector.broadcast %broadcast_in_dim3A_432 : i32 to vector<16xi32>
        %gather3A_434 = tpu.vector_load_idx %arg10[%add3A_341, %broadcast_in_dim3A_433] : memref<1216x64xf32, #tpu.memory_space<vmem>>[vector<16xi32>, vector<16xi32>], vector<16xf32>,
        %mul3A_435 = vector.broadcast %squeeze3A_222 : f32 to vector<16xf32>
        %mul3A_436 = arith.mulf %gather3A_434, %mul3A_435 : vector<16xf32>
        %add3A_437 = arith.addf %add3A_431, %mul3A_436 : vector<16xf32>
        %broadcast_in_dim3A_438 = arith.constant 16 : i32
        %broadcast_in_dim3A_439 = vector.broadcast %broadcast_in_dim3A_438 : i32 to vector<16xi32>
        %gather3A_440 = tpu.vector_load_idx %arg10[%add3A_341, %broadcast_in_dim3A_439] : memref<1216x64xf32, #tpu.memory_space<vmem>>[vector<16xi32>, vector<16xi32>], vector<16xf32>,
        %mul3A_441 = vector.broadcast %squeeze3A_224 : f32 to vector<16xf32>
        %mul3A_442 = arith.mulf %gather3A_440, %mul3A_441 : vector<16xf32>
        %add3A_443 = arith.addf %add3A_437, %mul3A_442 : vector<16xf32>
        %broadcast_in_dim3A_444 = arith.constant 17 : i32
        %broadcast_in_dim3A_445 = vector.broadcast %broadcast_in_dim3A_444 : i32 to vector<16xi32>
        %gather3A_446 = tpu.vector_load_idx %arg10[%add3A_341, %broadcast_in_dim3A_445] : memref<1216x64xf32, #tpu.memory_space<vmem>>[vector<16xi32>, vector<16xi32>], vector<16xf32>,
        %mul3A_447 = vector.broadcast %squeeze3A_226 : f32 to vector<16xf32>
        %mul3A_448 = arith.mulf %gather3A_446, %mul3A_447 : vector<16xf32>
        %add3A_449 = arith.addf %add3A_443, %mul3A_448 : vector<16xf32>
        %broadcast_in_dim3A_450 = arith.constant 18 : i32
        %broadcast_in_dim3A_451 = vector.broadcast %broadcast_in_dim3A_450 : i32 to vector<16xi32>
        %gather3A_452 = tpu.vector_load_idx %arg10[%add3A_341, %broadcast_in_dim3A_451] : memref<1216x64xf32, #tpu.memory_space<vmem>>[vector<16xi32>, vector<16xi32>], vector<16xf32>,
        %mul3A_453 = vector.broadcast %squeeze3A_228 : f32 to vector<16xf32>
        %mul3A_454 = arith.mulf %gather3A_452, %mul3A_453 : vector<16xf32>
        %add3A_455 = arith.addf %add3A_449, %mul3A_454 : vector<16xf32>
        %broadcast_in_dim3A_456 = arith.constant 19 : i32
        %broadcast_in_dim3A_457 = vector.broadcast %broadcast_in_dim3A_456 : i32 to vector<16xi32>
        %gather3A_458 = tpu.vector_load_idx %arg10[%add3A_341, %broadcast_in_dim3A_457] : memref<1216x64xf32, #tpu.memory_space<vmem>>[vector<16xi32>, vector<16xi32>], vector<16xf32>,
        %mul3A_459 = vector.broadcast %squeeze3A_230 : f32 to vector<16xf32>
        %mul3A_460 = arith.mulf %gather3A_458, %mul3A_459 : vector<16xf32>
        %add3A_461 = arith.addf %add3A_455, %mul3A_460 : vector<16xf32>
        %broadcast_in_dim3A_462 = arith.constant 20 : i32
        %broadcast_in_dim3A_463 = vector.broadcast %broadcast_in_dim3A_462 : i32 to vector<16xi32>
        %gather3A_464 = tpu.vector_load_idx %arg10[%add3A_341, %broadcast_in_dim3A_463] : memref<1216x64xf32, #tpu.memory_space<vmem>>[vector<16xi32>, vector<16xi32>], vector<16xf32>,
        %mul3A_465 = vector.broadcast %squeeze3A_232 : f32 to vector<16xf32>
        %mul3A_466 = arith.mulf %gather3A_464, %mul3A_465 : vector<16xf32>
        %add3A_467 = arith.addf %add3A_461, %mul3A_466 : vector<16xf32>
        %broadcast_in_dim3A_468 = arith.constant 21 : i32
        %broadcast_in_dim3A_469 = vector.broadcast %broadcast_in_dim3A_468 : i32 to vector<16xi32>
        %gather3A_470 = tpu.vector_load_idx %arg10[%add3A_341, %broadcast_in_dim3A_469] : memref<1216x64xf32, #tpu.memory_space<vmem>>[vector<16xi32>, vector<16xi32>], vector<16xf32>,
        %mul3A_471 = vector.broadcast %squeeze3A_234 : f32 to vector<16xf32>
        %mul3A_472 = arith.mulf %gather3A_470, %mul3A_471 : vector<16xf32>
        %add3A_473 = arith.addf %add3A_467, %mul3A_472 : vector<16xf32>
        %broadcast_in_dim3A_474 = arith.constant 22 : i32
        %broadcast_in_dim3A_475 = vector.broadcast %broadcast_in_dim3A_474 : i32 to vector<16xi32>
        %gather3A_476 = tpu.vector_load_idx %arg10[%add3A_341, %broadcast_in_dim3A_475] : memref<1216x64xf32, #tpu.memory_space<vmem>>[vector<16xi32>, vector<16xi32>], vector<16xf32>,
        %mul3A_477 = vector.broadcast %squeeze3A_236 : f32 to vector<16xf32>
        %mul3A_478 = arith.mulf %gather3A_476, %mul3A_477 : vector<16xf32>
        %add3A_479 = arith.addf %add3A_473, %mul3A_478 : vector<16xf32>
        %broadcast_in_dim3A_480 = arith.constant 23 : i32
        %broadcast_in_dim3A_481 = vector.broadcast %broadcast_in_dim3A_480 : i32 to vector<16xi32>
        %gather3A_482 = tpu.vector_load_idx %arg10[%add3A_341, %broadcast_in_dim3A_481] : memref<1216x64xf32, #tpu.memory_space<vmem>>[vector<16xi32>, vector<16xi32>], vector<16xf32>,
        %mul3A_483 = vector.broadcast %squeeze3A_238 : f32 to vector<16xf32>
        %mul3A_484 = arith.mulf %gather3A_482, %mul3A_483 : vector<16xf32>
        %add3A_485 = arith.addf %add3A_479, %mul3A_484 : vector<16xf32>
        %broadcast_in_dim3A_486 = arith.constant 24 : i32
        %broadcast_in_dim3A_487 = vector.broadcast %broadcast_in_dim3A_486 : i32 to vector<16xi32>
        %gather3A_488 = tpu.vector_load_idx %arg10[%add3A_341, %broadcast_in_dim3A_487] : memref<1216x64xf32, #tpu.memory_space<vmem>>[vector<16xi32>, vector<16xi32>], vector<16xf32>,
        %mul3A_489 = vector.broadcast %squeeze3A_240 : f32 to vector<16xf32>
        %mul3A_490 = arith.mulf %gather3A_488, %mul3A_489 : vector<16xf32>
        %add3A_491 = arith.addf %add3A_485, %mul3A_490 : vector<16xf32>
        %broadcast_in_dim3A_492 = arith.constant 25 : i32
        %broadcast_in_dim3A_493 = vector.broadcast %broadcast_in_dim3A_492 : i32 to vector<16xi32>
        %gather3A_494 = tpu.vector_load_idx %arg10[%add3A_341, %broadcast_in_dim3A_493] : memref<1216x64xf32, #tpu.memory_space<vmem>>[vector<16xi32>, vector<16xi32>], vector<16xf32>,
        %mul3A_495 = vector.broadcast %squeeze3A_242 : f32 to vector<16xf32>
        %mul3A_496 = arith.mulf %gather3A_494, %mul3A_495 : vector<16xf32>
        %add3A_497 = arith.addf %add3A_491, %mul3A_496 : vector<16xf32>
        %broadcast_in_dim3A_498 = arith.constant 26 : i32
        %broadcast_in_dim3A_499 = vector.broadcast %broadcast_in_dim3A_498 : i32 to vector<16xi32>
        %gather3A_500 = tpu.vector_load_idx %arg10[%add3A_341, %broadcast_in_dim3A_499] : memref<1216x64xf32, #tpu.memory_space<vmem>>[vector<16xi32>, vector<16xi32>], vector<16xf32>,
        %mul3A_501 = vector.broadcast %squeeze3A_244 : f32 to vector<16xf32>
        %mul3A_502 = arith.mulf %gather3A_500, %mul3A_501 : vector<16xf32>
        %add3A_503 = arith.addf %add3A_497, %mul3A_502 : vector<16xf32>
        %broadcast_in_dim3A_504 = arith.constant 27 : i32
        %broadcast_in_dim3A_505 = vector.broadcast %broadcast_in_dim3A_504 : i32 to vector<16xi32>
        %gather3A_506 = tpu.vector_load_idx %arg10[%add3A_341, %broadcast_in_dim3A_505] : memref<1216x64xf32, #tpu.memory_space<vmem>>[vector<16xi32>, vector<16xi32>], vector<16xf32>,
        %mul3A_507 = vector.broadcast %squeeze3A_246 : f32 to vector<16xf32>
        %mul3A_508 = arith.mulf %gather3A_506, %mul3A_507 : vector<16xf32>
        %add3A_509 = arith.addf %add3A_503, %mul3A_508 : vector<16xf32>
        %broadcast_in_dim3A_510 = arith.constant 28 : i32
        %broadcast_in_dim3A_511 = vector.broadcast %broadcast_in_dim3A_510 : i32 to vector<16xi32>
        %gather3A_512 = tpu.vector_load_idx %arg10[%add3A_341, %broadcast_in_dim3A_511] : memref<1216x64xf32, #tpu.memory_space<vmem>>[vector<16xi32>, vector<16xi32>], vector<16xf32>,
        %mul3A_513 = vector.broadcast %squeeze3A_248 : f32 to vector<16xf32>
        %mul3A_514 = arith.mulf %gather3A_512, %mul3A_513 : vector<16xf32>
        %add3A_515 = arith.addf %add3A_509, %mul3A_514 : vector<16xf32>
        %broadcast_in_dim3A_516 = arith.constant 29 : i32
        %broadcast_in_dim3A_517 = vector.broadcast %broadcast_in_dim3A_516 : i32 to vector<16xi32>
        %gather3A_518 = tpu.vector_load_idx %arg10[%add3A_341, %broadcast_in_dim3A_517] : memref<1216x64xf32, #tpu.memory_space<vmem>>[vector<16xi32>, vector<16xi32>], vector<16xf32>,
        %mul3A_519 = vector.broadcast %squeeze3A_250 : f32 to vector<16xf32>
        %mul3A_520 = arith.mulf %gather3A_518, %mul3A_519 : vector<16xf32>
        %add3A_521 = arith.addf %add3A_515, %mul3A_520 : vector<16xf32>
        %broadcast_in_dim3A_522 = arith.constant 30 : i32
        %broadcast_in_dim3A_523 = vector.broadcast %broadcast_in_dim3A_522 : i32 to vector<16xi32>
        %gather3A_524 = tpu.vector_load_idx %arg10[%add3A_341, %broadcast_in_dim3A_523] : memref<1216x64xf32, #tpu.memory_space<vmem>>[vector<16xi32>, vector<16xi32>], vector<16xf32>,
        %mul3A_525 = vector.broadcast %squeeze3A_252 : f32 to vector<16xf32>
        %mul3A_526 = arith.mulf %gather3A_524, %mul3A_525 : vector<16xf32>
        %add3A_527 = arith.addf %add3A_521, %mul3A_526 : vector<16xf32>
        %broadcast_in_dim3A_528 = arith.constant 31 : i32
        %broadcast_in_dim3A_529 = vector.broadcast %broadcast_in_dim3A_528 : i32 to vector<16xi32>
        %gather3A_530 = tpu.vector_load_idx %arg10[%add3A_341, %broadcast_in_dim3A_529] : memref<1216x64xf32, #tpu.memory_space<vmem>>[vector<16xi32>, vector<16xi32>], vector<16xf32>,
        %mul3A_531 = vector.broadcast %squeeze3A_254 : f32 to vector<16xf32>
        %mul3A_532 = arith.mulf %gather3A_530, %mul3A_531 : vector<16xf32>
        %add3A_533 = arith.addf %add3A_527, %mul3A_532 : vector<16xf32>
        %broadcast_in_dim3A_534 = arith.constant 32 : i32
        %broadcast_in_dim3A_535 = vector.broadcast %broadcast_in_dim3A_534 : i32 to vector<16xi32>
        %gather3A_536 = tpu.vector_load_idx %arg10[%add3A_341, %broadcast_in_dim3A_535] : memref<1216x64xf32, #tpu.memory_space<vmem>>[vector<16xi32>, vector<16xi32>], vector<16xf32>,
        %mul3A_537 = vector.broadcast %squeeze3A_256 : f32 to vector<16xf32>
        %mul3A_538 = arith.mulf %gather3A_536, %mul3A_537 : vector<16xf32>
        %add3A_539 = arith.addf %add3A_533, %mul3A_538 : vector<16xf32>
        %broadcast_in_dim3A_540 = arith.constant 33 : i32
        %broadcast_in_dim3A_541 = vector.broadcast %broadcast_in_dim3A_540 : i32 to vector<16xi32>
        %gather3A_542 = tpu.vector_load_idx %arg10[%add3A_341, %broadcast_in_dim3A_541] : memref<1216x64xf32, #tpu.memory_space<vmem>>[vector<16xi32>, vector<16xi32>], vector<16xf32>,
        %mul3A_543 = vector.broadcast %squeeze3A_258 : f32 to vector<16xf32>
        %mul3A_544 = arith.mulf %gather3A_542, %mul3A_543 : vector<16xf32>
        %add3A_545 = arith.addf %add3A_539, %mul3A_544 : vector<16xf32>
        %broadcast_in_dim3A_546 = arith.constant 34 : i32
        %broadcast_in_dim3A_547 = vector.broadcast %broadcast_in_dim3A_546 : i32 to vector<16xi32>
        %gather3A_548 = tpu.vector_load_idx %arg10[%add3A_341, %broadcast_in_dim3A_547] : memref<1216x64xf32, #tpu.memory_space<vmem>>[vector<16xi32>, vector<16xi32>], vector<16xf32>,
        %mul3A_549 = vector.broadcast %squeeze3A_260 : f32 to vector<16xf32>
        %mul3A_550 = arith.mulf %gather3A_548, %mul3A_549 : vector<16xf32>
        %add3A_551 = arith.addf %add3A_545, %mul3A_550 : vector<16xf32>
        %broadcast_in_dim3A_552 = arith.constant 35 : i32
        %broadcast_in_dim3A_553 = vector.broadcast %broadcast_in_dim3A_552 : i32 to vector<16xi32>
        %gather3A_554 = tpu.vector_load_idx %arg10[%add3A_341, %broadcast_in_dim3A_553] : memref<1216x64xf32, #tpu.memory_space<vmem>>[vector<16xi32>, vector<16xi32>], vector<16xf32>,
        %mul3A_555 = vector.broadcast %squeeze3A_262 : f32 to vector<16xf32>
        %mul3A_556 = arith.mulf %gather3A_554, %mul3A_555 : vector<16xf32>
        %add3A_557 = arith.addf %add3A_551, %mul3A_556 : vector<16xf32>
        %broadcast_in_dim3A_558 = arith.constant 36 : i32
        %broadcast_in_dim3A_559 = vector.broadcast %broadcast_in_dim3A_558 : i32 to vector<16xi32>
        %gather3A_560 = tpu.vector_load_idx %arg10[%add3A_341, %broadcast_in_dim3A_559] : memref<1216x64xf32, #tpu.memory_space<vmem>>[vector<16xi32>, vector<16xi32>], vector<16xf32>,
        %mul3A_561 = vector.broadcast %squeeze3A_264 : f32 to vector<16xf32>
        %mul3A_562 = arith.mulf %gather3A_560, %mul3A_561 : vector<16xf32>
        %add3A_563 = arith.addf %add3A_557, %mul3A_562 : vector<16xf32>
        %broadcast_in_dim3A_564 = arith.constant 37 : i32
        %broadcast_in_dim3A_565 = vector.broadcast %broadcast_in_dim3A_564 : i32 to vector<16xi32>
        %gather3A_566 = tpu.vector_load_idx %arg10[%add3A_341, %broadcast_in_dim3A_565] : memref<1216x64xf32, #tpu.memory_space<vmem>>[vector<16xi32>, vector<16xi32>], vector<16xf32>,
        %mul3A_567 = vector.broadcast %squeeze3A_266 : f32 to vector<16xf32>
        %mul3A_568 = arith.mulf %gather3A_566, %mul3A_567 : vector<16xf32>
        %add3A_569 = arith.addf %add3A_563, %mul3A_568 : vector<16xf32>
        %broadcast_in_dim3A_570 = arith.constant 38 : i32
        %broadcast_in_dim3A_571 = vector.broadcast %broadcast_in_dim3A_570 : i32 to vector<16xi32>
        %gather3A_572 = tpu.vector_load_idx %arg10[%add3A_341, %broadcast_in_dim3A_571] : memref<1216x64xf32, #tpu.memory_space<vmem>>[vector<16xi32>, vector<16xi32>], vector<16xf32>,
        %mul3A_573 = vector.broadcast %squeeze3A_268 : f32 to vector<16xf32>
        %mul3A_574 = arith.mulf %gather3A_572, %mul3A_573 : vector<16xf32>
        %add3A_575 = arith.addf %add3A_569, %mul3A_574 : vector<16xf32>
        %broadcast_in_dim3A_576 = arith.constant 39 : i32
        %broadcast_in_dim3A_577 = vector.broadcast %broadcast_in_dim3A_576 : i32 to vector<16xi32>
        %gather3A_578 = tpu.vector_load_idx %arg10[%add3A_341, %broadcast_in_dim3A_577] : memref<1216x64xf32, #tpu.memory_space<vmem>>[vector<16xi32>, vector<16xi32>], vector<16xf32>,
        %mul3A_579 = vector.broadcast %squeeze3A_270 : f32 to vector<16xf32>
        %mul3A_580 = arith.mulf %gather3A_578, %mul3A_579 : vector<16xf32>
        %add3A_581 = arith.addf %add3A_575, %mul3A_580 : vector<16xf32>
        %broadcast_in_dim3A_582 = arith.constant 40 : i32
        %broadcast_in_dim3A_583 = vector.broadcast %broadcast_in_dim3A_582 : i32 to vector<16xi32>
        %gather3A_584 = tpu.vector_load_idx %arg10[%add3A_341, %broadcast_in_dim3A_583] : memref<1216x64xf32, #tpu.memory_space<vmem>>[vector<16xi32>, vector<16xi32>], vector<16xf32>,
        %mul3A_585 = vector.broadcast %squeeze3A_272 : f32 to vector<16xf32>
        %mul3A_586 = arith.mulf %gather3A_584, %mul3A_585 : vector<16xf32>
        %add3A_587 = arith.addf %add3A_581, %mul3A_586 : vector<16xf32>
        %broadcast_in_dim3A_588 = arith.constant 41 : i32
        %broadcast_in_dim3A_589 = vector.broadcast %broadcast_in_dim3A_588 : i32 to vector<16xi32>
        %gather3A_590 = tpu.vector_load_idx %arg10[%add3A_341, %broadcast_in_dim3A_589] : memref<1216x64xf32, #tpu.memory_space<vmem>>[vector<16xi32>, vector<16xi32>], vector<16xf32>,
        %mul3A_591 = vector.broadcast %squeeze3A_274 : f32 to vector<16xf32>
        %mul3A_592 = arith.mulf %gather3A_590, %mul3A_591 : vector<16xf32>
        %add3A_593 = arith.addf %add3A_587, %mul3A_592 : vector<16xf32>
        %broadcast_in_dim3A_594 = arith.constant 42 : i32
        %broadcast_in_dim3A_595 = vector.broadcast %broadcast_in_dim3A_594 : i32 to vector<16xi32>
        %gather3A_596 = tpu.vector_load_idx %arg10[%add3A_341, %broadcast_in_dim3A_595] : memref<1216x64xf32, #tpu.memory_space<vmem>>[vector<16xi32>, vector<16xi32>], vector<16xf32>,
        %mul3A_597 = vector.broadcast %squeeze3A_276 : f32 to vector<16xf32>
        %mul3A_598 = arith.mulf %gather3A_596, %mul3A_597 : vector<16xf32>
        %add3A_599 = arith.addf %add3A_593, %mul3A_598 : vector<16xf32>
        %broadcast_in_dim3A_600 = arith.constant 43 : i32
        %broadcast_in_dim3A_601 = vector.broadcast %broadcast_in_dim3A_600 : i32 to vector<16xi32>
        %gather3A_602 = tpu.vector_load_idx %arg10[%add3A_341, %broadcast_in_dim3A_601] : memref<1216x64xf32, #tpu.memory_space<vmem>>[vector<16xi32>, vector<16xi32>], vector<16xf32>,
        %mul3A_603 = vector.broadcast %squeeze3A_278 : f32 to vector<16xf32>
        %mul3A_604 = arith.mulf %gather3A_602, %mul3A_603 : vector<16xf32>
        %add3A_605 = arith.addf %add3A_599, %mul3A_604 : vector<16xf32>
        %broadcast_in_dim3A_606 = arith.constant 44 : i32
        %broadcast_in_dim3A_607 = vector.broadcast %broadcast_in_dim3A_606 : i32 to vector<16xi32>
        %gather3A_608 = tpu.vector_load_idx %arg10[%add3A_341, %broadcast_in_dim3A_607] : memref<1216x64xf32, #tpu.memory_space<vmem>>[vector<16xi32>, vector<16xi32>], vector<16xf32>,
        %mul3A_609 = vector.broadcast %squeeze3A_280 : f32 to vector<16xf32>
        %mul3A_610 = arith.mulf %gather3A_608, %mul3A_609 : vector<16xf32>
        %add3A_611 = arith.addf %add3A_605, %mul3A_610 : vector<16xf32>
        %broadcast_in_dim3A_612 = arith.constant 45 : i32
        %broadcast_in_dim3A_613 = vector.broadcast %broadcast_in_dim3A_612 : i32 to vector<16xi32>
        %gather3A_614 = tpu.vector_load_idx %arg10[%add3A_341, %broadcast_in_dim3A_613] : memref<1216x64xf32, #tpu.memory_space<vmem>>[vector<16xi32>, vector<16xi32>], vector<16xf32>,
        %mul3A_615 = vector.broadcast %squeeze3A_282 : f32 to vector<16xf32>
        %mul3A_616 = arith.mulf %gather3A_614, %mul3A_615 : vector<16xf32>
        %add3A_617 = arith.addf %add3A_611, %mul3A_616 : vector<16xf32>
        %broadcast_in_dim3A_618 = arith.constant 46 : i32
        %broadcast_in_dim3A_619 = vector.broadcast %broadcast_in_dim3A_618 : i32 to vector<16xi32>
        %gather3A_620 = tpu.vector_load_idx %arg10[%add3A_341, %broadcast_in_dim3A_619] : memref<1216x64xf32, #tpu.memory_space<vmem>>[vector<16xi32>, vector<16xi32>], vector<16xf32>,
        %mul3A_621 = vector.broadcast %squeeze3A_284 : f32 to vector<16xf32>
        %mul3A_622 = arith.mulf %gather3A_620, %mul3A_621 : vector<16xf32>
        %add3A_623 = arith.addf %add3A_617, %mul3A_622 : vector<16xf32>
        %broadcast_in_dim3A_624 = arith.constant 47 : i32
        %broadcast_in_dim3A_625 = vector.broadcast %broadcast_in_dim3A_624 : i32 to vector<16xi32>
        %gather3A_626 = tpu.vector_load_idx %arg10[%add3A_341, %broadcast_in_dim3A_625] : memref<1216x64xf32, #tpu.memory_space<vmem>>[vector<16xi32>, vector<16xi32>], vector<16xf32>,
        %mul3A_627 = vector.broadcast %squeeze3A_286 : f32 to vector<16xf32>
        %mul3A_628 = arith.mulf %gather3A_626, %mul3A_627 : vector<16xf32>
        %add3A_629 = arith.addf %add3A_623, %mul3A_628 : vector<16xf32>
        %broadcast_in_dim3A_630 = arith.constant 48 : i32
        %broadcast_in_dim3A_631 = vector.broadcast %broadcast_in_dim3A_630 : i32 to vector<16xi32>
        %gather3A_632 = tpu.vector_load_idx %arg10[%add3A_341, %broadcast_in_dim3A_631] : memref<1216x64xf32, #tpu.memory_space<vmem>>[vector<16xi32>, vector<16xi32>], vector<16xf32>,
        %mul3A_633 = vector.broadcast %squeeze3A_288 : f32 to vector<16xf32>
        %mul3A_634 = arith.mulf %gather3A_632, %mul3A_633 : vector<16xf32>
        %add3A_635 = arith.addf %add3A_629, %mul3A_634 : vector<16xf32>
        %broadcast_in_dim3A_636 = arith.constant 49 : i32
        %broadcast_in_dim3A_637 = vector.broadcast %broadcast_in_dim3A_636 : i32 to vector<16xi32>
        %gather3A_638 = tpu.vector_load_idx %arg10[%add3A_341, %broadcast_in_dim3A_637] : memref<1216x64xf32, #tpu.memory_space<vmem>>[vector<16xi32>, vector<16xi32>], vector<16xf32>,
        %mul3A_639 = vector.broadcast %squeeze3A_290 : f32 to vector<16xf32>
        %mul3A_640 = arith.mulf %gather3A_638, %mul3A_639 : vector<16xf32>
        %add3A_641 = arith.addf %add3A_635, %mul3A_640 : vector<16xf32>
        %broadcast_in_dim3A_642 = arith.constant 50 : i32
        %broadcast_in_dim3A_643 = vector.broadcast %broadcast_in_dim3A_642 : i32 to vector<16xi32>
        %gather3A_644 = tpu.vector_load_idx %arg10[%add3A_341, %broadcast_in_dim3A_643] : memref<1216x64xf32, #tpu.memory_space<vmem>>[vector<16xi32>, vector<16xi32>], vector<16xf32>,
        %mul3A_645 = vector.broadcast %squeeze3A_292 : f32 to vector<16xf32>
        %mul3A_646 = arith.mulf %gather3A_644, %mul3A_645 : vector<16xf32>
        %add3A_647 = arith.addf %add3A_641, %mul3A_646 : vector<16xf32>
        %broadcast_in_dim3A_648 = arith.constant 51 : i32
        %broadcast_in_dim3A_649 = vector.broadcast %broadcast_in_dim3A_648 : i32 to vector<16xi32>
        %gather3A_650 = tpu.vector_load_idx %arg10[%add3A_341, %broadcast_in_dim3A_649] : memref<1216x64xf32, #tpu.memory_space<vmem>>[vector<16xi32>, vector<16xi32>], vector<16xf32>,
        %mul3A_651 = vector.broadcast %squeeze3A_294 : f32 to vector<16xf32>
        %mul3A_652 = arith.mulf %gather3A_650, %mul3A_651 : vector<16xf32>
        %add3A_653 = arith.addf %add3A_647, %mul3A_652 : vector<16xf32>
        %broadcast_in_dim3A_654 = arith.constant 52 : i32
        %broadcast_in_dim3A_655 = vector.broadcast %broadcast_in_dim3A_654 : i32 to vector<16xi32>
        %gather3A_656 = tpu.vector_load_idx %arg10[%add3A_341, %broadcast_in_dim3A_655] : memref<1216x64xf32, #tpu.memory_space<vmem>>[vector<16xi32>, vector<16xi32>], vector<16xf32>,
        %mul3A_657 = vector.broadcast %squeeze3A_296 : f32 to vector<16xf32>
        %mul3A_658 = arith.mulf %gather3A_656, %mul3A_657 : vector<16xf32>
        %add3A_659 = arith.addf %add3A_653, %mul3A_658 : vector<16xf32>
        %broadcast_in_dim3A_660 = arith.constant 53 : i32
        %broadcast_in_dim3A_661 = vector.broadcast %broadcast_in_dim3A_660 : i32 to vector<16xi32>
        %gather3A_662 = tpu.vector_load_idx %arg10[%add3A_341, %broadcast_in_dim3A_661] : memref<1216x64xf32, #tpu.memory_space<vmem>>[vector<16xi32>, vector<16xi32>], vector<16xf32>,
        %mul3A_663 = vector.broadcast %squeeze3A_298 : f32 to vector<16xf32>
        %mul3A_664 = arith.mulf %gather3A_662, %mul3A_663 : vector<16xf32>
        %add3A_665 = arith.addf %add3A_659, %mul3A_664 : vector<16xf32>
        %broadcast_in_dim3A_666 = arith.constant 54 : i32
        %broadcast_in_dim3A_667 = vector.broadcast %broadcast_in_dim3A_666 : i32 to vector<16xi32>
        %gather3A_668 = tpu.vector_load_idx %arg10[%add3A_341, %broadcast_in_dim3A_667] : memref<1216x64xf32, #tpu.memory_space<vmem>>[vector<16xi32>, vector<16xi32>], vector<16xf32>,
        %mul3A_669 = vector.broadcast %squeeze3A_300 : f32 to vector<16xf32>
        %mul3A_670 = arith.mulf %gather3A_668, %mul3A_669 : vector<16xf32>
        %add3A_671 = arith.addf %add3A_665, %mul3A_670 : vector<16xf32>
        %broadcast_in_dim3A_672 = arith.constant 55 : i32
        %broadcast_in_dim3A_673 = vector.broadcast %broadcast_in_dim3A_672 : i32 to vector<16xi32>
        %gather3A_674 = tpu.vector_load_idx %arg10[%add3A_341, %broadcast_in_dim3A_673] : memref<1216x64xf32, #tpu.memory_space<vmem>>[vector<16xi32>, vector<16xi32>], vector<16xf32>,
        %mul3A_675 = vector.broadcast %squeeze3A_302 : f32 to vector<16xf32>
        %mul3A_676 = arith.mulf %gather3A_674, %mul3A_675 : vector<16xf32>
        %add3A_677 = arith.addf %add3A_671, %mul3A_676 : vector<16xf32>
        %broadcast_in_dim3A_678 = arith.constant 56 : i32
        %broadcast_in_dim3A_679 = vector.broadcast %broadcast_in_dim3A_678 : i32 to vector<16xi32>
        %gather3A_680 = tpu.vector_load_idx %arg10[%add3A_341, %broadcast_in_dim3A_679] : memref<1216x64xf32, #tpu.memory_space<vmem>>[vector<16xi32>, vector<16xi32>], vector<16xf32>,
        %mul3A_681 = vector.broadcast %squeeze3A_304 : f32 to vector<16xf32>
        %mul3A_682 = arith.mulf %gather3A_680, %mul3A_681 : vector<16xf32>
        %add3A_683 = arith.addf %add3A_677, %mul3A_682 : vector<16xf32>
        %broadcast_in_dim3A_684 = arith.constant 57 : i32
        %broadcast_in_dim3A_685 = vector.broadcast %broadcast_in_dim3A_684 : i32 to vector<16xi32>
        %gather3A_686 = tpu.vector_load_idx %arg10[%add3A_341, %broadcast_in_dim3A_685] : memref<1216x64xf32, #tpu.memory_space<vmem>>[vector<16xi32>, vector<16xi32>], vector<16xf32>,
        %mul3A_687 = vector.broadcast %squeeze3A_306 : f32 to vector<16xf32>
        %mul3A_688 = arith.mulf %gather3A_686, %mul3A_687 : vector<16xf32>
        %add3A_689 = arith.addf %add3A_683, %mul3A_688 : vector<16xf32>
        %broadcast_in_dim3A_690 = arith.constant 58 : i32
        %broadcast_in_dim3A_691 = vector.broadcast %broadcast_in_dim3A_690 : i32 to vector<16xi32>
        %gather3A_692 = tpu.vector_load_idx %arg10[%add3A_341, %broadcast_in_dim3A_691] : memref<1216x64xf32, #tpu.memory_space<vmem>>[vector<16xi32>, vector<16xi32>], vector<16xf32>,
        %mul3A_693 = vector.broadcast %squeeze3A_308 : f32 to vector<16xf32>
        %mul3A_694 = arith.mulf %gather3A_692, %mul3A_693 : vector<16xf32>
        %add3A_695 = arith.addf %add3A_689, %mul3A_694 : vector<16xf32>
        %broadcast_in_dim3A_696 = arith.constant 59 : i32
        %broadcast_in_dim3A_697 = vector.broadcast %broadcast_in_dim3A_696 : i32 to vector<16xi32>
        %gather3A_698 = tpu.vector_load_idx %arg10[%add3A_341, %broadcast_in_dim3A_697] : memref<1216x64xf32, #tpu.memory_space<vmem>>[vector<16xi32>, vector<16xi32>], vector<16xf32>,
        %mul3A_699 = vector.broadcast %squeeze3A_310 : f32 to vector<16xf32>
        %mul3A_700 = arith.mulf %gather3A_698, %mul3A_699 : vector<16xf32>
        %add3A_701 = arith.addf %add3A_695, %mul3A_700 : vector<16xf32>
        %broadcast_in_dim3A_702 = arith.constant 60 : i32
        %broadcast_in_dim3A_703 = vector.broadcast %broadcast_in_dim3A_702 : i32 to vector<16xi32>
        %gather3A_704 = tpu.vector_load_idx %arg10[%add3A_341, %broadcast_in_dim3A_703] : memref<1216x64xf32, #tpu.memory_space<vmem>>[vector<16xi32>, vector<16xi32>], vector<16xf32>,
        %mul3A_705 = vector.broadcast %squeeze3A_312 : f32 to vector<16xf32>
        %mul3A_706 = arith.mulf %gather3A_704, %mul3A_705 : vector<16xf32>
        %add3A_707 = arith.addf %add3A_701, %mul3A_706 : vector<16xf32>
        %broadcast_in_dim3A_708 = arith.constant 61 : i32
        %broadcast_in_dim3A_709 = vector.broadcast %broadcast_in_dim3A_708 : i32 to vector<16xi32>
        %gather3A_710 = tpu.vector_load_idx %arg10[%add3A_341, %broadcast_in_dim3A_709] : memref<1216x64xf32, #tpu.memory_space<vmem>>[vector<16xi32>, vector<16xi32>], vector<16xf32>,
        %mul3A_711 = vector.broadcast %squeeze3A_314 : f32 to vector<16xf32>
        %mul3A_712 = arith.mulf %gather3A_710, %mul3A_711 : vector<16xf32>
        %add3A_713 = arith.addf %add3A_707, %mul3A_712 : vector<16xf32>
        %broadcast_in_dim3A_714 = arith.constant 62 : i32
        %broadcast_in_dim3A_715 = vector.broadcast %broadcast_in_dim3A_714 : i32 to vector<16xi32>
        %gather3A_716 = tpu.vector_load_idx %arg10[%add3A_341, %broadcast_in_dim3A_715] : memref<1216x64xf32, #tpu.memory_space<vmem>>[vector<16xi32>, vector<16xi32>], vector<16xf32>,
        %mul3A_717 = vector.broadcast %squeeze3A_316 : f32 to vector<16xf32>
        %mul3A_718 = arith.mulf %gather3A_716, %mul3A_717 : vector<16xf32>
        %add3A_719 = arith.addf %add3A_713, %mul3A_718 : vector<16xf32>
        %broadcast_in_dim3A_720 = arith.constant 63 : i32
        %broadcast_in_dim3A_721 = vector.broadcast %broadcast_in_dim3A_720 : i32 to vector<16xi32>
        %gather3A_722 = tpu.vector_load_idx %arg10[%add3A_341, %broadcast_in_dim3A_721] : memref<1216x64xf32, #tpu.memory_space<vmem>>[vector<16xi32>, vector<16xi32>], vector<16xf32>,
        %mul3A_723 = vector.broadcast %squeeze3A_318 : f32 to vector<16xf32>
        %mul3A_724 = arith.mulf %gather3A_722, %mul3A_723 : vector<16xf32>
        %add3A_725 = arith.addf %add3A_719, %mul3A_724 : vector<16xf32>
        %mul3A_726 = arith.constant 16 : i32
        %mul3A_727 = arith.muli %scan3A_334, %mul3A_726 : i32
        %add3A_728 = vector.broadcast %mul3A_727 : i32 to vector<16xi32>
        %add3A_729 = arith.addi %add3A_728, %iota3A : vector<16xi32>
        %lt3A = arith.constant 1000 : i32
        %lt3A_730 = vector.broadcast %lt3A : i32 to vector<16xi32>
        %lt3A_731 = arith.cmpi slt, %add3A_729, %lt3A_730 : vector<16xi32>
        %jit3A = arith.constant -3.000000e+01 : f32
        %broadcast_in_dim3A_732 = vector.broadcast %jit3A : f32 to vector<16xf32>
        %select_n3A = arith.select %lt3A_731, %add3A_725, %broadcast_in_dim3A_732 : vector<16xi1>, vector<16xf32>
        %mul3A_733 = arith.constant 16 : i32
        %mul3A_734 = arith.muli %scan3A_334, %mul3A_733 : i32
        %add3A_735 = arith.constant 208 : i32
        %add3A_736 = arith.addi %add3A_735, %mul3A_734 : i32
        %swap3A = arith.index_cast %add3A_736 : i32 to index
        %swap3A_737 = tpu.vector_load %arg11[%swap3A] {strides = array<i32>} : memref<1216xf32, #tpu.memory_space<vmem>>, vector<16xf32>,
        tpu.vector_store %arg11[%swap3A], %select_n3A {strides = array<i32>} : memref<1216xf32, #tpu.memory_space<vmem>>, vector<16xf32>,
        %scan3A_738 = arith.constant 0 : i32
        scf.yield %scan3A_738 : i32
      }
      %scan3A_332 = arith.constant 63 : i32
      "tpu.region"() ({
        %run_scoped3A = tpu.sem_alloc : memref<!tpu.dma_semaphore, #tpu.memory_space<semaphore_mem>>
        %dma_start3A_334 = arith.constant 0 : i32
        %dma_start3A_335 = tpu.memref_slice %arg6[%add3A_11, %dma_start3A_334] : memref<1024x1216xf32, #tpu.memory_space<hbm>> -> memref<1x1216xf32, #tpu.memory_space<hbm>>
        %dma_start3A_336 = tpu.memref_squeeze %dma_start3A_335 : memref<1x1216xf32, #tpu.memory_space<hbm>> -> memref<1216xf32, #tpu.memory_space<hbm>>
        %dma_start3A_337 = arith.constant 0 : i32
        %dma_start3A_338 = tpu.memref_slice %arg6[%add3A_11, %dma_start3A_337] : memref<1024x1216xf32, #tpu.memory_space<hbm>> -> memref<1x1216xf32, #tpu.memory_space<hbm>>
        %dma_start3A_339 = tpu.memref_squeeze %dma_start3A_338 : memref<1x1216xf32, #tpu.memory_space<hbm>> -> memref<1216xf32, #tpu.memory_space<hbm>>
        tpu.enqueue_dma source(%arg11 : memref<1216xf32, #tpu.memory_space<vmem>>) target(%dma_start3A_339 : memref<1216xf32, #tpu.memory_space<hbm>>) target_semaphore(%run_scoped3A : memref<!tpu.dma_semaphore, #tpu.memory_space<semaphore_mem>>)
        %dma_wait3A_340 = arith.constant 0 : i32
        %dma_wait3A_341 = tpu.memref_slice %arg6[%add3A_11, %dma_wait3A_340] : memref<1024x1216xf32, #tpu.memory_space<hbm>> -> memref<1x1216xf32, #tpu.memory_space<hbm>>
        %dma_wait3A_342 = tpu.memref_squeeze %dma_wait3A_341 : memref<1x1216xf32, #tpu.memory_space<hbm>> -> memref<1216xf32, #tpu.memory_space<hbm>>
        %dma_wait3A_343 = arith.constant 0 : i32
        %dma_wait3A_344 = tpu.memref_slice %arg6[%add3A_11, %dma_wait3A_343] : memref<1024x1216xf32, #tpu.memory_space<hbm>> -> memref<1x1216xf32, #tpu.memory_space<hbm>>
        %dma_wait3A_345 = tpu.memref_squeeze %dma_wait3A_344 : memref<1x1216xf32, #tpu.memory_space<hbm>> -> memref<1216xf32, #tpu.memory_space<hbm>>
        tpu.wait_dma2 semaphore(%run_scoped3A : memref<!tpu.dma_semaphore, #tpu.memory_space<semaphore_mem>>) src(%arg11 : memref<1216xf32, #tpu.memory_space<vmem>>) dst(%dma_wait3A_345 : memref<1216xf32, #tpu.memory_space<hbm>>)
        tpu.yield
      }) : () -> ()
      %scan3A_333 = arith.constant 0 : i32
      scf.yield %scan3A_333 : i32
    }
    %scan3A_6 = arith.constant 32 : i32
    return
  }
}

#map = affine_map<(d0, d1) -> (0)>
#map1 = affine_map<(d0, d1) -> (0, 0)>
module attributes {stable_mosaic.version = 14 : i64} {
  func.func @k(%arg0: i32, %arg1: i32, %arg2: memref<1048576xf32, #tpu.memory_space<hbm>>, %arg3: memref<32x16xf32, #tpu.memory_space<hbm>>, %arg4: memref<32768xf32, #tpu.memory_space<vmem>>, %arg5: memref<16xf32, #tpu.memory_space<vmem>>) attributes {dimension_semantics = [#tpu.dimension_semantics<core_parallel>, #tpu.dimension_semantics<subcore_parallel>], iteration_bounds = array<i64: 2, 16>, scalar_prefetch = 0 : i64, scratch_operands = 2 : i64, tpu.core_type = #tpu.core_type<sc_vector_subcore>, window_params = [{transform_indices = #map}, {transform_indices = #map1}]} {
    %mul3A = arith.constant 2 : i32
    %mul3A_0 = arith.muli %arg1, %mul3A : i32
    %add3A = arith.addi %mul3A_0, %arg0 : i32
    %mul3A_1 = arith.constant 32768 : i32
    %mul3A_2 = arith.muli %add3A, %mul3A_1 : i32
    "tpu.region"() ({
      %run_scoped3A = tpu.sem_alloc : memref<!tpu.dma_semaphore, #tpu.memory_space<semaphore_mem>>
      %dma_start3A = tpu.memref_slice %arg2[%mul3A_2] : memref<1048576xf32, #tpu.memory_space<hbm>> -> memref<32768xf32, #tpu.memory_space<hbm>>
      %dma_start3A_14 = tpu.memref_slice %arg2[%mul3A_2] : memref<1048576xf32, #tpu.memory_space<hbm>> -> memref<32768xf32, #tpu.memory_space<hbm>>
      tpu.enqueue_dma source(%dma_start3A_14 : memref<32768xf32, #tpu.memory_space<hbm>>) target(%arg4 : memref<32768xf32, #tpu.memory_space<vmem>>) target_semaphore(%run_scoped3A : memref<!tpu.dma_semaphore, #tpu.memory_space<semaphore_mem>>)
      %dma_wait3A = tpu.memref_slice %arg2[%mul3A_2] : memref<1048576xf32, #tpu.memory_space<hbm>> -> memref<32768xf32, #tpu.memory_space<hbm>>
      %dma_wait3A_15 = tpu.memref_slice %arg2[%mul3A_2] : memref<1048576xf32, #tpu.memory_space<hbm>> -> memref<32768xf32, #tpu.memory_space<hbm>>
      tpu.wait_dma2 semaphore(%run_scoped3A : memref<!tpu.dma_semaphore, #tpu.memory_space<semaphore_mem>>) src(%dma_wait3A_15 : memref<32768xf32, #tpu.memory_space<hbm>>) dst(%arg4 : memref<32768xf32, #tpu.memory_space<vmem>>)
      tpu.yield
    }) : () -> ()
    %broadcast_in_dim3A = arith.constant 0.000000e+00 : f32
    %broadcast_in_dim3A_3 = vector.broadcast %broadcast_in_dim3A : f32 to vector<16xf32>
    %scan3A = arith.constant 0 : i32
    %scan3A_4 = arith.constant 2048 : i32
    %scan3A_5 = arith.addi %scan3A, %scan3A_4 : i32
    %scan3A_6 = arith.constant 1 : i32
    %scan3A_7 = scf.for %scan3A_14 = %scan3A to %scan3A_5 step %scan3A_6 iter_args(%scan3A_15 = %broadcast_in_dim3A_3) -> (vector<16xf32>)  : i32 {
      %mul3A_16 = arith.constant 16 : i32
      %mul3A_17 = arith.muli %scan3A_14, %mul3A_16 : i32
      %get3A = arith.index_cast %mul3A_17 : i32 to index
      %get3A_18 = tpu.vector_load %arg4[%get3A] {strides = array<i32>} : memref<32768xf32, #tpu.memory_space<vmem>>, vector<16xf32>,
      %add3A_19 = arith.addf %scan3A_15, %get3A_18 : vector<16xf32>
      scf.yield %add3A_19 : vector<16xf32>
    }
    %scan3A_8 = arith.constant 2048 : i32
    %reduce_sum3A = arith.constant true
    %reduce_sum3A_9 = vector.broadcast %reduce_sum3A : i1 to vector<16xi1>
    %reduce_sum3A_10 = tpu.scan <sum>, %scan3A_7 masked %reduce_sum3A_9 : vector<16xf32>, vector<16xi1> -> vector<16xf32>
    %reduce_sum3A_11 = vector.extract %reduce_sum3A_10[15] : f32 from vector<16xf32>
    %broadcast_in_dim3A_12 = vector.broadcast %reduce_sum3A_11 : f32 to vector<16xf32>
    %swap3A = arith.constant 0 : index
    %swap3A_13 = tpu.vector_load %arg5[%swap3A] {strides = array<i32>} : memref<16xf32, #tpu.memory_space<vmem>>, vector<16xf32>,
    tpu.vector_store %arg5[%swap3A], %broadcast_in_dim3A_12 {strides = array<i32>} : memref<16xf32, #tpu.memory_space<vmem>>, vector<16xf32>,
    "tpu.region"() ({
      %run_scoped3A = tpu.sem_alloc : memref<!tpu.dma_semaphore, #tpu.memory_space<semaphore_mem>>
      %dma_start3A = arith.constant 0 : i32
      %dma_start3A_14 = tpu.memref_slice %arg3[%add3A, %dma_start3A] : memref<32x16xf32, #tpu.memory_space<hbm>> -> memref<1x16xf32, #tpu.memory_space<hbm>>
      %dma_start3A_15 = tpu.memref_squeeze %dma_start3A_14 : memref<1x16xf32, #tpu.memory_space<hbm>> -> memref<16xf32, #tpu.memory_space<hbm>>
      %dma_start3A_16 = arith.constant 0 : i32
      %dma_start3A_17 = tpu.memref_slice %arg3[%add3A, %dma_start3A_16] : memref<32x16xf32, #tpu.memory_space<hbm>> -> memref<1x16xf32, #tpu.memory_space<hbm>>
      %dma_start3A_18 = tpu.memref_squeeze %dma_start3A_17 : memref<1x16xf32, #tpu.memory_space<hbm>> -> memref<16xf32, #tpu.memory_space<hbm>>
      tpu.enqueue_dma source(%arg5 : memref<16xf32, #tpu.memory_space<vmem>>) target(%dma_start3A_18 : memref<16xf32, #tpu.memory_space<hbm>>) target_semaphore(%run_scoped3A : memref<!tpu.dma_semaphore, #tpu.memory_space<semaphore_mem>>)
      %dma_wait3A = arith.constant 0 : i32
      %dma_wait3A_19 = tpu.memref_slice %arg3[%add3A, %dma_wait3A] : memref<32x16xf32, #tpu.memory_space<hbm>> -> memref<1x16xf32, #tpu.memory_space<hbm>>
      %dma_wait3A_20 = tpu.memref_squeeze %dma_wait3A_19 : memref<1x16xf32, #tpu.memory_space<hbm>> -> memref<16xf32, #tpu.memory_space<hbm>>
      %dma_wait3A_21 = arith.constant 0 : i32
      %dma_wait3A_22 = tpu.memref_slice %arg3[%add3A, %dma_wait3A_21] : memref<32x16xf32, #tpu.memory_space<hbm>> -> memref<1x16xf32, #tpu.memory_space<hbm>>
      %dma_wait3A_23 = tpu.memref_squeeze %dma_wait3A_22 : memref<1x16xf32, #tpu.memory_space<hbm>> -> memref<16xf32, #tpu.memory_space<hbm>>
      tpu.wait_dma2 semaphore(%run_scoped3A : memref<!tpu.dma_semaphore, #tpu.memory_space<semaphore_mem>>) src(%arg5 : memref<16xf32, #tpu.memory_space<vmem>>) dst(%dma_wait3A_23 : memref<16xf32, #tpu.memory_space<hbm>>)
      tpu.yield
    }) : () -> ()
    return
  }
}

#map = affine_map<(d0, d1) -> (0)>
#map1 = affine_map<(d0, d1) -> (0, 0)>
module attributes {stable_mosaic.version = 14 : i64} {
  func.func @k(%arg0: i32, %arg1: i32, %arg2: memref<1048576xf32, #tpu.memory_space<hbm>>, %arg3: memref<32x16xf32, #tpu.memory_space<hbm>>, %arg4: memref<1048576xf32, #tpu.memory_space<hbm>>, %arg5: memref<32768xf32, #tpu.memory_space<hbm>>, %arg6: memref<32768xf32, #tpu.memory_space<vmem>>, %arg7: memref<32768xf32, #tpu.memory_space<vmem>>, %arg8: memref<32x16xf32, #tpu.memory_space<vmem>>, %arg9: memref<1024xf32, #tpu.memory_space<vmem>>) attributes {dimension_semantics = [#tpu.dimension_semantics<core_parallel>, #tpu.dimension_semantics<subcore_parallel>], iteration_bounds = array<i64: 2, 16>, scalar_prefetch = 0 : i64, scratch_operands = 4 : i64, tpu.core_type = #tpu.core_type<sc_vector_subcore>, window_params = [{transform_indices = #map}, {transform_indices = #map1}, {transform_indices = #map}, {transform_indices = #map}]} {
    %mul3A = arith.constant 2 : i32
    %mul3A_0 = arith.muli %arg1, %mul3A : i32
    %add3A = arith.addi %mul3A_0, %arg0 : i32
    "tpu.region"() ({
      %run_scoped3A = tpu.sem_alloc : memref<!tpu.dma_semaphore, #tpu.memory_space<semaphore_mem>>
      tpu.enqueue_dma source(%arg3 : memref<32x16xf32, #tpu.memory_space<hbm>>) target(%arg8 : memref<32x16xf32, #tpu.memory_space<vmem>>) target_semaphore(%run_scoped3A : memref<!tpu.dma_semaphore, #tpu.memory_space<semaphore_mem>>)
      tpu.wait_dma2 semaphore(%run_scoped3A : memref<!tpu.dma_semaphore, #tpu.memory_space<semaphore_mem>>) src(%arg3 : memref<32x16xf32, #tpu.memory_space<hbm>>) dst(%arg8 : memref<32x16xf32, #tpu.memory_space<vmem>>)
      tpu.yield
    }) : () -> ()
    %mul3A_1 = arith.constant 32768 : i32
    %mul3A_2 = arith.muli %add3A, %mul3A_1 : i32
    "tpu.region"() ({
      %run_scoped3A = tpu.sem_alloc : memref<!tpu.dma_semaphore, #tpu.memory_space<semaphore_mem>>
      %dma_start3A = tpu.memref_slice %arg2[%mul3A_2] : memref<1048576xf32, #tpu.memory_space<hbm>> -> memref<32768xf32, #tpu.memory_space<hbm>>
      %dma_start3A_431 = tpu.memref_slice %arg2[%mul3A_2] : memref<1048576xf32, #tpu.memory_space<hbm>> -> memref<32768xf32, #tpu.memory_space<hbm>>
      tpu.enqueue_dma source(%dma_start3A_431 : memref<32768xf32, #tpu.memory_space<hbm>>) target(%arg6 : memref<32768xf32, #tpu.memory_space<vmem>>) target_semaphore(%run_scoped3A : memref<!tpu.dma_semaphore, #tpu.memory_space<semaphore_mem>>)
      %dma_wait3A = tpu.memref_slice %arg2[%mul3A_2] : memref<1048576xf32, #tpu.memory_space<hbm>> -> memref<32768xf32, #tpu.memory_space<hbm>>
      %dma_wait3A_432 = tpu.memref_slice %arg2[%mul3A_2] : memref<1048576xf32, #tpu.memory_space<hbm>> -> memref<32768xf32, #tpu.memory_space<hbm>>
      tpu.wait_dma2 semaphore(%run_scoped3A : memref<!tpu.dma_semaphore, #tpu.memory_space<semaphore_mem>>) src(%dma_wait3A_432 : memref<32768xf32, #tpu.memory_space<hbm>>) dst(%arg6 : memref<32768xf32, #tpu.memory_space<vmem>>)
      tpu.yield
    }) : () -> ()
    %get3A = arith.constant 0 : i32
    %get3A_3 = arith.index_cast %get3A : i32 to index
    %get3A_4 = arith.constant 0 : index
    %get3A_5 = tpu.vector_load %arg8[%get3A_3, %get3A_4] {strides = array<i32>} : memref<32x16xf32, #tpu.memory_space<vmem>>, vector<16xf32>,
    %reduce_max3A = arith.constant true
    %reduce_max3A_6 = vector.broadcast %reduce_max3A : i1 to vector<16xi1>
    %reduce_max3A_7 = tpu.scan <max>, %get3A_5 masked %reduce_max3A_6 : vector<16xf32>, vector<16xi1> -> vector<16xf32>
    %reduce_max3A_8 = vector.extract %reduce_max3A_7[15] : f32 from vector<16xf32>
    %gt3A = arith.constant 0 : i32
    %gt3A_9 = arith.cmpi sgt, %add3A, %gt3A : i32
    %jit3A = arith.constant 0.000000e+00 : f32
    %select_n3A = arith.select %gt3A_9, %reduce_max3A_8, %jit3A : f32
    %add3A_10 = arith.constant 0.000000e+00 : f32
    %add3A_11 = arith.addf %add3A_10, %select_n3A : f32
    %get3A_12 = arith.constant 1 : i32
    %get3A_13 = arith.index_cast %get3A_12 : i32 to index
    %get3A_14 = arith.constant 0 : index
    %get3A_15 = tpu.vector_load %arg8[%get3A_13, %get3A_14] {strides = array<i32>} : memref<32x16xf32, #tpu.memory_space<vmem>>, vector<16xf32>,
    %reduce_max3A_16 = arith.constant true
    %reduce_max3A_17 = vector.broadcast %reduce_max3A_16 : i1 to vector<16xi1>
    %reduce_max3A_18 = tpu.scan <max>, %get3A_15 masked %reduce_max3A_17 : vector<16xf32>, vector<16xi1> -> vector<16xf32>
    %reduce_max3A_19 = vector.extract %reduce_max3A_18[15] : f32 from vector<16xf32>
    %gt3A_20 = arith.constant 1 : i32
    %gt3A_21 = arith.cmpi sgt, %add3A, %gt3A_20 : i32
    %jit3A_22 = arith.constant 0.000000e+00 : f32
    %select_n3A_23 = arith.select %gt3A_21, %reduce_max3A_19, %jit3A_22 : f32
    %add3A_24 = arith.addf %add3A_11, %select_n3A_23 : f32
    %get3A_25 = arith.constant 2 : i32
    %get3A_26 = arith.index_cast %get3A_25 : i32 to index
    %get3A_27 = arith.constant 0 : index
    %get3A_28 = tpu.vector_load %arg8[%get3A_26, %get3A_27] {strides = array<i32>} : memref<32x16xf32, #tpu.memory_space<vmem>>, vector<16xf32>,
    %reduce_max3A_29 = arith.constant true
    %reduce_max3A_30 = vector.broadcast %reduce_max3A_29 : i1 to vector<16xi1>
    %reduce_max3A_31 = tpu.scan <max>, %get3A_28 masked %reduce_max3A_30 : vector<16xf32>, vector<16xi1> -> vector<16xf32>
    %reduce_max3A_32 = vector.extract %reduce_max3A_31[15] : f32 from vector<16xf32>
    %gt3A_33 = arith.constant 2 : i32
    %gt3A_34 = arith.cmpi sgt, %add3A, %gt3A_33 : i32
    %jit3A_35 = arith.constant 0.000000e+00 : f32
    %select_n3A_36 = arith.select %gt3A_34, %reduce_max3A_32, %jit3A_35 : f32
    %add3A_37 = arith.addf %add3A_24, %select_n3A_36 : f32
    %get3A_38 = arith.constant 3 : i32
    %get3A_39 = arith.index_cast %get3A_38 : i32 to index
    %get3A_40 = arith.constant 0 : index
    %get3A_41 = tpu.vector_load %arg8[%get3A_39, %get3A_40] {strides = array<i32>} : memref<32x16xf32, #tpu.memory_space<vmem>>, vector<16xf32>,
    %reduce_max3A_42 = arith.constant true
    %reduce_max3A_43 = vector.broadcast %reduce_max3A_42 : i1 to vector<16xi1>
    %reduce_max3A_44 = tpu.scan <max>, %get3A_41 masked %reduce_max3A_43 : vector<16xf32>, vector<16xi1> -> vector<16xf32>
    %reduce_max3A_45 = vector.extract %reduce_max3A_44[15] : f32 from vector<16xf32>
    %gt3A_46 = arith.constant 3 : i32
    %gt3A_47 = arith.cmpi sgt, %add3A, %gt3A_46 : i32
    %jit3A_48 = arith.constant 0.000000e+00 : f32
    %select_n3A_49 = arith.select %gt3A_47, %reduce_max3A_45, %jit3A_48 : f32
    %add3A_50 = arith.addf %add3A_37, %select_n3A_49 : f32
    %get3A_51 = arith.constant 4 : i32
    %get3A_52 = arith.index_cast %get3A_51 : i32 to index
    %get3A_53 = arith.constant 0 : index
    %get3A_54 = tpu.vector_load %arg8[%get3A_52, %get3A_53] {strides = array<i32>} : memref<32x16xf32, #tpu.memory_space<vmem>>, vector<16xf32>,
    %reduce_max3A_55 = arith.constant true
    %reduce_max3A_56 = vector.broadcast %reduce_max3A_55 : i1 to vector<16xi1>
    %reduce_max3A_57 = tpu.scan <max>, %get3A_54 masked %reduce_max3A_56 : vector<16xf32>, vector<16xi1> -> vector<16xf32>
    %reduce_max3A_58 = vector.extract %reduce_max3A_57[15] : f32 from vector<16xf32>
    %gt3A_59 = arith.constant 4 : i32
    %gt3A_60 = arith.cmpi sgt, %add3A, %gt3A_59 : i32
    %jit3A_61 = arith.constant 0.000000e+00 : f32
    %select_n3A_62 = arith.select %gt3A_60, %reduce_max3A_58, %jit3A_61 : f32
    %add3A_63 = arith.addf %add3A_50, %select_n3A_62 : f32
    %get3A_64 = arith.constant 5 : i32
    %get3A_65 = arith.index_cast %get3A_64 : i32 to index
    %get3A_66 = arith.constant 0 : index
    %get3A_67 = tpu.vector_load %arg8[%get3A_65, %get3A_66] {strides = array<i32>} : memref<32x16xf32, #tpu.memory_space<vmem>>, vector<16xf32>,
    %reduce_max3A_68 = arith.constant true
    %reduce_max3A_69 = vector.broadcast %reduce_max3A_68 : i1 to vector<16xi1>
    %reduce_max3A_70 = tpu.scan <max>, %get3A_67 masked %reduce_max3A_69 : vector<16xf32>, vector<16xi1> -> vector<16xf32>
    %reduce_max3A_71 = vector.extract %reduce_max3A_70[15] : f32 from vector<16xf32>
    %gt3A_72 = arith.constant 5 : i32
    %gt3A_73 = arith.cmpi sgt, %add3A, %gt3A_72 : i32
    %jit3A_74 = arith.constant 0.000000e+00 : f32
    %select_n3A_75 = arith.select %gt3A_73, %reduce_max3A_71, %jit3A_74 : f32
    %add3A_76 = arith.addf %add3A_63, %select_n3A_75 : f32
    %get3A_77 = arith.constant 6 : i32
    %get3A_78 = arith.index_cast %get3A_77 : i32 to index
    %get3A_79 = arith.constant 0 : index
    %get3A_80 = tpu.vector_load %arg8[%get3A_78, %get3A_79] {strides = array<i32>} : memref<32x16xf32, #tpu.memory_space<vmem>>, vector<16xf32>,
    %reduce_max3A_81 = arith.constant true
    %reduce_max3A_82 = vector.broadcast %reduce_max3A_81 : i1 to vector<16xi1>
    %reduce_max3A_83 = tpu.scan <max>, %get3A_80 masked %reduce_max3A_82 : vector<16xf32>, vector<16xi1> -> vector<16xf32>
    %reduce_max3A_84 = vector.extract %reduce_max3A_83[15] : f32 from vector<16xf32>
    %gt3A_85 = arith.constant 6 : i32
    %gt3A_86 = arith.cmpi sgt, %add3A, %gt3A_85 : i32
    %jit3A_87 = arith.constant 0.000000e+00 : f32
    %select_n3A_88 = arith.select %gt3A_86, %reduce_max3A_84, %jit3A_87 : f32
    %add3A_89 = arith.addf %add3A_76, %select_n3A_88 : f32
    %get3A_90 = arith.constant 7 : i32
    %get3A_91 = arith.index_cast %get3A_90 : i32 to index
    %get3A_92 = arith.constant 0 : index
    %get3A_93 = tpu.vector_load %arg8[%get3A_91, %get3A_92] {strides = array<i32>} : memref<32x16xf32, #tpu.memory_space<vmem>>, vector<16xf32>,
    %reduce_max3A_94 = arith.constant true
    %reduce_max3A_95 = vector.broadcast %reduce_max3A_94 : i1 to vector<16xi1>
    %reduce_max3A_96 = tpu.scan <max>, %get3A_93 masked %reduce_max3A_95 : vector<16xf32>, vector<16xi1> -> vector<16xf32>
    %reduce_max3A_97 = vector.extract %reduce_max3A_96[15] : f32 from vector<16xf32>
    %gt3A_98 = arith.constant 7 : i32
    %gt3A_99 = arith.cmpi sgt, %add3A, %gt3A_98 : i32
    %jit3A_100 = arith.constant 0.000000e+00 : f32
    %select_n3A_101 = arith.select %gt3A_99, %reduce_max3A_97, %jit3A_100 : f32
    %add3A_102 = arith.addf %add3A_89, %select_n3A_101 : f32
    %get3A_103 = arith.constant 8 : i32
    %get3A_104 = arith.index_cast %get3A_103 : i32 to index
    %get3A_105 = arith.constant 0 : index
    %get3A_106 = tpu.vector_load %arg8[%get3A_104, %get3A_105] {strides = array<i32>} : memref<32x16xf32, #tpu.memory_space<vmem>>, vector<16xf32>,
    %reduce_max3A_107 = arith.constant true
    %reduce_max3A_108 = vector.broadcast %reduce_max3A_107 : i1 to vector<16xi1>
    %reduce_max3A_109 = tpu.scan <max>, %get3A_106 masked %reduce_max3A_108 : vector<16xf32>, vector<16xi1> -> vector<16xf32>
    %reduce_max3A_110 = vector.extract %reduce_max3A_109[15] : f32 from vector<16xf32>
    %gt3A_111 = arith.constant 8 : i32
    %gt3A_112 = arith.cmpi sgt, %add3A, %gt3A_111 : i32
    %jit3A_113 = arith.constant 0.000000e+00 : f32
    %select_n3A_114 = arith.select %gt3A_112, %reduce_max3A_110, %jit3A_113 : f32
    %add3A_115 = arith.addf %add3A_102, %select_n3A_114 : f32
    %get3A_116 = arith.constant 9 : i32
    %get3A_117 = arith.index_cast %get3A_116 : i32 to index
    %get3A_118 = arith.constant 0 : index
    %get3A_119 = tpu.vector_load %arg8[%get3A_117, %get3A_118] {strides = array<i32>} : memref<32x16xf32, #tpu.memory_space<vmem>>, vector<16xf32>,
    %reduce_max3A_120 = arith.constant true
    %reduce_max3A_121 = vector.broadcast %reduce_max3A_120 : i1 to vector<16xi1>
    %reduce_max3A_122 = tpu.scan <max>, %get3A_119 masked %reduce_max3A_121 : vector<16xf32>, vector<16xi1> -> vector<16xf32>
    %reduce_max3A_123 = vector.extract %reduce_max3A_122[15] : f32 from vector<16xf32>
    %gt3A_124 = arith.constant 9 : i32
    %gt3A_125 = arith.cmpi sgt, %add3A, %gt3A_124 : i32
    %jit3A_126 = arith.constant 0.000000e+00 : f32
    %select_n3A_127 = arith.select %gt3A_125, %reduce_max3A_123, %jit3A_126 : f32
    %add3A_128 = arith.addf %add3A_115, %select_n3A_127 : f32
    %get3A_129 = arith.constant 10 : i32
    %get3A_130 = arith.index_cast %get3A_129 : i32 to index
    %get3A_131 = arith.constant 0 : index
    %get3A_132 = tpu.vector_load %arg8[%get3A_130, %get3A_131] {strides = array<i32>} : memref<32x16xf32, #tpu.memory_space<vmem>>, vector<16xf32>,
    %reduce_max3A_133 = arith.constant true
    %reduce_max3A_134 = vector.broadcast %reduce_max3A_133 : i1 to vector<16xi1>
    %reduce_max3A_135 = tpu.scan <max>, %get3A_132 masked %reduce_max3A_134 : vector<16xf32>, vector<16xi1> -> vector<16xf32>
    %reduce_max3A_136 = vector.extract %reduce_max3A_135[15] : f32 from vector<16xf32>
    %gt3A_137 = arith.constant 10 : i32
    %gt3A_138 = arith.cmpi sgt, %add3A, %gt3A_137 : i32
    %jit3A_139 = arith.constant 0.000000e+00 : f32
    %select_n3A_140 = arith.select %gt3A_138, %reduce_max3A_136, %jit3A_139 : f32
    %add3A_141 = arith.addf %add3A_128, %select_n3A_140 : f32
    %get3A_142 = arith.constant 11 : i32
    %get3A_143 = arith.index_cast %get3A_142 : i32 to index
    %get3A_144 = arith.constant 0 : index
    %get3A_145 = tpu.vector_load %arg8[%get3A_143, %get3A_144] {strides = array<i32>} : memref<32x16xf32, #tpu.memory_space<vmem>>, vector<16xf32>,
    %reduce_max3A_146 = arith.constant true
    %reduce_max3A_147 = vector.broadcast %reduce_max3A_146 : i1 to vector<16xi1>
    %reduce_max3A_148 = tpu.scan <max>, %get3A_145 masked %reduce_max3A_147 : vector<16xf32>, vector<16xi1> -> vector<16xf32>
    %reduce_max3A_149 = vector.extract %reduce_max3A_148[15] : f32 from vector<16xf32>
    %gt3A_150 = arith.constant 11 : i32
    %gt3A_151 = arith.cmpi sgt, %add3A, %gt3A_150 : i32
    %jit3A_152 = arith.constant 0.000000e+00 : f32
    %select_n3A_153 = arith.select %gt3A_151, %reduce_max3A_149, %jit3A_152 : f32
    %add3A_154 = arith.addf %add3A_141, %select_n3A_153 : f32
    %get3A_155 = arith.constant 12 : i32
    %get3A_156 = arith.index_cast %get3A_155 : i32 to index
    %get3A_157 = arith.constant 0 : index
    %get3A_158 = tpu.vector_load %arg8[%get3A_156, %get3A_157] {strides = array<i32>} : memref<32x16xf32, #tpu.memory_space<vmem>>, vector<16xf32>,
    %reduce_max3A_159 = arith.constant true
    %reduce_max3A_160 = vector.broadcast %reduce_max3A_159 : i1 to vector<16xi1>
    %reduce_max3A_161 = tpu.scan <max>, %get3A_158 masked %reduce_max3A_160 : vector<16xf32>, vector<16xi1> -> vector<16xf32>
    %reduce_max3A_162 = vector.extract %reduce_max3A_161[15] : f32 from vector<16xf32>
    %gt3A_163 = arith.constant 12 : i32
    %gt3A_164 = arith.cmpi sgt, %add3A, %gt3A_163 : i32
    %jit3A_165 = arith.constant 0.000000e+00 : f32
    %select_n3A_166 = arith.select %gt3A_164, %reduce_max3A_162, %jit3A_165 : f32
    %add3A_167 = arith.addf %add3A_154, %select_n3A_166 : f32
    %get3A_168 = arith.constant 13 : i32
    %get3A_169 = arith.index_cast %get3A_168 : i32 to index
    %get3A_170 = arith.constant 0 : index
    %get3A_171 = tpu.vector_load %arg8[%get3A_169, %get3A_170] {strides = array<i32>} : memref<32x16xf32, #tpu.memory_space<vmem>>, vector<16xf32>,
    %reduce_max3A_172 = arith.constant true
    %reduce_max3A_173 = vector.broadcast %reduce_max3A_172 : i1 to vector<16xi1>
    %reduce_max3A_174 = tpu.scan <max>, %get3A_171 masked %reduce_max3A_173 : vector<16xf32>, vector<16xi1> -> vector<16xf32>
    %reduce_max3A_175 = vector.extract %reduce_max3A_174[15] : f32 from vector<16xf32>
    %gt3A_176 = arith.constant 13 : i32
    %gt3A_177 = arith.cmpi sgt, %add3A, %gt3A_176 : i32
    %jit3A_178 = arith.constant 0.000000e+00 : f32
    %select_n3A_179 = arith.select %gt3A_177, %reduce_max3A_175, %jit3A_178 : f32
    %add3A_180 = arith.addf %add3A_167, %select_n3A_179 : f32
    %get3A_181 = arith.constant 14 : i32
    %get3A_182 = arith.index_cast %get3A_181 : i32 to index
    %get3A_183 = arith.constant 0 : index
    %get3A_184 = tpu.vector_load %arg8[%get3A_182, %get3A_183] {strides = array<i32>} : memref<32x16xf32, #tpu.memory_space<vmem>>, vector<16xf32>,
    %reduce_max3A_185 = arith.constant true
    %reduce_max3A_186 = vector.broadcast %reduce_max3A_185 : i1 to vector<16xi1>
    %reduce_max3A_187 = tpu.scan <max>, %get3A_184 masked %reduce_max3A_186 : vector<16xf32>, vector<16xi1> -> vector<16xf32>
    %reduce_max3A_188 = vector.extract %reduce_max3A_187[15] : f32 from vector<16xf32>
    %gt3A_189 = arith.constant 14 : i32
    %gt3A_190 = arith.cmpi sgt, %add3A, %gt3A_189 : i32
    %jit3A_191 = arith.constant 0.000000e+00 : f32
    %select_n3A_192 = arith.select %gt3A_190, %reduce_max3A_188, %jit3A_191 : f32
    %add3A_193 = arith.addf %add3A_180, %select_n3A_192 : f32
    %get3A_194 = arith.constant 15 : i32
    %get3A_195 = arith.index_cast %get3A_194 : i32 to index
    %get3A_196 = arith.constant 0 : index
    %get3A_197 = tpu.vector_load %arg8[%get3A_195, %get3A_196] {strides = array<i32>} : memref<32x16xf32, #tpu.memory_space<vmem>>, vector<16xf32>,
    %reduce_max3A_198 = arith.constant true
    %reduce_max3A_199 = vector.broadcast %reduce_max3A_198 : i1 to vector<16xi1>
    %reduce_max3A_200 = tpu.scan <max>, %get3A_197 masked %reduce_max3A_199 : vector<16xf32>, vector<16xi1> -> vector<16xf32>
    %reduce_max3A_201 = vector.extract %reduce_max3A_200[15] : f32 from vector<16xf32>
    %gt3A_202 = arith.constant 15 : i32
    %gt3A_203 = arith.cmpi sgt, %add3A, %gt3A_202 : i32
    %jit3A_204 = arith.constant 0.000000e+00 : f32
    %select_n3A_205 = arith.select %gt3A_203, %reduce_max3A_201, %jit3A_204 : f32
    %add3A_206 = arith.addf %add3A_193, %select_n3A_205 : f32
    %get3A_207 = arith.constant 16 : i32
    %get3A_208 = arith.index_cast %get3A_207 : i32 to index
    %get3A_209 = arith.constant 0 : index
    %get3A_210 = tpu.vector_load %arg8[%get3A_208, %get3A_209] {strides = array<i32>} : memref<32x16xf32, #tpu.memory_space<vmem>>, vector<16xf32>,
    %reduce_max3A_211 = arith.constant true
    %reduce_max3A_212 = vector.broadcast %reduce_max3A_211 : i1 to vector<16xi1>
    %reduce_max3A_213 = tpu.scan <max>, %get3A_210 masked %reduce_max3A_212 : vector<16xf32>, vector<16xi1> -> vector<16xf32>
    %reduce_max3A_214 = vector.extract %reduce_max3A_213[15] : f32 from vector<16xf32>
    %gt3A_215 = arith.constant 16 : i32
    %gt3A_216 = arith.cmpi sgt, %add3A, %gt3A_215 : i32
    %jit3A_217 = arith.constant 0.000000e+00 : f32
    %select_n3A_218 = arith.select %gt3A_216, %reduce_max3A_214, %jit3A_217 : f32
    %add3A_219 = arith.addf %add3A_206, %select_n3A_218 : f32
    %get3A_220 = arith.constant 17 : i32
    %get3A_221 = arith.index_cast %get3A_220 : i32 to index
    %get3A_222 = arith.constant 0 : index
    %get3A_223 = tpu.vector_load %arg8[%get3A_221, %get3A_222] {strides = array<i32>} : memref<32x16xf32, #tpu.memory_space<vmem>>, vector<16xf32>,
    %reduce_max3A_224 = arith.constant true
    %reduce_max3A_225 = vector.broadcast %reduce_max3A_224 : i1 to vector<16xi1>
    %reduce_max3A_226 = tpu.scan <max>, %get3A_223 masked %reduce_max3A_225 : vector<16xf32>, vector<16xi1> -> vector<16xf32>
    %reduce_max3A_227 = vector.extract %reduce_max3A_226[15] : f32 from vector<16xf32>
    %gt3A_228 = arith.constant 17 : i32
    %gt3A_229 = arith.cmpi sgt, %add3A, %gt3A_228 : i32
    %jit3A_230 = arith.constant 0.000000e+00 : f32
    %select_n3A_231 = arith.select %gt3A_229, %reduce_max3A_227, %jit3A_230 : f32
    %add3A_232 = arith.addf %add3A_219, %select_n3A_231 : f32
    %get3A_233 = arith.constant 18 : i32
    %get3A_234 = arith.index_cast %get3A_233 : i32 to index
    %get3A_235 = arith.constant 0 : index
    %get3A_236 = tpu.vector_load %arg8[%get3A_234, %get3A_235] {strides = array<i32>} : memref<32x16xf32, #tpu.memory_space<vmem>>, vector<16xf32>,
    %reduce_max3A_237 = arith.constant true
    %reduce_max3A_238 = vector.broadcast %reduce_max3A_237 : i1 to vector<16xi1>
    %reduce_max3A_239 = tpu.scan <max>, %get3A_236 masked %reduce_max3A_238 : vector<16xf32>, vector<16xi1> -> vector<16xf32>
    %reduce_max3A_240 = vector.extract %reduce_max3A_239[15] : f32 from vector<16xf32>
    %gt3A_241 = arith.constant 18 : i32
    %gt3A_242 = arith.cmpi sgt, %add3A, %gt3A_241 : i32
    %jit3A_243 = arith.constant 0.000000e+00 : f32
    %select_n3A_244 = arith.select %gt3A_242, %reduce_max3A_240, %jit3A_243 : f32
    %add3A_245 = arith.addf %add3A_232, %select_n3A_244 : f32
    %get3A_246 = arith.constant 19 : i32
    %get3A_247 = arith.index_cast %get3A_246 : i32 to index
    %get3A_248 = arith.constant 0 : index
    %get3A_249 = tpu.vector_load %arg8[%get3A_247, %get3A_248] {strides = array<i32>} : memref<32x16xf32, #tpu.memory_space<vmem>>, vector<16xf32>,
    %reduce_max3A_250 = arith.constant true
    %reduce_max3A_251 = vector.broadcast %reduce_max3A_250 : i1 to vector<16xi1>
    %reduce_max3A_252 = tpu.scan <max>, %get3A_249 masked %reduce_max3A_251 : vector<16xf32>, vector<16xi1> -> vector<16xf32>
    %reduce_max3A_253 = vector.extract %reduce_max3A_252[15] : f32 from vector<16xf32>
    %gt3A_254 = arith.constant 19 : i32
    %gt3A_255 = arith.cmpi sgt, %add3A, %gt3A_254 : i32
    %jit3A_256 = arith.constant 0.000000e+00 : f32
    %select_n3A_257 = arith.select %gt3A_255, %reduce_max3A_253, %jit3A_256 : f32
    %add3A_258 = arith.addf %add3A_245, %select_n3A_257 : f32
    %get3A_259 = arith.constant 20 : i32
    %get3A_260 = arith.index_cast %get3A_259 : i32 to index
    %get3A_261 = arith.constant 0 : index
    %get3A_262 = tpu.vector_load %arg8[%get3A_260, %get3A_261] {strides = array<i32>} : memref<32x16xf32, #tpu.memory_space<vmem>>, vector<16xf32>,
    %reduce_max3A_263 = arith.constant true
    %reduce_max3A_264 = vector.broadcast %reduce_max3A_263 : i1 to vector<16xi1>
    %reduce_max3A_265 = tpu.scan <max>, %get3A_262 masked %reduce_max3A_264 : vector<16xf32>, vector<16xi1> -> vector<16xf32>
    %reduce_max3A_266 = vector.extract %reduce_max3A_265[15] : f32 from vector<16xf32>
    %gt3A_267 = arith.constant 20 : i32
    %gt3A_268 = arith.cmpi sgt, %add3A, %gt3A_267 : i32
    %jit3A_269 = arith.constant 0.000000e+00 : f32
    %select_n3A_270 = arith.select %gt3A_268, %reduce_max3A_266, %jit3A_269 : f32
    %add3A_271 = arith.addf %add3A_258, %select_n3A_270 : f32
    %get3A_272 = arith.constant 21 : i32
    %get3A_273 = arith.index_cast %get3A_272 : i32 to index
    %get3A_274 = arith.constant 0 : index
    %get3A_275 = tpu.vector_load %arg8[%get3A_273, %get3A_274] {strides = array<i32>} : memref<32x16xf32, #tpu.memory_space<vmem>>, vector<16xf32>,
    %reduce_max3A_276 = arith.constant true
    %reduce_max3A_277 = vector.broadcast %reduce_max3A_276 : i1 to vector<16xi1>
    %reduce_max3A_278 = tpu.scan <max>, %get3A_275 masked %reduce_max3A_277 : vector<16xf32>, vector<16xi1> -> vector<16xf32>
    %reduce_max3A_279 = vector.extract %reduce_max3A_278[15] : f32 from vector<16xf32>
    %gt3A_280 = arith.constant 21 : i32
    %gt3A_281 = arith.cmpi sgt, %add3A, %gt3A_280 : i32
    %jit3A_282 = arith.constant 0.000000e+00 : f32
    %select_n3A_283 = arith.select %gt3A_281, %reduce_max3A_279, %jit3A_282 : f32
    %add3A_284 = arith.addf %add3A_271, %select_n3A_283 : f32
    %get3A_285 = arith.constant 22 : i32
    %get3A_286 = arith.index_cast %get3A_285 : i32 to index
    %get3A_287 = arith.constant 0 : index
    %get3A_288 = tpu.vector_load %arg8[%get3A_286, %get3A_287] {strides = array<i32>} : memref<32x16xf32, #tpu.memory_space<vmem>>, vector<16xf32>,
    %reduce_max3A_289 = arith.constant true
    %reduce_max3A_290 = vector.broadcast %reduce_max3A_289 : i1 to vector<16xi1>
    %reduce_max3A_291 = tpu.scan <max>, %get3A_288 masked %reduce_max3A_290 : vector<16xf32>, vector<16xi1> -> vector<16xf32>
    %reduce_max3A_292 = vector.extract %reduce_max3A_291[15] : f32 from vector<16xf32>
    %gt3A_293 = arith.constant 22 : i32
    %gt3A_294 = arith.cmpi sgt, %add3A, %gt3A_293 : i32
    %jit3A_295 = arith.constant 0.000000e+00 : f32
    %select_n3A_296 = arith.select %gt3A_294, %reduce_max3A_292, %jit3A_295 : f32
    %add3A_297 = arith.addf %add3A_284, %select_n3A_296 : f32
    %get3A_298 = arith.constant 23 : i32
    %get3A_299 = arith.index_cast %get3A_298 : i32 to index
    %get3A_300 = arith.constant 0 : index
    %get3A_301 = tpu.vector_load %arg8[%get3A_299, %get3A_300] {strides = array<i32>} : memref<32x16xf32, #tpu.memory_space<vmem>>, vector<16xf32>,
    %reduce_max3A_302 = arith.constant true
    %reduce_max3A_303 = vector.broadcast %reduce_max3A_302 : i1 to vector<16xi1>
    %reduce_max3A_304 = tpu.scan <max>, %get3A_301 masked %reduce_max3A_303 : vector<16xf32>, vector<16xi1> -> vector<16xf32>
    %reduce_max3A_305 = vector.extract %reduce_max3A_304[15] : f32 from vector<16xf32>
    %gt3A_306 = arith.constant 23 : i32
    %gt3A_307 = arith.cmpi sgt, %add3A, %gt3A_306 : i32
    %jit3A_308 = arith.constant 0.000000e+00 : f32
    %select_n3A_309 = arith.select %gt3A_307, %reduce_max3A_305, %jit3A_308 : f32
    %add3A_310 = arith.addf %add3A_297, %select_n3A_309 : f32
    %get3A_311 = arith.constant 24 : i32
    %get3A_312 = arith.index_cast %get3A_311 : i32 to index
    %get3A_313 = arith.constant 0 : index
    %get3A_314 = tpu.vector_load %arg8[%get3A_312, %get3A_313] {strides = array<i32>} : memref<32x16xf32, #tpu.memory_space<vmem>>, vector<16xf32>,
    %reduce_max3A_315 = arith.constant true
    %reduce_max3A_316 = vector.broadcast %reduce_max3A_315 : i1 to vector<16xi1>
    %reduce_max3A_317 = tpu.scan <max>, %get3A_314 masked %reduce_max3A_316 : vector<16xf32>, vector<16xi1> -> vector<16xf32>
    %reduce_max3A_318 = vector.extract %reduce_max3A_317[15] : f32 from vector<16xf32>
    %gt3A_319 = arith.constant 24 : i32
    %gt3A_320 = arith.cmpi sgt, %add3A, %gt3A_319 : i32
    %jit3A_321 = arith.constant 0.000000e+00 : f32
    %select_n3A_322 = arith.select %gt3A_320, %reduce_max3A_318, %jit3A_321 : f32
    %add3A_323 = arith.addf %add3A_310, %select_n3A_322 : f32
    %get3A_324 = arith.constant 25 : i32
    %get3A_325 = arith.index_cast %get3A_324 : i32 to index
    %get3A_326 = arith.constant 0 : index
    %get3A_327 = tpu.vector_load %arg8[%get3A_325, %get3A_326] {strides = array<i32>} : memref<32x16xf32, #tpu.memory_space<vmem>>, vector<16xf32>,
    %reduce_max3A_328 = arith.constant true
    %reduce_max3A_329 = vector.broadcast %reduce_max3A_328 : i1 to vector<16xi1>
    %reduce_max3A_330 = tpu.scan <max>, %get3A_327 masked %reduce_max3A_329 : vector<16xf32>, vector<16xi1> -> vector<16xf32>
    %reduce_max3A_331 = vector.extract %reduce_max3A_330[15] : f32 from vector<16xf32>
    %gt3A_332 = arith.constant 25 : i32
    %gt3A_333 = arith.cmpi sgt, %add3A, %gt3A_332 : i32
    %jit3A_334 = arith.constant 0.000000e+00 : f32
    %select_n3A_335 = arith.select %gt3A_333, %reduce_max3A_331, %jit3A_334 : f32
    %add3A_336 = arith.addf %add3A_323, %select_n3A_335 : f32
    %get3A_337 = arith.constant 26 : i32
    %get3A_338 = arith.index_cast %get3A_337 : i32 to index
    %get3A_339 = arith.constant 0 : index
    %get3A_340 = tpu.vector_load %arg8[%get3A_338, %get3A_339] {strides = array<i32>} : memref<32x16xf32, #tpu.memory_space<vmem>>, vector<16xf32>,
    %reduce_max3A_341 = arith.constant true
    %reduce_max3A_342 = vector.broadcast %reduce_max3A_341 : i1 to vector<16xi1>
    %reduce_max3A_343 = tpu.scan <max>, %get3A_340 masked %reduce_max3A_342 : vector<16xf32>, vector<16xi1> -> vector<16xf32>
    %reduce_max3A_344 = vector.extract %reduce_max3A_343[15] : f32 from vector<16xf32>
    %gt3A_345 = arith.constant 26 : i32
    %gt3A_346 = arith.cmpi sgt, %add3A, %gt3A_345 : i32
    %jit3A_347 = arith.constant 0.000000e+00 : f32
    %select_n3A_348 = arith.select %gt3A_346, %reduce_max3A_344, %jit3A_347 : f32
    %add3A_349 = arith.addf %add3A_336, %select_n3A_348 : f32
    %get3A_350 = arith.constant 27 : i32
    %get3A_351 = arith.index_cast %get3A_350 : i32 to index
    %get3A_352 = arith.constant 0 : index
    %get3A_353 = tpu.vector_load %arg8[%get3A_351, %get3A_352] {strides = array<i32>} : memref<32x16xf32, #tpu.memory_space<vmem>>, vector<16xf32>,
    %reduce_max3A_354 = arith.constant true
    %reduce_max3A_355 = vector.broadcast %reduce_max3A_354 : i1 to vector<16xi1>
    %reduce_max3A_356 = tpu.scan <max>, %get3A_353 masked %reduce_max3A_355 : vector<16xf32>, vector<16xi1> -> vector<16xf32>
    %reduce_max3A_357 = vector.extract %reduce_max3A_356[15] : f32 from vector<16xf32>
    %gt3A_358 = arith.constant 27 : i32
    %gt3A_359 = arith.cmpi sgt, %add3A, %gt3A_358 : i32
    %jit3A_360 = arith.constant 0.000000e+00 : f32
    %select_n3A_361 = arith.select %gt3A_359, %reduce_max3A_357, %jit3A_360 : f32
    %add3A_362 = arith.addf %add3A_349, %select_n3A_361 : f32
    %get3A_363 = arith.constant 28 : i32
    %get3A_364 = arith.index_cast %get3A_363 : i32 to index
    %get3A_365 = arith.constant 0 : index
    %get3A_366 = tpu.vector_load %arg8[%get3A_364, %get3A_365] {strides = array<i32>} : memref<32x16xf32, #tpu.memory_space<vmem>>, vector<16xf32>,
    %reduce_max3A_367 = arith.constant true
    %reduce_max3A_368 = vector.broadcast %reduce_max3A_367 : i1 to vector<16xi1>
    %reduce_max3A_369 = tpu.scan <max>, %get3A_366 masked %reduce_max3A_368 : vector<16xf32>, vector<16xi1> -> vector<16xf32>
    %reduce_max3A_370 = vector.extract %reduce_max3A_369[15] : f32 from vector<16xf32>
    %gt3A_371 = arith.constant 28 : i32
    %gt3A_372 = arith.cmpi sgt, %add3A, %gt3A_371 : i32
    %jit3A_373 = arith.constant 0.000000e+00 : f32
    %select_n3A_374 = arith.select %gt3A_372, %reduce_max3A_370, %jit3A_373 : f32
    %add3A_375 = arith.addf %add3A_362, %select_n3A_374 : f32
    %get3A_376 = arith.constant 29 : i32
    %get3A_377 = arith.index_cast %get3A_376 : i32 to index
    %get3A_378 = arith.constant 0 : index
    %get3A_379 = tpu.vector_load %arg8[%get3A_377, %get3A_378] {strides = array<i32>} : memref<32x16xf32, #tpu.memory_space<vmem>>, vector<16xf32>,
    %reduce_max3A_380 = arith.constant true
    %reduce_max3A_381 = vector.broadcast %reduce_max3A_380 : i1 to vector<16xi1>
    %reduce_max3A_382 = tpu.scan <max>, %get3A_379 masked %reduce_max3A_381 : vector<16xf32>, vector<16xi1> -> vector<16xf32>
    %reduce_max3A_383 = vector.extract %reduce_max3A_382[15] : f32 from vector<16xf32>
    %gt3A_384 = arith.constant 29 : i32
    %gt3A_385 = arith.cmpi sgt, %add3A, %gt3A_384 : i32
    %jit3A_386 = arith.constant 0.000000e+00 : f32
    %select_n3A_387 = arith.select %gt3A_385, %reduce_max3A_383, %jit3A_386 : f32
    %add3A_388 = arith.addf %add3A_375, %select_n3A_387 : f32
    %get3A_389 = arith.constant 30 : i32
    %get3A_390 = arith.index_cast %get3A_389 : i32 to index
    %get3A_391 = arith.constant 0 : index
    %get3A_392 = tpu.vector_load %arg8[%get3A_390, %get3A_391] {strides = array<i32>} : memref<32x16xf32, #tpu.memory_space<vmem>>, vector<16xf32>,
    %reduce_max3A_393 = arith.constant true
    %reduce_max3A_394 = vector.broadcast %reduce_max3A_393 : i1 to vector<16xi1>
    %reduce_max3A_395 = tpu.scan <max>, %get3A_392 masked %reduce_max3A_394 : vector<16xf32>, vector<16xi1> -> vector<16xf32>
    %reduce_max3A_396 = vector.extract %reduce_max3A_395[15] : f32 from vector<16xf32>
    %gt3A_397 = arith.constant 30 : i32
    %gt3A_398 = arith.cmpi sgt, %add3A, %gt3A_397 : i32
    %jit3A_399 = arith.constant 0.000000e+00 : f32
    %select_n3A_400 = arith.select %gt3A_398, %reduce_max3A_396, %jit3A_399 : f32
    %add3A_401 = arith.addf %add3A_388, %select_n3A_400 : f32
    %get3A_402 = arith.constant 31 : i32
    %get3A_403 = arith.index_cast %get3A_402 : i32 to index
    %get3A_404 = arith.constant 0 : index
    %get3A_405 = tpu.vector_load %arg8[%get3A_403, %get3A_404] {strides = array<i32>} : memref<32x16xf32, #tpu.memory_space<vmem>>, vector<16xf32>,
    %reduce_max3A_406 = arith.constant true
    %reduce_max3A_407 = vector.broadcast %reduce_max3A_406 : i1 to vector<16xi1>
    %reduce_max3A_408 = tpu.scan <max>, %get3A_405 masked %reduce_max3A_407 : vector<16xf32>, vector<16xi1> -> vector<16xf32>
    %reduce_max3A_409 = vector.extract %reduce_max3A_408[15] : f32 from vector<16xf32>
    %gt3A_410 = arith.constant 31 : i32
    %gt3A_411 = arith.cmpi sgt, %add3A, %gt3A_410 : i32
    %jit3A_412 = arith.constant 0.000000e+00 : f32
    %select_n3A_413 = arith.select %gt3A_411, %reduce_max3A_409, %jit3A_412 : f32
    %add3A_414 = arith.addf %add3A_401, %select_n3A_413 : f32
    %scan3A = arith.constant 0 : i32
    %scan3A_415 = arith.constant 2048 : i32
    %scan3A_416 = arith.addi %scan3A, %scan3A_415 : i32
    %scan3A_417 = arith.constant 1 : i32
    %scan3A_418 = scf.for %scan3A_431 = %scan3A to %scan3A_416 step %scan3A_417 iter_args(%scan3A_432 = %add3A_414) -> (f32)  : i32 {
      %mul3A_433 = arith.constant 16 : i32
      %mul3A_434 = arith.muli %scan3A_431, %mul3A_433 : i32
      %get3A_435 = arith.index_cast %mul3A_434 : i32 to index
      %get3A_436 = tpu.vector_load %arg6[%get3A_435] {strides = array<i32>} : memref<32768xf32, #tpu.memory_space<vmem>>, vector<16xf32>,
      %broadcast_in_dim3A = arith.constant true
      %broadcast_in_dim3A_437 = vector.broadcast %broadcast_in_dim3A : i1 to vector<16xi1>
      %masked_cumsum3A = tpu.scan <sum>, %get3A_436 masked %broadcast_in_dim3A_437 : vector<16xf32>, vector<16xi1> -> vector<16xf32>
      %add3A_438 = vector.broadcast %scan3A_432 : f32 to vector<16xf32>
      %add3A_439 = arith.addf %masked_cumsum3A, %add3A_438 : vector<16xf32>
      %mul3A_440 = arith.constant 16 : i32
      %mul3A_441 = arith.muli %scan3A_431, %mul3A_440 : i32
      %swap3A = arith.index_cast %mul3A_441 : i32 to index
      %swap3A_442 = tpu.vector_load %arg7[%swap3A] {strides = array<i32>} : memref<32768xf32, #tpu.memory_space<vmem>>, vector<16xf32>,
      tpu.vector_store %arg7[%swap3A], %add3A_439 {strides = array<i32>} : memref<32768xf32, #tpu.memory_space<vmem>>, vector<16xf32>,
      %reduce_sum3A = arith.constant true
      %reduce_sum3A_443 = vector.broadcast %reduce_sum3A : i1 to vector<16xi1>
      %reduce_sum3A_444 = tpu.scan <sum>, %get3A_436 masked %reduce_sum3A_443 : vector<16xf32>, vector<16xi1> -> vector<16xf32>
      %reduce_sum3A_445 = vector.extract %reduce_sum3A_444[15] : f32 from vector<16xf32>
      %add3A_446 = arith.addf %scan3A_432, %reduce_sum3A_445 : f32
      scf.yield %add3A_446 : f32
    }
    %scan3A_419 = arith.constant 2048 : i32
    %iota3A = tpu.iota {dimensions = array<i32: 0>} : vector<16xi32>
    %scan3A_420 = arith.constant 0 : i32
    %scan3A_421 = arith.constant 0 : i32
    %scan3A_422 = arith.constant 64 : i32
    %scan3A_423 = arith.addi %scan3A_421, %scan3A_422 : i32
    %scan3A_424 = arith.constant 1 : i32
    %scan3A_425 = scf.for %scan3A_431 = %scan3A_421 to %scan3A_423 step %scan3A_424 iter_args(%scan3A_432 = %scan3A_420) -> (i32)  : i32 {
      %mul3A_433 = arith.constant 16 : i32
      %mul3A_434 = arith.muli %scan3A_431, %mul3A_433 : i32
      %add3A_435 = vector.broadcast %mul3A_434 : i32 to vector<16xi32>
      %add3A_436 = arith.addi %add3A_435, %iota3A : vector<16xi32>
      %mul3A_437 = arith.constant 32 : i32
      %mul3A_438 = vector.broadcast %mul3A_437 : i32 to vector<16xi32>
      %mul3A_439 = arith.muli %add3A_436, %mul3A_438 : vector<16xi32>
      %add3A_440 = arith.constant 31 : i32
      %add3A_441 = vector.broadcast %add3A_440 : i32 to vector<16xi32>
      %add3A_442 = arith.addi %mul3A_439, %add3A_441 : vector<16xi32>
      %gather3A = tpu.vector_load_idx %arg7[%add3A_442] : memref<32768xf32, #tpu.memory_space<vmem>>[vector<16xi32>], vector<16xf32>,
      %mul3A_443 = arith.constant 16 : i32
      %mul3A_444 = arith.muli %scan3A_431, %mul3A_443 : i32
      %swap3A = arith.index_cast %mul3A_444 : i32 to index
      %swap3A_445 = tpu.vector_load %arg9[%swap3A] {strides = array<i32>} : memref<1024xf32, #tpu.memory_space<vmem>>, vector<16xf32>,
      tpu.vector_store %arg9[%swap3A], %gather3A {strides = array<i32>} : memref<1024xf32, #tpu.memory_space<vmem>>, vector<16xf32>,
      %scan3A_446 = arith.constant 0 : i32
      scf.yield %scan3A_446 : i32
    }
    %scan3A_426 = arith.constant 64 : i32
    %mul3A_427 = arith.constant 32768 : i32
    %mul3A_428 = arith.muli %add3A, %mul3A_427 : i32
    "tpu.region"() ({
      %run_scoped3A = tpu.sem_alloc : memref<!tpu.dma_semaphore, #tpu.memory_space<semaphore_mem>>
      %dma_start3A = tpu.memref_slice %arg4[%mul3A_428] : memref<1048576xf32, #tpu.memory_space<hbm>> -> memref<32768xf32, #tpu.memory_space<hbm>>
      %dma_start3A_431 = tpu.memref_slice %arg4[%mul3A_428] : memref<1048576xf32, #tpu.memory_space<hbm>> -> memref<32768xf32, #tpu.memory_space<hbm>>
      tpu.enqueue_dma source(%arg7 : memref<32768xf32, #tpu.memory_space<vmem>>) target(%dma_start3A_431 : memref<32768xf32, #tpu.memory_space<hbm>>) target_semaphore(%run_scoped3A : memref<!tpu.dma_semaphore, #tpu.memory_space<semaphore_mem>>)
      %dma_wait3A = tpu.memref_slice %arg4[%mul3A_428] : memref<1048576xf32, #tpu.memory_space<hbm>> -> memref<32768xf32, #tpu.memory_space<hbm>>
      %dma_wait3A_432 = tpu.memref_slice %arg4[%mul3A_428] : memref<1048576xf32, #tpu.memory_space<hbm>> -> memref<32768xf32, #tpu.memory_space<hbm>>
      tpu.wait_dma2 semaphore(%run_scoped3A : memref<!tpu.dma_semaphore, #tpu.memory_space<semaphore_mem>>) src(%arg7 : memref<32768xf32, #tpu.memory_space<vmem>>) dst(%dma_wait3A_432 : memref<32768xf32, #tpu.memory_space<hbm>>)
      tpu.yield
    }) : () -> ()
    %mul3A_429 = arith.constant 1024 : i32
    %mul3A_430 = arith.muli %add3A, %mul3A_429 : i32
    "tpu.region"() ({
      %run_scoped3A = tpu.sem_alloc : memref<!tpu.dma_semaphore, #tpu.memory_space<semaphore_mem>>
      %dma_start3A = tpu.memref_slice %arg5[%mul3A_430] : memref<32768xf32, #tpu.memory_space<hbm>> -> memref<1024xf32, #tpu.memory_space<hbm>>
      %dma_start3A_431 = tpu.memref_slice %arg5[%mul3A_430] : memref<32768xf32, #tpu.memory_space<hbm>> -> memref<1024xf32, #tpu.memory_space<hbm>>
      tpu.enqueue_dma source(%arg9 : memref<1024xf32, #tpu.memory_space<vmem>>) target(%dma_start3A_431 : memref<1024xf32, #tpu.memory_space<hbm>>) target_semaphore(%run_scoped3A : memref<!tpu.dma_semaphore, #tpu.memory_space<semaphore_mem>>)
      %dma_wait3A = tpu.memref_slice %arg5[%mul3A_430] : memref<32768xf32, #tpu.memory_space<hbm>> -> memref<1024xf32, #tpu.memory_space<hbm>>
      %dma_wait3A_432 = tpu.memref_slice %arg5[%mul3A_430] : memref<32768xf32, #tpu.memory_space<hbm>> -> memref<1024xf32, #tpu.memory_space<hbm>>
      tpu.wait_dma2 semaphore(%run_scoped3A : memref<!tpu.dma_semaphore, #tpu.memory_space<semaphore_mem>>) src(%arg9 : memref<1024xf32, #tpu.memory_space<vmem>>) dst(%dma_wait3A_432 : memref<1024xf32, #tpu.memory_space<hbm>>)
      tpu.yield
    }) : () -> ()
    return
  }
}

module attributes {stable_mosaic.version = 14 : i64} {
  func.func @body(%arg0: memref<1024x1008xf32, #tpu.memory_space<vmem>>) attributes {dimension_semantics = [], scalar_prefetch = 0 : i64, scratch_operands = 0 : i64, tpu.core_type = #tpu.core_type<tc>} {
    %prng_seed3A = arith.constant 42 : i32
    "tpu.prng_set_seed_32"(%prng_seed3A) : (i32) -> ()
    %prng_random_bits3A = "tpu.prng_random_bits"() : () -> vector<1024x1008xi32>
    %shift_right_logical3A = arith.constant 8 : i32
    %shift_right_logical3A_0 = vector.broadcast %shift_right_logical3A : i32 to vector<1024x1008xi32>
    %shift_right_logical3A_1 = arith.shrui %prng_random_bits3A, %shift_right_logical3A_0 : vector<1024x1008xi32>
    %convert_element_type3A = arith.uitofp %shift_right_logical3A_1 : vector<1024x1008xi32> to vector<1024x1008xf32>
    %mul3A = arith.constant 5.96046448E-8 : f32
    %mul3A_2 = vector.broadcast %mul3A : f32 to vector<1024x1008xf32>
    %mul3A_3 = arith.mulf %convert_element_type3A, %mul3A_2 : vector<1024x1008xf32>
    %iota3A = tpu.iota {dimensions = array<i32: 1>} : vector<1024x1008xi32>
    %lt3A = arith.constant 1000 : i32
    %lt3A_4 = vector.broadcast %lt3A : i32 to vector<1024x1008xi32>
    %lt3A_5 = arith.cmpi slt, %iota3A, %lt3A_4 : vector<1024x1008xi32>
    %convert_element_type3A_6 = arith.sitofp %iota3A : vector<1024x1008xi32> to vector<1024x1008xf32>
    %add3A = arith.addf %convert_element_type3A_6, %mul3A_3 : vector<1024x1008xf32>
    %mul3A_7 = arith.constant 1.000000e-03 : f32
    %mul3A_8 = vector.broadcast %mul3A_7 : f32 to vector<1024x1008xf32>
    %mul3A_9 = arith.mulf %add3A, %mul3A_8 : vector<1024x1008xf32>
    %jit3A = arith.constant 0.000000e+00 : f32
    %broadcast_in_dim3A = vector.broadcast %jit3A : f32 to vector<1024x1008xf32>
    %select_n3A = arith.select %lt3A_5, %mul3A_9, %broadcast_in_dim3A : vector<1024x1008xi1>, vector<1024x1008xf32>
    %swap3A = arith.constant 0 : index
    %swap3A_10 = arith.constant 0 : index
    %swap3A_11 = vector.load %arg0[%swap3A, %swap3A_10] : memref<1024x1008xf32, #tpu.memory_space<vmem>>, vector<1024x1008xf32>
    tpu.vector_store %arg0[%swap3A, %swap3A_10], %select_n3A {strides = array<i32>} : memref<1024x1008xf32, #tpu.memory_space<vmem>>, vector<1024x1008xf32>,
    return
  }
}

module attributes {stable_mosaic.version = 14 : i64} {
  func.func @body(%arg0: memref<1024x1216xf32, #tpu.memory_space<vmem>>, %arg1: memref<1024x200xi32, #tpu.memory_space<vmem>>, %arg2: memref<1x1xf32, #tpu.memory_space<vmem>>) attributes {dimension_semantics = [], scalar_prefetch = 0 : i64, scratch_operands = 0 : i64, tpu.core_type = #tpu.core_type<tc>} {
    %get3A = arith.constant 0 : index
    %get3A_0 = arith.constant 0 : index
    %get3A_1 = vector.load %arg0[%get3A, %get3A_0] : memref<1024x1216xf32, #tpu.memory_space<vmem>>, vector<1024x1216xf32>
    %max3A = arith.constant 0.000000e+00 : f32
    %max3A_2 = vector.broadcast %max3A : f32 to vector<1024x1216xf32>
    %max3A_3 = arith.maximumf %get3A_1, %max3A_2 : vector<1024x1216xf32>
    %abs3A = math.absf %get3A_1 : vector<1024x1216xf32>
    %neg3A = arith.constant 0.000000e+00 : f32
    %neg3A_4 = vector.broadcast %neg3A : f32 to vector<1024x1216xf32>
    %neg3A_5 = arith.subf %neg3A_4, %abs3A : vector<1024x1216xf32>
    %exp3A = math.exp %neg3A_5 : vector<1024x1216xf32>
    %log1p3A = math.log1p %exp3A : vector<1024x1216xf32>
    %add3A = arith.addf %max3A_3, %log1p3A : vector<1024x1216xf32>
    %get3A_6 = arith.constant 0 : index
    %get3A_7 = arith.constant 0 : index
    %get3A_8 = vector.load %arg1[%get3A_6, %get3A_7] : memref<1024x200xi32, #tpu.memory_space<vmem>>, vector<1024x200xi32>
    %ne3A = arith.constant 0 : i32
    %ne3A_9 = vector.broadcast %ne3A : i32 to vector<1024x200xi32>
    %ne3A_10 = arith.cmpi ne, %get3A_8, %ne3A_9 : vector<1024x200xi32>
    %convert_element_type3A = arith.extui %ne3A_10 : vector<1024x200xi1> to vector<1024x200xi32>
    %convert_element_type3A_11 = arith.sitofp %convert_element_type3A : vector<1024x200xi32> to vector<1024x200xf32>
    %reduce_sum3A = vector.shape_cast %convert_element_type3A_11 : vector<1024x200xf32> to vector<1x1024x200xf32>
    %reduce_sum3A_12 = arith.constant dense<0.000000e+00> : vector<1xf32>
    %reduce_sum3A_13 = vector.multi_reduction <add>, %reduce_sum3A, %reduce_sum3A_12 [1, 2] : vector<1x1024x200xf32> to vector<1xf32>
    %reduce_sum3A_14 = vector.shape_cast %reduce_sum3A_13 : vector<1xf32> to vector<1x1x1xf32>
    %reduce_sum3A_15 = vector.extract %reduce_sum3A_14[0, 0, 0] : f32 from vector<1x1x1xf32>
    %reduce_sum3A_16 = vector.shape_cast %add3A : vector<1024x1216xf32> to vector<1x1024x1216xf32>
    %reduce_sum3A_17 = arith.constant dense<0.000000e+00> : vector<1xf32>
    %reduce_sum3A_18 = vector.multi_reduction <add>, %reduce_sum3A_16, %reduce_sum3A_17 [1, 2] : vector<1x1024x1216xf32> to vector<1xf32>
    %reduce_sum3A_19 = vector.shape_cast %reduce_sum3A_18 : vector<1xf32> to vector<1x1x1xf32>
    %reduce_sum3A_20 = vector.extract %reduce_sum3A_19[0, 0, 0] : f32 from vector<1x1x1xf32>
    %mul3A = arith.constant 6.000000e+00 : f32
    %mul3A_21 = arith.mulf %reduce_sum3A_15, %mul3A : f32
    %div3A = arith.divf %reduce_sum3A_20, %mul3A_21 : f32
    %broadcast_in_dim3A = vector.broadcast %div3A : f32 to vector<1x1xf32>
    %swap3A = arith.constant 0 : index
    %swap3A_22 = arith.constant 0 : index
    %swap3A_23 = vector.load %arg2[%swap3A, %swap3A_22] : memref<1x1xf32, #tpu.memory_space<vmem>>, vector<1x1xf32>
    tpu.vector_store %arg2[%swap3A, %swap3A_22], %broadcast_in_dim3A {strides = array<i32>} : memref<1x1xf32, #tpu.memory_space<vmem>>, vector<1x1xf32>,
    return
  }
}

</mosaic_0001>

<sc_bundles>
// kernel: kernel.11.cloned.1.call-start
scs
__scs_entry_jumppad:
0x0: {  	(pc) =	sbr.rel $0x88, $3  }
0x1: {  	(tag) =	ssettag $0x0;
	lr =	simm.s32 $0x1  }
0x2: {  	[smem:$0x3F9D] =	sst lr;
	_ =	strace $0xD0000000  }
0x3: {  	_ = 	snop  }
0x4: {  	_ = 	snop  }
0x5: {  	_ = 	snop  }
0x6: {  	_ = 	snop  }
0x7: {  	_ = 	snop  }
__scs_overlays_trampoline_lowered:
0x8: {  	[smem:$0x3FAC] =	sst s0  }
0x9: {  	[smem:$0x3FAD] =	sst s1  }
0xa: {  	[smem:$0x3FAE] =	sst s2  }
0xb: {  	[smem:$0x3FAF] =	sst s3  }
0xc: {  	[smem:$0x3FB0] =	sst s4  }
0xd: {  	[smem:$0x3FB1] =	sst s5  }
0xe: {  	[smem:$0x3FB2] =	sst s6  }
0xf: {  	[smem:$0x3FB3] =	sst s7  }
0x10: {  	[smem:$0x3FB4] =	sst s8  }
0x11: {  	[smem:$0x3FB5] =	sst s9;
	s0 =	simm.s32 @!p0 $0x0  }
0x12: {  	s1 =	sld [smem:$0x3F9B];
	s0 =	simm.s32 @p0 $0x1  }
0x13: {  	[smem:$0x3FB6] =	sst s0;
	s0 =	simm.s32 @!p1 $0x0  }
0x14: {  	s2 =	sld [smem:$0x3F9A];
	s0 =	simm.s32 @p1 $0x1  }
0x15: {  	[smem:$0x3FB7] =	sst s0;
	s0 =	simm.s32 @!p2 $0x0  }
0x16: {  	s3 =	sld [smem:$0x3FDB];
	s0 =	simm.s32 @p2 $0x1  }
0x17: {  	s4 =	simm.s32 $0x1BF5;
	[smem:$0x3FB9] =	sst s0  }
0x18: {  	s0 =	sld [smem:$0x3F9C];
	_ =	swait.ge [sflag:s4], $0x0  }
0x19: {  	s7 =	sld [smem:$0x3F9D]  }
0x1a: {  	s8 =	sadd.s32 $0xFFFFE003, lr  }
0x1b: {  	s9 =	sadd.s32 $0xFFFFFEF7, lr;
	s5 =	simm.s32 $0xFFFFFFFF;
	p2 =	slt.u32 s8, $0xFFFFF086  }
0x1c: {  	p1 =	slt.u32 s9, $0xF7A;
	s5 =	simm.s32 @!p2 $0x0  }
0x1d: {  	s5 =	simm.s32 @p1 $0x1;
	p0 =	seq.s32 s7, s2  }
0x1e: {  	s7 =	smul.u32 @!p0 $0xF7A, s2;
	p2 =	seq.s32 @!p0 s5, $0x0  }
0x1f: {  	s9 =	smul.u32 $0xF7A, s1;
	s8 =	simm.s32 @!p0 $0x1BF5;
	p2 =	por !p2, p0  }
0x20: {  	[sflag:s8] =	ssyncset.s32 @!p0 $0xFFFFF086;
	s6 =	sadd.s32 @!p0 s3, s7;
	s7 =	simm.s32 @!p0 $0x108  }
0x21: {  	s3 =	sadd.s32 s3, s9;
	s6 =	sadd.s32 @!p0 $0x88, s6;
	s7 =	simm.s32 @p2 $0x1082  }
0x22: {  	[simem:s7], [sflag:s8] =	dma.local @!p0 [hbm:s6], $0xF7A  }
0x23: {  	s9 =	sor.u32 $0xD0000000, s2;
	s6 =	simm.s32 $0x108;
	_ =	swait.ge @!p0 [sflag:s8], $0x0  }
0x24: {  	s3 =	sadd.s32 $0x88, s3;
	s6 =	simm.s32 @!p1 $0x1082;
	[sflag:s4] =	ssyncset.s32 $0xFFFFF086  }
0x25: {  	[simem:s6], [sflag:s4] =	dma.local [hbm:s3], $0xF7A  }
0x26: {  	[smem:$0x3F9D] =	sst s1;
	(tag) =	ssettag s2;
	_ =	strace s9  }
0x27: {  	s1 =	sld [smem:$0x3FAD]  }
0x28: {  	s2 =	sld [smem:$0x3FAE]  }
0x29: {  	s4 =	sld [smem:$0x3FB0]  }
0x2a: {  	p0 =	seq.s32 s5, $0x0;
	s5 =	sld [smem:$0x3FB1]  }
0x2b: {  	s6 =	sld [smem:$0x3FB2]  }
0x2c: {  	s7 =	sld [smem:$0x3FB3]  }
0x2d: {  	s3 =	simm.s32 $0x108;
	s8 =	sld [smem:$0x3FB4]  }
0x2e: {  	s3 =	simm.s32 @!p0 $0x1082;
	s9 =	sld [smem:$0x3FB5]  }
0x2f: {  	lr =	sadd.s32 s0, s3;
	s0 =	sld [smem:$0x3FAC]  }
0x30: {  	s3 =	sld [smem:$0x3FAF]  }
0x31: {  	[smem:$0x3FB8] =	sst s10  }
0x32: {  	s10 =	sld [smem:$0x3FB6];
	_ =	sdelay $0x3  }
0x33: {  	p0 =	seq.s32 s10, $0x1;
	s10 =	sld [smem:$0x3FB8];
	_ =	sdelay $0x3  }
0x34: {  	[smem:$0x3FB8] =	sst s10  }
0x35: {  	s10 =	sld [smem:$0x3FB7];
	_ =	sdelay $0x3  }
0x36: {  	p1 =	seq.s32 s10, $0x1;
	s10 =	sld [smem:$0x3FB8];
	_ =	sdelay $0x3  }
0x37: {  	[smem:$0x3FB8] =	sst s10  }
0x38: {  	s10 =	sld [smem:$0x3FB9]  }
0x39: {  	_ = 	snop;
	(pc) =	sbr.ind lr, $3  }
0x3a: {  	_ = 	snop  }
0x3b: {  	_ = 	snop  }
0x3c: {  	p2 =	seq.s32 s10, $0x1;
	s10 =	sld [smem:$0x3FB8]  }
0x3d: {  	_ =	shalt  }
0x3e: {  	_ =	shalt  }
0x3f: {  	_ =	shalt  }
0x40: {  	_ =	shalt  }
0x41: {  	_ =	shalt  }
0x42: {  	_ =	shalt  }
0x43: {  	_ =	shalt  }
0x44: {  	_ =	shalt  }
0x45: {  	_ =	shalt  }
0x46: {  	_ =	shalt  }
0x47: {  	_ =	shalt  }
0x48: {  	_ =	shalt  }
0x49: {  	_ =	shalt  }
0x4a: {  	_ =	shalt  }
0x4b: {  	_ =	shalt  }
0x4c: {  	_ =	shalt  }
0x4d: {  	_ =	shalt  }
0x4e: {  	_ =	shalt  }
0x4f: {  	_ =	shalt  }
0x50: {  	_ =	shalt  }
0x51: {  	_ =	shalt  }
0x52: {  	_ =	shalt  }
0x53: {  	_ =	shalt  }
0x54: {  	_ =	shalt  }
0x55: {  	_ =	shalt  }
0x56: {  	_ =	shalt  }
0x57: {  	_ =	shalt  }
0x58: {  	_ =	shalt  }
0x59: {  	_ =	shalt  }
0x5a: {  	_ =	shalt  }
0x5b: {  	_ =	shalt  }
0x5c: {  	_ =	shalt  }
0x5d: {  	_ =	shalt  }
0x5e: {  	_ =	shalt  }
0x5f: {  	_ =	shalt  }
0x60: {  	_ =	shalt  }
0x61: {  	_ =	shalt  }
0x62: {  	_ =	shalt  }
0x63: {  	_ =	shalt  }
0x64: {  	_ =	shalt  }
0x65: {  	_ =	shalt  }
0x66: {  	_ =	shalt  }
0x67: {  	_ =	shalt  }
0x68: {  	_ =	shalt  }
0x69: {  	_ =	shalt  }
0x6a: {  	_ =	shalt  }
0x6b: {  	_ =	shalt  }
0x6c: {  	_ =	shalt  }
0x6d: {  	_ =	shalt  }
0x6e: {  	_ =	shalt  }
0x6f: {  	_ =	shalt  }
0x70: {  	_ =	shalt  }
0x71: {  	_ =	shalt  }
0x72: {  	_ =	shalt  }
0x73: {  	_ =	shalt  }
0x74: {  	_ =	shalt  }
0x75: {  	_ =	shalt  }
0x76: {  	_ =	shalt  }
0x77: {  	_ =	shalt  }
0x78: {  	_ =	shalt  }
0x79: {  	_ =	shalt  }
0x7a: {  	_ =	shalt  }
0x7b: {  	_ =	shalt  }
0x7c: {  	_ =	shalt  }
0x7d: {  	_ =	shalt  }
0x7e: {  	_ =	shalt  }
0x7f: {  	_ =	shalt  }
0x80: {  	_ =	shalt  }
0x81: {  	_ =	shalt  }
0x82: {  	_ =	shalt  }
0x83: {  	_ =	shalt  }
0x84: {  	_ =	shalt  }
0x85: {  	_ =	shalt  }
0x86: {  	_ =	shalt  }
0x87: {  	_ =	shalt  }
.Lfunc_end0:
.L_simem_size_0:
called_computation.1_lowered:
.L_overlay_start_0:
0x88: {  	s2 =	sld [smem:$0x3FD9]  }
0x89: {  	s3 =	sld [smem:$0x3FFE];
	_ =	sdelay $0x1  }
0x8a: {  	s1 =	srdreg.scid  }
0x8b: {  	s0 =	sand.u32 $0x1, s1  }
0x8c: {  	s16 =	sshll.u32 s0, $0xA;
	s2 =	sadd.s32 s3, s2  }
0x8d: {  	s2 =	sadd.s32 s2, s16  }
0x8e: {  	[smem:$0x3FC4] =	sst s2  }
0x8f: {  	_ = 	snop  }
0x90: {  	(tm) =	ssettm $0x1  }
0x91: {  	s17 =	sld [smem:$0x3FFB];
	_ =	sdelay $0x3  }
0x92: {  	_ =	strace s17  }
0x93: {  	s2 =	sld [smem:$0x3FFC];
	_ =	sdelay $0x3  }
0x94: {  	_ =	strace s2  }
0x95: {  	s2 =	sld [smem:$0x3FFD];
	_ =	sdelay $0x3  }
0x96: {  	_ =	strace s2  }
0x97: {  	_ =	strace $0x8FFFFFFF  }
0x98: {  	s18 =	sld [smem:$0x3FDB];
	_ =	sdelay $0x1  }
0x99: {  	s19 =	simm.s32 $_scs_section_size  }
0x9a: {  	s4 =	simm.s32 $_size__tile_overlayer_lowered;
	s5 =	simm.s32 $_tile_overlayer_lowered  }
0x9b: {  	s22 =	simm.s32 $0x1BFF;
	s21 =	sshll.u32 s5, $0x1;
	s2 =	sadd.s32 s19, s18  }
0x9c: {  	s6 =	simm.s32 $0x0;
	s20 =	sshll.u32 s4, $0x1;
	s4 =	sadd.s32 s21, s2  }
0x9d: {  	[timem:s6], [sflag:s22] =	dma.local [hbm:s4], s20  }
0x9e: {  	_ =	swait.ge [sflag:s22], s20  }
0x9f: {  	s3 =	ssub.s32 $0x0, s20;
	[sflag:s22] =	ssyncset.done $0x0  }
0xa0: {  	[sflag:s22] =	ssyncadd.s32 s3;
	_ =	sdelay $0x1  }
0xa1: {  	s23 =	simm.s32 $0x1B8B  }
0xa2: {  	_ =	swait.ge [sflag:s23], $0x1  }
0xa3: {  	[sflag:s23] =	ssyncset.done $0x0  }
0xa4: {  	s25 =	simm.s32 $0x1B8E;
	s24 =	sld [smem:$0x3FFE];
	[sflag:s23] =	ssyncadd.s32 $0xFFFFFFFF  }
0xa5: {  	s26 =	simm.s32 $execute0_lowered;
	[smem:$0x3FD2] =	sst s25  }
0xa6: {  	s4 =	sshll.u32 s26, $0x1;
	_ =	strace $0x80000049;
	[dreg:$0x1] =	wrdreg $0xFFFFFFFF  }
0xa7: {  	s28 =	simm.s32 $_size_execute0_lowered;
	s2 =	sadd.s32 s2, s4;
	[dreg:$0x0] =	wrdreg $0x0  }
0xa8: {  	s4 =	sshll.u32 s28, $0x1;
	[dreg:$0x2] =	wrdreg s2  }
0xa9: {  	[dreg:$0x3] =	wrdreg s4  }
0xaa: {  	[dreg:$0x4] =	wrdreg $0xC0  }
0xab: {  	_ =	task [dreg:s6], $0x5FFFF  }
0xac: {  	[dreg:$0x1] =	wrdreg $0xFFFFFFFF  }
0xad: {  	[dreg:$0x0] =	wrdreg $0x60  }
0xae: {  	[dreg:$0x2] =	wrdreg s24  }
0xaf: {  	[dreg:$0x3] =	wrdreg $0x9  }
0xb0: {  	_ =	task.clear_ibuf [dreg:s6], $0x4FFFF;
	_ =	strace $0x90000049  }
0xb1: {  	s29 =	simm.s32 $0x9;
	_ =	strace $0x8000004B  }
0xb2: {  	_ =	swait.ge [sflag:s29], $0x1  }
0xb3: {  	[sflag:s29] =	ssyncadd.s32 $0xFFFFFFFF  }
0xb4: {  	_ =	strace $0x9000004B  }
0xb5: {  	_ =	sfence  }
0xb6: {  	s30 =	sld [smem:$0x0];
	_ =	sdelay $0x2  }
0xb7: {  	s31 =	sshll.u32 s1, $0xD;
	s1 =	sshrl.u32 s1, $0x2  }
0xb8: {  	s3 =	sand.u32 $0x4000, s31;
	s1 =	sadd.s32 s1, s30  }
0xb9: {  	s0 =	sor.u32 s3, s0;
	s1 =	sshll.u32 s1, $0x11  }
0xba: {  	s0 =	sor.u32 s1, s0  }
0xbb: {  	s0 =	sadd.s32 $0x8F2B, s0  }
0xbc: {  	[sflag:s0] =	ssyncadd.remote.s32 $0x1  }
0xbd: {  	_ =	sfence.sel $0xFFFF  }
0xbe: {  	[dreg:$0x0] =	wrdreg $0xFFFFFFFF;
	(pc) =	sbr.abs _section_cstart, $3  }
0xbf: {  	[dreg:$0x1] =	wrdreg $0xFFFFFFFF  }
0xc0: {  	_ =	task.clear_ibuf [dreg:s6], $0x2FFFF;
	_ =	strace $0x9FFFFFFF  }
0xc1: {  	(tm) =	ssettm $0x7FFFFFFF  }
tec
execute0_lowered:
.L_overlay_start_1:
0x0: {  	(tag) =	ssettag $0x1  }
0x1: {  	s4 =	rddreg [dreg:$0x0]  }
0x2: {  	s0 =	rddreg [dreg:$0x1]  }
0x3: {  	s3 =	srdreg.scid;
	s1 =	stileid.u32  }
0x4: {  	s2 =	simm.s32 $0x0;
	s5 =	sand.u32 $0x1, s3;
	s31 =	sshll.u32 s1, $0x1  }
0x5: {  	s3 =	sadd.s32 $0x21C00, s4;
	s13 =	sor.u32 s5, s31;
	s5 =	ssub.s32 $0x2, s5  }
0x6: {  	s6 =	sshll.u32 s13, $0xC;
	s7 =	sshll.u32 s13, $0x7;
	s8 =	sshrl.u32 s5, $0x1  }
0x7: {  	p0 =	seq.s32 s13, $0x1F;
	s6 =	sadd.s32 s6, s4;
	s7 =	sadd.s32 s7, s4  }
0x8: {  	s8 =	ssub.s32 s5, s8;
	s4 =	sadd.s32 $0x1C00, s6;
	s5 =	sadd.s32 $0x21E00, s6  }
0x9: {  	s6 =	sadd.s32 $0x41E00, s7;
	s7 =	smax.u32 s8, $0x1;
	s8 =	simm.s32 @!p0 $0x0  }
0xa: {  	[smem:$0x7FF] =	sst s2;
	s8 =	simm.s32 @p0 $0x1;
	p0 =	sgt.u32 s13, $0x1C  }
0xb: {  	_ =	strace $0x8000004A;
	[smem:$0x7E5] =	sst s8;
	s8 =	simm.s32 @!p0 $0x0  }
0xc: {  	s8 =	simm.s32 @p0 $0x1;
	p0 =	sgt.u32 s13, $0x1A  }
0xd: {  	[smem:$0x7E6] =	sst s8;
	s8 =	simm.s32 @!p0 $0x0  }
0xe: {  	s8 =	simm.s32 @p0 $0x1;
	p0 =	sgt.u32 s13, $0x18  }
0xf: {  	[smem:$0x7E7] =	sst s8;
	s8 =	simm.s32 @!p0 $0x0  }
0x10: {  	s8 =	simm.s32 @p0 $0x1;
	p0 =	sgt.u32 s13, $0x16  }
0x11: {  	[smem:$0x7E8] =	sst s8;
	s8 =	simm.s32 @!p0 $0x0  }
0x12: {  	s8 =	simm.s32 @p0 $0x1;
	p0 =	sgt.u32 s13, $0x14  }
0x13: {  	[smem:$0x7E9] =	sst s8;
	s8 =	simm.s32 @!p0 $0x0  }
0x14: {  	s8 =	simm.s32 @p0 $0x1;
	p0 =	sgt.u32 s13, $0x12  }
0x15: {  	[smem:$0x7EA] =	sst s8;
	s8 =	simm.s32 @!p0 $0x0  }
0x16: {  	s8 =	simm.s32 @p0 $0x1;
	p0 =	sgt.u32 s13, $0x10  }
0x17: {  	s14 =	simm.s32 @!p0 $0x0  }
0x18: {  	s14 =	simm.s32 @p0 $0x1;
	p0 =	sgt.u32 s13, $0xE  }
0x19: {  	[smem:$0x7EC] =	sst s14;
	s14 =	simm.s32 @!p0 $0x0  }
0x1a: {  	s14 =	simm.s32 @p0 $0x1;
	p0 =	sgt.u32 s13, $0xC  }
0x1b: {  	[smem:$0x7ED] =	sst s14;
	s14 =	simm.s32 @!p0 $0x0  }
0x1c: {  	s14 =	simm.s32 @p0 $0x1;
	p0 =	sgt.u32 s13, $0xA  }
0x1d: {  	[smem:$0x7EE] =	sst s14;
	s14 =	simm.s32 @!p0 $0x0  }
0x1e: {  	s14 =	simm.s32 @p0 $0x1;
	p0 =	sgt.u32 s13, $0x8  }
0x1f: {  	[smem:$0x7EF] =	sst s14;
	s14 =	simm.s32 @!p0 $0x0  }
0x20: {  	s14 =	simm.s32 @p0 $0x1;
	p0 =	sgt.u32 s13, $0x6  }
0x21: {  	[smem:$0x7F0] =	sst s14;
	s14 =	simm.s32 @!p0 $0x0  }
0x22: {  	s14 =	simm.s32 @p0 $0x1;
	p0 =	sgt.u32 s13, $0x4  }
0x23: {  	[smem:$0x7F1] =	sst s14;
	s14 =	simm.s32 @!p0 $0x0  }
0x24: {  	s14 =	simm.s32 @p0 $0x1;
	p0 =	sgt.u32 s13, $0x2  }
0x25: {  	[smem:$0x7F2] =	sst s14;
	s14 =	simm.s32 @!p0 $0x0  }
0x26: {  	s14 =	simm.s32 @p0 $0x1;
	p0 =	seq.s32 s13, $0x0  }
0x27: {  	s13 =	simm.s32 @!p0 $0x0  }
0x28: {  	s13 =	simm.s32 @p0 $0x1;
	p0 =	seq.s32 s1, $0xF  }
0x29: {  	[smem:$0x7F4] =	sst s13;
	s13 =	simm.s32 @!p0 $0x0  }
0x2a: {  	s13 =	simm.s32 @p0 $0x1;
	p0 =	sgt.u32 s1, $0xD  }
0x2b: {  	[smem:$0x7F5] =	sst s13;
	s13 =	simm.s32 @!p0 $0x0  }
0x2c: {  	s13 =	simm.s32 @p0 $0x1;
	p0 =	sgt.u32 s1, $0xC  }
0x2d: {  	[smem:$0x7F6] =	sst s13;
	s13 =	simm.s32 @!p0 $0x0  }
0x2e: {  	s13 =	simm.s32 @p0 $0x1;
	p0 =	sgt.u32 s1, $0xB  }
0x2f: {  	[smem:$0x7F7] =	sst s13;
	s13 =	simm.s32 @!p0 $0x0  }
0x30: {  	s13 =	simm.s32 @p0 $0x1;
	p0 =	sgt.u32 s1, $0xA  }
0x31: {  	s9 =	simm.s32 $0x1;
	[smem:$0x7F8] =	sst s13;
	s13 =	simm.s32 @!p0 $0x0  }
0x32: {  	s10 =	simm.s32 $0x8000;
	s13 =	simm.s32 @p0 $0x1;
	p0 =	sgt.u32 s1, $0x9  }
0x33: {  	s11 =	simm.s32 $0x10200;
	[smem:$0x7F9] =	sst s13;
	s13 =	simm.s32 @!p0 $0x0  }
0x34: {  	s12 =	simm.s32 $0x0;
	s13 =	simm.s32 @p0 $0x1;
	p0 =	sgt.u32 s1, $0x8  }
0x35: {  	p4 =	sgt.u32 s1, $0x5;
	[smem:$0x7FA] =	sst s13;
	s13 =	simm.s32 @!p0 $0x0  }
0x36: {  	p5 =	sgt.u32 s1, $0x4;
	s13 =	simm.s32 @p0 $0x1;
	p0 =	sgt.u32 s1, $0x7  }
0x37: {  	p6 =	sgt.u32 s1, $0x3;
	[smem:$0x7FB] =	sst s13;
	s13 =	simm.s32 @!p0 $0x0  }
0x38: {  	[smem:$0x7EB] =	sst s8;
	s13 =	simm.s32 @p0 $0x1;
	p0 =	sgt.u32 s1, $0x6  }
0x39: {  	p1 =	sgt.u32 s1, $0x1;
	[smem:$0x7FC] =	sst s13;
	s13 =	simm.s32 @!p0 $0x0  }
0x3a: {  	v0 =	vlaneseq.u32;
	p2 =	seq.s32 s1, $0x0;
	[smem:$0x7F3] =	sst s14;
	s13 =	simm.s32 @p0 $0x1  }
0x3b: {  	v0 =	vmul.u32 $0x20, v0;
	s8 =	simm.s32 $0x10000;
	p0 =	sgt.u32 s1, $0x2;
	[smem:$0x7FD] =	sst s13  }
.LBB2_1:
0x3c: {  	[tilespmem:s8], [sflag:$0x1] =	stream.linear.gather [hbm4b:s3+s2], $0x200, $0x38;
	[tilespmem:$0x10600] =	vst v63  }
0x3d: {  	_ =	swait.ge [sflag:s9], $0x200  }
0x3e: {  	[sflag:s9] =	ssyncset.done $0x0  }
0x3f: {  	[sflag:s9] =	ssyncadd.s32 $0xFFFFFE00  }
0x40: {  	[tilespmem:s2], [sflag:$0x1] =	stream.linear.gather [hbm4b:s4+s2], $0x8000, $0x38;
	[tilespmem:$0x10600] =	vst v63  }
0x41: {  	_ =	swait.ge [sflag:s9], $0x8000  }
0x42: {  	[sflag:s9] =	ssyncset.done $0x0  }
0x43: {  	[sflag:s9] =	ssyncadd.s32 $0xFFFF8000  }
0x44: {  	v1 =	vld [tilespmem:$0x10000];
	_ =	sdelay $0x1  }
0x45: {  	v2 =	vld [tilespmem:$0x10010]  }
0x46: {  	v3 =	vld [tilespmem:$0x10020];
	_ =	sdelay $0x1  }
0x47: {  	(xrf0) =	vmax.scan.msk.f32 $0xffff, v1  }
0x48: {  	v1 =	vld [tilespmem:$0x10030]  }
0x49: {  	(xrf0) =	vmax.scan.msk.f32 $0xffff, v2  }
0x4a: {  	v2 =	vld [tilespmem:$0x10040];
	(xrf0) =	vmax.scan.msk.f32 $0xffff, v3  }
0x4b: {  	v3 =	vld [tilespmem:$0x10050];
	_ =	sdelay $0x1  }
0x4c: {  	v4, _, _ =	vpop (xrf0);
	(xrf0) =	vmax.scan.msk.f32 $0xffff, v1  }
0x4d: {  	v1 =	vld [tilespmem:$0x10060];
	(v2sf) =	vpush v4, $0xF  }
0x4e: {  	v4, _, _ =	vpop (xrf0);
	(xrf0) =	vmax.scan.msk.f32 $0xffff, v2  }
0x4f: {  	v2 =	vld [tilespmem:$0x10070];
	(v2sf) =	vpush v4, $0xF;
	v4, _, _ =	vpop (xrf0);
	(xrf0) =	vmax.scan.msk.f32 $0xffff, v3  }
0x50: {  	v3 =	vld [tilespmem:$0x10080]  }
0x51: {  	(v2sf) =	vpush v4, $0xF  }
0x52: {  	v4, _, _ =	vpop (xrf0);
	(xrf0) =	vmax.scan.msk.f32 $0xffff, v1  }
0x53: {  	v1 =	vld [tilespmem:$0x10090];
	(v2sf) =	vpush v4, $0xF  }
0x54: {  	v4, _, _ =	vpop (xrf0);
	(xrf0) =	vmax.scan.msk.f32 $0xffff, v2  }
0x55: {  	v2 =	vld [tilespmem:$0x100A0];
	(v2sf) =	vpush v4, $0xF;
	v4, _, _ =	vpop (xrf0);
	(xrf0) =	vmax.scan.msk.f32 $0xffff, v3  }
0x56: {  	v3 =	vld [tilespmem:$0x100B0]  }
0x57: {  	(v2sf) =	vpush v4, $0xF  }
0x58: {  	v4, _, _ =	vpop (xrf0);
	(xrf0) =	vmax.scan.msk.f32 $0xffff, v1  }
0x59: {  	v1 =	vld [tilespmem:$0x100C0];
	(v2sf) =	vpush v4, $0xF  }
0x5a: {  	v4, _, _ =	vpop (xrf0);
	(xrf0) =	vmax.scan.msk.f32 $0xffff, v2  }
0x5b: {  	s15 =	sld [smem:$0x7F4];
	v2 =	vld [tilespmem:$0x100D0];
	(v2sf) =	vpush v4, $0xF;
	v4, _, _ =	vpop (xrf0);
	(xrf0) =	vmax.scan.msk.f32 $0xffff, v3  }
0x5c: {  	s23 =	sld [smem:$0x7F3];
	v3 =	vld [tilespmem:$0x100E0];
	s13 =	spop (v2sf)  }
0x5d: {  	(v2sf) =	vpush v4, $0xF;
	s13 =	sadd.f32 $0.0e+00, s13  }
0x5e: {  	p3 =	seq.s32 s15, $0x1;
	s14 =	spop (v2sf);
	v4, _, _ =	vpop (xrf0);
	(xrf0) =	vmax.scan.msk.f32 $0xffff, v1  }
0x5f: {  	s14 =	simm.s32 @p2 $0x0;
	v1 =	vld [tilespmem:$0x100F0];
	s13 =	simm.s32 @p3 $0x0;
	(v2sf) =	vpush v4, $0xF  }
0x60: {  	v4, _, _ =	vpop (xrf0);
	(xrf0) =	vmax.scan.msk.f32 $0xffff, v2;
	p3 =	seq.s32 s23, $0x1;
	s13 =	sadd.f32 s14, s13;
	s14 =	spop (v2sf)  }
0x61: {  	s24 =	sld [smem:$0x7F2];
	v2 =	vld [tilespmem:$0x10100];
	(v2sf) =	vpush v4, $0xF;
	v4, _, _ =	vpop (xrf0);
	(xrf0) =	vmax.scan.msk.f32 $0xffff, v3;
	s14 =	simm.s32 @!p3 $0x0  }
0x62: {  	v3 =	vld [tilespmem:$0x10110];
	s13 =	sadd.f32 s14, s13;
	s14 =	spop (v2sf)  }
0x63: {  	(v2sf) =	vpush v4, $0xF;
	s14 =	simm.s32 @!p1 $0x0  }
0x64: {  	p3 =	seq.s32 s24, $0x1;
	s13 =	sadd.f32 s14, s13;
	s14 =	spop (v2sf);
	v4, _, _ =	vpop (xrf0);
	(xrf0) =	vmax.scan.msk.f32 $0xffff, v1  }
0x65: {  	s25 =	sld [smem:$0x7F1];
	v1 =	vld [tilespmem:$0x10120];
	s14 =	simm.s32 @!p3 $0x0;
	(v2sf) =	vpush v4, $0xF  }
0x66: {  	v4, _, _ =	vpop (xrf0);
	(xrf0) =	vmax.scan.msk.f32 $0xffff, v2;
	s13 =	sadd.f32 s14, s13;
	s14 =	spop (v2sf)  }
0x67: {  	v2 =	vld [tilespmem:$0x10130];
	(v2sf) =	vpush v4, $0xF;
	v4, _, _ =	vpop (xrf0);
	(xrf0) =	vmax.scan.msk.f32 $0xffff, v3;
	s14 =	simm.s32 @!p0 $0x0  }
0x68: {  	p3 =	seq.s32 s25, $0x1;
	v3 =	vld [tilespmem:$0x10140];
	s13 =	sadd.f32 s14, s13;
	s14 =	spop (v2sf)  }
0x69: {  	s26 =	sld [smem:$0x7F0];
	(v2sf) =	vpush v4, $0xF;
	s14 =	simm.s32 @!p3 $0x0  }
0x6a: {  	s13 =	sadd.f32 s14, s13;
	s14 =	spop (v2sf);
	v4, _, _ =	vpop (xrf0);
	(xrf0) =	vmax.scan.msk.f32 $0xffff, v1  }
0x6b: {  	v1 =	vld [tilespmem:$0x10150];
	s14 =	simm.s32 @!p6 $0x0;
	(v2sf) =	vpush v4, $0xF  }
0x6c: {  	p3 =	seq.s32 s26, $0x1;
	v4, _, _ =	vpop (xrf0);
	(xrf0) =	vmax.scan.msk.f32 $0xffff, v2;
	s13 =	sadd.f32 s14, s13;
	s14 =	spop (v2sf)  }
0x6d: {  	s28 =	sld [smem:$0x7EF];
	v2 =	vld [tilespmem:$0x10160];
	(v2sf) =	vpush v4, $0xF;
	v4, _, _ =	vpop (xrf0);
	(xrf0) =	vmax.scan.msk.f32 $0xffff, v3;
	s14 =	simm.s32 @!p3 $0x0  }
0x6e: {  	v3 =	vld [tilespmem:$0x10170];
	s13 =	sadd.f32 s14, s13;
	s14 =	spop (v2sf)  }
0x6f: {  	(v2sf) =	vpush v4, $0xF;
	s14 =	simm.s32 @!p5 $0x0  }
0x70: {  	p3 =	seq.s32 s28, $0x1;
	s13 =	sadd.f32 s14, s13;
	s14 =	spop (v2sf);
	v4, _, _ =	vpop (xrf0);
	(xrf0) =	vmax.scan.msk.f32 $0xffff, v1  }
0x71: {  	s29 =	sld [smem:$0x7EE];
	s14 =	simm.s32 @!p3 $0x0;
	(v2sf) =	vpush v4, $0xF  }
0x72: {  	v4, _, _ =	vpop (xrf0);
	(xrf0) =	vmax.scan.msk.f32 $0xffff, v2;
	s13 =	sadd.f32 s14, s13;
	s14 =	spop (v2sf)  }
0x73: {  	s30 =	sld [smem:$0x7FD];
	v1 =	vld [tilespmem:$0x10180];
	(v2sf) =	vpush v4, $0xF;
	v4, _, _ =	vpop (xrf0);
	(xrf0) =	vmax.scan.msk.f32 $0xffff, v3;
	s14 =	simm.s32 @!p4 $0x0  }
0x74: {  	p3 =	seq.s32 s29, $0x1;
	s13 =	sadd.f32 s14, s13;
	s14 =	spop (v2sf)  }
0x75: {  	s31 =	sld [smem:$0x7ED];
	(v2sf) =	vpush v4, $0xF;
	s14 =	simm.s32 @!p3 $0x0  }
0x76: {  	p3 =	seq.s32 s30, $0x1;
	s13 =	sadd.f32 s14, s13;
	s14 =	spop (v2sf);
	v4, _, _ =	vpop (xrf0)  }
0x77: {  	s16 =	sld [smem:$0x7FC];
	v2 =	vld [tilespmem:$0x10190];
	s14 =	simm.s32 @!p3 $0x0;
	(v2sf) =	vpush v4, $0xF  }
0x78: {  	v3 =	vld [tilespmem:$0x101A0];
	(xrf0) =	vmax.scan.msk.f32 $0xffff, v1;
	v4, _, _ =	vpop (xrf0);
	p3 =	seq.s32 s31, $0x1;
	s13 =	sadd.f32 s14, s13;
	s14 =	spop (v2sf)  }
0x79: {  	s17 =	sld [smem:$0x7EC];
	v1 =	vld [tilespmem:$0x101B0];
	(v2sf) =	vpush v4, $0xF;
	v4, _, _ =	vpop (xrf0);
	s14 =	simm.s32 @!p3 $0x0  }
0x7a: {  	p3 =	seq.s32 s16, $0x1;
	s13 =	sadd.f32 s14, s13;
	s14 =	spop (v2sf);
	(v2sf) =	vpush v4, $0xF  }
0x7b: {  	s18 =	sld [smem:$0x7FB];
	s14 =	simm.s32 @!p3 $0x0  }
0x7c: {  	(xrf0) =	vmax.scan.msk.f32 $0xffff, v2;
	p3 =	seq.s32 s17, $0x1;
	s13 =	sadd.f32 s14, s13;
	s14 =	spop (v2sf)  }
0x7d: {  	s19 =	sld [smem:$0x7EB];
	v2 =	vld [tilespmem:$0x101C0];
	(xrf0) =	vmax.scan.msk.f32 $0xffff, v3;
	s14 =	simm.s32 @!p3 $0x0  }
0x7e: {  	v3 =	vld [tilespmem:$0x101D0];
	v4, _, _ =	vpop (xrf0);
	(xrf0) =	vmax.scan.msk.f32 $0xffff, v1;
	p3 =	seq.s32 s18, $0x1;
	s13 =	sadd.f32 s14, s13;
	s14 =	spop (v2sf)  }
0x7f: {  	s20 =	sld [smem:$0x7FA];
	v1 =	vld [tilespmem:$0x101E0];
	s14 =	simm.s32 @!p3 $0x0  }
0x80: {  	p3 =	seq.s32 s19, $0x1;
	s13 =	sadd.f32 s14, s13;
	s14 =	spop (v2sf)  }
0x81: {  	s21 =	sld [smem:$0x7EA];
	(v2sf) =	vpush v4, $0xF;
	s14 =	simm.s32 @!p3 $0x0  }
0x82: {  	v4, _, _ =	vpop (xrf0);
	(xrf0) =	vmax.scan.msk.f32 $0xffff, v2;
	p3 =	seq.s32 s20, $0x1;
	s13 =	sadd.f32 s14, s13;
	s14 =	spop (v2sf)  }
0x83: {  	s22 =	sld [smem:$0x7F9];
	(v2sf) =	vpush v4, $0xF;
	v2, _, _ =	vpop (xrf0);
	(xrf0) =	vmax.scan.msk.f32 $0xffff, v3;
	s14 =	simm.s32 @!p3 $0x0  }
0x84: {  	(v2sf) =	vpush v2, $0xF;
	v2, _, _ =	vpop (xrf0);
	(xrf0) =	vmax.scan.msk.f32 $0xffff, v1;
	p3 =	seq.s32 s21, $0x1;
	s13 =	sadd.f32 s14, s13;
	s14 =	spop (v2sf)  }
0x85: {  	s23 =	sld [smem:$0x7E9];
	s14 =	simm.s32 @!p3 $0x0  }
0x86: {  	p3 =	seq.s32 s22, $0x1;
	s13 =	sadd.f32 s14, s13;
	s14 =	spop (v2sf)  }
0x87: {  	s24 =	sld [smem:$0x7F8];
	(v2sf) =	vpush v2, $0xF;
	s14 =	simm.s32 @!p3 $0x0  }
0x88: {  	v1, _, _ =	vpop (xrf0);
	p3 =	seq.s32 s23, $0x1;
	s13 =	sadd.f32 s14, s13;
	s14 =	spop (v2sf)  }
0x89: {  	(v2sf) =	vpush v1, $0xF;
	v1, _, _ =	vpop (xrf0);
	s14 =	simm.s32 @!p3 $0x0;
	s15 =	spop (v2sf)  }
0x8a: {  	(v2sf) =	vpush v1, $0xF;
	v1, _, _ =	vpop (xrf0);
	p3 =	seq.s32 s24, $0x1;
	s14 =	sadd.f32 s14, s13;
	s13 =	simm.s32 $0x0  }
0x8b: {  	(v2sf) =	vpush v1, $0xF;
	s15 =	simm.s32 @!p3 $0x0;
	v1 =	vld [tilespmem:s13+$0x0]  }
0x8c: {  	s17 =	sadd.f32 s15, s14;
	s14 =	simm.s32 $0x10  }
0x8d: {  	s25 =	sld [smem:$0x7E8];
	s15 =	simm.s32 $0x20;
	v2 =	vld [tilespmem:s14+$0x0]  }
0x8e: {  	v3 =	vld [tilespmem:s15+$0x0]  }
0x8f: {  	s26 =	sld [smem:$0x7F7]  }
0x90: {  	p3 =	seq.s32 s25, $0x1;
	s16 =	spop (v2sf);
	(xrf2) =	vadd.scan.msk.f32 $0xffff, v1  }
0x91: {  	s28 =	sld [smem:$0x7E7];
	s16 =	simm.s32 @!p3 $0x0  }
0x92: {  	s18 =	spop (v2sf);
	p3 =	seq.s32 s26, $0x1;
	s16 =	sadd.f32 s16, s17;
	(xrf2) =	vadd.scan.msk.f32 $0xffff, v2  }
0x93: {  	s29 =	sld [smem:$0x7F6];
	s18 =	simm.s32 @!p3 $0x0;
	(xrf2) =	vadd.scan.msk.f32 $0xffff, v3  }
0x94: {  	p3 =	seq.s32 s28, $0x1;
	s17 =	spop (v2sf);
	s16 =	sadd.f32 s18, s16  }
0x95: {  	s30 =	sld [smem:$0x7E6];
	s17 =	simm.s32 @!p3 $0x0  }
0x96: {  	p3 =	seq.s32 s29, $0x1;
	s18 =	spop (v2sf);
	s16 =	sadd.f32 s17, s16  }
0x97: {  	s31 =	sld [smem:$0x7F5];
	s18 =	simm.s32 @!p3 $0x0  }
0x98: {  	s17 =	spop (v2sf);
	p3 =	seq.s32 s30, $0x1;
	s16 =	sadd.f32 s18, s16  }
0x99: {  	s17 =	simm.s32 @!p3 $0x0  }
0x9a: {  	p3 =	seq.s32 s31, $0x1;
	s16 =	sadd.f32 s17, s16;
	s17 =	spop (v2sf);
	v5, _, _ =	vpop (xrf2)  }
0x9b: {  	s19 =	sld [smem:$0x7E5];
	s17 =	simm.s32 @!p3 $0x0;
	(v2sf) =	vpush v5, $0xF  }
0x9c: {  	s17 =	sadd.f32 s17, s16;
	s16 =	simm.s32 $0x30;
	v2, _, _ =	vpop (xrf2)  }
0x9d: {  	v3 =	vld [tilespmem:s16+$0x0];
	(v2sf) =	vpush v2, $0xF;
	v1, _, _ =	vpop (xrf2)  }
0x9e: {  	p3 =	seq.s32 s19, $0x1;
	s18 =	spop (v2sf);
	(v2sf) =	vpush v1, $0xF  }
0x9f: {  	s18 =	simm.s32 @!p3 $0x0  }
0xa0: {  	s17 =	sadd.f32 s18, s17;
	_ =	sdelay $0x1  }
0xa1: {  	s18 =	sadd.f32 $0.0e+00, s17;
	s17 =	simm.s32 $0x40;
	(xrf2) =	vadd.scan.msk.f32 $0xffff, v3  }
0xa2: {  	v4 =	vld [tilespmem:s17+$0x0];
	_ =	sdelay $0x3  }
0xa3: {  	s19 =	simm.s32 $0x140;
	v3 =	vadd.f32 s18, v5  }
.LBB2_2:
0xa4: {  	s20 =	sshra.s32 s19, $0x2;
	p3 =	sne.s32 s19, $0x1FFC0;
	s19 =	sadd.s32 $0x40, s19;
	(xrf2) =	vadd.scan.msk.f32 $0xffff, v4  }
.Ltmp0:
0xa5: {  	v4 =	vld [tilespmem:s20+$0x0];
	[tilespmem:s13+$0x8000] =	vst v3;
	s13 =	smov.u32 s14;
	s14 =	smov.u32 s15;
	(pc) =	sbr.rel @p3 .LBB2_2-.Ltmp0, $4  }
0xa6: {  	s15 =	smov.u32 s16;
	s16 =	smov.u32 s17;
	s21 =	spop (v2sf)  }
0xa7: {  	s17 =	smov.u32 s20;
	s18 =	sadd.f32 s21, s18  }
0xa8: {  	v5, _, _ =	vpop (xrf2)  }
0xa9: {  	(v2sf) =	vpush v5, $0xF;
	v3 =	vadd.f32 s18, v2;
	v2 =	vmovc v1;
	v1 =	vmov v5  }
0xaa: {  	_ =	sdelay $0x3  }
0xab: {  	v5, _, _ =	vpop (xrf2)  }
0xac: {  	(v2sf) =	vpush v5, $0xF  }
0xad: {  	(xrf2) =	vadd.scan.msk.f32 $0xffff, v4;
	_ =	sdelay $0x7  }
0xae: {  	s19 =	spop (v2sf)  }
0xaf: {  	s18 =	sadd.f32 s19, s18  }
0xb0: {  	s24 =	spop (v2sf);
	v4, _, _ =	vpop (xrf2)  }
0xb1: {  	s19 =	sadd.f32 s24, s18;
	(v2sf) =	vpush v4, $0xF  }
0xb2: {  	s20 =	simm.s32 $0x0;
	s25 =	spop (v2sf)  }
0xb3: {  	v6 =	vmov s20;
	s20 =	sadd.f32 s25, s19  }
0xb4: {  	v6 =	vshll.u32 v6, $0x5;
	v2 =	vadd.f32 s18, v2;
	s26 =	spop (v2sf)  }
0xb5: {  	[tilespmem:s13+$0x8000] =	vst v3;
	v6 =	vor.u32 v0, v6;
	v1 =	vadd.f32 s19, v1;
	s28 =	sadd.f32 s26, s20  }
0xb6: {  	v3 =	vor.u32 $0x1F, v6;
	[tilespmem:s14+$0x8000] =	vst v2;
	v2 =	vadd.f32 s20, v5  }
0xb7: {  	[tilespmem:s15+$0x8000] =	vst v1;
	v1 =	vadd.f32 s28, v4  }
0xb8: {  	s29 =	simm.s32 $0x10;
	[tilespmem:s16+$0x8000] =	vst v2  }
0xb9: {  	[tilespmem:s17+$0x8000] =	vst v1;
	v1 =	vmov s29  }
0xba: {  	v1 =	vshll.u32 v1, $0x5  }
0xbb: {  	v3 =	vld.idx.msk [tilespmem:v3+s10+$0x0], $0xffff;
	v1 =	vor.u32 v0, v1  }
0xbc: {  	v1 =	vor.u32 $0x1F, v1;
	_ =	sdelay $0x2  }
0xbd: {  	s30 =	simm.s32 $0x20;
	s13 =	simm.s32 $0x10200  }
0xbe: {  	s14 =	simm.s32 $0x30;
	v2 =	vmov s30;
	s31 =	spop (v2sf);
	[tilespmem:s13+$0x0] =	vst v3  }
.LBB2_4:
0xbf: {  	p3 =	sne.s32 s14, $0x3F0;
	v2 =	vshll.u32 v2, $0x5;
	v3 =	vld.idx.msk [tilespmem:v1+s10+$0x0], $0xffff  }
0xc0: {  	v1 =	vor.u32 v0, v2  }
.Ltmp1:
0xc1: {  	v1 =	vor.u32 $0x1F, v1;
	(pc) =	sbr.rel @p3 .LBB2_4-.Ltmp1, $3  }
0xc2: {  	_ =	sdelay $0x1  }
0xc3: {  	s13 =	sadd.s32 $0x10, s13  }
0xc4: {  	v2 =	vmov s14;
	s14 =	sadd.s32 $0x10, s14;
	[tilespmem:s13+$0x0] =	vst v3  }
0xc5: {  	_ =	sdelay $0x2  }
0xc6: {  	v2 =	vshll.u32 v2, $0x5  }
0xc7: {  	v1 =	vld.idx.msk [tilespmem:v1+s10+$0x0], $0xffff;
	v2 =	vor.u32 v0, v2  }
0xc8: {  	v2 =	vor.u32 $0x1F, v2;
	_ =	sdelay $0x2  }
0xc9: {  	s13 =	sadd.s32 $0x10, s13  }
0xca: {  	[tilespmem:s13+$0x0] =	vst v1  }
0xcb: {  	v1 =	vld.idx.msk [tilespmem:v2+s10+$0x0], $0xffff;
	_ =	sdelay $0x3  }
0xcc: {  	s13 =	sadd.s32 $0x10, s13  }
0xcd: {  	[tilespmem:s13+$0x0] =	vst v1  }
0xce: {  	[hbm4b:s5+s2] =	stream.linear.scatter [tilespmem:s10], [sflag:$0x1], $0x8000, $0x38;
	[tilespmem:$0x10600] =	vst v63  }
0xcf: {  	s12 =	sadd.s32 $0x1, s12;
	_ =	swait.ge [sflag:s9], $0x8000  }
0xd0: {  	p3 =	sne.s32 s12, s7;
	[sflag:s9] =	ssyncset.done $0x0  }
.Ltmp2:
0xd1: {  	[sflag:s9] =	ssyncadd.s32 $0xFFFF8000;
	(pc) =	sbr.rel @p3 .LBB2_1-.Ltmp2, $4  }
0xd2: {  	[hbm4b:s6+s2] =	stream.linear.scatter [tilespmem:s11], [sflag:$0x1], $0x400, $0x38;
	[tilespmem:$0x10600] =	vst v63  }
0xd3: {  	_ =	swait.ge [sflag:s9], $0x400  }
0xd4: {  	[sflag:s9] =	ssyncset.done $0x0  }
0xd5: {  	[sflag:s9] =	ssyncadd.s32 $0xFFFFFC00  }
0xd6: {  	_ =	sfence.sel $0x180000  }
0xd7: {  	[bflag:$0x0] =	sbarrier.arrive $0xFFFF  }
0xd8: {  	p0 =	sne.s32 s1, $0x0;
	_ =	strace $0x9000004A  }
0xd9: {  	s0 =	sadd.s32 @!p0 $0x100000, s0;
	[bflag:$0x2] =	sbarrier.arrive $0xFFFF  }
0xda: {  	[sflag:s0] =	ssyncadd.tile.s32 @!p0 $0x1;
	_ =	shalt  }
.Lfunc_end2:
_tile_overlayer_lowered:
.L_overlay_start_2:
0xdb: {  	(tag) =	ssettag $0x2  }
0xdc: {  	s0 =	rddreg [dreg:$0x0];
	s2 =	stileid.u32  }
0xdd: {  	s1 =	rddreg [dreg:$0x1];
	p0 =	sne.s32 s2, $0x0  }
0xde: {  	s3 =	rddreg [dreg:$0x2];
	[bflag:$0x3] =	sbarrier.arrive $0xFFFF;
	s2 =	simm.s32 @!p0 $0x1C01  }
0xdf: {  	[timem:s3], [sflag:s2] =	dma.local @!p0 [hbm:s0], s1  }
0xe0: {  	s0 =	simm.s32 @!p0 $0x1  }
0xe1: {  	_ =	swait.ge @!p0 [sflag:s0], s1  }
0xe2: {  	s1 =	ssub.s32 @!p0 $0x0, s1;
	[sflag:s0] =	ssyncset.done @!p0 $0x0  }
0xe3: {  	[sflag:s0] =	ssyncadd.s32 @!p0 s1  }
0xe4: {  	[bflag:$0x3] =	sbarrier.arrive $0xFFFF  }
0xe5: {  	_ =	shalt  }

// kernel: kernel.14.cloned.1.call-start
scs
__scs_entry_jumppad:
0x0: {  	(pc) =	sbr.rel $0x88, $3  }
0x1: {  	(tag) =	ssettag $0x0;
	lr =	simm.s32 $0x1  }
0x2: {  	[smem:$0x3F9D] =	sst lr;
	_ =	strace $0xD0000000  }
0x3: {  	_ = 	snop  }
0x4: {  	_ = 	snop  }
0x5: {  	_ = 	snop  }
0x6: {  	_ = 	snop  }
0x7: {  	_ = 	snop  }
__scs_overlays_trampoline_lowered:
0x8: {  	[smem:$0x3FAC] =	sst s0  }
0x9: {  	[smem:$0x3FAD] =	sst s1  }
0xa: {  	[smem:$0x3FAE] =	sst s2  }
0xb: {  	[smem:$0x3FAF] =	sst s3  }
0xc: {  	[smem:$0x3FB0] =	sst s4  }
0xd: {  	[smem:$0x3FB1] =	sst s5  }
0xe: {  	[smem:$0x3FB2] =	sst s6  }
0xf: {  	[smem:$0x3FB3] =	sst s7  }
0x10: {  	[smem:$0x3FB4] =	sst s8  }
0x11: {  	[smem:$0x3FB5] =	sst s9;
	s0 =	simm.s32 @!p0 $0x0  }
0x12: {  	s1 =	sld [smem:$0x3F9B];
	s0 =	simm.s32 @p0 $0x1  }
0x13: {  	[smem:$0x3FB6] =	sst s0;
	s0 =	simm.s32 @!p1 $0x0  }
0x14: {  	s2 =	sld [smem:$0x3F9A];
	s0 =	simm.s32 @p1 $0x1  }
0x15: {  	[smem:$0x3FB7] =	sst s0;
	s0 =	simm.s32 @!p2 $0x0  }
0x16: {  	s3 =	sld [smem:$0x3FDB];
	s0 =	simm.s32 @p2 $0x1  }
0x17: {  	s4 =	simm.s32 $0x1BF5;
	[smem:$0x3FB9] =	sst s0  }
0x18: {  	s0 =	sld [smem:$0x3F9C];
	_ =	swait.ge [sflag:s4], $0x0  }
0x19: {  	s7 =	sld [smem:$0x3F9D]  }
0x1a: {  	s8 =	sadd.s32 $0xFFFFE003, lr  }
0x1b: {  	s9 =	sadd.s32 $0xFFFFFEF7, lr;
	s5 =	simm.s32 $0xFFFFFFFF;
	p2 =	slt.u32 s8, $0xFFFFF086  }
0x1c: {  	p1 =	slt.u32 s9, $0xF7A;
	s5 =	simm.s32 @!p2 $0x0  }
0x1d: {  	s5 =	simm.s32 @p1 $0x1;
	p0 =	seq.s32 s7, s2  }
0x1e: {  	s7 =	smul.u32 @!p0 $0xF7A, s2;
	p2 =	seq.s32 @!p0 s5, $0x0  }
0x1f: {  	s9 =	smul.u32 $0xF7A, s1;
	s8 =	simm.s32 @!p0 $0x1BF5;
	p2 =	por !p2, p0  }
0x20: {  	[sflag:s8] =	ssyncset.s32 @!p0 $0xFFFFF086;
	s6 =	sadd.s32 @!p0 s3, s7;
	s7 =	simm.s32 @!p0 $0x108  }
0x21: {  	s3 =	sadd.s32 s3, s9;
	s6 =	sadd.s32 @!p0 $0x88, s6;
	s7 =	simm.s32 @p2 $0x1082  }
0x22: {  	[simem:s7], [sflag:s8] =	dma.local @!p0 [hbm:s6], $0xF7A  }
0x23: {  	s9 =	sor.u32 $0xD0000000, s2;
	s6 =	simm.s32 $0x108;
	_ =	swait.ge @!p0 [sflag:s8], $0x0  }
0x24: {  	s3 =	sadd.s32 $0x88, s3;
	s6 =	simm.s32 @!p1 $0x1082;
	[sflag:s4] =	ssyncset.s32 $0xFFFFF086  }
0x25: {  	[simem:s6], [sflag:s4] =	dma.local [hbm:s3], $0xF7A  }
0x26: {  	[smem:$0x3F9D] =	sst s1;
	(tag) =	ssettag s2;
	_ =	strace s9  }
0x27: {  	s1 =	sld [smem:$0x3FAD]  }
0x28: {  	s2 =	sld [smem:$0x3FAE]  }
0x29: {  	s4 =	sld [smem:$0x3FB0]  }
0x2a: {  	p0 =	seq.s32 s5, $0x0;
	s5 =	sld [smem:$0x3FB1]  }
0x2b: {  	s6 =	sld [smem:$0x3FB2]  }
0x2c: {  	s7 =	sld [smem:$0x3FB3]  }
0x2d: {  	s3 =	simm.s32 $0x108;
	s8 =	sld [smem:$0x3FB4]  }
0x2e: {  	s3 =	simm.s32 @!p0 $0x1082;
	s9 =	sld [smem:$0x3FB5]  }
0x2f: {  	lr =	sadd.s32 s0, s3;
	s0 =	sld [smem:$0x3FAC]  }
0x30: {  	s3 =	sld [smem:$0x3FAF]  }
0x31: {  	[smem:$0x3FB8] =	sst s10  }
0x32: {  	s10 =	sld [smem:$0x3FB6];
	_ =	sdelay $0x3  }
0x33: {  	p0 =	seq.s32 s10, $0x1;
	s10 =	sld [smem:$0x3FB8];
	_ =	sdelay $0x3  }
0x34: {  	[smem:$0x3FB8] =	sst s10  }
0x35: {  	s10 =	sld [smem:$0x3FB7];
	_ =	sdelay $0x3  }
0x36: {  	p1 =	seq.s32 s10, $0x1;
	s10 =	sld [smem:$0x3FB8];
	_ =	sdelay $0x3  }
0x37: {  	[smem:$0x3FB8] =	sst s10  }
0x38: {  	s10 =	sld [smem:$0x3FB9]  }
0x39: {  	_ = 	snop;
	(pc) =	sbr.ind lr, $3  }
0x3a: {  	_ = 	snop  }
0x3b: {  	_ = 	snop  }
0x3c: {  	p2 =	seq.s32 s10, $0x1;
	s10 =	sld [smem:$0x3FB8]  }
0x3d: {  	_ =	shalt  }
0x3e: {  	_ =	shalt  }
0x3f: {  	_ =	shalt  }
0x40: {  	_ =	shalt  }
0x41: {  	_ =	shalt  }
0x42: {  	_ =	shalt  }
0x43: {  	_ =	shalt  }
0x44: {  	_ =	shalt  }
0x45: {  	_ =	shalt  }
0x46: {  	_ =	shalt  }
0x47: {  	_ =	shalt  }
0x48: {  	_ =	shalt  }
0x49: {  	_ =	shalt  }
0x4a: {  	_ =	shalt  }
0x4b: {  	_ =	shalt  }
0x4c: {  	_ =	shalt  }
0x4d: {  	_ =	shalt  }
0x4e: {  	_ =	shalt  }
0x4f: {  	_ =	shalt  }
0x50: {  	_ =	shalt  }
0x51: {  	_ =	shalt  }
0x52: {  	_ =	shalt  }
0x53: {  	_ =	shalt  }
0x54: {  	_ =	shalt  }
0x55: {  	_ =	shalt  }
0x56: {  	_ =	shalt  }
0x57: {  	_ =	shalt  }
0x58: {  	_ =	shalt  }
0x59: {  	_ =	shalt  }
0x5a: {  	_ =	shalt  }
0x5b: {  	_ =	shalt  }
0x5c: {  	_ =	shalt  }
0x5d: {  	_ =	shalt  }
0x5e: {  	_ =	shalt  }
0x5f: {  	_ =	shalt  }
0x60: {  	_ =	shalt  }
0x61: {  	_ =	shalt  }
0x62: {  	_ =	shalt  }
0x63: {  	_ =	shalt  }
0x64: {  	_ =	shalt  }
0x65: {  	_ =	shalt  }
0x66: {  	_ =	shalt  }
0x67: {  	_ =	shalt  }
0x68: {  	_ =	shalt  }
0x69: {  	_ =	shalt  }
0x6a: {  	_ =	shalt  }
0x6b: {  	_ =	shalt  }
0x6c: {  	_ =	shalt  }
0x6d: {  	_ =	shalt  }
0x6e: {  	_ =	shalt  }
0x6f: {  	_ =	shalt  }
0x70: {  	_ =	shalt  }
0x71: {  	_ =	shalt  }
0x72: {  	_ =	shalt  }
0x73: {  	_ =	shalt  }
0x74: {  	_ =	shalt  }
0x75: {  	_ =	shalt  }
0x76: {  	_ =	shalt  }
0x77: {  	_ =	shalt  }
0x78: {  	_ =	shalt  }
0x79: {  	_ =	shalt  }
0x7a: {  	_ =	shalt  }
0x7b: {  	_ =	shalt  }
0x7c: {  	_ =	shalt  }
0x7d: {  	_ =	shalt  }
0x7e: {  	_ =	shalt  }
0x7f: {  	_ =	shalt  }
0x80: {  	_ =	shalt  }
0x81: {  	_ =	shalt  }
0x82: {  	_ =	shalt  }
0x83: {  	_ =	shalt  }
0x84: {  	_ =	shalt  }
0x85: {  	_ =	shalt  }
0x86: {  	_ =	shalt  }
0x87: {  	_ =	shalt  }
.Lfunc_end0:
.L_simem_size_0:
called_computation.2_lowered:
.L_overlay_start_0:
0x88: {  	s2 =	sld [smem:$0x3FD9]  }
0x89: {  	s3 =	sld [smem:$0x3FFE];
	_ =	sdelay $0x1  }
0x8a: {  	s1 =	srdreg.scid  }
0x8b: {  	s0 =	sand.u32 $0x1, s1  }
0x8c: {  	s16 =	sshll.u32 s0, $0xA;
	s2 =	sadd.s32 s3, s2  }
0x8d: {  	s2 =	sadd.s32 s2, s16  }
0x8e: {  	[smem:$0x3FC4] =	sst s2  }
0x8f: {  	_ = 	snop  }
0x90: {  	(tm) =	ssettm $0x1  }
0x91: {  	s17 =	sld [smem:$0x3FFB];
	_ =	sdelay $0x3  }
0x92: {  	_ =	strace s17  }
0x93: {  	s2 =	sld [smem:$0x3FFC];
	_ =	sdelay $0x3  }
0x94: {  	_ =	strace s2  }
0x95: {  	s2 =	sld [smem:$0x3FFD];
	_ =	sdelay $0x3  }
0x96: {  	_ =	strace s2  }
0x97: {  	_ =	strace $0x8FFFFFFF  }
0x98: {  	s18 =	sld [smem:$0x3FDB];
	_ =	sdelay $0x1  }
0x99: {  	s19 =	simm.s32 $_scs_section_size  }
0x9a: {  	s4 =	simm.s32 $_size__tile_overlayer_lowered;
	s5 =	simm.s32 $_tile_overlayer_lowered  }
0x9b: {  	s22 =	simm.s32 $0x1BFF;
	s21 =	sshll.u32 s5, $0x1;
	s2 =	sadd.s32 s19, s18  }
0x9c: {  	s6 =	simm.s32 $0x0;
	s20 =	sshll.u32 s4, $0x1;
	s4 =	sadd.s32 s21, s2  }
0x9d: {  	[timem:s6], [sflag:s22] =	dma.local [hbm:s4], s20  }
0x9e: {  	_ =	swait.ge [sflag:s22], s20  }
0x9f: {  	s3 =	ssub.s32 $0x0, s20;
	[sflag:s22] =	ssyncset.done $0x0  }
0xa0: {  	[sflag:s22] =	ssyncadd.s32 s3;
	_ =	sdelay $0x1  }
0xa1: {  	s23 =	simm.s32 $0x1B8B  }
0xa2: {  	_ =	swait.ge [sflag:s23], $0x1  }
0xa3: {  	[sflag:s23] =	ssyncset.done $0x0  }
0xa4: {  	s25 =	simm.s32 $0x1B8E;
	s24 =	sld [smem:$0x3FFE];
	[sflag:s23] =	ssyncadd.s32 $0xFFFFFFFF  }
0xa5: {  	s26 =	simm.s32 $execute0_lowered;
	[smem:$0x3FD2] =	sst s25  }
0xa6: {  	s4 =	sshll.u32 s26, $0x1;
	_ =	strace $0x8000004C;
	[dreg:$0x1] =	wrdreg $0xFFFFFFFF  }
0xa7: {  	s28 =	simm.s32 $_size_execute0_lowered;
	s2 =	sadd.s32 s2, s4;
	[dreg:$0x0] =	wrdreg $0x0  }
0xa8: {  	s4 =	sshll.u32 s28, $0x1;
	[dreg:$0x2] =	wrdreg s2  }
0xa9: {  	[dreg:$0x3] =	wrdreg s4  }
0xaa: {  	[dreg:$0x4] =	wrdreg $0xC0  }
0xab: {  	_ =	task [dreg:s6], $0x5FFFF  }
0xac: {  	[dreg:$0x1] =	wrdreg $0xFFFFFFFF  }
0xad: {  	[dreg:$0x0] =	wrdreg $0x60  }
0xae: {  	[dreg:$0x2] =	wrdreg s24  }
0xaf: {  	[dreg:$0x3] =	wrdreg $0x9  }
0xb0: {  	_ =	task.clear_ibuf [dreg:s6], $0x4FFFF;
	_ =	strace $0x9000004C  }
0xb1: {  	s29 =	simm.s32 $0x9;
	_ =	strace $0x8000004E  }
0xb2: {  	_ =	swait.ge [sflag:s29], $0x1  }
0xb3: {  	[sflag:s29] =	ssyncadd.s32 $0xFFFFFFFF  }
0xb4: {  	_ =	strace $0x9000004E  }
0xb5: {  	_ =	sfence  }
0xb6: {  	s30 =	sld [smem:$0x0];
	_ =	sdelay $0x2  }
0xb7: {  	s31 =	sshll.u32 s1, $0xD;
	s1 =	sshrl.u32 s1, $0x2  }
0xb8: {  	s3 =	sand.u32 $0x4000, s31;
	s1 =	sadd.s32 s1, s30  }
0xb9: {  	s0 =	sor.u32 s3, s0;
	s1 =	sshll.u32 s1, $0x11  }
0xba: {  	s0 =	sor.u32 s1, s0  }
0xbb: {  	s0 =	sadd.s32 $0x8F2B, s0  }
0xbc: {  	[sflag:s0] =	ssyncadd.remote.s32 $0x1  }
0xbd: {  	_ =	sfence.sel $0xFFFF  }
0xbe: {  	[dreg:$0x0] =	wrdreg $0xFFFFFFFF;
	(pc) =	sbr.abs _section_cstart, $3  }
0xbf: {  	[dreg:$0x1] =	wrdreg $0xFFFFFFFF  }
0xc0: {  	_ =	task.clear_ibuf [dreg:s6], $0x2FFFF;
	_ =	strace $0x9FFFFFFF  }
0xc1: {  	(tm) =	ssettm $0x7FFFFFFF  }
tec
execute0_lowered:
.L_overlay_start_1:
0x0: {  	(tag) =	ssettag $0x1  }
0x1: {  	s0 =	rddreg [dreg:$0x0];
	s1 =	simm.s32 $0x0  }
0x2: {  	s4 =	srdreg.scid;
	s2 =	stileid.u32;
	s10 =	simm.s32 $0x8000  }
0x3: {  	s11 =	simm.s32 $0x80;
	s12 =	simm.s32 $0x8600;
	s13 =	simm.s32 $0x8380  }
0x4: {  	s14 =	simm.s32 $0x9600;
	s15 =	simm.s32 $0x8400;
	s16 =	simm.s32 $0xA600  }
0x5: {  	s17 =	simm.s32 $0x8480;
	s18 =	simm.s32 $0xB600;
	s19 =	simm.s32 $0x8500  }
0x6: {  	s20 =	simm.s32 $0xC600;
	s21 =	simm.s32 $0x8580;
	s22 =	simm.s32 $0xD600  }
0x7: {  	s23 =	simm.s32 $0x1;
	s24 =	simm.s32 $0xE600;
	s25 =	simm.s32 $0x0  }
0x8: {  	[smem:$0x7FF] =	sst s1;
	s3 =	sadd.s32 $0x41E00, s0;
	s6 =	sand.u32 $0x1, s4  }
0x9: {  	s4 =	sadd.s32 $0x21E00, s0;
	s8 =	sshll.u32 s2, $0x1;
	s7 =	ssub.s32 $0x2, s6  }
0xa: {  	v0 =	vimm.s32 $0x3FFF;
	v1 =	vimm.s32 $0x7FFF;
	v4 =	vlaneseq.u32;
	s5 =	sadd.s32 $0x42E00, s0;
	_ =	strace $0x8000004D;
	s9 =	sshrl.u32 s7, $0x1  }
0xb: {  	v2 =	vimm.s32 $0x4000;
	v3 =	vimm.s32 $0x5FFF;
	v5 =	vimm.s32 $0x1F;
	s8 =	sor.u32 s6, s8;
	s6 =	sadd.s32 $0x1C00, s0;
	s31 =	ssub.s32 s7, s9  }
0xc: {  	v6 =	vimm.s32 $0x10;
	v7 =	vimm.s32 $0x17;
	v4 =	vmul.u32 $0x20, v4;
	s7 =	smul.u32 $0x7E00, s8;
	s9 =	simm.s32 $0x2;
	s8 =	smax.u32 s31, $0x1  }
.LBB2_1:
0xd: {  	[tilespmem:s1], [sflag:$0x2] =	stream.linear.gather [hbm4b:s3+s1], $0x8000, $0x38;
	[tilespmem:$0xE900] =	vst v63  }
0xe: {  	_ =	swait.ge [sflag:s9], $0x8000  }
0xf: {  	[sflag:s9] =	ssyncset.done $0x0  }
0x10: {  	[sflag:s9] =	ssyncadd.s32 $0xFFFF8000  }
0x11: {  	v8 =	vld [tilespmem:$0x7FF0];
	_ =	sdelay $0x4  }
0x12: {  	(xrf0) =	vmax.scan.msk.f32 $0xffff, v8;
	_ =	sdelay $0x5  }
0x13: {  	v8, _, _ =	vpop (xrf0)  }
0x14: {  	s26 =	simm.s32 $0x0;
	v8 =	vbroadcast v8, $0xF  }
.LBB2_2:
0x15: {  	s0 =	smul.u32 $0x300, s26;
	_ =	sdelay $0x1  }
0x16: {  	s0 =	sadd.s32 s7, s0  }
0x17: {  	s28 =	sshrl.u32 s0, $0x3  }
0x18: {  	s29 =	simm.s32 $0x0;
	s0 =	sadd.s32 s5, s28  }
0x19: {  	[tilespmem:s10], [sflag:$0x2] =	stream.linear.gather [hbm4b:s0+s29], $0x300, $0x38;
	[tilespmem:$0xE900] =	vst v63  }
0x1a: {  	_ =	swait.ge [sflag:s9], $0x300  }
0x1b: {  	[sflag:s9] =	ssyncset.done $0x0  }
0x1c: {  	[sflag:s9] =	ssyncadd.s32 $0xFFFFFD00  }
.LBB2_3:
0x1d: {  	s30 =	sshra.s32 s29, $0x2  }
0x1e: {  	v9 =	vld [tilespmem:s30+$0x8000];
	_ =	sdelay $0x1  }
0x1f: {  	v10 =	vld.idx.msk [tilespmem:v0+s1+$0x0], $0xffff;
	_ =	sdelay $0x2  }
0x20: {  	v9 =	vmul.f32 v9, v8;
	_ =	sdelay $0x1  }
0x21: {  	vm0 =	vlt.f32 v9, v10  }
0x22: {  	v10 =	vsel vm0, $0x1FFF, v3;
	_ =	sdelay $0x4  }
0x23: {  	v11 =	vld.idx.msk [tilespmem:v10+s1+$0x0], $0xffff;
	_ =	sdelay $0x4  }
0x24: {  	v12 =	vsel vm0, $0x3FFF, v1;
	vm1 =	vlt.f32 v9, v11  }
0x25: {  	v11 =	vsel vm0, $0x0, v2;
	v12 =	vsel vm1, v10, v12;
	v10 =	vadd.s32 $0x1, v10  }
0x26: {  	v10 =	vsel vm1, v11, v10;
	v11 =	vadd.s32 $0xFFFFFFFF, v12  }
0x27: {  	v11 =	vadd.s32 v11, v10  }
0x28: {  	v11 =	vshrl.u32 v11, $0x1;
	_ =	sdelay $0x4  }
0x29: {  	v13 =	vld.idx.msk [tilespmem:v11+s1+$0x0], $0xffff;
	_ =	sdelay $0x4  }
0x2a: {  	vm15 =	vlt.f32 v9, v13  }
0x2b: {  	v12 =	vsel vm15, v11, v12;
	v11 =	vadd.s32 $0x1, v11  }
0x2c: {  	v10 =	vsel vm15, v10, v11;
	v11 =	vadd.s32 $0xFFFFFFFF, v12  }
0x2d: {  	v41 =	vxor.u32 v11, v10  }
0x2e: {  	v11 =	vor.u32 v11, v10;
	v13 =	vshrl.u32 v41, $0x1  }
0x2f: {  	v11 =	vsub.s32 v11, v13;
	_ =	sdelay $0x4  }
0x30: {  	v13 =	vld.idx.msk [tilespmem:v11+s1+$0x0], $0xffff;
	_ =	sdelay $0x4  }
0x31: {  	v42 =	vadd.s32 $0x1, v11;
	vm4 =	vlt.f32 v9, v13  }
0x32: {  	v11 =	vsel vm4, v11, v12;
	v10 =	vsel vm4, v10, v42  }
0x33: {  	v12 =	vadd.s32 v11, v10  }
0x34: {  	v12 =	vshrl.u32 v12, $0x1;
	_ =	sdelay $0x4  }
0x35: {  	v43 =	vld.idx.msk [tilespmem:v12+s1+$0x0], $0xffff;
	_ =	sdelay $0x4  }
0x36: {  	v44 =	vadd.s32 $0x1, v12;
	vm5 =	vlt.f32 v9, v43  }
0x37: {  	v11 =	vsel vm5, v12, v11;
	v10 =	vsel vm5, v10, v44  }
0x38: {  	v12 =	vadd.s32 v11, v10  }
0x39: {  	v12 =	vshrl.u32 v12, $0x1;
	_ =	sdelay $0x4  }
0x3a: {  	v45 =	vld.idx.msk [tilespmem:v12+s1+$0x0], $0xffff;
	_ =	sdelay $0x4  }
0x3b: {  	v46 =	vadd.s32 $0x1, v12;
	vm6 =	vlt.f32 v9, v45  }
0x3c: {  	v11 =	vsel vm6, v12, v11;
	v10 =	vsel vm6, v10, v46  }
0x3d: {  	v12 =	vadd.s32 v11, v10  }
0x3e: {  	v12 =	vshrl.u32 v12, $0x1;
	_ =	sdelay $0x4  }
0x3f: {  	v47 =	vld.idx.msk [tilespmem:v12+s1+$0x0], $0xffff;
	_ =	sdelay $0x4  }
0x40: {  	v48 =	vadd.s32 $0x1, v12;
	vm7 =	vlt.f32 v9, v47  }
0x41: {  	v11 =	vsel vm7, v12, v11;
	v10 =	vsel vm7, v10, v48  }
0x42: {  	v12 =	vadd.s32 v11, v10  }
0x43: {  	v12 =	vshrl.u32 v12, $0x1;
	_ =	sdelay $0x4  }
0x44: {  	v49 =	vld.idx.msk [tilespmem:v12+s1+$0x0], $0xffff;
	_ =	sdelay $0x4  }
0x45: {  	v50 =	vadd.s32 $0x1, v12;
	vm8 =	vlt.f32 v9, v49  }
0x46: {  	v11 =	vsel vm8, v12, v11;
	v10 =	vsel vm8, v10, v50  }
0x47: {  	v12 =	vadd.s32 v11, v10  }
0x48: {  	v12 =	vshrl.u32 v12, $0x1;
	_ =	sdelay $0x4  }
0x49: {  	v51 =	vld.idx.msk [tilespmem:v12+s1+$0x0], $0xffff;
	_ =	sdelay $0x4  }
0x4a: {  	v52 =	vadd.s32 $0x1, v12;
	vm9 =	vlt.f32 v9, v51  }
0x4b: {  	v11 =	vsel vm9, v12, v11;
	v10 =	vsel vm9, v10, v52  }
0x4c: {  	v12 =	vadd.s32 v11, v10  }
0x4d: {  	v12 =	vshrl.u32 v12, $0x1;
	_ =	sdelay $0x4  }
0x4e: {  	v53 =	vld.idx.msk [tilespmem:v12+s1+$0x0], $0xffff;
	_ =	sdelay $0x4  }
0x4f: {  	v54 =	vadd.s32 $0x1, v12;
	vm10 =	vlt.f32 v9, v53  }
0x50: {  	v11 =	vsel vm10, v12, v11;
	v10 =	vsel vm10, v10, v54  }
0x51: {  	v12 =	vadd.s32 v11, v10  }
0x52: {  	v12 =	vshrl.u32 v12, $0x1;
	_ =	sdelay $0x4  }
0x53: {  	v55 =	vld.idx.msk [tilespmem:v12+s1+$0x0], $0xffff;
	_ =	sdelay $0x4  }
0x54: {  	v56 =	vadd.s32 $0x1, v12;
	vm11 =	vlt.f32 v9, v55  }
0x55: {  	v11 =	vsel vm11, v12, v11;
	v10 =	vsel vm11, v10, v56  }
0x56: {  	v12 =	vadd.s32 v11, v10  }
0x57: {  	v12 =	vshrl.u32 v12, $0x1;
	_ =	sdelay $0x4  }
0x58: {  	v57 =	vld.idx.msk [tilespmem:v12+s1+$0x0], $0xffff;
	_ =	sdelay $0x4  }
0x59: {  	v58 =	vadd.s32 $0x1, v12;
	vm12 =	vlt.f32 v9, v57  }
0x5a: {  	v11 =	vsel vm12, v12, v11;
	v10 =	vsel vm12, v10, v58  }
0x5b: {  	v12 =	vadd.s32 v11, v10  }
0x5c: {  	v12 =	vshrl.u32 v12, $0x1;
	_ =	sdelay $0x4  }
0x5d: {  	v59 =	vld.idx.msk [tilespmem:v12+s1+$0x0], $0xffff;
	_ =	sdelay $0x4  }
0x5e: {  	v60 =	vadd.s32 $0x1, v12;
	vm13 =	vlt.f32 v9, v59  }
0x5f: {  	v11 =	vsel vm13, v12, v11;
	v10 =	vsel vm13, v10, v60  }
0x60: {  	v12 =	vadd.s32 v11, v10  }
0x61: {  	v12 =	vshrl.u32 v12, $0x1;
	_ =	sdelay $0x4  }
0x62: {  	v61 =	vld.idx.msk [tilespmem:v12+s1+$0x0], $0xffff;
	_ =	sdelay $0x4  }
0x63: {  	v62 =	vadd.s32 $0x1, v12;
	vm14 =	vlt.f32 v9, v61  }
0x64: {  	v11 =	vsel vm14, v12, v11;
	v10 =	vsel vm14, v10, v62  }
0x65: {  	v11 =	vadd.s32 v11, v10  }
0x66: {  	v11 =	vshrl.u32 v11, $0x1;
	_ =	sdelay $0x4  }
0x67: {  	v63 =	vld.idx.msk [tilespmem:v11+s1+$0x0], $0xffff;
	_ =	sdelay $0x1  }
0x68: {  	p0 =	sne.s32 s29, $0xBC0  }
.Ltmp0:
0x69: {  	_ = 	snop;
	(pc) =	sbr.rel @p0 .LBB2_3-.Ltmp0, $4  }
0x6a: {  	_ = 	snop  }
0x6b: {  	vm15 =	vlt.f32 v9, v63;
	v9 =	vadd.s32 $0x1, v11  }
0x6c: {  	v9 =	vsel vm15, v10, v9  }
0x6d: {  	s29 =	sadd.s32 $0x40, s29;
	[tilespmem:s30+$0x8300] =	vst v9  }
0x6e: {  	s29 =	simm.s32 $0x8300  }
0x6f: {  	[tilespmem:s12], [sflag:$0x1] =	stream.indirect.gather [hbm4b:s4+s11], $0x20, s29, s11, $0xb8;
	[tilespmem:$0xE900] =	vst v63  }
0x70: {  	_ = 	snop  }
0x71: {  	[tilespmem:s14], [sflag:$0x1] =	stream.indirect.gather [hbm4b:s4+s11], $0x20, s13, s11, $0xb8;
	[tilespmem:$0xE900] =	vst v63  }
0x72: {  	_ = 	snop  }
0x73: {  	[tilespmem:s16], [sflag:$0x1] =	stream.indirect.gather [hbm4b:s4+s11], $0x20, s15, s11, $0xb8;
	[tilespmem:$0xE900] =	vst v63  }
0x74: {  	_ = 	snop  }
0x75: {  	[tilespmem:s18], [sflag:$0x1] =	stream.indirect.gather [hbm4b:s4+s11], $0x20, s17, s11, $0xb8;
	[tilespmem:$0xE900] =	vst v63  }
0x76: {  	_ = 	snop  }
0x77: {  	[tilespmem:s20], [sflag:$0x1] =	stream.indirect.gather [hbm4b:s4+s11], $0x20, s19, s11, $0xb8;
	[tilespmem:$0xE900] =	vst v63  }
0x78: {  	_ = 	snop  }
0x79: {  	[tilespmem:s22], [sflag:$0x1] =	stream.indirect.gather [hbm4b:s4+s11], $0x20, s21, s11, $0xb8;
	[tilespmem:$0xE900] =	vst v63  }
0x7a: {  	_ =	swait.ge [sflag:s23], $0x1000  }
0x7b: {  	[sflag:s23] =	ssyncset.done $0x0  }
0x7c: {  	[sflag:s23] =	ssyncadd.s32 $0xFFFFF000  }
0x7d: {  	_ =	swait.ge [sflag:s23], $0x1000  }
0x7e: {  	[sflag:s23] =	ssyncset.done $0x0  }
0x7f: {  	[sflag:s23] =	ssyncadd.s32 $0xFFFFF000  }
0x80: {  	_ =	swait.ge [sflag:s23], $0x1000  }
0x81: {  	[sflag:s23] =	ssyncset.done $0x0  }
0x82: {  	[sflag:s23] =	ssyncadd.s32 $0xFFFFF000  }
0x83: {  	_ =	swait.ge [sflag:s23], $0x1000  }
0x84: {  	[sflag:s23] =	ssyncset.done $0x0  }
0x85: {  	[sflag:s23] =	ssyncadd.s32 $0xFFFFF000  }
0x86: {  	_ =	swait.ge [sflag:s23], $0x1000  }
0x87: {  	[sflag:s23] =	ssyncset.done $0x0  }
0x88: {  	[sflag:s23] =	ssyncadd.s32 $0xFFFFF000  }
0x89: {  	_ =	swait.ge [sflag:s23], $0x1000  }
0x8a: {  	s30 =	simm.s32 $0x0;
	[sflag:s23] =	ssyncset.done $0x0  }
0x8b: {  	s31 =	simm.s32 $0x8000;
	s0 =	simm.s32 $0xE600;
	[sflag:s23] =	ssyncadd.s32 $0xFFFFF000  }
.LBB2_5:
0x8c: {  	v9 =	vmov s30  }
0x8d: {  	v9 =	vshll.u32 v9, $0x5  }
0x8e: {  	v9 =	vor.u32 v4, v9  }
0x8f: {  	v10 =	vor.u32 $0xF, v9;
	_ =	sdelay $0x2  }
0x90: {  	v11 =	vld [tilespmem:s31+$0x0];
	_ =	sdelay $0x1  }
0x91: {  	v10 =	vld.idx.msk [tilespmem:v10+s12+$0x0], $0xffff;
	_ =	sdelay $0x2  }
0x92: {  	v11 =	vmul.f32 v11, v8;
	_ =	sdelay $0x1  }
0x93: {  	vm0 =	vlt.f32 v11, v10  }
0x94: {  	v10 =	vsel vm0, $0x7, v7  }
0x95: {  	v12 =	vor.u32 v9, v10;
	_ =	sdelay $0x4  }
0x96: {  	v12 =	vld.idx.msk [tilespmem:v12+s12+$0x0], $0xffff;
	_ =	sdelay $0x4  }
0x97: {  	v13 =	vsel vm0, $0xF, v5;
	vm1 =	vlt.f32 v11, v12  }
0x98: {  	v56 =	vsel vm0, $0x0, v6;
	v13 =	vsel vm1, v10, v13;
	v10 =	vadd.s32 $0x1, v10  }
0x99: {  	v10 =	vsel vm1, v56, v10;
	v57 =	vadd.s32 $0xFFFFFFFF, v13  }
0x9a: {  	v12 =	vadd.s32 v57, v10  }
0x9b: {  	v12 =	vshrl.u32 v12, $0x1  }
0x9c: {  	v14 =	vor.u32 v9, v12;
	_ =	sdelay $0x4  }
0x9d: {  	v14 =	vld.idx.msk [tilespmem:v14+s12+$0x0], $0xffff;
	_ =	sdelay $0x4  }
0x9e: {  	vm12 =	vlt.f32 v11, v14  }
0x9f: {  	v13 =	vsel vm12, v12, v13;
	v12 =	vadd.s32 $0x1, v12  }
0xa0: {  	v10 =	vsel vm12, v10, v12;
	v58 =	vadd.s32 $0xFFFFFFFF, v13  }
0xa1: {  	v59 =	vxor.u32 v58, v10  }
0xa2: {  	v12 =	vor.u32 v58, v10;
	v14 =	vshrl.u32 v59, $0x1  }
0xa3: {  	v12 =	vsub.s32 v12, v14  }
0xa4: {  	v14 =	vand.u32 $0x7FFFFFF8, v12  }
0xa5: {  	v15 =	vand.u32 $0x7, v12;
	v14 =	vadd.s32 v9, v14  }
0xa6: {  	v14 =	vor.u32 v15, v14;
	_ =	sdelay $0x4  }
0xa7: {  	v14 =	vld.idx.msk [tilespmem:v14+s12+$0x0], $0xffff;
	_ =	sdelay $0x4  }
0xa8: {  	v60 =	vadd.s32 $0x1, v12;
	vm13 =	vlt.f32 v11, v14  }
0xa9: {  	v12 =	vsel vm13, v12, v13;
	v10 =	vsel vm13, v10, v60  }
0xaa: {  	v12 =	vadd.s32 v12, v10  }
0xab: {  	v12 =	vshrl.u32 v12, $0x1  }
0xac: {  	v61 =	vand.u32 $0x7FFFFFF8, v12  }
0xad: {  	v62 =	vand.u32 $0x7, v12;
	v9 =	vadd.s32 v9, v61  }
0xae: {  	v9 =	vor.u32 v62, v9;
	_ =	sdelay $0x4  }
0xaf: {  	v9 =	vld.idx.msk [tilespmem:v9+s12+$0x0], $0xffff  }
0xb0: {  	v63 =	vld [tilespmem:s29+$0x0];
	_ =	sdelay $0x3  }
0xb1: {  	p0 =	sne.s32 s30, $0x2F0;
	vm14 =	vlt.f32 v11, v9;
	v9 =	vadd.s32 $0x1, v12  }
.Ltmp1:
0xb2: {  	v9 =	vsel vm14, v10, v9;
	v10 =	vshll.u32 v63, $0x5;
	(pc) =	sbr.rel @p0 .LBB2_5-.Ltmp1, $4  }
0xb3: {  	v9 =	vadd.s32 v10, v9  }
0xb4: {  	vm15 =	vlt.s32 v9, $0xF423F  }
0xb5: {  	s31 =	sadd.s32 $0x10, s31;
	v9 =	vnsel vm15, $0xF423F, v9  }
0xb6: {  	s29 =	sadd.s32 $0x10, s29;
	s30 =	sadd.s32 $0x10, s30;
	[tilespmem:s0+$0x0] =	vst v9;
	s0 =	sadd.s32 $0x10, s0  }
0xb7: {  	s26 =	sadd.s32 $0x1, s26  }
0xb8: {  	p0 =	sne.s32 s26, $0x2A  }
.Ltmp2:
0xb9: {  	s0 =	sadd.s32 s6, s28;
	(pc) =	sbr.rel @p0 .LBB2_2-.Ltmp2, $4  }
0xba: {  	[hbm4b:s0+s1] =	stream.linear.scatter [tilespmem:s24], [sflag:$0x2], $0x300, $0x38;
	[tilespmem:$0xE900] =	vst v63  }
0xbb: {  	_ =	swait.ge [sflag:s9], $0x300  }
0xbc: {  	[sflag:s9] =	ssyncset.done $0x0  }
0xbd: {  	[sflag:s9] =	ssyncadd.s32 $0xFFFFFD00  }
0xbe: {  	s25 =	sadd.s32 $0x1, s25  }
0xbf: {  	p0 =	sne.s32 s25, s8  }
.Ltmp3:
0xc0: {  	_ = 	snop;
	(pc) =	sbr.rel @p0 .LBB2_1-.Ltmp3, $1  }
0xc1: {  	_ =	sdelay $0x3  }
0xc2: {  	_ =	sfence.sel $0x180000  }
0xc3: {  	[bflag:$0x0] =	sbarrier.arrive $0xFFFF  }
0xc4: {  	_ =	strace $0x9000004D  }
0xc5: {  	[bflag:$0x2] =	sbarrier.arrive $0xFFFF  }
0xc6: {  	p0 =	sne.s32 s2, $0x0;
	s0 =	rddreg [dreg:$0x1]  }
0xc7: {  	s0 =	sadd.s32 @!p0 $0x100000, s0  }
0xc8: {  	[sflag:s0] =	ssyncadd.tile.s32 @!p0 $0x1;
	_ =	shalt  }
.Lfunc_end2:
_tile_overlayer_lowered:
.L_overlay_start_2:
0xc9: {  	(tag) =	ssettag $0x2  }
0xca: {  	s0 =	rddreg [dreg:$0x0];
	s2 =	stileid.u32  }
0xcb: {  	s1 =	rddreg [dreg:$0x1];
	p0 =	sne.s32 s2, $0x0  }
0xcc: {  	s3 =	rddreg [dreg:$0x2];
	[bflag:$0x3] =	sbarrier.arrive $0xFFFF;
	s2 =	simm.s32 @!p0 $0x1C02  }
0xcd: {  	[timem:s3], [sflag:s2] =	dma.local @!p0 [hbm:s0], s1  }
0xce: {  	s0 =	simm.s32 @!p0 $0x2  }
0xcf: {  	_ =	swait.ge @!p0 [sflag:s0], s1  }
0xd0: {  	s1 =	ssub.s32 @!p0 $0x0, s1;
	[sflag:s0] =	ssyncset.done @!p0 $0x0  }
0xd1: {  	[sflag:s0] =	ssyncadd.s32 @!p0 s1  }
0xd2: {  	[bflag:$0x3] =	sbarrier.arrive $0xFFFF  }
0xd3: {  	_ =	shalt  }

// kernel: kernel.17.cloned.1.call-start
scs
__scs_entry_jumppad:
0x0: {  	(pc) =	sbr.rel $0x88, $3  }
0x1: {  	(tag) =	ssettag $0x0;
	lr =	simm.s32 $0x1  }
0x2: {  	[smem:$0x3F9D] =	sst lr;
	_ =	strace $0xD0000000  }
0x3: {  	_ = 	snop  }
0x4: {  	_ = 	snop  }
0x5: {  	_ = 	snop  }
0x6: {  	_ = 	snop  }
0x7: {  	_ = 	snop  }
__scs_overlays_trampoline_lowered:
0x8: {  	[smem:$0x3FAC] =	sst s0  }
0x9: {  	[smem:$0x3FAD] =	sst s1  }
0xa: {  	[smem:$0x3FAE] =	sst s2  }
0xb: {  	[smem:$0x3FAF] =	sst s3  }
0xc: {  	[smem:$0x3FB0] =	sst s4  }
0xd: {  	[smem:$0x3FB1] =	sst s5  }
0xe: {  	[smem:$0x3FB2] =	sst s6  }
0xf: {  	[smem:$0x3FB3] =	sst s7  }
0x10: {  	[smem:$0x3FB4] =	sst s8  }
0x11: {  	[smem:$0x3FB5] =	sst s9;
	s0 =	simm.s32 @!p0 $0x0  }
0x12: {  	s1 =	sld [smem:$0x3F9B];
	s0 =	simm.s32 @p0 $0x1  }
0x13: {  	[smem:$0x3FB6] =	sst s0;
	s0 =	simm.s32 @!p1 $0x0  }
0x14: {  	s2 =	sld [smem:$0x3F9A];
	s0 =	simm.s32 @p1 $0x1  }
0x15: {  	[smem:$0x3FB7] =	sst s0;
	s0 =	simm.s32 @!p2 $0x0  }
0x16: {  	s3 =	sld [smem:$0x3FDB];
	s0 =	simm.s32 @p2 $0x1  }
0x17: {  	s4 =	simm.s32 $0x1BF5;
	[smem:$0x3FB9] =	sst s0  }
0x18: {  	s0 =	sld [smem:$0x3F9C];
	_ =	swait.ge [sflag:s4], $0x0  }
0x19: {  	s7 =	sld [smem:$0x3F9D]  }
0x1a: {  	s8 =	sadd.s32 $0xFFFFE003, lr  }
0x1b: {  	s9 =	sadd.s32 $0xFFFFFEF7, lr;
	s5 =	simm.s32 $0xFFFFFFFF;
	p2 =	slt.u32 s8, $0xFFFFF086  }
0x1c: {  	p1 =	slt.u32 s9, $0xF7A;
	s5 =	simm.s32 @!p2 $0x0  }
0x1d: {  	s5 =	simm.s32 @p1 $0x1;
	p0 =	seq.s32 s7, s2  }
0x1e: {  	s7 =	smul.u32 @!p0 $0xF7A, s2;
	p2 =	seq.s32 @!p0 s5, $0x0  }
0x1f: {  	s9 =	smul.u32 $0xF7A, s1;
	s8 =	simm.s32 @!p0 $0x1BF5;
	p2 =	por !p2, p0  }
0x20: {  	[sflag:s8] =	ssyncset.s32 @!p0 $0xFFFFF086;
	s6 =	sadd.s32 @!p0 s3, s7;
	s7 =	simm.s32 @!p0 $0x108  }
0x21: {  	s3 =	sadd.s32 s3, s9;
	s6 =	sadd.s32 @!p0 $0x88, s6;
	s7 =	simm.s32 @p2 $0x1082  }
0x22: {  	[simem:s7], [sflag:s8] =	dma.local @!p0 [hbm:s6], $0xF7A  }
0x23: {  	s9 =	sor.u32 $0xD0000000, s2;
	s6 =	simm.s32 $0x108;
	_ =	swait.ge @!p0 [sflag:s8], $0x0  }
0x24: {  	s3 =	sadd.s32 $0x88, s3;
	s6 =	simm.s32 @!p1 $0x1082;
	[sflag:s4] =	ssyncset.s32 $0xFFFFF086  }
0x25: {  	[simem:s6], [sflag:s4] =	dma.local [hbm:s3], $0xF7A  }
0x26: {  	[smem:$0x3F9D] =	sst s1;
	(tag) =	ssettag s2;
	_ =	strace s9  }
0x27: {  	s1 =	sld [smem:$0x3FAD]  }
0x28: {  	s2 =	sld [smem:$0x3FAE]  }
0x29: {  	s4 =	sld [smem:$0x3FB0]  }
0x2a: {  	p0 =	seq.s32 s5, $0x0;
	s5 =	sld [smem:$0x3FB1]  }
0x2b: {  	s6 =	sld [smem:$0x3FB2]  }
0x2c: {  	s7 =	sld [smem:$0x3FB3]  }
0x2d: {  	s3 =	simm.s32 $0x108;
	s8 =	sld [smem:$0x3FB4]  }
0x2e: {  	s3 =	simm.s32 @!p0 $0x1082;
	s9 =	sld [smem:$0x3FB5]  }
0x2f: {  	lr =	sadd.s32 s0, s3;
	s0 =	sld [smem:$0x3FAC]  }
0x30: {  	s3 =	sld [smem:$0x3FAF]  }
0x31: {  	[smem:$0x3FB8] =	sst s10  }
0x32: {  	s10 =	sld [smem:$0x3FB6];
	_ =	sdelay $0x3  }
0x33: {  	p0 =	seq.s32 s10, $0x1;
	s10 =	sld [smem:$0x3FB8];
	_ =	sdelay $0x3  }
0x34: {  	[smem:$0x3FB8] =	sst s10  }
0x35: {  	s10 =	sld [smem:$0x3FB7];
	_ =	sdelay $0x3  }
0x36: {  	p1 =	seq.s32 s10, $0x1;
	s10 =	sld [smem:$0x3FB8];
	_ =	sdelay $0x3  }
0x37: {  	[smem:$0x3FB8] =	sst s10  }
0x38: {  	s10 =	sld [smem:$0x3FB9]  }
0x39: {  	_ = 	snop;
	(pc) =	sbr.ind lr, $3  }
0x3a: {  	_ = 	snop  }
0x3b: {  	_ = 	snop  }
0x3c: {  	p2 =	seq.s32 s10, $0x1;
	s10 =	sld [smem:$0x3FB8]  }
0x3d: {  	_ =	shalt  }
0x3e: {  	_ =	shalt  }
0x3f: {  	_ =	shalt  }
0x40: {  	_ =	shalt  }
0x41: {  	_ =	shalt  }
0x42: {  	_ =	shalt  }
0x43: {  	_ =	shalt  }
0x44: {  	_ =	shalt  }
0x45: {  	_ =	shalt  }
0x46: {  	_ =	shalt  }
0x47: {  	_ =	shalt  }
0x48: {  	_ =	shalt  }
0x49: {  	_ =	shalt  }
0x4a: {  	_ =	shalt  }
0x4b: {  	_ =	shalt  }
0x4c: {  	_ =	shalt  }
0x4d: {  	_ =	shalt  }
0x4e: {  	_ =	shalt  }
0x4f: {  	_ =	shalt  }
0x50: {  	_ =	shalt  }
0x51: {  	_ =	shalt  }
0x52: {  	_ =	shalt  }
0x53: {  	_ =	shalt  }
0x54: {  	_ =	shalt  }
0x55: {  	_ =	shalt  }
0x56: {  	_ =	shalt  }
0x57: {  	_ =	shalt  }
0x58: {  	_ =	shalt  }
0x59: {  	_ =	shalt  }
0x5a: {  	_ =	shalt  }
0x5b: {  	_ =	shalt  }
0x5c: {  	_ =	shalt  }
0x5d: {  	_ =	shalt  }
0x5e: {  	_ =	shalt  }
0x5f: {  	_ =	shalt  }
0x60: {  	_ =	shalt  }
0x61: {  	_ =	shalt  }
0x62: {  	_ =	shalt  }
0x63: {  	_ =	shalt  }
0x64: {  	_ =	shalt  }
0x65: {  	_ =	shalt  }
0x66: {  	_ =	shalt  }
0x67: {  	_ =	shalt  }
0x68: {  	_ =	shalt  }
0x69: {  	_ =	shalt  }
0x6a: {  	_ =	shalt  }
0x6b: {  	_ =	shalt  }
0x6c: {  	_ =	shalt  }
0x6d: {  	_ =	shalt  }
0x6e: {  	_ =	shalt  }
0x6f: {  	_ =	shalt  }
0x70: {  	_ =	shalt  }
0x71: {  	_ =	shalt  }
0x72: {  	_ =	shalt  }
0x73: {  	_ =	shalt  }
0x74: {  	_ =	shalt  }
0x75: {  	_ =	shalt  }
0x76: {  	_ =	shalt  }
0x77: {  	_ =	shalt  }
0x78: {  	_ =	shalt  }
0x79: {  	_ =	shalt  }
0x7a: {  	_ =	shalt  }
0x7b: {  	_ =	shalt  }
0x7c: {  	_ =	shalt  }
0x7d: {  	_ =	shalt  }
0x7e: {  	_ =	shalt  }
0x7f: {  	_ =	shalt  }
0x80: {  	_ =	shalt  }
0x81: {  	_ =	shalt  }
0x82: {  	_ =	shalt  }
0x83: {  	_ =	shalt  }
0x84: {  	_ =	shalt  }
0x85: {  	_ =	shalt  }
0x86: {  	_ =	shalt  }
0x87: {  	_ =	shalt  }
.Lfunc_end0:
.L_simem_size_0:
called_computation.3_lowered:
.L_overlay_start_0:
0x88: {  	s2 =	sld [smem:$0x3FD9]  }
0x89: {  	s3 =	sld [smem:$0x3FFE];
	_ =	sdelay $0x1  }
0x8a: {  	s1 =	srdreg.scid  }
0x8b: {  	s0 =	sand.u32 $0x1, s1  }
0x8c: {  	s16 =	sshll.u32 s0, $0xA;
	s2 =	sadd.s32 s3, s2  }
0x8d: {  	s2 =	sadd.s32 s2, s16  }
0x8e: {  	[smem:$0x3FC4] =	sst s2  }
0x8f: {  	_ = 	snop  }
0x90: {  	(tm) =	ssettm $0x1  }
0x91: {  	s17 =	sld [smem:$0x3FFB];
	_ =	sdelay $0x3  }
0x92: {  	_ =	strace s17  }
0x93: {  	s2 =	sld [smem:$0x3FFC];
	_ =	sdelay $0x3  }
0x94: {  	_ =	strace s2  }
0x95: {  	s2 =	sld [smem:$0x3FFD];
	_ =	sdelay $0x3  }
0x96: {  	_ =	strace s2  }
0x97: {  	_ =	strace $0x8FFFFFFF  }
0x98: {  	s18 =	sld [smem:$0x3FDB];
	_ =	sdelay $0x1  }
0x99: {  	s19 =	simm.s32 $_scs_section_size  }
0x9a: {  	s4 =	simm.s32 $_size__tile_overlayer_lowered;
	s5 =	simm.s32 $_tile_overlayer_lowered  }
0x9b: {  	s22 =	simm.s32 $0x1BFF;
	s21 =	sshll.u32 s5, $0x1;
	s2 =	sadd.s32 s19, s18  }
0x9c: {  	s6 =	simm.s32 $0x0;
	s20 =	sshll.u32 s4, $0x1;
	s4 =	sadd.s32 s21, s2  }
0x9d: {  	[timem:s6], [sflag:s22] =	dma.local [hbm:s4], s20  }
0x9e: {  	_ =	swait.ge [sflag:s22], s20  }
0x9f: {  	s3 =	ssub.s32 $0x0, s20;
	[sflag:s22] =	ssyncset.done $0x0  }
0xa0: {  	[sflag:s22] =	ssyncadd.s32 s3;
	_ =	sdelay $0x1  }
0xa1: {  	s23 =	simm.s32 $0x1B8B  }
0xa2: {  	_ =	swait.ge [sflag:s23], $0x1  }
0xa3: {  	[sflag:s23] =	ssyncset.done $0x0  }
0xa4: {  	s25 =	simm.s32 $0x1B8E;
	s24 =	sld [smem:$0x3FFE];
	[sflag:s23] =	ssyncadd.s32 $0xFFFFFFFF  }
0xa5: {  	s26 =	simm.s32 $execute0_lowered;
	[smem:$0x3FD2] =	sst s25  }
0xa6: {  	s4 =	sshll.u32 s26, $0x1;
	_ =	strace $0x8000004F;
	[dreg:$0x1] =	wrdreg $0xFFFFFFFF  }
0xa7: {  	s28 =	simm.s32 $_size_execute0_lowered;
	s2 =	sadd.s32 s2, s4;
	[dreg:$0x0] =	wrdreg $0x0  }
0xa8: {  	s4 =	sshll.u32 s28, $0x1;
	[dreg:$0x2] =	wrdreg s2  }
0xa9: {  	[dreg:$0x3] =	wrdreg s4  }
0xaa: {  	[dreg:$0x4] =	wrdreg $0xC0  }
0xab: {  	_ =	task [dreg:s6], $0x5FFFF  }
0xac: {  	[dreg:$0x1] =	wrdreg $0xFFFFFFFF  }
0xad: {  	[dreg:$0x0] =	wrdreg $0x60  }
0xae: {  	[dreg:$0x2] =	wrdreg s24  }
0xaf: {  	[dreg:$0x3] =	wrdreg $0x9  }
0xb0: {  	_ =	task.clear_ibuf [dreg:s6], $0x4FFFF;
	_ =	strace $0x9000004F  }
0xb1: {  	s29 =	simm.s32 $0x9;
	_ =	strace $0x80000051  }
0xb2: {  	_ =	swait.ge [sflag:s29], $0x1  }
0xb3: {  	[sflag:s29] =	ssyncadd.s32 $0xFFFFFFFF  }
0xb4: {  	_ =	strace $0x90000051  }
0xb5: {  	_ =	sfence  }
0xb6: {  	s30 =	sld [smem:$0x0];
	_ =	sdelay $0x2  }
0xb7: {  	s31 =	sshll.u32 s1, $0xD;
	s1 =	sshrl.u32 s1, $0x2  }
0xb8: {  	s3 =	sand.u32 $0x4000, s31;
	s1 =	sadd.s32 s1, s30  }
0xb9: {  	s0 =	sor.u32 s3, s0;
	s1 =	sshll.u32 s1, $0x11  }
0xba: {  	s0 =	sor.u32 s1, s0  }
0xbb: {  	s0 =	sadd.s32 $0x8F2B, s0  }
0xbc: {  	[sflag:s0] =	ssyncadd.remote.s32 $0x1  }
0xbd: {  	_ =	sfence.sel $0xFFFF  }
0xbe: {  	[dreg:$0x0] =	wrdreg $0xFFFFFFFF;
	(pc) =	sbr.abs _section_cstart, $3  }
0xbf: {  	[dreg:$0x1] =	wrdreg $0xFFFFFFFF  }
0xc0: {  	_ =	task.clear_ibuf [dreg:s6], $0x2FFFF;
	_ =	strace $0x9FFFFFFF  }
0xc1: {  	(tm) =	ssettm $0x7FFFFFFF  }
tec
execute0_lowered:
.L_overlay_start_1:
0x0: {  	(tag) =	ssettag $0x1  }
0x1: {  	s0 =	rddreg [dreg:$0x0];
	s1 =	simm.s32 $0x0;
	s24 =	srdreg.scid  }
0x2: {  	s8 =	stileid.u32;
	s10 =	simm.s32 $0x2;
	s11 =	simm.s32 $0x40  }
0x3: {  	s12 =	simm.s32 $0x110;
	s13 =	simm.s32 $0x68;
	s14 =	simm.s32 $0x500  }
0x4: {  	s17 =	simm.s32 $0x70;
	s28 =	simm.s32 $0x340;
	s29 =	simm.s32 $0xC500  }
0x5: {  	s30 =	simm.s32 $0x3B0;
	s31 =	simm.s32 $0xE100;
	s9 =	simm.s32 $0x490  }
0x6: {  	s15 =	simm.s32 $0x1;
	s16 =	simm.s32 $0x13500;
	s19 =	simm.s32 $0x0  }
0x7: {  	[smem:$0x7FF] =	sst s1;
	s2 =	sadd.s32 $0xFA4A00, s0;
	s3 =	sadd.s32 $0x62600, s0  }
0x8: {  	s1 =	sand.u32 $0x1, s24;
	s5 =	sadd.s32 $0x6C600, s0;
	s6 =	sadd.s32 $0x1C00, s0  }
0x9: {  	s7 =	sadd.s32 $0x21400, s0;
	s26 =	sshll.u32 s8, $0x6;
	s4 =	ssub.s32 $0x2, s1  }
0xa: {  	_ =	strace $0x80000050;
	s1 =	sshll.u32 s1, $0x5;
	s25 =	sshrl.u32 s4, $0x1  }
0xb: {  	s8 =	sor.u32 s1, s26;
	s26 =	simm.s32 $0xA900;
	s0 =	ssub.s32 s4, s25  }
0xc: {  	s1 =	simm.s32 $0x11900;
	s25 =	simm.s32 $0x2D0;
	s0 =	smax.u32 s0, $0x1  }
0xd: {  	v0 =	vlaneseq.u32;
	s4 =	simm.s32 $0xFD00;
	[dreg:$0x2] =	wrdreg s0;
	s0 =	simm.s32 $0x420  }
.LBB2_1:
0xe: {  	[dreg:$0x3] =	wrdreg s19;
	s18 =	simm.s32 $0x0  }
.LBB2_2:
0xf: {  	s19 =	sadd.s32 s8, s18  }
0x10: {  	s20 =	sshll.u32 s19, $0x3  }
0x11: {  	s22 =	simm.s32 $0x0;
	s20 =	sadd.s32 s3, s20  }
0x12: {  	[tilespmem:s22], [sflag:$0x2] =	stream.linear.gather [hbm4b:s20+s22], $0x40, $0x38;
	[tilespmem:$0x139C0] =	vst v63  }
0x13: {  	s21 =	smul.u32 $0x1A, s19;
	_ =	swait.ge [sflag:s10], $0x40  }
0x14: {  	[sflag:s10] =	ssyncset.done $0x0  }
0x15: {  	s20 =	sadd.s32 s5, s21;
	[sflag:s10] =	ssyncadd.s32 $0xFFFFFFC0  }
0x16: {  	[tilespmem:s11], [sflag:$0x2] =	stream.linear.gather [hbm4b:s20+s22], $0xD0, $0x38;
	[tilespmem:$0x139C0] =	vst v63  }
0x17: {  	s23 =	smul.u32 $0x7E, s19;
	_ =	swait.ge [sflag:s10], $0xD0  }
0x18: {  	[sflag:s10] =	ssyncset.done $0x0  }
0x19: {  	s20 =	sadd.s32 s6, s23;
	[sflag:s10] =	ssyncadd.s32 $0xFFFFFF30  }
0x1a: {  	[tilespmem:s12], [sflag:$0x2] =	stream.linear.gather [hbm4b:s20+s22], $0x3F0, $0x38;
	[tilespmem:$0x139C0] =	vst v63  }
0x1b: {  	_ =	swait.ge [sflag:s10], $0x3F0  }
0x1c: {  	[sflag:s10] =	ssyncset.done $0x0  }
0x1d: {  	[sflag:s10] =	ssyncadd.s32 $0xFFFFFC10  }
0x1e: {  	[tilespmem:s14], [sflag:$0x1] =	stream.indirect.gather [hbm4b:s2+s13], $0x40, s11, s13, $0xb8;
	[tilespmem:$0x139C0] =	vst v63  }
0x1f: {  	s24 =	simm.s32 $0xA8;
	s21 =	simm.s32 $0x1F00  }
0x20: {  	[tilespmem:s21], [sflag:$0x1] =	stream.indirect.gather [hbm4b:s2+s13], $0x40, s24, s13, $0xb8;
	[tilespmem:$0x139C0] =	vst v63  }
0x21: {  	s21 =	simm.s32 $0x3900  }
0x22: {  	[tilespmem:s21], [sflag:$0x1] =	stream.indirect.gather [hbm4b:s2+s17], $0x40, s12, s17, $0xb8;
	[tilespmem:$0x139C0] =	vst v63  }
0x23: {  	s23 =	simm.s32 $0x180;
	s24 =	simm.s32 $0x5500  }
0x24: {  	[tilespmem:s24], [sflag:$0x1] =	stream.indirect.gather [hbm4b:s2+s17], $0x40, s23, s17, $0xb8;
	[tilespmem:$0x139C0] =	vst v63  }
0x25: {  	s23 =	simm.s32 $0x1F0;
	s24 =	simm.s32 $0x7100  }
0x26: {  	[tilespmem:s24], [sflag:$0x1] =	stream.indirect.gather [hbm4b:s2+s17], $0x40, s23, s17, $0xb8;
	[tilespmem:$0x139C0] =	vst v63  }
0x27: {  	s23 =	simm.s32 $0x260;
	s24 =	simm.s32 $0x8D00  }
0x28: {  	[tilespmem:s24], [sflag:$0x1] =	stream.indirect.gather [hbm4b:s2+s17], $0x40, s23, s17, $0xb8;
	[tilespmem:$0x139C0] =	vst v63  }
0x29: {  	_ = 	snop  }
0x2a: {  	[tilespmem:s26], [sflag:$0x1] =	stream.indirect.gather [hbm4b:s2+s17], $0x40, s25, s17, $0xb8;
	[tilespmem:$0x139C0] =	vst v63  }
0x2b: {  	_ = 	snop  }
0x2c: {  	[tilespmem:s29], [sflag:$0x1] =	stream.indirect.gather [hbm4b:s2+s17], $0x40, s28, s17, $0xb8;
	[tilespmem:$0x139C0] =	vst v63  }
0x2d: {  	_ = 	snop  }
0x2e: {  	[tilespmem:s31], [sflag:$0x1] =	stream.indirect.gather [hbm4b:s2+s17], $0x40, s30, s17, $0xb8;
	[tilespmem:$0x139C0] =	vst v63  }
0x2f: {  	_ = 	snop  }
0x30: {  	[tilespmem:s4], [sflag:$0x1] =	stream.indirect.gather [hbm4b:s2+s17], $0x40, s0, s17, $0xb8;
	[tilespmem:$0x139C0] =	vst v63  }
0x31: {  	_ = 	snop  }
0x32: {  	[tilespmem:s1], [sflag:$0x1] =	stream.indirect.gather [hbm4b:s2+s17], $0x40, s9, s17, $0xb8;
	[tilespmem:$0x139C0] =	vst v63  }
0x33: {  	_ =	swait.ge [sflag:s15], $0x1A00  }
0x34: {  	[sflag:s15] =	ssyncset.done $0x0  }
0x35: {  	[sflag:s15] =	ssyncadd.s32 $0xFFFFE600  }
0x36: {  	_ =	swait.ge [sflag:s15], $0x1A00  }
0x37: {  	[sflag:s15] =	ssyncset.done $0x0  }
0x38: {  	[sflag:s15] =	ssyncadd.s32 $0xFFFFE600  }
0x39: {  	_ =	swait.ge [sflag:s15], $0x1C00  }
0x3a: {  	[sflag:s15] =	ssyncset.done $0x0  }
0x3b: {  	[sflag:s15] =	ssyncadd.s32 $0xFFFFE400  }
0x3c: {  	_ =	swait.ge [sflag:s15], $0x1C00  }
0x3d: {  	[sflag:s15] =	ssyncset.done $0x0  }
0x3e: {  	[sflag:s15] =	ssyncadd.s32 $0xFFFFE400  }
0x3f: {  	_ =	swait.ge [sflag:s15], $0x1C00  }
0x40: {  	[sflag:s15] =	ssyncset.done $0x0  }
0x41: {  	[sflag:s15] =	ssyncadd.s32 $0xFFFFE400  }
0x42: {  	_ =	swait.ge [sflag:s15], $0x1C00  }
0x43: {  	[sflag:s15] =	ssyncset.done $0x0  }
0x44: {  	[sflag:s15] =	ssyncadd.s32 $0xFFFFE400  }
0x45: {  	_ =	swait.ge [sflag:s15], $0x1C00  }
0x46: {  	[sflag:s15] =	ssyncset.done $0x0  }
0x47: {  	[sflag:s15] =	ssyncadd.s32 $0xFFFFE400  }
0x48: {  	_ =	swait.ge [sflag:s15], $0x1C00  }
0x49: {  	[sflag:s15] =	ssyncset.done $0x0  }
0x4a: {  	[sflag:s15] =	ssyncadd.s32 $0xFFFFE400  }
0x4b: {  	_ =	swait.ge [sflag:s15], $0x1C00  }
0x4c: {  	[sflag:s15] =	ssyncset.done $0x0  }
0x4d: {  	[sflag:s15] =	ssyncadd.s32 $0xFFFFE400  }
0x4e: {  	_ =	swait.ge [sflag:s15], $0x1C00  }
0x4f: {  	v0 =	vor.u32 s22, v0;
	[sflag:s15] =	ssyncset.done $0x0  }
0x50: {  	[tilespmem:$0x1FAD0] =	vst v0;
	[sflag:s15] =	ssyncadd.s32 $0xFFFFE400  }
0x51: {  	v0 =	vshll.u32 v0, $0x6;
	_ =	swait.ge [sflag:s15], $0x1C00  }
0x52: {  	[sflag:s15] =	ssyncset.done $0x0  }
0x53: {  	v1 =	vor.u32 $0x1, v0;
	[sflag:s15] =	ssyncadd.s32 $0xFFFFE400  }
0x54: {  	v3 =	vld [tilespmem:$0x0]  }
0x55: {  	v4 =	vor.u32 $0x2, v0  }
0x56: {  	v5 =	vld.idx.msk [tilespmem:v0+s14+$0x0], $0xffff  }
0x57: {  	v6 =	vor.u32 $0x3, v0  }
0x58: {  	v1 =	vld.idx.msk [tilespmem:v1+s14+$0x0], $0xffff  }
0x59: {  	v7 =	vor.u32 $0x4, v0;
	v2 =	vbroadcast v3, $0x0  }
0x5a: {  	v4 =	vld.idx.msk [tilespmem:v4+s14+$0x0], $0xffff  }
0x5b: {  	v8 =	vor.u32 $0x5, v0;
	v10 =	vbroadcast v3, $0x1;
	v5 =	vmul.f32 v5, v2  }
0x5c: {  	v9 =	vor.u32 $0x6, v0;
	v6 =	vld.idx.msk [tilespmem:v6+s14+$0x0], $0xffff  }
0x5d: {  	[tilespmem:$0x1FAE0] =	vst v2;
	v2 =	vbroadcast v3, $0x2;
	v1 =	vmul.f32 v1, v10;
	v5 =	vsub.f32 $0.0e+00, v5  }
0x5e: {  	v7 =	vld.idx.msk [tilespmem:v7+s14+$0x0], $0xffff;
	v12 =	vbroadcast v3, $0x3  }
0x5f: {  	[tilespmem:$0x1FAF0] =	vst v10;
	v10 =	vor.u32 $0x7, v0;
	v4 =	vmul.f32 v4, v2;
	v1 =	vsub.f32 v5, v1  }
0x60: {  	v11 =	vor.u32 $0x8, v0;
	v5 =	vld.idx.msk [tilespmem:v8+s14+$0x0], $0xffff  }
0x61: {  	[tilespmem:$0x1FB00] =	vst v2;
	v2 =	vbroadcast v3, $0x4;
	v1 =	vsub.f32 v1, v4;
	v4 =	vmul.f32 v6, v12  }
0x62: {  	v9 =	vld.idx.msk [tilespmem:v9+s14+$0x0], $0xffff;
	v6 =	vbroadcast v3, $0x5  }
0x63: {  	[tilespmem:$0x1FB10] =	vst v12;
	v12 =	vor.u32 $0x9, v0;
	v1 =	vsub.f32 v1, v4;
	v4 =	vmul.f32 v7, v2  }
0x64: {  	v13 =	vor.u32 $0xA, v0;
	v10 =	vld.idx.msk [tilespmem:v10+s14+$0x0], $0xffff  }
0x65: {  	[tilespmem:$0x1FB20] =	vst v2;
	v2 =	vbroadcast v3, $0x6;
	v1 =	vsub.f32 v1, v4;
	v4 =	vmul.f32 v5, v6  }
0x66: {  	v14 =	vor.u32 $0xB, v0;
	v5 =	vld.idx.msk [tilespmem:v11+s14+$0x0], $0xffff  }
0x67: {  	[tilespmem:$0x1FB30] =	vst v6;
	v6 =	vbroadcast v3, $0x7;
	v1 =	vsub.f32 v1, v4;
	v4 =	vmul.f32 v9, v2  }
0x68: {  	v15 =	vor.u32 $0xC, v0;
	v12 =	vld.idx.msk [tilespmem:v12+s14+$0x0], $0xffff  }
0x69: {  	[tilespmem:$0x1FB40] =	vst v2;
	v2 =	vbroadcast v3, $0x8;
	v1 =	vsub.f32 v1, v4;
	v4 =	vmul.f32 v10, v6  }
0x6a: {  	v16 =	vor.u32 $0xD, v0;
	v13 =	vld.idx.msk [tilespmem:v13+s14+$0x0], $0xffff  }
0x6b: {  	[tilespmem:$0x1FB50] =	vst v6;
	v6 =	vbroadcast v3, $0x9;
	v1 =	vsub.f32 v1, v4;
	v4 =	vmul.f32 v5, v2  }
0x6c: {  	v17 =	vor.u32 $0xE, v0;
	v5 =	vld.idx.msk [tilespmem:v14+s14+$0x0], $0xffff  }
0x6d: {  	[tilespmem:$0x1FB60] =	vst v2;
	v2 =	vbroadcast v3, $0xA;
	v1 =	vsub.f32 v1, v4;
	v4 =	vmul.f32 v12, v6  }
0x6e: {  	v18 =	vor.u32 $0xF, v0;
	v15 =	vld.idx.msk [tilespmem:v15+s14+$0x0], $0xffff  }
0x6f: {  	[tilespmem:$0x1FB70] =	vst v6;
	v6 =	vbroadcast v3, $0xB;
	v1 =	vsub.f32 v1, v4;
	v4 =	vmul.f32 v13, v2  }
0x70: {  	v19 =	vor.u32 $0x10, v0;
	v16 =	vld.idx.msk [tilespmem:v16+s14+$0x0], $0xffff  }
0x71: {  	[tilespmem:$0x1FB80] =	vst v2;
	v2 =	vbroadcast v3, $0xC;
	v1 =	vsub.f32 v1, v4;
	v4 =	vmul.f32 v5, v6  }
0x72: {  	v20 =	vor.u32 $0x11, v0;
	v5 =	vld.idx.msk [tilespmem:v17+s14+$0x0], $0xffff  }
0x73: {  	v32 =	vld [tilespmem:$0x10];
	[tilespmem:$0x1FB90] =	vst v6;
	v6 =	vbroadcast v3, $0xD;
	v1 =	vsub.f32 v1, v4;
	v4 =	vmul.f32 v15, v2  }
0x74: {  	v21 =	vor.u32 $0x12, v0;
	v18 =	vld.idx.msk [tilespmem:v18+s14+$0x0], $0xffff  }
0x75: {  	[tilespmem:$0x1FBA0] =	vst v2;
	v2 =	vbroadcast v3, $0xE;
	v1 =	vsub.f32 v1, v4;
	v4 =	vmul.f32 v16, v6  }
0x76: {  	[tilespmem:$0x1FBB0] =	vst v6;
	v6 =	vbroadcast v3, $0xF;
	v3 =	vld.idx.msk [tilespmem:v19+s14+$0x0], $0xffff  }
0x77: {  	v22 =	vor.u32 $0x13, v0;
	v1 =	vsub.f32 v1, v4;
	v4 =	vmul.f32 v5, v2  }
0x78: {  	v23 =	vor.u32 $0x14, v0;
	v5 =	vld.idx.msk [tilespmem:v20+s14+$0x0], $0xffff  }
0x79: {  	[tilespmem:$0x1FBC0] =	vst v2;
	v2 =	vbroadcast v32, $0x0;
	v1 =	vsub.f32 v1, v4;
	v4 =	vmul.f32 v18, v6  }
0x7a: {  	v24 =	vor.u32 $0x15, v0;
	v21 =	vld.idx.msk [tilespmem:v21+s14+$0x0], $0xffff  }
0x7b: {  	[tilespmem:$0x1FBD0] =	vst v6;
	v6 =	vbroadcast v32, $0x1;
	v3 =	vmul.f32 v3, v2;
	v1 =	vsub.f32 v1, v4  }
0x7c: {  	v25 =	vor.u32 $0x16, v0;
	v4 =	vld.idx.msk [tilespmem:v22+s14+$0x0], $0xffff  }
0x7d: {  	[tilespmem:$0x1FBE0] =	vst v2;
	v2 =	vbroadcast v32, $0x2;
	v1 =	vsub.f32 v1, v3;
	v3 =	vmul.f32 v5, v6  }
0x7e: {  	v26 =	vor.u32 $0x17, v0;
	v5 =	vld.idx.msk [tilespmem:v23+s14+$0x0], $0xffff  }
0x7f: {  	[tilespmem:$0x1FBF0] =	vst v6;
	v6 =	vbroadcast v32, $0x3;
	v1 =	vsub.f32 v1, v3;
	v3 =	vmul.f32 v21, v2  }
0x80: {  	v27 =	vor.u32 $0x18, v0;
	v24 =	vld.idx.msk [tilespmem:v24+s14+$0x0], $0xffff  }
0x81: {  	[tilespmem:$0x1FC00] =	vst v2;
	v2 =	vbroadcast v32, $0x4;
	v1 =	vsub.f32 v1, v3;
	v3 =	vmul.f32 v4, v6  }
0x82: {  	v28 =	vor.u32 $0x19, v0;
	v4 =	vld.idx.msk [tilespmem:v25+s14+$0x0], $0xffff  }
0x83: {  	[tilespmem:$0x1FC10] =	vst v6;
	v6 =	vbroadcast v32, $0x5;
	v1 =	vsub.f32 v1, v3;
	v3 =	vmul.f32 v5, v2  }
0x84: {  	v29 =	vor.u32 $0x1A, v0;
	v5 =	vld.idx.msk [tilespmem:v26+s14+$0x0], $0xffff  }
0x85: {  	[tilespmem:$0x1FC20] =	vst v2;
	v2 =	vbroadcast v32, $0x6;
	v1 =	vsub.f32 v1, v3;
	v3 =	vmul.f32 v24, v6  }
0x86: {  	v30 =	vor.u32 $0x1B, v0;
	v27 =	vld.idx.msk [tilespmem:v27+s14+$0x0], $0xffff  }
0x87: {  	[tilespmem:$0x1FC30] =	vst v6;
	v6 =	vbroadcast v32, $0x7;
	v1 =	vsub.f32 v1, v3;
	v3 =	vmul.f32 v4, v2  }
0x88: {  	v31 =	vor.u32 $0x1C, v0;
	v4 =	vld.idx.msk [tilespmem:v28+s14+$0x0], $0xffff  }
0x89: {  	[tilespmem:$0x1FC40] =	vst v2;
	v2 =	vbroadcast v32, $0x8;
	v1 =	vsub.f32 v1, v3;
	v3 =	vmul.f32 v5, v6  }
0x8a: {  	v33 =	vor.u32 $0x1D, v0;
	v5 =	vld.idx.msk [tilespmem:v29+s14+$0x0], $0xffff  }
0x8b: {  	[tilespmem:$0x1FC50] =	vst v6;
	v6 =	vbroadcast v32, $0x9;
	v1 =	vsub.f32 v1, v3;
	v3 =	vmul.f32 v27, v2  }
0x8c: {  	v34 =	vor.u32 $0x1E, v0;
	v30 =	vld.idx.msk [tilespmem:v30+s14+$0x0], $0xffff  }
0x8d: {  	[tilespmem:$0x1FC60] =	vst v2;
	v2 =	vbroadcast v32, $0xA;
	v1 =	vsub.f32 v1, v3;
	v3 =	vmul.f32 v4, v6  }
0x8e: {  	v35 =	vor.u32 $0x1F, v0;
	v4 =	vld.idx.msk [tilespmem:v31+s14+$0x0], $0xffff  }
0x8f: {  	[tilespmem:$0x1FC70] =	vst v6;
	v6 =	vbroadcast v32, $0xB;
	v1 =	vsub.f32 v1, v3;
	v3 =	vmul.f32 v5, v2  }
0x90: {  	v62 =	vor.u32 $0x20, v0;
	v5 =	vld.idx.msk [tilespmem:v33+s14+$0x0], $0xffff  }
0x91: {  	[tilespmem:$0x1FC80] =	vst v2;
	v2 =	vbroadcast v32, $0xC;
	v1 =	vsub.f32 v1, v3;
	v3 =	vmul.f32 v30, v6  }
0x92: {  	v36 =	vor.u32 $0x21, v0;
	v34 =	vld.idx.msk [tilespmem:v34+s14+$0x0], $0xffff  }
0x93: {  	v48 =	vld [tilespmem:$0x20];
	[tilespmem:$0x1FC90] =	vst v6;
	v6 =	vbroadcast v32, $0xD;
	v1 =	vsub.f32 v1, v3;
	v3 =	vmul.f32 v4, v2  }
0x94: {  	v63 =	vor.u32 $0x22, v0;
	v4 =	vld.idx.msk [tilespmem:v35+s14+$0x0], $0xffff  }
0x95: {  	[tilespmem:$0x1FCA0] =	vst v2;
	v2 =	vbroadcast v32, $0xE;
	v1 =	vsub.f32 v1, v3;
	v3 =	vmul.f32 v5, v6  }
0x96: {  	v37 =	vor.u32 $0x23, v0;
	v5 =	vld.idx.msk [tilespmem:v62+s14+$0x0], $0xffff  }
0x97: {  	[tilespmem:$0x1FCB0] =	vst v6;
	v6 =	vbroadcast v32, $0xF;
	v1 =	vsub.f32 v1, v3;
	v3 =	vmul.f32 v34, v2  }
0x98: {  	v38 =	vor.u32 $0x24, v0;
	v36 =	vld.idx.msk [tilespmem:v36+s14+$0x0], $0xffff  }
0x99: {  	[tilespmem:$0x1FCC0] =	vst v2;
	v2 =	vbroadcast v48, $0x0;
	v1 =	vsub.f32 v1, v3;
	v3 =	vmul.f32 v4, v6  }
0x9a: {  	v39 =	vor.u32 $0x25, v0;
	v4 =	vld.idx.msk [tilespmem:v63+s14+$0x0], $0xffff  }
0x9b: {  	[tilespmem:$0x1FCD0] =	vst v6;
	v6 =	vbroadcast v48, $0x1;
	v1 =	vsub.f32 v1, v3;
	v3 =	vmul.f32 v5, v2  }
0x9c: {  	v40 =	vor.u32 $0x26, v0;
	v5 =	vld.idx.msk [tilespmem:v37+s14+$0x0], $0xffff  }
0x9d: {  	[tilespmem:$0x1FCE0] =	vst v2;
	v2 =	vbroadcast v48, $0x2;
	v1 =	vsub.f32 v1, v3;
	v3 =	vmul.f32 v36, v6  }
0x9e: {  	v42 =	vor.u32 $0x27, v0;
	v41 =	vld.idx.msk [tilespmem:v38+s14+$0x0], $0xffff  }
0x9f: {  	[tilespmem:$0x1FCF0] =	vst v6;
	v6 =	vbroadcast v48, $0x3;
	v1 =	vsub.f32 v1, v3;
	v3 =	vmul.f32 v4, v2  }
0xa0: {  	v43 =	vor.u32 $0x28, v0;
	v4 =	vld.idx.msk [tilespmem:v39+s14+$0x0], $0xffff  }
0xa1: {  	[tilespmem:$0x1FD00] =	vst v2;
	v2 =	vbroadcast v48, $0x4;
	v1 =	vsub.f32 v1, v3;
	v3 =	vmul.f32 v5, v6  }
0xa2: {  	v44 =	vor.u32 $0x29, v0;
	v5 =	vld.idx.msk [tilespmem:v40+s14+$0x0], $0xffff  }
0xa3: {  	[tilespmem:$0x1FD10] =	vst v6;
	v6 =	vbroadcast v48, $0x5;
	v1 =	vsub.f32 v1, v3;
	v3 =	vmul.f32 v41, v2  }
0xa4: {  	v45 =	vor.u32 $0x2A, v0;
	v42 =	vld.idx.msk [tilespmem:v42+s14+$0x0], $0xffff  }
0xa5: {  	[tilespmem:$0x1FD20] =	vst v2;
	v2 =	vbroadcast v48, $0x6;
	v1 =	vsub.f32 v1, v3;
	v3 =	vmul.f32 v4, v6  }
0xa6: {  	v46 =	vor.u32 $0x2B, v0;
	v4 =	vld.idx.msk [tilespmem:v43+s14+$0x0], $0xffff  }
0xa7: {  	[tilespmem:$0x1FD30] =	vst v6;
	v6 =	vbroadcast v48, $0x7;
	v1 =	vsub.f32 v1, v3;
	v3 =	vmul.f32 v5, v2  }
0xa8: {  	v47 =	vor.u32 $0x2C, v0;
	v5 =	vld.idx.msk [tilespmem:v44+s14+$0x0], $0xffff  }
0xa9: {  	[tilespmem:$0x1FD40] =	vst v2;
	v2 =	vbroadcast v48, $0x8;
	v1 =	vsub.f32 v1, v3;
	v3 =	vmul.f32 v42, v6  }
0xaa: {  	v49 =	vor.u32 $0x2D, v0;
	v45 =	vld.idx.msk [tilespmem:v45+s14+$0x0], $0xffff  }
0xab: {  	[tilespmem:$0x1FD50] =	vst v6;
	v6 =	vbroadcast v48, $0x9;
	v1 =	vsub.f32 v1, v3;
	v3 =	vmul.f32 v4, v2  }
0xac: {  	v50 =	vor.u32 $0x2E, v0;
	v4 =	vld.idx.msk [tilespmem:v46+s14+$0x0], $0xffff  }
0xad: {  	[tilespmem:$0x1FD60] =	vst v2;
	v2 =	vbroadcast v48, $0xA;
	v1 =	vsub.f32 v1, v3;
	v3 =	vmul.f32 v5, v6  }
0xae: {  	v51 =	vor.u32 $0x2F, v0;
	v5 =	vld.idx.msk [tilespmem:v47+s14+$0x0], $0xffff  }
0xaf: {  	[tilespmem:$0x1FD70] =	vst v6;
	v6 =	vbroadcast v48, $0xB;
	v1 =	vsub.f32 v1, v3;
	v3 =	vmul.f32 v45, v2  }
0xb0: {  	v52 =	vor.u32 $0x30, v0;
	v49 =	vld.idx.msk [tilespmem:v49+s14+$0x0], $0xffff  }
0xb1: {  	[tilespmem:$0x1FD80] =	vst v2;
	v2 =	vbroadcast v48, $0xC;
	v1 =	vsub.f32 v1, v3;
	v3 =	vmul.f32 v4, v6  }
0xb2: {  	v53 =	vor.u32 $0x31, v0;
	v50 =	vld.idx.msk [tilespmem:v50+s14+$0x0], $0xffff  }
0xb3: {  	[tilespmem:$0x1FD90] =	vst v6;
	v6 =	vbroadcast v48, $0xD;
	v4 =	vld [tilespmem:$0x30];
	v1 =	vsub.f32 v1, v3;
	v3 =	vmul.f32 v5, v2  }
0xb4: {  	v40 =	vor.u32 $0x32, v0;
	v5 =	vld.idx.msk [tilespmem:v51+s14+$0x0], $0xffff  }
0xb5: {  	[tilespmem:$0x1FDA0] =	vst v2;
	v2 =	vbroadcast v48, $0xE;
	v1 =	vsub.f32 v1, v3;
	v3 =	vmul.f32 v49, v6  }
0xb6: {  	v54 =	vor.u32 $0x33, v0;
	v52 =	vld.idx.msk [tilespmem:v52+s14+$0x0], $0xffff  }
0xb7: {  	[tilespmem:$0x1FDB0] =	vst v6;
	v6 =	vbroadcast v48, $0xF;
	v1 =	vsub.f32 v1, v3;
	v3 =	vmul.f32 v50, v2  }
0xb8: {  	v55 =	vor.u32 $0x34, v0;
	v53 =	vld.idx.msk [tilespmem:v53+s14+$0x0], $0xffff  }
0xb9: {  	[tilespmem:$0x1FDC0] =	vst v2;
	v2 =	vbroadcast v4, $0x0;
	v1 =	vsub.f32 v1, v3;
	v3 =	vmul.f32 v5, v6  }
0xba: {  	v56 =	vor.u32 $0x35, v0;
	v5 =	vld.idx.msk [tilespmem:v40+s14+$0x0], $0xffff  }
0xbb: {  	[tilespmem:$0x1FDD0] =	vst v6;
	v6 =	vbroadcast v4, $0x1;
	v1 =	vsub.f32 v1, v3;
	v3 =	vmul.f32 v52, v2  }
0xbc: {  	v57 =	vor.u32 $0x36, v0;
	v54 =	vld.idx.msk [tilespmem:v54+s14+$0x0], $0xffff  }
0xbd: {  	[tilespmem:$0x1FDE0] =	vst v2;
	v2 =	vbroadcast v4, $0x2;
	v1 =	vsub.f32 v1, v3;
	v3 =	vmul.f32 v53, v6  }
0xbe: {  	v58 =	vor.u32 $0x37, v0;
	v55 =	vld.idx.msk [tilespmem:v55+s14+$0x0], $0xffff  }
0xbf: {  	[tilespmem:$0x1FDF0] =	vst v6;
	v6 =	vbroadcast v4, $0x3;
	v1 =	vsub.f32 v1, v3;
	v3 =	vmul.f32 v5, v2  }
0xc0: {  	v41 =	vor.u32 $0x38, v0;
	v5 =	vld.idx.msk [tilespmem:v56+s14+$0x0], $0xffff  }
0xc1: {  	[tilespmem:$0x1FE10] =	vst v2;
	v2 =	vbroadcast v4, $0x4;
	v1 =	vsub.f32 v1, v3;
	v3 =	vmul.f32 v54, v6  }
0xc2: {  	v57 =	vld.idx.msk [tilespmem:v57+s14+$0x0], $0xffff;
	[tilespmem:$0x1FE30] =	vst v6;
	v6 =	vbroadcast v4, $0x5  }
0xc3: {  	v55 =	vmul.f32 v55, v2;
	v1 =	vsub.f32 v1, v3;
	v3 =	vor.u32 $0x39, v0  }
0xc4: {  	v58 =	vld.idx.msk [tilespmem:v58+s14+$0x0], $0xffff  }
0xc5: {  	[tilespmem:$0x1FE50] =	vst v2;
	v2 =	vbroadcast v4, $0x6;
	v5 =	vmul.f32 v5, v6;
	v1 =	vsub.f32 v1, v55  }
0xc6: {  	v60 =	vor.u32 $0x3A, v0;
	v59 =	vld.idx.msk [tilespmem:v41+s14+$0x0], $0xffff  }
0xc7: {  	[tilespmem:$0x1FEB0] =	vst v2;
	v1 =	vsub.f32 v1, v5;
	v5 =	vmul.f32 v57, v2;
	v2 =	vbroadcast v4, $0x7  }
0xc8: {  	v61 =	vor.u32 $0x3B, v0;
	v3 =	vld.idx.msk [tilespmem:v3+s14+$0x0], $0xffff  }
0xc9: {  	[tilespmem:$0x1FED0] =	vst v2;
	v1 =	vsub.f32 v1, v5;
	v5 =	vmul.f32 v58, v2;
	v2 =	vbroadcast v4, $0x8  }
0xca: {  	v62 =	vor.u32 $0x3C, v0  }
0xcb: {  	v12 =	vbroadcast v4, $0x9;
	v1 =	vsub.f32 v1, v5;
	v5 =	vld.idx.msk [tilespmem:v60+s14+$0x0], $0xffff;
	v59 =	vmul.f32 v59, v2  }
0xcc: {  	v63 =	vor.u32 $0x3D, v0  }
0xcd: {  	v61 =	vld.idx.msk [tilespmem:v61+s14+$0x0], $0xffff;
	v1 =	vsub.f32 v1, v59;
	v3 =	vmul.f32 v3, v12  }
0xce: {  	[tilespmem:$0x1FE80] =	vst v6;
	v6 =	vbroadcast v4, $0xA  }
0xcf: {  	[tilespmem:$0x1FF00] =	vst v2;
	v2 =	vor.u32 $0x3E, v0;
	v1 =	vsub.f32 v1, v3;
	v3 =	vld.idx.msk [tilespmem:v62+s14+$0x0], $0xffff  }
0xd0: {  	v10 =	vbroadcast v4, $0xB;
	v5 =	vmul.f32 v5, v6  }
0xd1: {  	v63 =	vld.idx.msk [tilespmem:v63+s14+$0x0], $0xffff;
	v0 =	vor.u32 $0x3F, v0  }
0xd2: {  	v9 =	vbroadcast v4, $0xC;
	v1 =	vsub.f32 v1, v5;
	v5 =	vmul.f32 v61, v10;
	_ =	sdelay $0x1  }
0xd3: {  	v7 =	vbroadcast v4, $0xD;
	v2 =	vld.idx.msk [tilespmem:v2+s14+$0x0], $0xffff;
	v1 =	vsub.f32 v1, v5;
	v3 =	vmul.f32 v3, v9;
	_ =	sdelay $0x1  }
0xd4: {  	v5 =	vld.idx.msk [tilespmem:v0+s14+$0x0], $0xffff;
	v0 =	vsub.f32 v1, v3;
	v1 =	vmul.f32 v63, v7  }
0xd5: {  	[tilespmem:$0x1FF60] =	vst v6;
	v6 =	vbroadcast v4, $0xE  }
0xd6: {  	v1 =	vsub.f32 v0, v1;
	v0 =	vld [tilespmem:$0x1FAD0]  }
0xd7: {  	v8 =	vbroadcast v4, $0xF;
	v2 =	vmul.f32 v2, v6  }
0xd8: {  	s20 =	simm.s32 $0x10;
	v11 =	vlaneseq.u32  }
0xd9: {  	v4 =	vmul.f32 v5, v8;
	v2 =	vsub.f32 v1, v2;
	v1 =	vor.u32 s20, v11  }
0xda: {  	v3 =	vshll.u32 v1, $0x6  }
0xdb: {  	v2 =	vsub.f32 v2, v4;
	vm0 =	vlt.u32 v0, $0xC8;
	v0 =	vor.u32 $0x1, v3;
	_ =	sdelay $0x1  }
0xdc: {  	s23 =	simm.s32 $0x13500;
	v2 =	vnsel vm0, $0xC1F00000, v2  }
0xdd: {  	[tilespmem:s23+$0x0] =	vst v2  }
0xde: {  	v5 =	vld.idx.msk [tilespmem:v3+s14+$0x0], $0xffff  }
0xdf: {  	v19 =	vld.idx.msk [tilespmem:v0+s14+$0x0], $0xffff  }
0xe0: {  	v0 =	vld [tilespmem:$0x1FAE0];
	_ =	sdelay $0x3  }
0xe1: {  	v2 =	vor.u32 $0x2, v3  }
0xe2: {  	v14 =	vmov v0;
	v5 =	vmul.f32 v5, v0;
	v0 =	vld [tilespmem:$0x1FAF0];
	_ =	sdelay $0x3  }
0xe3: {  	v4 =	vor.u32 $0x3, v3;
	v13 =	vld.idx.msk [tilespmem:v2+s14+$0x0], $0xffff  }
0xe4: {  	v15 =	vmov v0;
	v2 =	vmul.f32 v19, v0;
	v0 =	vld [tilespmem:$0x1FB00];
	_ =	sdelay $0x2  }
0xe5: {  	v5 =	vsub.f32 $0.0e+00, v5  }
0xe6: {  	v17 =	vor.u32 $0x4, v3;
	v16 =	vld.idx.msk [tilespmem:v4+s14+$0x0], $0xffff  }
0xe7: {  	v2 =	vsub.f32 v5, v2;
	v5 =	vmul.f32 v13, v0;
	v0 =	vld [tilespmem:$0x1FB10];
	_ =	sdelay $0x3  }
0xe8: {  	v18 =	vor.u32 $0x5, v3;
	v17 =	vld.idx.msk [tilespmem:v17+s14+$0x0], $0xffff  }
0xe9: {  	v2 =	vsub.f32 v2, v5;
	v13 =	vmov v0;
	v5 =	vmul.f32 v16, v0;
	v0 =	vld [tilespmem:$0x1FB20];
	_ =	sdelay $0x3  }
0xea: {  	v4 =	vor.u32 $0x6, v3;
	v18 =	vld.idx.msk [tilespmem:v18+s14+$0x0], $0xffff  }
0xeb: {  	v2 =	vsub.f32 v2, v5;
	v16 =	vmov v0;
	v5 =	vmul.f32 v17, v0;
	v0 =	vld [tilespmem:$0x1FB30];
	_ =	sdelay $0x3  }
0xec: {  	v20 =	vor.u32 $0x7, v3;
	v19 =	vld.idx.msk [tilespmem:v4+s14+$0x0], $0xffff  }
0xed: {  	v2 =	vsub.f32 v2, v5;
	v17 =	vmov v0;
	v5 =	vmul.f32 v18, v0;
	v0 =	vld [tilespmem:$0x1FB40];
	_ =	sdelay $0x3  }
0xee: {  	v21 =	vor.u32 $0x8, v3;
	v20 =	vld.idx.msk [tilespmem:v20+s14+$0x0], $0xffff  }
0xef: {  	v2 =	vsub.f32 v2, v5;
	v18 =	vmov v0;
	v5 =	vmul.f32 v19, v0;
	v0 =	vld [tilespmem:$0x1FB50];
	_ =	sdelay $0x3  }
0xf0: {  	v21 =	vld.idx.msk [tilespmem:v21+s14+$0x0], $0xffff;
	v4 =	vor.u32 $0x9, v3  }
0xf1: {  	v2 =	vsub.f32 v2, v5;
	v19 =	vmov v0;
	v5 =	vmul.f32 v20, v0;
	v0 =	vld [tilespmem:$0x1FB60];
	_ =	sdelay $0x3  }
0xf2: {  	v23 =	vor.u32 $0xA, v3;
	v22 =	vld.idx.msk [tilespmem:v4+s14+$0x0], $0xffff  }
0xf3: {  	v2 =	vsub.f32 v2, v5;
	v20 =	vmov v0;
	v5 =	vmul.f32 v21, v0;
	v0 =	vld [tilespmem:$0x1FB70];
	_ =	sdelay $0x3  }
0xf4: {  	v24 =	vor.u32 $0xB, v3;
	v23 =	vld.idx.msk [tilespmem:v23+s14+$0x0], $0xffff  }
0xf5: {  	v2 =	vsub.f32 v2, v5;
	v21 =	vmov v0;
	v5 =	vmul.f32 v22, v0;
	v0 =	vld [tilespmem:$0x1FB80];
	_ =	sdelay $0x3  }
0xf6: {  	v24 =	vld.idx.msk [tilespmem:v24+s14+$0x0], $0xffff;
	v4 =	vor.u32 $0xC, v3  }
0xf7: {  	v2 =	vsub.f32 v2, v5;
	v22 =	vmov v0;
	v5 =	vmul.f32 v23, v0;
	v0 =	vld [tilespmem:$0x1FB90];
	_ =	sdelay $0x3  }
0xf8: {  	v26 =	vor.u32 $0xD, v3;
	v25 =	vld.idx.msk [tilespmem:v4+s14+$0x0], $0xffff  }
0xf9: {  	v2 =	vsub.f32 v2, v5;
	v23 =	vmov v0;
	v5 =	vmul.f32 v24, v0;
	v0 =	vld [tilespmem:$0x1FBA0];
	_ =	sdelay $0x3  }
0xfa: {  	v27 =	vor.u32 $0xE, v3;
	v26 =	vld.idx.msk [tilespmem:v26+s14+$0x0], $0xffff  }
0xfb: {  	v2 =	vsub.f32 v2, v5;
	v24 =	vmov v0;
	v5 =	vmul.f32 v25, v0;
	v0 =	vld [tilespmem:$0x1FBB0];
	_ =	sdelay $0x3  }
0xfc: {  	v27 =	vld.idx.msk [tilespmem:v27+s14+$0x0], $0xffff;
	v4 =	vor.u32 $0xF, v3  }
0xfd: {  	v2 =	vsub.f32 v2, v5;
	v25 =	vmov v0;
	v5 =	vmul.f32 v26, v0;
	v0 =	vld [tilespmem:$0x1FBC0];
	_ =	sdelay $0x3  }
0xfe: {  	v29 =	vor.u32 $0x10, v3;
	v28 =	vld.idx.msk [tilespmem:v4+s14+$0x0], $0xffff  }
0xff: {  	v2 =	vsub.f32 v2, v5;
	v26 =	vmov v0;
	v5 =	vmul.f32 v27, v0;
	v0 =	vld [tilespmem:$0x1FBD0];
	_ =	sdelay $0x3  }
0x100: {  	v30 =	vor.u32 $0x11, v3;
	v29 =	vld.idx.msk [tilespmem:v29+s14+$0x0], $0xffff  }
0x101: {  	v2 =	vsub.f32 v2, v5;
	v27 =	vmov v0;
	v5 =	vmul.f32 v28, v0;
	v0 =	vld [tilespmem:$0x1FBE0];
	_ =	sdelay $0x3  }
0x102: {  	v30 =	vld.idx.msk [tilespmem:v30+s14+$0x0], $0xffff;
	v4 =	vor.u32 $0x12, v3  }
0x103: {  	v2 =	vsub.f32 v2, v5;
	v28 =	vmov v0;
	v5 =	vmul.f32 v29, v0;
	v0 =	vld [tilespmem:$0x1FBF0];
	_ =	sdelay $0x3  }
0x104: {  	v42 =	vor.u32 $0x13, v3;
	v31 =	vld.idx.msk [tilespmem:v4+s14+$0x0], $0xffff  }
0x105: {  	v2 =	vsub.f32 v2, v5;
	v29 =	vmov v0;
	v5 =	vmul.f32 v30, v0;
	v0 =	vld [tilespmem:$0x1FC00];
	_ =	sdelay $0x3  }
0x106: {  	v43 =	vor.u32 $0x14, v3;
	v32 =	vld.idx.msk [tilespmem:v42+s14+$0x0], $0xffff  }
0x107: {  	v2 =	vsub.f32 v2, v5;
	v30 =	vmov v0;
	v5 =	vmul.f32 v31, v0;
	v0 =	vld [tilespmem:$0x1FC10];
	_ =	sdelay $0x3  }
0x108: {  	v33 =	vld.idx.msk [tilespmem:v43+s14+$0x0], $0xffff;
	v4 =	vor.u32 $0x15, v3  }
0x109: {  	v2 =	vsub.f32 v2, v5;
	v31 =	vmov v0;
	v5 =	vmul.f32 v32, v0;
	v0 =	vld [tilespmem:$0x1FC20];
	_ =	sdelay $0x3  }
0x10a: {  	v44 =	vor.u32 $0x16, v3;
	v46 =	vld.idx.msk [tilespmem:v4+s14+$0x0], $0xffff  }
0x10b: {  	v2 =	vsub.f32 v2, v5;
	v32 =	vmov v0;
	v5 =	vmul.f32 v33, v0;
	v0 =	vld [tilespmem:$0x1FC30];
	_ =	sdelay $0x3  }
0x10c: {  	v45 =	vor.u32 $0x17, v3;
	v35 =	vld.idx.msk [tilespmem:v44+s14+$0x0], $0xffff  }
0x10d: {  	v2 =	vsub.f32 v2, v5;
	v33 =	vmov v0;
	v5 =	vmul.f32 v46, v0;
	v0 =	vld [tilespmem:$0x1FC40];
	_ =	sdelay $0x3  }
0x10e: {  	v36 =	vld.idx.msk [tilespmem:v45+s14+$0x0], $0xffff;
	v4 =	vor.u32 $0x18, v3  }
0x10f: {  	v2 =	vsub.f32 v2, v5;
	v34 =	vmov v0;
	v5 =	vmul.f32 v35, v0;
	v0 =	vld [tilespmem:$0x1FC50];
	_ =	sdelay $0x3  }
0x110: {  	v47 =	vor.u32 $0x19, v3;
	v49 =	vld.idx.msk [tilespmem:v4+s14+$0x0], $0xffff  }
0x111: {  	v2 =	vsub.f32 v2, v5;
	v35 =	vmov v0;
	v5 =	vmul.f32 v36, v0;
	v0 =	vld [tilespmem:$0x1FC60];
	_ =	sdelay $0x3  }
0x112: {  	v48 =	vor.u32 $0x1A, v3;
	v38 =	vld.idx.msk [tilespmem:v47+s14+$0x0], $0xffff  }
0x113: {  	v2 =	vsub.f32 v2, v5;
	v36 =	vmov v0;
	v5 =	vmul.f32 v49, v0;
	v0 =	vld [tilespmem:$0x1FC70];
	_ =	sdelay $0x3  }
0x114: {  	v39 =	vld.idx.msk [tilespmem:v48+s14+$0x0], $0xffff;
	v4 =	vor.u32 $0x1B, v3  }
0x115: {  	v2 =	vsub.f32 v2, v5;
	v37 =	vmov v0;
	v5 =	vmul.f32 v38, v0;
	v0 =	vld [tilespmem:$0x1FC80];
	_ =	sdelay $0x3  }
0x116: {  	v50 =	vor.u32 $0x1C, v3;
	v52 =	vld.idx.msk [tilespmem:v4+s14+$0x0], $0xffff  }
0x117: {  	v2 =	vsub.f32 v2, v5;
	v38 =	vmov v0;
	v5 =	vmul.f32 v39, v0;
	v0 =	vld [tilespmem:$0x1FC90];
	_ =	sdelay $0x3  }
0x118: {  	v51 =	vor.u32 $0x1D, v3;
	v41 =	vld.idx.msk [tilespmem:v50+s14+$0x0], $0xffff  }
0x119: {  	v2 =	vsub.f32 v2, v5;
	v39 =	vmov v0;
	v5 =	vmul.f32 v52, v0;
	v0 =	vld [tilespmem:$0x1FCA0];
	_ =	sdelay $0x3  }
0x11a: {  	v42 =	vld.idx.msk [tilespmem:v51+s14+$0x0], $0xffff;
	v4 =	vor.u32 $0x1E, v3  }
0x11b: {  	v2 =	vsub.f32 v2, v5;
	v40 =	vmov v0;
	v5 =	vmul.f32 v41, v0;
	v0 =	vld [tilespmem:$0x1FCB0];
	_ =	sdelay $0x3  }
0x11c: {  	v53 =	vor.u32 $0x1F, v3;
	v55 =	vld.idx.msk [tilespmem:v4+s14+$0x0], $0xffff  }
0x11d: {  	v2 =	vsub.f32 v2, v5;
	v41 =	vmov v0;
	v5 =	vmul.f32 v42, v0;
	v0 =	vld [tilespmem:$0x1FCC0];
	_ =	sdelay $0x3  }
0x11e: {  	v54 =	vor.u32 $0x20, v3;
	v44 =	vld.idx.msk [tilespmem:v53+s14+$0x0], $0xffff  }
0x11f: {  	v2 =	vsub.f32 v2, v5;
	v42 =	vmov v0;
	v5 =	vmul.f32 v55, v0;
	v0 =	vld [tilespmem:$0x1FCD0];
	_ =	sdelay $0x3  }
0x120: {  	v45 =	vld.idx.msk [tilespmem:v54+s14+$0x0], $0xffff;
	v4 =	vor.u32 $0x21, v3  }
0x121: {  	v2 =	vsub.f32 v2, v5;
	v43 =	vmov v0;
	v5 =	vmul.f32 v44, v0;
	v0 =	vld [tilespmem:$0x1FCE0];
	_ =	sdelay $0x3  }
0x122: {  	v56 =	vor.u32 $0x22, v3;
	v58 =	vld.idx.msk [tilespmem:v4+s14+$0x0], $0xffff  }
0x123: {  	v2 =	vsub.f32 v2, v5;
	v44 =	vmov v0;
	v5 =	vmul.f32 v45, v0;
	v0 =	vld [tilespmem:$0x1FCF0];
	_ =	sdelay $0x3  }
0x124: {  	v57 =	vor.u32 $0x23, v3;
	v47 =	vld.idx.msk [tilespmem:v56+s14+$0x0], $0xffff  }
0x125: {  	v2 =	vsub.f32 v2, v5;
	v45 =	vmov v0;
	v5 =	vmul.f32 v58, v0;
	v0 =	vld [tilespmem:$0x1FD00];
	_ =	sdelay $0x3  }
0x126: {  	v48 =	vld.idx.msk [tilespmem:v57+s14+$0x0], $0xffff;
	v4 =	vor.u32 $0x24, v3  }
0x127: {  	v2 =	vsub.f32 v2, v5;
	v46 =	vmov v0;
	v5 =	vmul.f32 v47, v0;
	v0 =	vld [tilespmem:$0x1FD10];
	_ =	sdelay $0x3  }
0x128: {  	v59 =	vor.u32 $0x25, v3;
	v61 =	vld.idx.msk [tilespmem:v4+s14+$0x0], $0xffff  }
0x129: {  	v2 =	vsub.f32 v2, v5;
	v47 =	vmov v0;
	v5 =	vmul.f32 v48, v0;
	v0 =	vld [tilespmem:$0x1FD20];
	_ =	sdelay $0x3  }
0x12a: {  	v60 =	vor.u32 $0x26, v3;
	v50 =	vld.idx.msk [tilespmem:v59+s14+$0x0], $0xffff  }
0x12b: {  	v2 =	vsub.f32 v2, v5;
	v48 =	vmov v0;
	v5 =	vmul.f32 v61, v0;
	v0 =	vld [tilespmem:$0x1FD30];
	_ =	sdelay $0x3  }
0x12c: {  	v51 =	vld.idx.msk [tilespmem:v60+s14+$0x0], $0xffff;
	v4 =	vor.u32 $0x27, v3  }
0x12d: {  	v2 =	vsub.f32 v2, v5;
	v49 =	vmov v0;
	v5 =	vmul.f32 v50, v0;
	v0 =	vld [tilespmem:$0x1FD40];
	_ =	sdelay $0x3  }
0x12e: {  	v62 =	vor.u32 $0x28, v3;
	v60 =	vld.idx.msk [tilespmem:v4+s14+$0x0], $0xffff  }
0x12f: {  	v2 =	vsub.f32 v2, v5;
	v50 =	vmov v0;
	v5 =	vmul.f32 v51, v0;
	v0 =	vld [tilespmem:$0x1FD50];
	_ =	sdelay $0x3  }
0x130: {  	v63 =	vor.u32 $0x29, v3;
	v53 =	vld.idx.msk [tilespmem:v62+s14+$0x0], $0xffff  }
0x131: {  	v2 =	vsub.f32 v2, v5;
	v51 =	vmov v0;
	v5 =	vmul.f32 v60, v0;
	v0 =	vld [tilespmem:$0x1FD60];
	_ =	sdelay $0x3  }
0x132: {  	v54 =	vld.idx.msk [tilespmem:v63+s14+$0x0], $0xffff;
	v4 =	vor.u32 $0x2A, v3  }
0x133: {  	v2 =	vsub.f32 v2, v5;
	v52 =	vmov v0;
	v5 =	vmul.f32 v53, v0;
	v0 =	vld [tilespmem:$0x1FD70];
	_ =	sdelay $0x3  }
0x134: {  	v63 =	vld.idx.msk [tilespmem:v4+s14+$0x0], $0xffff;
	v61 =	vor.u32 $0x2B, v3  }
0x135: {  	v2 =	vsub.f32 v2, v5;
	v53 =	vmov v0;
	v5 =	vmul.f32 v54, v0;
	v0 =	vld [tilespmem:$0x1FD80];
	_ =	sdelay $0x3  }
0x136: {  	v62 =	vor.u32 $0x2C, v3;
	v56 =	vld.idx.msk [tilespmem:v61+s14+$0x0], $0xffff  }
0x137: {  	v2 =	vsub.f32 v2, v5;
	v54 =	vmov v0;
	v5 =	vmul.f32 v63, v0;
	v0 =	vld [tilespmem:$0x1FD90];
	_ =	sdelay $0x3  }
0x138: {  	v57 =	vld.idx.msk [tilespmem:v62+s14+$0x0], $0xffff;
	v4 =	vor.u32 $0x2D, v3  }
0x139: {  	v2 =	vsub.f32 v2, v5;
	v55 =	vmov v0;
	v5 =	vmul.f32 v56, v0;
	v0 =	vld [tilespmem:$0x1FDA0];
	_ =	sdelay $0x3  }
0x13a: {  	v59 =	vor.u32 $0x2E, v3;
	v58 =	vld.idx.msk [tilespmem:v4+s14+$0x0], $0xffff  }
0x13b: {  	v2 =	vsub.f32 v2, v5;
	v56 =	vmov v0;
	v5 =	vmul.f32 v57, v0;
	v0 =	vld [tilespmem:$0x1FDB0];
	_ =	sdelay $0x3  }
0x13c: {  	v59 =	vld.idx.msk [tilespmem:v59+s14+$0x0], $0xffff;
	v60 =	vor.u32 $0x2F, v3  }
0x13d: {  	v2 =	vsub.f32 v2, v5;
	v57 =	vmov v0;
	v5 =	vmul.f32 v58, v0;
	v0 =	vld [tilespmem:$0x1FDC0];
	_ =	sdelay $0x3  }
0x13e: {  	v60 =	vld.idx.msk [tilespmem:v60+s14+$0x0], $0xffff  }
0x13f: {  	v4 =	vor.u32 $0x30, v3;
	v2 =	vsub.f32 v2, v5;
	v58 =	vmovc v0;
	v5 =	vmul.f32 v59, v0;
	v0 =	vld [tilespmem:$0x1FDD0];
	_ =	sdelay $0x4  }
0x140: {  	v61 =	vld.idx.msk [tilespmem:v4+s14+$0x0], $0xffff;
	v2 =	vsub.f32 v2, v5;
	v59 =	vmovc v0;
	v5 =	vmul.f32 v60, v0;
	v0 =	vor.u32 $0x34, v3  }
0x141: {  	[tilespmem:$0x1FE00] =	vst v0;
	v0 =	vld [tilespmem:$0x1FDE0]  }
0x142: {  	v4 =	vor.u32 $0x33, v3;
	_ =	sdelay $0x2  }
0x143: {  	v62 =	vor.u32 $0x31, v3  }
0x144: {  	v2 =	vsub.f32 v2, v5;
	v60 =	vmovc v0;
	v5 =	vmul.f32 v61, v0;
	v0 =	vor.u32 $0x35, v3  }
0x145: {  	[tilespmem:$0x1FE20] =	vst v0;
	v0 =	vld.idx.msk [tilespmem:v4+s14+$0x0], $0xffff;
	_ =	sdelay $0x3  }
0x146: {  	v62 =	vld.idx.msk [tilespmem:v62+s14+$0x0], $0xffff  }
0x147: {  	[tilespmem:$0x1FE40] =	vst v0;
	v0 =	vld [tilespmem:$0x1FDF0];
	_ =	sdelay $0x4  }
0x148: {  	v2 =	vsub.f32 v2, v5;
	v61 =	vmov v0;
	v5 =	vmul.f32 v62, v0;
	v0 =	vld [tilespmem:$0x1FE00];
	_ =	sdelay $0x6  }
0x149: {  	v63 =	vor.u32 $0x32, v3  }
0x14a: {  	v0 =	vld.idx.msk [tilespmem:v0+s14+$0x0], $0xffff;
	_ =	sdelay $0x3  }
0x14b: {  	v63 =	vld.idx.msk [tilespmem:v63+s14+$0x0], $0xffff  }
0x14c: {  	[tilespmem:$0x1FE60] =	vst v0;
	v0 =	vld [tilespmem:$0x1FE10];
	_ =	sdelay $0x4  }
0x14d: {  	v2 =	vsub.f32 v2, v5;
	v62 =	vmovc v0;
	v5 =	vmul.f32 v63, v0;
	v0 =	vor.u32 $0x37, v3  }
0x14e: {  	[tilespmem:$0x1FE70] =	vst v0;
	v0 =	vld [tilespmem:$0x1FE20];
	_ =	sdelay $0x7  }
0x14f: {  	v0 =	vld.idx.msk [tilespmem:v0+s14+$0x0], $0xffff;
	_ =	sdelay $0x3  }
0x150: {  	v2 =	vsub.f32 v2, v5;
	v5 =	vld [tilespmem:$0x1FE40]  }
0x151: {  	[tilespmem:$0x1FE90] =	vst v0;
	v0 =	vld [tilespmem:$0x1FE30]  }
0x152: {  	v4 =	vor.u32 $0x36, v3;
	_ =	sdelay $0x3  }
0x153: {  	v5 =	vmul.f32 v5, v0;
	v0 =	vor.u32 $0x38, v3  }
0x154: {  	[tilespmem:$0x1FEA0] =	vst v0;
	v0 =	vld.idx.msk [tilespmem:v4+s14+$0x0], $0xffff;
	_ =	sdelay $0x3  }
0x155: {  	v4 =	vld [tilespmem:$0x1FE60]  }
0x156: {  	[tilespmem:$0x1FEC0] =	vst v0;
	v0 =	vld [tilespmem:$0x1FE50];
	_ =	sdelay $0x4  }
0x157: {  	v2 =	vsub.f32 v2, v5;
	v63 =	vmov v0;
	v5 =	vmul.f32 v4, v0;
	v0 =	vld [tilespmem:$0x1FE70];
	_ =	sdelay $0x7  }
0x158: {  	v0 =	vld.idx.msk [tilespmem:v0+s14+$0x0], $0xffff;
	_ =	sdelay $0x3  }
0x159: {  	v2 =	vsub.f32 v2, v5;
	v5 =	vld [tilespmem:$0x1FE90]  }
0x15a: {  	[tilespmem:$0x1FEE0] =	vst v0;
	v0 =	vld [tilespmem:$0x1FE80];
	_ =	sdelay $0x4  }
0x15b: {  	v5 =	vmul.f32 v5, v0;
	v0 =	vor.u32 $0x3A, v3  }
0x15c: {  	[tilespmem:$0x1FEF0] =	vst v0;
	v0 =	vld [tilespmem:$0x1FEA0];
	_ =	sdelay $0x7  }
0x15d: {  	v0 =	vld.idx.msk [tilespmem:v0+s14+$0x0], $0xffff;
	_ =	sdelay $0x3  }
0x15e: {  	v2 =	vsub.f32 v2, v5;
	v5 =	vld [tilespmem:$0x1FEC0]  }
0x15f: {  	[tilespmem:$0x1FF10] =	vst v0;
	v0 =	vld [tilespmem:$0x1FEB0]  }
0x160: {  	v4 =	vor.u32 $0x39, v3;
	_ =	sdelay $0x3  }
0x161: {  	v5 =	vmul.f32 v5, v0;
	v0 =	vor.u32 $0x3B, v3  }
0x162: {  	[tilespmem:$0x1FF20] =	vst v0;
	v0 =	vld.idx.msk [tilespmem:v4+s14+$0x0], $0xffff;
	_ =	sdelay $0x3  }
0x163: {  	v4 =	vld [tilespmem:$0x1FEE0]  }
0x164: {  	[tilespmem:$0x1FF40] =	vst v0;
	v0 =	vld [tilespmem:$0x1FED0];
	_ =	sdelay $0x4  }
0x165: {  	v2 =	vsub.f32 v2, v5;
	v5 =	vmul.f32 v4, v0;
	v0 =	vor.u32 $0x3C, v3  }
0x166: {  	[tilespmem:$0x1FF50] =	vst v0;
	v0 =	vld [tilespmem:$0x1FEF0];
	_ =	sdelay $0x7  }
0x167: {  	v0 =	vld.idx.msk [tilespmem:v0+s14+$0x0], $0xffff;
	_ =	sdelay $0x3  }
0x168: {  	v4 =	vld [tilespmem:$0x1FF10]  }
0x169: {  	[tilespmem:$0x1FF70] =	vst v0;
	v0 =	vld [tilespmem:$0x1FF00];
	_ =	sdelay $0x4  }
0x16a: {  	v2 =	vsub.f32 v2, v5;
	v5 =	vmul.f32 v4, v0;
	v0 =	vor.u32 $0x3D, v3  }
0x16b: {  	[tilespmem:$0x1FF80] =	vst v0;
	v0 =	vld [tilespmem:$0x1FF20];
	_ =	sdelay $0x7  }
0x16c: {  	v0 =	vld.idx.msk [tilespmem:v0+s14+$0x0], $0xffff;
	_ =	sdelay $0x4  }
0x16d: {  	[tilespmem:$0x1FFA0] =	vst v0;
	v0 =	vld [tilespmem:$0x1FF40];
	_ =	sdelay $0x4  }
0x16e: {  	v2 =	vsub.f32 v2, v5;
	v5 =	vmul.f32 v0, v12;
	v0 =	vld [tilespmem:$0x1FF50];
	_ =	sdelay $0x7  }
0x16f: {  	v0 =	vld.idx.msk [tilespmem:v0+s14+$0x0], $0xffff;
	_ =	sdelay $0x3  }
0x170: {  	v2 =	vsub.f32 v2, v5;
	v5 =	vld [tilespmem:$0x1FF70]  }
0x171: {  	[tilespmem:$0x1FFC0] =	vst v0;
	v0 =	vld [tilespmem:$0x1FF60];
	_ =	sdelay $0x4  }
0x172: {  	[tilespmem:$0x1FF30] =	vst v12;
	v12 =	vmov v0;
	v5 =	vmul.f32 v5, v0;
	v0 =	vld [tilespmem:$0x1FF80];
	_ =	sdelay $0x7  }
0x173: {  	v0 =	vld.idx.msk [tilespmem:v0+s14+$0x0], $0xffff;
	_ =	sdelay $0x4  }
0x174: {  	[tilespmem:$0x1FFE0] =	vst v0;
	v0 =	vld [tilespmem:$0x1FFA0];
	_ =	sdelay $0x4  }
0x175: {  	v2 =	vsub.f32 v2, v5;
	v5 =	vmul.f32 v0, v10;
	v0 =	vld [tilespmem:$0x1FFC0];
	_ =	sdelay $0x1  }
0x176: {  	v4 =	vor.u32 $0x3E, v3;
	_ =	sdelay $0x1  }
0x177: {  	v3 =	vor.u32 $0x3F, v3  }
0x178: {  	v2 =	vsub.f32 v2, v5;
	v5 =	vmul.f32 v0, v9;
	v0 =	vld [tilespmem:$0x1FFE0];
	_ =	sdelay $0x1  }
0x179: {  	v4 =	vld.idx.msk [tilespmem:v4+s14+$0x0], $0xffff;
	_ =	sdelay $0x1  }
0x17a: {  	v3 =	vld.idx.msk [tilespmem:v3+s14+$0x0], $0xffff  }
0x17b: {  	v2 =	vsub.f32 v2, v5;
	v5 =	vmul.f32 v0, v7  }
0x17c: {  	[tilespmem:$0x1FF90] =	vst v10  }
0x17d: {  	[tilespmem:$0x1FFB0] =	vst v9;
	v4 =	vmul.f32 v4, v6;
	v2 =	vsub.f32 v2, v5  }
0x17e: {  	s21 =	simm.s32 $0x20;
	[tilespmem:$0x1FFD0] =	vst v7  }
0x17f: {  	s24 =	simm.s32 $0x30;
	[tilespmem:$0x1FFF0] =	vst v6;
	v0 =	vmovc v8;
	v5 =	vmul.f32 v3, v8;
	v3 =	vor.u32 s21, v11;
	v4 =	vsub.f32 v2, v4  }
.LBB2_3:
0x180: {  	v2 =	vshll.u32 v3, $0x6  }
0x181: {  	v4 =	vsub.f32 v4, v5  }
0x182: {  	vm0 =	vlt.u32 v1, $0xC8;
	v5 =	vor.u32 $0x1, v2  }
0x183: {  	v1 =	vmov v3;
	s23 =	sadd.s32 $0x10, s23;
	v3 =	vnsel vm0, $0xC1F00000, v4  }
0x184: {  	[tilespmem:s23+$0x0] =	vst v3  }
0x185: {  	v3 =	vld.idx.msk [tilespmem:v2+s14+$0x0], $0xffff;
	_ =	sdelay $0x1  }
0x186: {  	v5 =	vld.idx.msk [tilespmem:v5+s14+$0x0], $0xffff  }
0x187: {  	v4 =	vor.u32 $0x2, v2;
	_ =	sdelay $0x1  }
0x188: {  	v3 =	vmul.f32 v3, v14  }
0x189: {  	v6 =	vor.u32 $0x3, v2  }
0x18a: {  	v5 =	vmul.f32 v5, v15;
	v3 =	vsub.f32 $0.0e+00, v3  }
0x18b: {  	v7 =	vor.u32 $0x4, v2;
	v4 =	vld.idx.msk [tilespmem:v4+s14+$0x0], $0xffff  }
0x18c: {  	v3 =	vsub.f32 v3, v5;
	v5 =	vld [tilespmem:$0x1FB00]  }
0x18d: {  	v8 =	vor.u32 $0x5, v2  }
0x18e: {  	v6 =	vld.idx.msk [tilespmem:v6+s14+$0x0], $0xffff  }
0x18f: {  	v9 =	vor.u32 $0x6, v2  }
0x190: {  	v7 =	vld.idx.msk [tilespmem:v7+s14+$0x0], $0xffff  }
0x191: {  	v10 =	vor.u32 $0x7, v2;
	v4 =	vmul.f32 v4, v5  }
0x192: {  	v5 =	vld.idx.msk [tilespmem:v8+s14+$0x0], $0xffff  }
0x193: {  	v8 =	vor.u32 $0x8, v2;
	v3 =	vsub.f32 v3, v4;
	v4 =	vmul.f32 v6, v13  }
0x194: {  	v6 =	vld.idx.msk [tilespmem:v9+s14+$0x0], $0xffff  }
0x195: {  	v9 =	vor.u32 $0x9, v2;
	v3 =	vsub.f32 v3, v4;
	v4 =	vmul.f32 v7, v16  }
0x196: {  	v7 =	vld.idx.msk [tilespmem:v10+s14+$0x0], $0xffff  }
0x197: {  	v10 =	vor.u32 $0xA, v2;
	v3 =	vsub.f32 v3, v4;
	v4 =	vmul.f32 v5, v17  }
0x198: {  	v5 =	vld.idx.msk [tilespmem:v8+s14+$0x0], $0xffff  }
0x199: {  	v8 =	vor.u32 $0xB, v2;
	v3 =	vsub.f32 v3, v4;
	v4 =	vmul.f32 v6, v18  }
0x19a: {  	v6 =	vld.idx.msk [tilespmem:v9+s14+$0x0], $0xffff  }
0x19b: {  	v9 =	vor.u32 $0xC, v2;
	v3 =	vsub.f32 v3, v4;
	v4 =	vmul.f32 v7, v19  }
0x19c: {  	v7 =	vld.idx.msk [tilespmem:v10+s14+$0x0], $0xffff  }
0x19d: {  	v10 =	vor.u32 $0xD, v2;
	v3 =	vsub.f32 v3, v4;
	v4 =	vmul.f32 v5, v20  }
0x19e: {  	v5 =	vld.idx.msk [tilespmem:v8+s14+$0x0], $0xffff  }
0x19f: {  	v8 =	vor.u32 $0xE, v2;
	v3 =	vsub.f32 v3, v4;
	v4 =	vmul.f32 v6, v21  }
0x1a0: {  	v6 =	vld.idx.msk [tilespmem:v9+s14+$0x0], $0xffff  }
0x1a1: {  	v9 =	vor.u32 $0xF, v2;
	v3 =	vsub.f32 v3, v4;
	v4 =	vmul.f32 v7, v22  }
0x1a2: {  	v7 =	vld.idx.msk [tilespmem:v10+s14+$0x0], $0xffff  }
0x1a3: {  	v10 =	vor.u32 $0x10, v2;
	v3 =	vsub.f32 v3, v4;
	v4 =	vmul.f32 v5, v23  }
0x1a4: {  	v5 =	vld.idx.msk [tilespmem:v8+s14+$0x0], $0xffff  }
0x1a5: {  	v8 =	vor.u32 $0x11, v2;
	v3 =	vsub.f32 v3, v4;
	v4 =	vmul.f32 v6, v24  }
0x1a6: {  	v6 =	vld.idx.msk [tilespmem:v9+s14+$0x0], $0xffff  }
0x1a7: {  	v9 =	vor.u32 $0x12, v2;
	v3 =	vsub.f32 v3, v4;
	v4 =	vmul.f32 v7, v25  }
0x1a8: {  	v7 =	vld.idx.msk [tilespmem:v10+s14+$0x0], $0xffff  }
0x1a9: {  	v10 =	vor.u32 $0x13, v2;
	v3 =	vsub.f32 v3, v4;
	v4 =	vmul.f32 v5, v26  }
0x1aa: {  	v5 =	vld.idx.msk [tilespmem:v8+s14+$0x0], $0xffff  }
0x1ab: {  	v8 =	vor.u32 $0x14, v2;
	v3 =	vsub.f32 v3, v4;
	v4 =	vmul.f32 v6, v27  }
0x1ac: {  	v6 =	vld.idx.msk [tilespmem:v9+s14+$0x0], $0xffff  }
0x1ad: {  	v9 =	vor.u32 $0x15, v2;
	v3 =	vsub.f32 v3, v4;
	v4 =	vmul.f32 v7, v28  }
0x1ae: {  	v7 =	vld.idx.msk [tilespmem:v10+s14+$0x0], $0xffff  }
0x1af: {  	v10 =	vor.u32 $0x16, v2;
	v3 =	vsub.f32 v3, v4;
	v4 =	vmul.f32 v5, v29  }
0x1b0: {  	v5 =	vld.idx.msk [tilespmem:v8+s14+$0x0], $0xffff  }
0x1b1: {  	v8 =	vor.u32 $0x17, v2;
	v3 =	vsub.f32 v3, v4;
	v4 =	vmul.f32 v6, v30  }
0x1b2: {  	v6 =	vld.idx.msk [tilespmem:v9+s14+$0x0], $0xffff  }
0x1b3: {  	v9 =	vor.u32 $0x18, v2;
	v3 =	vsub.f32 v3, v4;
	v4 =	vmul.f32 v7, v31  }
0x1b4: {  	v7 =	vld.idx.msk [tilespmem:v10+s14+$0x0], $0xffff  }
0x1b5: {  	v10 =	vor.u32 $0x19, v2;
	v3 =	vsub.f32 v3, v4;
	v4 =	vmul.f32 v5, v32  }
0x1b6: {  	v5 =	vld.idx.msk [tilespmem:v8+s14+$0x0], $0xffff  }
0x1b7: {  	v8 =	vor.u32 $0x1A, v2;
	v3 =	vsub.f32 v3, v4;
	v4 =	vmul.f32 v6, v33  }
0x1b8: {  	v6 =	vld.idx.msk [tilespmem:v9+s14+$0x0], $0xffff  }
0x1b9: {  	v9 =	vor.u32 $0x1B, v2;
	v3 =	vsub.f32 v3, v4;
	v4 =	vmul.f32 v7, v34  }
0x1ba: {  	v7 =	vld.idx.msk [tilespmem:v10+s14+$0x0], $0xffff  }
0x1bb: {  	v10 =	vor.u32 $0x1C, v2;
	v3 =	vsub.f32 v3, v4;
	v4 =	vmul.f32 v5, v35  }
0x1bc: {  	v5 =	vld.idx.msk [tilespmem:v8+s14+$0x0], $0xffff  }
0x1bd: {  	v8 =	vor.u32 $0x1D, v2;
	v3 =	vsub.f32 v3, v4;
	v4 =	vmul.f32 v6, v36  }
0x1be: {  	v6 =	vld.idx.msk [tilespmem:v9+s14+$0x0], $0xffff  }
0x1bf: {  	v9 =	vor.u32 $0x1E, v2;
	v3 =	vsub.f32 v3, v4;
	v4 =	vmul.f32 v7, v37  }
0x1c0: {  	v7 =	vld.idx.msk [tilespmem:v10+s14+$0x0], $0xffff  }
0x1c1: {  	v10 =	vor.u32 $0x1F, v2;
	v3 =	vsub.f32 v3, v4;
	v4 =	vmul.f32 v5, v38  }
0x1c2: {  	v5 =	vld.idx.msk [tilespmem:v8+s14+$0x0], $0xffff  }
0x1c3: {  	v8 =	vor.u32 $0x20, v2;
	v3 =	vsub.f32 v3, v4;
	v4 =	vmul.f32 v6, v39  }
0x1c4: {  	v6 =	vld.idx.msk [tilespmem:v9+s14+$0x0], $0xffff  }
0x1c5: {  	v9 =	vor.u32 $0x21, v2;
	v3 =	vsub.f32 v3, v4;
	v4 =	vmul.f32 v7, v40  }
0x1c6: {  	v7 =	vld.idx.msk [tilespmem:v10+s14+$0x0], $0xffff  }
0x1c7: {  	v10 =	vor.u32 $0x22, v2;
	v3 =	vsub.f32 v3, v4;
	v4 =	vmul.f32 v5, v41  }
0x1c8: {  	v5 =	vld.idx.msk [tilespmem:v8+s14+$0x0], $0xffff  }
0x1c9: {  	v8 =	vor.u32 $0x23, v2;
	v3 =	vsub.f32 v3, v4;
	v4 =	vmul.f32 v6, v42  }
0x1ca: {  	v6 =	vld.idx.msk [tilespmem:v9+s14+$0x0], $0xffff  }
0x1cb: {  	v9 =	vor.u32 $0x24, v2;
	v3 =	vsub.f32 v3, v4;
	v4 =	vmul.f32 v7, v43  }
0x1cc: {  	v7 =	vld.idx.msk [tilespmem:v10+s14+$0x0], $0xffff  }
0x1cd: {  	v10 =	vor.u32 $0x25, v2;
	v3 =	vsub.f32 v3, v4;
	v4 =	vmul.f32 v5, v44  }
0x1ce: {  	v5 =	vld.idx.msk [tilespmem:v8+s14+$0x0], $0xffff  }
0x1cf: {  	v8 =	vor.u32 $0x26, v2;
	v3 =	vsub.f32 v3, v4;
	v4 =	vmul.f32 v6, v45  }
0x1d0: {  	v6 =	vld.idx.msk [tilespmem:v9+s14+$0x0], $0xffff  }
0x1d1: {  	v9 =	vor.u32 $0x27, v2;
	v3 =	vsub.f32 v3, v4;
	v4 =	vmul.f32 v7, v46  }
0x1d2: {  	v7 =	vld.idx.msk [tilespmem:v10+s14+$0x0], $0xffff  }
0x1d3: {  	v10 =	vor.u32 $0x28, v2;
	v3 =	vsub.f32 v3, v4;
	v4 =	vmul.f32 v5, v47  }
0x1d4: {  	v5 =	vld.idx.msk [tilespmem:v8+s14+$0x0], $0xffff  }
0x1d5: {  	v8 =	vor.u32 $0x29, v2;
	v3 =	vsub.f32 v3, v4;
	v4 =	vmul.f32 v6, v48  }
0x1d6: {  	v6 =	vld.idx.msk [tilespmem:v9+s14+$0x0], $0xffff  }
0x1d7: {  	v9 =	vor.u32 $0x2A, v2;
	v3 =	vsub.f32 v3, v4;
	v4 =	vmul.f32 v7, v49  }
0x1d8: {  	v7 =	vld.idx.msk [tilespmem:v10+s14+$0x0], $0xffff  }
0x1d9: {  	v10 =	vor.u32 $0x2B, v2;
	v3 =	vsub.f32 v3, v4;
	v4 =	vmul.f32 v5, v50  }
0x1da: {  	v5 =	vld.idx.msk [tilespmem:v8+s14+$0x0], $0xffff  }
0x1db: {  	v8 =	vor.u32 $0x2C, v2;
	v3 =	vsub.f32 v3, v4;
	v4 =	vmul.f32 v6, v51  }
0x1dc: {  	v6 =	vld.idx.msk [tilespmem:v9+s14+$0x0], $0xffff  }
0x1dd: {  	v9 =	vor.u32 $0x2D, v2;
	v3 =	vsub.f32 v3, v4;
	v4 =	vmul.f32 v7, v52  }
0x1de: {  	v7 =	vld.idx.msk [tilespmem:v10+s14+$0x0], $0xffff  }
0x1df: {  	v10 =	vor.u32 $0x2E, v2;
	v3 =	vsub.f32 v3, v4;
	v4 =	vmul.f32 v5, v53  }
0x1e0: {  	v5 =	vld.idx.msk [tilespmem:v8+s14+$0x0], $0xffff  }
0x1e1: {  	v8 =	vor.u32 $0x2F, v2;
	v3 =	vsub.f32 v3, v4;
	v4 =	vmul.f32 v6, v54  }
0x1e2: {  	v6 =	vld.idx.msk [tilespmem:v9+s14+$0x0], $0xffff  }
0x1e3: {  	v9 =	vor.u32 $0x30, v2;
	v3 =	vsub.f32 v3, v4;
	v4 =	vmul.f32 v7, v55  }
0x1e4: {  	v7 =	vld.idx.msk [tilespmem:v10+s14+$0x0], $0xffff  }
0x1e5: {  	v10 =	vor.u32 $0x31, v2;
	v3 =	vsub.f32 v3, v4;
	v4 =	vmul.f32 v5, v56  }
0x1e6: {  	v5 =	vld.idx.msk [tilespmem:v8+s14+$0x0], $0xffff  }
0x1e7: {  	v8 =	vor.u32 $0x32, v2;
	v3 =	vsub.f32 v3, v4;
	v4 =	vmul.f32 v6, v57  }
0x1e8: {  	v6 =	vld.idx.msk [tilespmem:v9+s14+$0x0], $0xffff  }
0x1e9: {  	v3 =	vsub.f32 v3, v4;
	v4 =	vmul.f32 v7, v58  }
0x1ea: {  	v7 =	vld.idx.msk [tilespmem:v10+s14+$0x0], $0xffff  }
0x1eb: {  	v3 =	vsub.f32 v3, v4;
	v4 =	vmul.f32 v5, v59  }
0x1ec: {  	v5 =	vld.idx.msk [tilespmem:v8+s14+$0x0], $0xffff  }
0x1ed: {  	v9 =	vor.u32 $0x33, v2;
	v3 =	vsub.f32 v3, v4;
	v4 =	vmul.f32 v6, v60;
	_ =	sdelay $0x1  }
0x1ee: {  	v3 =	vsub.f32 v3, v4;
	v4 =	vmul.f32 v7, v61  }
0x1ef: {  	v10 =	vor.u32 $0x34, v2  }
0x1f0: {  	v3 =	vsub.f32 v3, v4;
	v4 =	vmul.f32 v5, v62  }
0x1f1: {  	v6 =	vld.idx.msk [tilespmem:v9+s14+$0x0], $0xffff  }
0x1f2: {  	v3 =	vsub.f32 v3, v4;
	v4 =	vld [tilespmem:$0x1FE30];
	_ =	sdelay $0x1  }
0x1f3: {  	v7 =	vld.idx.msk [tilespmem:v10+s14+$0x0], $0xffff  }
0x1f4: {  	v8 =	vor.u32 $0x35, v2;
	_ =	sdelay $0x1  }
0x1f5: {  	v4 =	vmul.f32 v6, v4;
	_ =	sdelay $0x1  }
0x1f6: {  	v3 =	vsub.f32 v3, v4;
	v4 =	vmul.f32 v7, v63  }
0x1f7: {  	v5 =	vld.idx.msk [tilespmem:v8+s14+$0x0], $0xffff  }
0x1f8: {  	v3 =	vsub.f32 v3, v4;
	v4 =	vld [tilespmem:$0x1FE80]  }
0x1f9: {  	v9 =	vor.u32 $0x36, v2;
	_ =	sdelay $0x3  }
0x1fa: {  	v4 =	vmul.f32 v5, v4  }
0x1fb: {  	v6 =	vld.idx.msk [tilespmem:v9+s14+$0x0], $0xffff  }
0x1fc: {  	v3 =	vsub.f32 v3, v4;
	v4 =	vld [tilespmem:$0x1FEB0]  }
0x1fd: {  	v10 =	vor.u32 $0x37, v2;
	_ =	sdelay $0x3  }
0x1fe: {  	v4 =	vmul.f32 v6, v4  }
0x1ff: {  	v7 =	vld.idx.msk [tilespmem:v10+s14+$0x0], $0xffff  }
0x200: {  	v3 =	vsub.f32 v3, v4;
	v4 =	vld [tilespmem:$0x1FED0]  }
0x201: {  	v8 =	vor.u32 $0x38, v2;
	_ =	sdelay $0x3  }
0x202: {  	v4 =	vmul.f32 v7, v4  }
0x203: {  	v5 =	vld.idx.msk [tilespmem:v8+s14+$0x0], $0xffff  }
0x204: {  	v3 =	vsub.f32 v3, v4;
	v4 =	vld [tilespmem:$0x1FF00]  }
0x205: {  	v9 =	vor.u32 $0x39, v2;
	_ =	sdelay $0x2  }
0x206: {  	v10 =	vor.u32 $0x3A, v2  }
0x207: {  	v4 =	vmul.f32 v5, v4  }
0x208: {  	v6 =	vld.idx.msk [tilespmem:v9+s14+$0x0], $0xffff  }
0x209: {  	v3 =	vsub.f32 v3, v4;
	v4 =	vld [tilespmem:$0x1FF30];
	_ =	sdelay $0x1  }
0x20a: {  	v7 =	vld.idx.msk [tilespmem:v10+s14+$0x0], $0xffff  }
0x20b: {  	v8 =	vor.u32 $0x3B, v2;
	_ =	sdelay $0x1  }
0x20c: {  	v4 =	vmul.f32 v6, v4;
	_ =	sdelay $0x1  }
0x20d: {  	v3 =	vsub.f32 v3, v4;
	v4 =	vmul.f32 v7, v12  }
0x20e: {  	v5 =	vld.idx.msk [tilespmem:v8+s14+$0x0], $0xffff  }
0x20f: {  	v3 =	vsub.f32 v3, v4;
	v4 =	vld [tilespmem:$0x1FF90]  }
0x210: {  	v9 =	vor.u32 $0x3C, v2;
	_ =	sdelay $0x3  }
0x211: {  	v4 =	vmul.f32 v5, v4  }
0x212: {  	v6 =	vld.idx.msk [tilespmem:v9+s14+$0x0], $0xffff  }
0x213: {  	v3 =	vsub.f32 v3, v4;
	v4 =	vld [tilespmem:$0x1FFB0]  }
0x214: {  	v10 =	vor.u32 $0x3D, v2;
	_ =	sdelay $0x3  }
0x215: {  	v4 =	vmul.f32 v6, v4  }
0x216: {  	v7 =	vld.idx.msk [tilespmem:v10+s14+$0x0], $0xffff  }
0x217: {  	v3 =	vsub.f32 v3, v4;
	v4 =	vld [tilespmem:$0x1FFD0]  }
0x218: {  	v8 =	vor.u32 $0x3E, v2;
	_ =	sdelay $0x2  }
0x219: {  	v2 =	vor.u32 $0x3F, v2  }
0x21a: {  	v4 =	vmul.f32 v7, v4  }
0x21b: {  	v5 =	vld.idx.msk [tilespmem:v8+s14+$0x0], $0xffff  }
0x21c: {  	v4 =	vsub.f32 v3, v4;
	v3 =	vld [tilespmem:$0x1FFF0];
	_ =	sdelay $0x1  }
0x21d: {  	p0 =	sne.s32 s24, $0xC0;
	v2 =	vld.idx.msk [tilespmem:v2+s14+$0x0], $0xffff  }
.Ltmp0:
0x21e: {  	_ = 	snop;
	(pc) =	sbr.rel @p0 .LBB2_3-.Ltmp0, $3  }
0x21f: {  	_ = 	snop  }
0x220: {  	v5 =	vmul.f32 v5, v3;
	_ =	sdelay $0x1  }
0x221: {  	v3 =	vor.u32 s24, v11;
	s24 =	sadd.s32 $0x10, s24;
	v4 =	vsub.f32 v4, v5;
	v5 =	vmul.f32 v2, v0  }
0x222: {  	v2 =	vshll.u32 v3, $0x6  }
0x223: {  	v4 =	vsub.f32 v4, v5  }
0x224: {  	vm0 =	vlt.u32 v1, $0xC8;
	v5 =	vor.u32 $0x1, v2  }
0x225: {  	s23 =	sadd.s32 $0x10, s23;
	v1 =	vnsel vm0, $0xC1F00000, v4  }
0x226: {  	[tilespmem:s23+$0x0] =	vst v1  }
0x227: {  	v1 =	vld.idx.msk [tilespmem:v2+s14+$0x0], $0xffff;
	_ =	sdelay $0x1  }
0x228: {  	v5 =	vld.idx.msk [tilespmem:v5+s14+$0x0], $0xffff  }
0x229: {  	v4 =	vor.u32 $0x2, v2;
	_ =	sdelay $0x1  }
0x22a: {  	v1 =	vmul.f32 v1, v14;
	_ =	sdelay $0x1  }
0x22b: {  	v5 =	vmul.f32 v5, v15;
	v1 =	vsub.f32 $0.0e+00, v1  }
0x22c: {  	v6 =	vor.u32 $0x3, v2;
	v4 =	vld.idx.msk [tilespmem:v4+s14+$0x0], $0xffff  }
0x22d: {  	v8 =	vor.u32 $0x5, v2;
	v1 =	vsub.f32 v1, v5;
	v5 =	vld [tilespmem:$0x1FB00];
	_ =	sdelay $0x3  }
0x22e: {  	v6 =	vld.idx.msk [tilespmem:v6+s14+$0x0], $0xffff  }
0x22f: {  	v7 =	vor.u32 $0x4, v2;
	v4 =	vmul.f32 v4, v5;
	v5 =	vld.idx.msk [tilespmem:v8+s14+$0x0], $0xffff;
	_ =	sdelay $0x4  }
0x230: {  	v7 =	vld.idx.msk [tilespmem:v7+s14+$0x0], $0xffff;
	[tilespmem:$0x1F990] =	vst v5;
	v5 =	vsub.f32 v1, v4;
	v4 =	vmul.f32 v6, v13  }
0x231: {  	v9 =	vor.u32 $0x6, v2  }
0x232: {  	v8 =	vor.u32 $0x8, v2;
	v1 =	vsub.f32 v5, v4;
	v5 =	vld [tilespmem:$0x1F990];
	_ =	sdelay $0x2  }
0x233: {  	v4 =	vmul.f32 v7, v16  }
0x234: {  	v6 =	vld.idx.msk [tilespmem:v9+s14+$0x0], $0xffff  }
0x235: {  	v10 =	vor.u32 $0x7, v2;
	v1 =	vsub.f32 v1, v4;
	v4 =	vmul.f32 v5, v17;
	v5 =	vld.idx.msk [tilespmem:v8+s14+$0x0], $0xffff;
	_ =	sdelay $0x4  }
0x236: {  	v7 =	vld.idx.msk [tilespmem:v10+s14+$0x0], $0xffff;
	[tilespmem:$0x1F9A0] =	vst v5;
	v5 =	vsub.f32 v1, v4;
	v4 =	vmul.f32 v6, v18  }
0x237: {  	v9 =	vor.u32 $0x9, v2  }
0x238: {  	v8 =	vor.u32 $0xB, v2;
	v1 =	vsub.f32 v5, v4;
	v5 =	vld [tilespmem:$0x1F9A0];
	_ =	sdelay $0x2  }
0x239: {  	v4 =	vmul.f32 v7, v19  }
0x23a: {  	v6 =	vld.idx.msk [tilespmem:v9+s14+$0x0], $0xffff  }
0x23b: {  	v10 =	vor.u32 $0xA, v2;
	v1 =	vsub.f32 v1, v4;
	v4 =	vmul.f32 v5, v20;
	v5 =	vld.idx.msk [tilespmem:v8+s14+$0x0], $0xffff;
	_ =	sdelay $0x4  }
0x23c: {  	v7 =	vld.idx.msk [tilespmem:v10+s14+$0x0], $0xffff;
	[tilespmem:$0x1F9B0] =	vst v5;
	v5 =	vsub.f32 v1, v4;
	v4 =	vmul.f32 v6, v21  }
0x23d: {  	v9 =	vor.u32 $0xC, v2  }
0x23e: {  	v8 =	vor.u32 $0xE, v2;
	v1 =	vsub.f32 v5, v4;
	v5 =	vld [tilespmem:$0x1F9B0];
	_ =	sdelay $0x2  }
0x23f: {  	v4 =	vmul.f32 v7, v22  }
0x240: {  	v6 =	vld.idx.msk [tilespmem:v9+s14+$0x0], $0xffff  }
0x241: {  	v10 =	vor.u32 $0xD, v2;
	v1 =	vsub.f32 v1, v4;
	v4 =	vmul.f32 v5, v23;
	v5 =	vld.idx.msk [tilespmem:v8+s14+$0x0], $0xffff;
	_ =	sdelay $0x4  }
0x242: {  	v7 =	vld.idx.msk [tilespmem:v10+s14+$0x0], $0xffff;
	[tilespmem:$0x1F9C0] =	vst v5;
	v5 =	vsub.f32 v1, v4;
	v4 =	vmul.f32 v6, v24  }
0x243: {  	v9 =	vor.u32 $0xF, v2  }
0x244: {  	v8 =	vor.u32 $0x11, v2;
	v1 =	vsub.f32 v5, v4;
	v5 =	vld [tilespmem:$0x1F9C0];
	_ =	sdelay $0x2  }
0x245: {  	v4 =	vmul.f32 v7, v25  }
0x246: {  	v6 =	vld.idx.msk [tilespmem:v9+s14+$0x0], $0xffff  }
0x247: {  	v10 =	vor.u32 $0x10, v2;
	v1 =	vsub.f32 v1, v4;
	v4 =	vmul.f32 v5, v26;
	v5 =	vld.idx.msk [tilespmem:v8+s14+$0x0], $0xffff;
	_ =	sdelay $0x4  }
0x248: {  	v7 =	vld.idx.msk [tilespmem:v10+s14+$0x0], $0xffff;
	[tilespmem:$0x1F9D0] =	vst v5;
	v5 =	vsub.f32 v1, v4;
	v4 =	vmul.f32 v6, v27  }
0x249: {  	v9 =	vor.u32 $0x12, v2  }
0x24a: {  	v8 =	vor.u32 $0x14, v2;
	v1 =	vsub.f32 v5, v4;
	v5 =	vld [tilespmem:$0x1F9D0];
	_ =	sdelay $0x2  }
0x24b: {  	v4 =	vmul.f32 v7, v28  }
0x24c: {  	v6 =	vld.idx.msk [tilespmem:v9+s14+$0x0], $0xffff  }
0x24d: {  	v10 =	vor.u32 $0x13, v2;
	v1 =	vsub.f32 v1, v4;
	v4 =	vmul.f32 v5, v29;
	v5 =	vld.idx.msk [tilespmem:v8+s14+$0x0], $0xffff;
	_ =	sdelay $0x4  }
0x24e: {  	v7 =	vld.idx.msk [tilespmem:v10+s14+$0x0], $0xffff;
	[tilespmem:$0x1F9E0] =	vst v5;
	v5 =	vsub.f32 v1, v4;
	v4 =	vmul.f32 v6, v30  }
0x24f: {  	v9 =	vor.u32 $0x15, v2  }
0x250: {  	v8 =	vor.u32 $0x17, v2;
	v1 =	vsub.f32 v5, v4;
	v5 =	vld [tilespmem:$0x1F9E0];
	_ =	sdelay $0x2  }
0x251: {  	v4 =	vmul.f32 v7, v31  }
0x252: {  	v6 =	vld.idx.msk [tilespmem:v9+s14+$0x0], $0xffff  }
0x253: {  	v10 =	vor.u32 $0x16, v2;
	v1 =	vsub.f32 v1, v4;
	v4 =	vmul.f32 v5, v32;
	v5 =	vld.idx.msk [tilespmem:v8+s14+$0x0], $0xffff;
	_ =	sdelay $0x4  }
0x254: {  	v7 =	vld.idx.msk [tilespmem:v10+s14+$0x0], $0xffff;
	[tilespmem:$0x1F9F0] =	vst v5;
	v5 =	vsub.f32 v1, v4;
	v4 =	vmul.f32 v6, v33  }
0x255: {  	v9 =	vor.u32 $0x18, v2  }
0x256: {  	v8 =	vor.u32 $0x1A, v2;
	v1 =	vsub.f32 v5, v4;
	v5 =	vld [tilespmem:$0x1F9F0];
	_ =	sdelay $0x2  }
0x257: {  	v4 =	vmul.f32 v7, v34  }
0x258: {  	v6 =	vld.idx.msk [tilespmem:v9+s14+$0x0], $0xffff  }
0x259: {  	v10 =	vor.u32 $0x19, v2;
	v1 =	vsub.f32 v1, v4;
	v4 =	vmul.f32 v5, v35;
	v5 =	vld.idx.msk [tilespmem:v8+s14+$0x0], $0xffff;
	_ =	sdelay $0x4  }
0x25a: {  	v7 =	vld.idx.msk [tilespmem:v10+s14+$0x0], $0xffff;
	[tilespmem:$0x1FA00] =	vst v5;
	v5 =	vsub.f32 v1, v4;
	v4 =	vmul.f32 v6, v36  }
0x25b: {  	v9 =	vor.u32 $0x1B, v2  }
0x25c: {  	v8 =	vor.u32 $0x1D, v2;
	v1 =	vsub.f32 v5, v4;
	v5 =	vld [tilespmem:$0x1FA00];
	_ =	sdelay $0x2  }
0x25d: {  	v4 =	vmul.f32 v7, v37  }
0x25e: {  	v6 =	vld.idx.msk [tilespmem:v9+s14+$0x0], $0xffff  }
0x25f: {  	v10 =	vor.u32 $0x1C, v2;
	v1 =	vsub.f32 v1, v4;
	v4 =	vmul.f32 v5, v38;
	v5 =	vld.idx.msk [tilespmem:v8+s14+$0x0], $0xffff;
	_ =	sdelay $0x4  }
0x260: {  	v7 =	vld.idx.msk [tilespmem:v10+s14+$0x0], $0xffff;
	[tilespmem:$0x1FA10] =	vst v5;
	v5 =	vsub.f32 v1, v4;
	v4 =	vmul.f32 v6, v39  }
0x261: {  	v9 =	vor.u32 $0x1E, v2  }
0x262: {  	v8 =	vor.u32 $0x20, v2;
	v1 =	vsub.f32 v5, v4;
	v5 =	vld [tilespmem:$0x1FA10];
	_ =	sdelay $0x2  }
0x263: {  	v4 =	vmul.f32 v7, v40  }
0x264: {  	v6 =	vld.idx.msk [tilespmem:v9+s14+$0x0], $0xffff  }
0x265: {  	v10 =	vor.u32 $0x1F, v2;
	v1 =	vsub.f32 v1, v4;
	v4 =	vmul.f32 v5, v41;
	v5 =	vld.idx.msk [tilespmem:v8+s14+$0x0], $0xffff;
	_ =	sdelay $0x4  }
0x266: {  	v7 =	vld.idx.msk [tilespmem:v10+s14+$0x0], $0xffff;
	[tilespmem:$0x1FA20] =	vst v5;
	v5 =	vsub.f32 v1, v4;
	v4 =	vmul.f32 v6, v42  }
0x267: {  	v9 =	vor.u32 $0x21, v2  }
0x268: {  	v8 =	vor.u32 $0x23, v2;
	v1 =	vsub.f32 v5, v4;
	v5 =	vld [tilespmem:$0x1FA20];
	_ =	sdelay $0x2  }
0x269: {  	v4 =	vmul.f32 v7, v43  }
0x26a: {  	v6 =	vld.idx.msk [tilespmem:v9+s14+$0x0], $0xffff  }
0x26b: {  	v10 =	vor.u32 $0x22, v2;
	v1 =	vsub.f32 v1, v4;
	v4 =	vmul.f32 v5, v44;
	v5 =	vld.idx.msk [tilespmem:v8+s14+$0x0], $0xffff;
	_ =	sdelay $0x4  }
0x26c: {  	v7 =	vld.idx.msk [tilespmem:v10+s14+$0x0], $0xffff;
	[tilespmem:$0x1FA30] =	vst v5;
	v5 =	vsub.f32 v1, v4;
	v4 =	vmul.f32 v6, v45  }
0x26d: {  	v9 =	vor.u32 $0x24, v2  }
0x26e: {  	v8 =	vor.u32 $0x26, v2;
	v1 =	vsub.f32 v5, v4;
	v5 =	vld [tilespmem:$0x1FA30];
	_ =	sdelay $0x2  }
0x26f: {  	v4 =	vmul.f32 v7, v46  }
0x270: {  	v6 =	vld.idx.msk [tilespmem:v9+s14+$0x0], $0xffff  }
0x271: {  	v10 =	vor.u32 $0x25, v2;
	v1 =	vsub.f32 v1, v4;
	v4 =	vmul.f32 v5, v47;
	v5 =	vld.idx.msk [tilespmem:v8+s14+$0x0], $0xffff;
	_ =	sdelay $0x4  }
0x272: {  	v7 =	vld.idx.msk [tilespmem:v10+s14+$0x0], $0xffff;
	[tilespmem:$0x1FA40] =	vst v5;
	v5 =	vsub.f32 v1, v4;
	v4 =	vmul.f32 v6, v48  }
0x273: {  	v9 =	vor.u32 $0x27, v2  }
0x274: {  	v8 =	vor.u32 $0x29, v2;
	v1 =	vsub.f32 v5, v4;
	v5 =	vld [tilespmem:$0x1FA40];
	_ =	sdelay $0x2  }
0x275: {  	v4 =	vmul.f32 v7, v49  }
0x276: {  	v6 =	vld.idx.msk [tilespmem:v9+s14+$0x0], $0xffff  }
0x277: {  	v10 =	vor.u32 $0x28, v2;
	v1 =	vsub.f32 v1, v4;
	v4 =	vmul.f32 v5, v50;
	v5 =	vld.idx.msk [tilespmem:v8+s14+$0x0], $0xffff;
	_ =	sdelay $0x4  }
0x278: {  	v7 =	vld.idx.msk [tilespmem:v10+s14+$0x0], $0xffff;
	[tilespmem:$0x1FA50] =	vst v5;
	v5 =	vsub.f32 v1, v4;
	v4 =	vmul.f32 v6, v51  }
0x279: {  	v9 =	vor.u32 $0x2A, v2  }
0x27a: {  	v8 =	vor.u32 $0x2C, v2;
	v1 =	vsub.f32 v5, v4;
	v5 =	vld [tilespmem:$0x1FA50];
	_ =	sdelay $0x2  }
0x27b: {  	v4 =	vmul.f32 v7, v52  }
0x27c: {  	v6 =	vld.idx.msk [tilespmem:v9+s14+$0x0], $0xffff  }
0x27d: {  	v10 =	vor.u32 $0x2B, v2;
	v1 =	vsub.f32 v1, v4;
	v4 =	vmul.f32 v5, v53;
	v5 =	vld.idx.msk [tilespmem:v8+s14+$0x0], $0xffff;
	_ =	sdelay $0x4  }
0x27e: {  	v7 =	vld.idx.msk [tilespmem:v10+s14+$0x0], $0xffff;
	[tilespmem:$0x1FA60] =	vst v5;
	v5 =	vsub.f32 v1, v4;
	v4 =	vmul.f32 v6, v54  }
0x27f: {  	v9 =	vor.u32 $0x2D, v2  }
0x280: {  	v8 =	vor.u32 $0x2F, v2;
	v1 =	vsub.f32 v5, v4;
	v5 =	vld [tilespmem:$0x1FA60];
	_ =	sdelay $0x2  }
0x281: {  	v4 =	vmul.f32 v7, v55  }
0x282: {  	v6 =	vld.idx.msk [tilespmem:v9+s14+$0x0], $0xffff  }
0x283: {  	v10 =	vor.u32 $0x2E, v2;
	v1 =	vsub.f32 v1, v4;
	v4 =	vmul.f32 v5, v56;
	v5 =	vld.idx.msk [tilespmem:v8+s14+$0x0], $0xffff;
	_ =	sdelay $0x4  }
0x284: {  	v7 =	vld.idx.msk [tilespmem:v10+s14+$0x0], $0xffff;
	[tilespmem:$0x1FA70] =	vst v5;
	v5 =	vsub.f32 v1, v4;
	v4 =	vmul.f32 v6, v57  }
0x285: {  	v9 =	vor.u32 $0x30, v2  }
0x286: {  	v8 =	vor.u32 $0x32, v2;
	v1 =	vsub.f32 v5, v4;
	v5 =	vld [tilespmem:$0x1FA70];
	_ =	sdelay $0x2  }
0x287: {  	v4 =	vmul.f32 v7, v58  }
0x288: {  	v6 =	vld.idx.msk [tilespmem:v9+s14+$0x0], $0xffff  }
0x289: {  	v10 =	vor.u32 $0x31, v2;
	v1 =	vsub.f32 v1, v4;
	v4 =	vmul.f32 v5, v59;
	v5 =	vld.idx.msk [tilespmem:v8+s14+$0x0], $0xffff;
	_ =	sdelay $0x4  }
0x28a: {  	v7 =	vld.idx.msk [tilespmem:v10+s14+$0x0], $0xffff;
	[tilespmem:$0x1FA80] =	vst v5;
	v5 =	vsub.f32 v1, v4;
	v4 =	vmul.f32 v6, v60;
	_ =	sdelay $0x1  }
0x28b: {  	v8 =	vor.u32 $0x35, v2;
	v1 =	vsub.f32 v5, v4;
	v5 =	vld [tilespmem:$0x1FA80];
	_ =	sdelay $0x2  }
0x28c: {  	v4 =	vmul.f32 v7, v61  }
0x28d: {  	v9 =	vor.u32 $0x33, v2  }
0x28e: {  	v1 =	vsub.f32 v1, v4;
	v4 =	vmul.f32 v5, v62;
	v5 =	vld.idx.msk [tilespmem:v8+s14+$0x0], $0xffff;
	_ =	sdelay $0x1  }
0x28f: {  	v10 =	vor.u32 $0x34, v2;
	_ =	sdelay $0x1  }
0x290: {  	v6 =	vld.idx.msk [tilespmem:v9+s14+$0x0], $0xffff  }
0x291: {  	[tilespmem:$0x1FA90] =	vst v5;
	v5 =	vsub.f32 v1, v4;
	v1 =	vld [tilespmem:$0x1FE30];
	_ =	sdelay $0x1  }
0x292: {  	v7 =	vld.idx.msk [tilespmem:v10+s14+$0x0], $0xffff;
	_ =	sdelay $0x2  }
0x293: {  	v4 =	vmul.f32 v6, v1;
	_ =	sdelay $0x1  }
0x294: {  	v1 =	vsub.f32 v5, v4;
	v4 =	vmul.f32 v7, v63  }
0x295: {  	v5 =	vld [tilespmem:$0x1FA90]  }
0x296: {  	v8 =	vor.u32 $0x38, v2;
	v1 =	vsub.f32 v1, v4;
	v4 =	vld [tilespmem:$0x1FE80];
	_ =	sdelay $0x3  }
0x297: {  	v9 =	vor.u32 $0x36, v2  }
0x298: {  	v4 =	vmul.f32 v5, v4;
	v5 =	vld.idx.msk [tilespmem:v8+s14+$0x0], $0xffff;
	_ =	sdelay $0x3  }
0x299: {  	v6 =	vld.idx.msk [tilespmem:v9+s14+$0x0], $0xffff  }
0x29a: {  	[tilespmem:$0x1FAA0] =	vst v5;
	v5 =	vsub.f32 v1, v4;
	v1 =	vld [tilespmem:$0x1FEB0]  }
0x29b: {  	v10 =	vor.u32 $0x37, v2;
	_ =	sdelay $0x3  }
0x29c: {  	v4 =	vmul.f32 v6, v1  }
0x29d: {  	v7 =	vld.idx.msk [tilespmem:v10+s14+$0x0], $0xffff;
	v1 =	vor.u32 $0x3C, v2  }
0x29e: {  	[tilespmem:$0x1FAB0] =	vst v1;
	v1 =	vsub.f32 v5, v4;
	v4 =	vld [tilespmem:$0x1FED0];
	_ =	sdelay $0x4  }
0x29f: {  	v4 =	vmul.f32 v7, v4  }
0x2a0: {  	v5 =	vld [tilespmem:$0x1FAA0]  }
0x2a1: {  	v1 =	vsub.f32 v1, v4;
	v4 =	vld [tilespmem:$0x1FF00]  }
0x2a2: {  	v9 =	vor.u32 $0x39, v2;
	_ =	sdelay $0x3  }
0x2a3: {  	v4 =	vmul.f32 v5, v4  }
0x2a4: {  	v6 =	vld.idx.msk [tilespmem:v9+s14+$0x0], $0xffff  }
0x2a5: {  	v5 =	vsub.f32 v1, v4;
	v1 =	vld [tilespmem:$0x1FF30];
	_ =	sdelay $0x2  }
0x2a6: {  	v10 =	vor.u32 $0x3A, v2;
	_ =	sdelay $0x1  }
0x2a7: {  	v4 =	vmul.f32 v6, v1;
	v1 =	vld [tilespmem:$0x1FAB0];
	_ =	sdelay $0x2  }
0x2a8: {  	v7 =	vld.idx.msk [tilespmem:v10+s14+$0x0], $0xffff  }
0x2a9: {  	v8 =	vor.u32 $0x3B, v2;
	_ =	sdelay $0x3  }
0x2aa: {  	v6 =	vld.idx.msk [tilespmem:v1+s14+$0x0], $0xffff;
	v1 =	vsub.f32 v5, v4;
	v4 =	vmul.f32 v7, v12  }
0x2ab: {  	v9 =	vld.idx.msk [tilespmem:v8+s14+$0x0], $0xffff  }
0x2ac: {  	v1 =	vsub.f32 v1, v4;
	v4 =	vld [tilespmem:$0x1FF90];
	_ =	sdelay $0x4  }
0x2ad: {  	v4 =	vmul.f32 v9, v4;
	_ =	sdelay $0x1  }
0x2ae: {  	v1 =	vsub.f32 v1, v4;
	v4 =	vld [tilespmem:$0x1FFB0]  }
0x2af: {  	v10 =	vor.u32 $0x3D, v2;
	_ =	sdelay $0x3  }
0x2b0: {  	v4 =	vmul.f32 v6, v4  }
0x2b1: {  	v7 =	vld.idx.msk [tilespmem:v10+s14+$0x0], $0xffff  }
0x2b2: {  	v1 =	vsub.f32 v1, v4;
	v4 =	vld [tilespmem:$0x1FFD0]  }
0x2b3: {  	v8 =	vor.u32 $0x3E, v2;
	_ =	sdelay $0x2  }
0x2b4: {  	v2 =	vor.u32 $0x3F, v2  }
0x2b5: {  	v4 =	vmul.f32 v7, v4  }
0x2b6: {  	v5 =	vld.idx.msk [tilespmem:v8+s14+$0x0], $0xffff  }
0x2b7: {  	v4 =	vsub.f32 v1, v4;
	v1 =	vld [tilespmem:$0x1FFF0];
	_ =	sdelay $0x1  }
0x2b8: {  	v2 =	vld.idx.msk [tilespmem:v2+s14+$0x0], $0xffff;
	_ =	sdelay $0x2  }
0x2b9: {  	s24 =	simm.s32 $0xD0;
	v5 =	vmul.f32 v5, v1  }
0x2ba: {  	v6 =	vmov s24;
	v1 =	vmul.u32 $0x40, v11  }
0x2bb: {  	v4 =	vsub.f32 v4, v5;
	v5 =	vmul.f32 v2, v0;
	v2 =	vshll.u32 v6, $0x6  }
0x2bc: {  	v2 =	vor.u32 v1, v2  }
0x2bd: {  	v4 =	vsub.f32 v4, v5  }
0x2be: {  	vm14 =	vlt.u32 v3, $0xC8;
	v3 =	vor.u32 $0x1, v2  }
0x2bf: {  	s23 =	sadd.s32 $0x10, s23;
	v4 =	vnsel vm14, $0xC1F00000, v4  }
0x2c0: {  	v9 =	vld [tilespmem:$0x1FAE0];
	[tilespmem:s23+$0x0] =	vst v4  }
0x2c1: {  	v5 =	vld.idx.msk [tilespmem:v2+s14+$0x0], $0xffff  }
0x2c2: {  	v10 =	vld [tilespmem:$0x1FAF0]  }
0x2c3: {  	v3 =	vld.idx.msk [tilespmem:v3+s14+$0x0], $0xffff  }
0x2c4: {  	v4 =	vor.u32 $0x2, v2;
	_ =	sdelay $0x1  }
0x2c5: {  	v5 =	vmul.f32 v5, v9;
	_ =	sdelay $0x1  }
0x2c6: {  	v3 =	vmul.f32 v3, v10;
	v5 =	vadd.f32 $0.0e+00, v5  }
0x2c7: {  	v4 =	vld.idx.msk [tilespmem:v4+s14+$0x0], $0xffff  }
0x2c8: {  	v3 =	vadd.f32 v3, v5;
	v5 =	vld [tilespmem:$0x1FB00]  }
0x2c9: {  	v6 =	vor.u32 $0x3, v2;
	_ =	sdelay $0x3  }
0x2ca: {  	v4 =	vmul.f32 v4, v5  }
0x2cb: {  	v6 =	vld.idx.msk [tilespmem:v6+s14+$0x0], $0xffff  }
0x2cc: {  	v3 =	vadd.f32 v4, v3;
	v4 =	vld [tilespmem:$0x1FB10]  }
0x2cd: {  	v7 =	vor.u32 $0x4, v2;
	_ =	sdelay $0x3  }
0x2ce: {  	v4 =	vmul.f32 v6, v4  }
0x2cf: {  	v7 =	vld.idx.msk [tilespmem:v7+s14+$0x0], $0xffff  }
0x2d0: {  	v3 =	vadd.f32 v4, v3;
	v4 =	vld [tilespmem:$0x1FB20]  }
0x2d1: {  	v8 =	vor.u32 $0x5, v2;
	_ =	sdelay $0x3  }
0x2d2: {  	v4 =	vmul.f32 v7, v4  }
0x2d3: {  	v5 =	vld.idx.msk [tilespmem:v8+s14+$0x0], $0xffff  }
0x2d4: {  	v3 =	vadd.f32 v4, v3;
	v4 =	vld [tilespmem:$0x1FB30]  }
0x2d5: {  	v9 =	vor.u32 $0x6, v2;
	_ =	sdelay $0x3  }
0x2d6: {  	v4 =	vmul.f32 v5, v4  }
0x2d7: {  	v6 =	vld.idx.msk [tilespmem:v9+s14+$0x0], $0xffff  }
0x2d8: {  	v3 =	vadd.f32 v4, v3;
	v4 =	vld [tilespmem:$0x1FB40]  }
0x2d9: {  	v10 =	vor.u32 $0x7, v2;
	_ =	sdelay $0x3  }
0x2da: {  	v4 =	vmul.f32 v6, v4  }
0x2db: {  	v7 =	vld.idx.msk [tilespmem:v10+s14+$0x0], $0xffff  }
0x2dc: {  	v3 =	vadd.f32 v4, v3;
	v4 =	vld [tilespmem:$0x1FB50]  }
0x2dd: {  	v8 =	vor.u32 $0x8, v2;
	_ =	sdelay $0x3  }
0x2de: {  	v4 =	vmul.f32 v7, v4  }
0x2df: {  	v5 =	vld.idx.msk [tilespmem:v8+s14+$0x0], $0xffff  }
0x2e0: {  	v3 =	vadd.f32 v4, v3;
	v4 =	vld [tilespmem:$0x1FB60]  }
0x2e1: {  	v9 =	vor.u32 $0x9, v2;
	_ =	sdelay $0x3  }
0x2e2: {  	v4 =	vmul.f32 v5, v4  }
0x2e3: {  	v6 =	vld.idx.msk [tilespmem:v9+s14+$0x0], $0xffff  }
0x2e4: {  	v3 =	vadd.f32 v4, v3;
	v4 =	vld [tilespmem:$0x1FB70]  }
0x2e5: {  	v10 =	vor.u32 $0xA, v2;
	_ =	sdelay $0x3  }
0x2e6: {  	v4 =	vmul.f32 v6, v4  }
0x2e7: {  	v7 =	vld.idx.msk [tilespmem:v10+s14+$0x0], $0xffff  }
0x2e8: {  	v3 =	vadd.f32 v4, v3;
	v4 =	vld [tilespmem:$0x1FB80]  }
0x2e9: {  	v8 =	vor.u32 $0xB, v2;
	_ =	sdelay $0x3  }
0x2ea: {  	v4 =	vmul.f32 v7, v4  }
0x2eb: {  	v5 =	vld.idx.msk [tilespmem:v8+s14+$0x0], $0xffff  }
0x2ec: {  	v3 =	vadd.f32 v4, v3;
	v4 =	vld [tilespmem:$0x1FB90]  }
0x2ed: {  	v9 =	vor.u32 $0xC, v2;
	_ =	sdelay $0x3  }
0x2ee: {  	v4 =	vmul.f32 v5, v4  }
0x2ef: {  	v6 =	vld.idx.msk [tilespmem:v9+s14+$0x0], $0xffff  }
0x2f0: {  	v3 =	vadd.f32 v4, v3;
	v4 =	vld [tilespmem:$0x1FBA0]  }
0x2f1: {  	v10 =	vor.u32 $0xD, v2;
	_ =	sdelay $0x3  }
0x2f2: {  	v4 =	vmul.f32 v6, v4  }
0x2f3: {  	v7 =	vld.idx.msk [tilespmem:v10+s14+$0x0], $0xffff  }
0x2f4: {  	v3 =	vadd.f32 v4, v3;
	v4 =	vld [tilespmem:$0x1FBB0]  }
0x2f5: {  	v8 =	vor.u32 $0xE, v2;
	_ =	sdelay $0x3  }
0x2f6: {  	v4 =	vmul.f32 v7, v4  }
0x2f7: {  	v5 =	vld.idx.msk [tilespmem:v8+s14+$0x0], $0xffff  }
0x2f8: {  	v3 =	vadd.f32 v4, v3;
	v4 =	vld [tilespmem:$0x1FBC0]  }
0x2f9: {  	v9 =	vor.u32 $0xF, v2;
	_ =	sdelay $0x3  }
0x2fa: {  	v4 =	vmul.f32 v5, v4  }
0x2fb: {  	v6 =	vld.idx.msk [tilespmem:v9+s14+$0x0], $0xffff  }
0x2fc: {  	v3 =	vadd.f32 v4, v3;
	v4 =	vld [tilespmem:$0x1FBD0]  }
0x2fd: {  	v10 =	vor.u32 $0x10, v2;
	_ =	sdelay $0x3  }
0x2fe: {  	v4 =	vmul.f32 v6, v4  }
0x2ff: {  	v7 =	vld.idx.msk [tilespmem:v10+s14+$0x0], $0xffff  }
0x300: {  	v3 =	vadd.f32 v4, v3;
	v4 =	vld [tilespmem:$0x1FBE0]  }
0x301: {  	v8 =	vor.u32 $0x11, v2;
	_ =	sdelay $0x3  }
0x302: {  	v4 =	vmul.f32 v7, v4  }
0x303: {  	v5 =	vld.idx.msk [tilespmem:v8+s14+$0x0], $0xffff  }
0x304: {  	v3 =	vadd.f32 v4, v3;
	v4 =	vld [tilespmem:$0x1FBF0]  }
0x305: {  	v9 =	vor.u32 $0x12, v2;
	_ =	sdelay $0x3  }
0x306: {  	v4 =	vmul.f32 v5, v4  }
0x307: {  	v6 =	vld.idx.msk [tilespmem:v9+s14+$0x0], $0xffff  }
0x308: {  	v3 =	vadd.f32 v4, v3;
	v4 =	vld [tilespmem:$0x1FC00]  }
0x309: {  	v10 =	vor.u32 $0x13, v2;
	_ =	sdelay $0x3  }
0x30a: {  	v4 =	vmul.f32 v6, v4  }
0x30b: {  	v7 =	vld.idx.msk [tilespmem:v10+s14+$0x0], $0xffff  }
0x30c: {  	v3 =	vadd.f32 v4, v3;
	v4 =	vld [tilespmem:$0x1FC10]  }
0x30d: {  	v8 =	vor.u32 $0x14, v2;
	_ =	sdelay $0x3  }
0x30e: {  	v4 =	vmul.f32 v7, v4  }
0x30f: {  	v5 =	vld.idx.msk [tilespmem:v8+s14+$0x0], $0xffff  }
0x310: {  	v3 =	vadd.f32 v4, v3;
	v4 =	vld [tilespmem:$0x1FC20]  }
0x311: {  	v9 =	vor.u32 $0x15, v2;
	_ =	sdelay $0x3  }
0x312: {  	v4 =	vmul.f32 v5, v4  }
0x313: {  	v6 =	vld.idx.msk [tilespmem:v9+s14+$0x0], $0xffff  }
0x314: {  	v3 =	vadd.f32 v4, v3;
	v4 =	vld [tilespmem:$0x1FC30]  }
0x315: {  	v10 =	vor.u32 $0x16, v2;
	_ =	sdelay $0x3  }
0x316: {  	v4 =	vmul.f32 v6, v4  }
0x317: {  	v7 =	vld.idx.msk [tilespmem:v10+s14+$0x0], $0xffff  }
0x318: {  	v3 =	vadd.f32 v4, v3;
	v4 =	vld [tilespmem:$0x1FC40]  }
0x319: {  	v8 =	vor.u32 $0x17, v2;
	_ =	sdelay $0x3  }
0x31a: {  	v4 =	vmul.f32 v7, v4  }
0x31b: {  	v5 =	vld.idx.msk [tilespmem:v8+s14+$0x0], $0xffff  }
0x31c: {  	v3 =	vadd.f32 v4, v3;
	v4 =	vld [tilespmem:$0x1FC50]  }
0x31d: {  	v9 =	vor.u32 $0x18, v2;
	_ =	sdelay $0x3  }
0x31e: {  	v4 =	vmul.f32 v5, v4  }
0x31f: {  	v6 =	vld.idx.msk [tilespmem:v9+s14+$0x0], $0xffff  }
0x320: {  	v3 =	vadd.f32 v4, v3;
	v4 =	vld [tilespmem:$0x1FC60]  }
0x321: {  	v10 =	vor.u32 $0x19, v2;
	_ =	sdelay $0x3  }
0x322: {  	v4 =	vmul.f32 v6, v4  }
0x323: {  	v7 =	vld.idx.msk [tilespmem:v10+s14+$0x0], $0xffff  }
0x324: {  	v3 =	vadd.f32 v4, v3;
	v4 =	vld [tilespmem:$0x1FC70]  }
0x325: {  	v8 =	vor.u32 $0x1A, v2;
	_ =	sdelay $0x3  }
0x326: {  	v4 =	vmul.f32 v7, v4  }
0x327: {  	v5 =	vld.idx.msk [tilespmem:v8+s14+$0x0], $0xffff  }
0x328: {  	v3 =	vadd.f32 v4, v3;
	v4 =	vld [tilespmem:$0x1FC80]  }
0x329: {  	v9 =	vor.u32 $0x1B, v2;
	_ =	sdelay $0x3  }
0x32a: {  	v4 =	vmul.f32 v5, v4  }
0x32b: {  	v6 =	vld.idx.msk [tilespmem:v9+s14+$0x0], $0xffff  }
0x32c: {  	v3 =	vadd.f32 v4, v3;
	v4 =	vld [tilespmem:$0x1FC90]  }
0x32d: {  	v10 =	vor.u32 $0x1C, v2;
	_ =	sdelay $0x3  }
0x32e: {  	v4 =	vmul.f32 v6, v4  }
0x32f: {  	v7 =	vld.idx.msk [tilespmem:v10+s14+$0x0], $0xffff  }
0x330: {  	v3 =	vadd.f32 v4, v3;
	v4 =	vld [tilespmem:$0x1FCA0]  }
0x331: {  	v8 =	vor.u32 $0x1D, v2;
	_ =	sdelay $0x3  }
0x332: {  	v4 =	vmul.f32 v7, v4  }
0x333: {  	v5 =	vld.idx.msk [tilespmem:v8+s14+$0x0], $0xffff  }
0x334: {  	v3 =	vadd.f32 v4, v3;
	v4 =	vld [tilespmem:$0x1FCB0]  }
0x335: {  	v9 =	vor.u32 $0x1E, v2;
	_ =	sdelay $0x3  }
0x336: {  	v4 =	vmul.f32 v5, v4  }
0x337: {  	v6 =	vld.idx.msk [tilespmem:v9+s14+$0x0], $0xffff  }
0x338: {  	v3 =	vadd.f32 v4, v3;
	v4 =	vld [tilespmem:$0x1FCC0]  }
0x339: {  	v10 =	vor.u32 $0x1F, v2;
	_ =	sdelay $0x3  }
0x33a: {  	v4 =	vmul.f32 v6, v4  }
0x33b: {  	v7 =	vld.idx.msk [tilespmem:v10+s14+$0x0], $0xffff  }
0x33c: {  	v3 =	vadd.f32 v4, v3;
	v4 =	vld [tilespmem:$0x1FCD0]  }
0x33d: {  	v8 =	vor.u32 $0x20, v2;
	_ =	sdelay $0x3  }
0x33e: {  	v4 =	vmul.f32 v7, v4  }
0x33f: {  	v5 =	vld.idx.msk [tilespmem:v8+s14+$0x0], $0xffff  }
0x340: {  	v3 =	vadd.f32 v4, v3;
	v4 =	vld [tilespmem:$0x1FCE0]  }
0x341: {  	v9 =	vor.u32 $0x21, v2;
	_ =	sdelay $0x3  }
0x342: {  	v4 =	vmul.f32 v5, v4  }
0x343: {  	v6 =	vld.idx.msk [tilespmem:v9+s14+$0x0], $0xffff  }
0x344: {  	v3 =	vadd.f32 v4, v3;
	v4 =	vld [tilespmem:$0x1FCF0]  }
0x345: {  	v10 =	vor.u32 $0x22, v2;
	_ =	sdelay $0x3  }
0x346: {  	v4 =	vmul.f32 v6, v4  }
0x347: {  	v7 =	vld.idx.msk [tilespmem:v10+s14+$0x0], $0xffff  }
0x348: {  	v3 =	vadd.f32 v4, v3;
	v4 =	vld [tilespmem:$0x1FD00]  }
0x349: {  	v8 =	vor.u32 $0x23, v2;
	_ =	sdelay $0x3  }
0x34a: {  	v4 =	vmul.f32 v7, v4  }
0x34b: {  	v5 =	vld.idx.msk [tilespmem:v8+s14+$0x0], $0xffff  }
0x34c: {  	v3 =	vadd.f32 v4, v3;
	v4 =	vld [tilespmem:$0x1FD10]  }
0x34d: {  	v9 =	vor.u32 $0x24, v2;
	_ =	sdelay $0x3  }
0x34e: {  	v4 =	vmul.f32 v5, v4  }
0x34f: {  	v6 =	vld.idx.msk [tilespmem:v9+s14+$0x0], $0xffff  }
0x350: {  	v3 =	vadd.f32 v4, v3;
	v4 =	vld [tilespmem:$0x1FD20]  }
0x351: {  	v10 =	vor.u32 $0x25, v2;
	_ =	sdelay $0x3  }
0x352: {  	v4 =	vmul.f32 v6, v4  }
0x353: {  	v7 =	vld.idx.msk [tilespmem:v10+s14+$0x0], $0xffff  }
0x354: {  	v3 =	vadd.f32 v4, v3;
	v4 =	vld [tilespmem:$0x1FD30]  }
0x355: {  	v8 =	vor.u32 $0x26, v2;
	_ =	sdelay $0x3  }
0x356: {  	v4 =	vmul.f32 v7, v4  }
0x357: {  	v5 =	vld.idx.msk [tilespmem:v8+s14+$0x0], $0xffff  }
0x358: {  	v3 =	vadd.f32 v4, v3;
	v4 =	vld [tilespmem:$0x1FD40]  }
0x359: {  	v9 =	vor.u32 $0x27, v2;
	_ =	sdelay $0x3  }
0x35a: {  	v4 =	vmul.f32 v5, v4  }
0x35b: {  	v6 =	vld.idx.msk [tilespmem:v9+s14+$0x0], $0xffff  }
0x35c: {  	v3 =	vadd.f32 v4, v3;
	v4 =	vld [tilespmem:$0x1FD50]  }
0x35d: {  	v10 =	vor.u32 $0x28, v2;
	_ =	sdelay $0x3  }
0x35e: {  	v4 =	vmul.f32 v6, v4  }
0x35f: {  	v7 =	vld.idx.msk [tilespmem:v10+s14+$0x0], $0xffff  }
0x360: {  	v3 =	vadd.f32 v4, v3;
	v4 =	vld [tilespmem:$0x1FD60]  }
0x361: {  	v8 =	vor.u32 $0x29, v2;
	_ =	sdelay $0x3  }
0x362: {  	v4 =	vmul.f32 v7, v4  }
0x363: {  	v5 =	vld.idx.msk [tilespmem:v8+s14+$0x0], $0xffff  }
0x364: {  	v3 =	vadd.f32 v4, v3;
	v4 =	vld [tilespmem:$0x1FD70]  }
0x365: {  	v9 =	vor.u32 $0x2A, v2;
	_ =	sdelay $0x3  }
0x366: {  	v4 =	vmul.f32 v5, v4  }
0x367: {  	v6 =	vld.idx.msk [tilespmem:v9+s14+$0x0], $0xffff  }
0x368: {  	v3 =	vadd.f32 v4, v3;
	v4 =	vld [tilespmem:$0x1FD80]  }
0x369: {  	v10 =	vor.u32 $0x2B, v2;
	_ =	sdelay $0x3  }
0x36a: {  	v4 =	vmul.f32 v6, v4  }
0x36b: {  	v7 =	vld.idx.msk [tilespmem:v10+s14+$0x0], $0xffff  }
0x36c: {  	v3 =	vadd.f32 v4, v3;
	v4 =	vld [tilespmem:$0x1FD90]  }
0x36d: {  	v8 =	vor.u32 $0x2C, v2;
	_ =	sdelay $0x3  }
0x36e: {  	v4 =	vmul.f32 v7, v4  }
0x36f: {  	v5 =	vld.idx.msk [tilespmem:v8+s14+$0x0], $0xffff  }
0x370: {  	v3 =	vadd.f32 v4, v3;
	v4 =	vld [tilespmem:$0x1FDA0]  }
0x371: {  	v9 =	vor.u32 $0x2D, v2;
	_ =	sdelay $0x3  }
0x372: {  	v4 =	vmul.f32 v5, v4  }
0x373: {  	v6 =	vld.idx.msk [tilespmem:v9+s14+$0x0], $0xffff  }
0x374: {  	v3 =	vadd.f32 v4, v3;
	v4 =	vld [tilespmem:$0x1FDB0]  }
0x375: {  	v10 =	vor.u32 $0x2E, v2;
	_ =	sdelay $0x3  }
0x376: {  	v4 =	vmul.f32 v6, v4  }
0x377: {  	v7 =	vld.idx.msk [tilespmem:v10+s14+$0x0], $0xffff  }
0x378: {  	v3 =	vadd.f32 v4, v3;
	v4 =	vld [tilespmem:$0x1FDC0]  }
0x379: {  	v8 =	vor.u32 $0x2F, v2;
	_ =	sdelay $0x3  }
0x37a: {  	v4 =	vmul.f32 v7, v4  }
0x37b: {  	v5 =	vld.idx.msk [tilespmem:v8+s14+$0x0], $0xffff  }
0x37c: {  	v3 =	vadd.f32 v4, v3;
	v4 =	vld [tilespmem:$0x1FDD0]  }
0x37d: {  	v9 =	vor.u32 $0x30, v2;
	_ =	sdelay $0x3  }
0x37e: {  	v4 =	vmul.f32 v5, v4  }
0x37f: {  	v6 =	vld.idx.msk [tilespmem:v9+s14+$0x0], $0xffff  }
0x380: {  	v3 =	vadd.f32 v4, v3;
	v4 =	vld [tilespmem:$0x1FDE0]  }
0x381: {  	v10 =	vor.u32 $0x31, v2;
	_ =	sdelay $0x3  }
0x382: {  	v4 =	vmul.f32 v6, v4  }
0x383: {  	v7 =	vld.idx.msk [tilespmem:v10+s14+$0x0], $0xffff  }
0x384: {  	v3 =	vadd.f32 v4, v3;
	v4 =	vld [tilespmem:$0x1FDF0]  }
0x385: {  	v8 =	vor.u32 $0x32, v2;
	_ =	sdelay $0x3  }
0x386: {  	v4 =	vmul.f32 v7, v4  }
0x387: {  	v5 =	vld.idx.msk [tilespmem:v8+s14+$0x0], $0xffff  }
0x388: {  	v3 =	vadd.f32 v4, v3;
	v4 =	vld [tilespmem:$0x1FE10]  }
0x389: {  	v9 =	vor.u32 $0x33, v2;
	_ =	sdelay $0x3  }
0x38a: {  	v4 =	vmul.f32 v5, v4  }
0x38b: {  	v6 =	vld.idx.msk [tilespmem:v9+s14+$0x0], $0xffff  }
0x38c: {  	v3 =	vadd.f32 v4, v3;
	v4 =	vld [tilespmem:$0x1FE30]  }
0x38d: {  	v10 =	vor.u32 $0x34, v2;
	_ =	sdelay $0x3  }
0x38e: {  	v4 =	vmul.f32 v6, v4  }
0x38f: {  	v7 =	vld.idx.msk [tilespmem:v10+s14+$0x0], $0xffff  }
0x390: {  	v3 =	vadd.f32 v4, v3;
	v4 =	vld [tilespmem:$0x1FE50]  }
0x391: {  	v8 =	vor.u32 $0x35, v2;
	_ =	sdelay $0x3  }
0x392: {  	v4 =	vmul.f32 v7, v4  }
0x393: {  	v5 =	vld.idx.msk [tilespmem:v8+s14+$0x0], $0xffff  }
0x394: {  	v3 =	vadd.f32 v4, v3;
	v4 =	vld [tilespmem:$0x1FE80]  }
0x395: {  	v9 =	vor.u32 $0x36, v2;
	_ =	sdelay $0x3  }
0x396: {  	v4 =	vmul.f32 v5, v4  }
0x397: {  	v6 =	vld.idx.msk [tilespmem:v9+s14+$0x0], $0xffff  }
0x398: {  	v3 =	vadd.f32 v4, v3;
	v4 =	vld [tilespmem:$0x1FEB0]  }
0x399: {  	v10 =	vor.u32 $0x37, v2;
	_ =	sdelay $0x3  }
0x39a: {  	v4 =	vmul.f32 v6, v4  }
0x39b: {  	v7 =	vld.idx.msk [tilespmem:v10+s14+$0x0], $0xffff  }
0x39c: {  	v3 =	vadd.f32 v4, v3;
	v4 =	vld [tilespmem:$0x1FED0]  }
0x39d: {  	v8 =	vor.u32 $0x38, v2;
	_ =	sdelay $0x3  }
0x39e: {  	v4 =	vmul.f32 v7, v4  }
0x39f: {  	v5 =	vld.idx.msk [tilespmem:v8+s14+$0x0], $0xffff  }
0x3a0: {  	v3 =	vadd.f32 v4, v3;
	v4 =	vld [tilespmem:$0x1FF00]  }
0x3a1: {  	v9 =	vor.u32 $0x39, v2;
	_ =	sdelay $0x3  }
0x3a2: {  	v4 =	vmul.f32 v5, v4  }
0x3a3: {  	v6 =	vld.idx.msk [tilespmem:v9+s14+$0x0], $0xffff  }
0x3a4: {  	v3 =	vadd.f32 v4, v3;
	v4 =	vld [tilespmem:$0x1FF30]  }
0x3a5: {  	v10 =	vor.u32 $0x3A, v2;
	_ =	sdelay $0x3  }
0x3a6: {  	v4 =	vmul.f32 v6, v4  }
0x3a7: {  	v7 =	vld.idx.msk [tilespmem:v10+s14+$0x0], $0xffff  }
0x3a8: {  	v3 =	vadd.f32 v4, v3;
	v4 =	vld [tilespmem:$0x1FF60]  }
0x3a9: {  	v8 =	vor.u32 $0x3B, v2;
	_ =	sdelay $0x3  }
0x3aa: {  	v4 =	vmul.f32 v7, v4  }
0x3ab: {  	v5 =	vld.idx.msk [tilespmem:v8+s14+$0x0], $0xffff  }
0x3ac: {  	v3 =	vadd.f32 v4, v3;
	v4 =	vld [tilespmem:$0x1FF90]  }
0x3ad: {  	v9 =	vor.u32 $0x3C, v2;
	_ =	sdelay $0x3  }
0x3ae: {  	v4 =	vmul.f32 v5, v4  }
0x3af: {  	v6 =	vld.idx.msk [tilespmem:v9+s14+$0x0], $0xffff  }
0x3b0: {  	v3 =	vadd.f32 v4, v3;
	v4 =	vld [tilespmem:$0x1FFB0]  }
0x3b1: {  	v10 =	vor.u32 $0x3D, v2;
	_ =	sdelay $0x3  }
0x3b2: {  	v4 =	vmul.f32 v6, v4  }
0x3b3: {  	v7 =	vld.idx.msk [tilespmem:v10+s14+$0x0], $0xffff  }
0x3b4: {  	v3 =	vadd.f32 v4, v3;
	v4 =	vld [tilespmem:$0x1FFD0]  }
0x3b5: {  	v8 =	vor.u32 $0x3E, v2;
	_ =	sdelay $0x3  }
0x3b6: {  	v4 =	vmul.f32 v7, v4  }
0x3b7: {  	v5 =	vld.idx.msk [tilespmem:v8+s14+$0x0], $0xffff  }
0x3b8: {  	v3 =	vadd.f32 v4, v3;
	v4 =	vld [tilespmem:$0x1FFF0]  }
0x3b9: {  	v2 =	vor.u32 $0x3F, v2;
	_ =	sdelay $0x3  }
0x3ba: {  	v4 =	vmul.f32 v5, v4  }
0x3bb: {  	[tilespmem:$0x1FAC0] =	vst v0;
	v2 =	vld.idx.msk [tilespmem:v2+s14+$0x0], $0xffff  }
0x3bc: {  	v4 =	vadd.f32 v4, v3;
	v3 =	vld [tilespmem:$0x1FAC0];
	_ =	sdelay $0x2  }
0x3bd: {  	s24 =	simm.s32 $0xE0  }
0x3be: {  	v5 =	vmov s24  }
0x3bf: {  	v6 =	vmul.u32 $0xFFFFFFFF, v11;
	v5 =	vshll.u32 v5, $0x6;
	v2 =	vmul.f32 v2, v3  }
0x3c0: {  	v3 =	vor.u32 v1, v5  }
0x3c1: {  	v4 =	vadd.f32 v2, v4;
	v2 =	vadd.s32 $0x3E8, v6;
	v6 =	vor.u32 $0x1, v3  }
0x3c2: {  	v5 =	vmov s22  }
0x3c3: {  	vm15 =	vlt.u32 v5, v2  }
0x3c4: {  	s22 =	simm.s32 $0x135D0;
	v4 =	vnsel vm15, $0xC1F00000, v4  }
0x3c5: {  	v11 =	vld [tilespmem:$0x1FAF0];
	v5 =	vor.u32 $0x2, v3;
	[tilespmem:s22+$0x0] =	vst v4  }
0x3c6: {  	v6 =	vld.idx.msk [tilespmem:v6+s14+$0x0], $0xffff;
	_ =	sdelay $0x3  }
0x3c7: {  	v7 =	vor.u32 $0x3, v3;
	v5 =	vld.idx.msk [tilespmem:v5+s14+$0x0], $0xffff  }
0x3c8: {  	v6 =	vmul.f32 v6, v11;
	v11 =	vld [tilespmem:$0x1FB00];
	_ =	sdelay $0x3  }
0x3c9: {  	v8 =	vor.u32 $0x4, v3;
	v7 =	vld.idx.msk [tilespmem:v7+s14+$0x0], $0xffff  }
0x3ca: {  	v5 =	vmul.f32 v5, v11;
	v11 =	vld [tilespmem:$0x1FB10];
	_ =	sdelay $0x1  }
0x3cb: {  	v10 =	vld [tilespmem:$0x1FAE0]  }
0x3cc: {  	v4 =	vld.idx.msk [tilespmem:v3+s14+$0x0], $0xffff  }
0x3cd: {  	v9 =	vor.u32 $0x5, v3;
	v8 =	vld.idx.msk [tilespmem:v8+s14+$0x0], $0xffff  }
0x3ce: {  	v7 =	vmul.f32 v7, v11;
	v11 =	vld [tilespmem:$0x1FB20];
	_ =	sdelay $0x3  }
0x3cf: {  	v9 =	vld.idx.msk [tilespmem:v9+s14+$0x0], $0xffff;
	v4 =	vmul.f32 v4, v10;
	v10 =	vor.u32 $0x6, v3  }
0x3d0: {  	v8 =	vmul.f32 v8, v11;
	v11 =	vld [tilespmem:$0x1FB30];
	_ =	sdelay $0x1  }
0x3d1: {  	v4 =	vadd.f32 $0.0e+00, v4;
	_ =	sdelay $0x1  }
0x3d2: {  	v4 =	vadd.f32 v6, v4;
	v6 =	vor.u32 $0x7, v3;
	v10 =	vld.idx.msk [tilespmem:v10+s14+$0x0], $0xffff  }
0x3d3: {  	v9 =	vmul.f32 v9, v11;
	v11 =	vld [tilespmem:$0x1FB40];
	_ =	sdelay $0x3  }
0x3d4: {  	v4 =	vadd.f32 v5, v4;
	v5 =	vor.u32 $0x8, v3;
	v6 =	vld.idx.msk [tilespmem:v6+s14+$0x0], $0xffff  }
0x3d5: {  	v10 =	vmul.f32 v10, v11;
	v11 =	vld [tilespmem:$0x1FB50];
	_ =	sdelay $0x3  }
0x3d6: {  	v4 =	vadd.f32 v7, v4;
	v7 =	vor.u32 $0x9, v3;
	v5 =	vld.idx.msk [tilespmem:v5+s14+$0x0], $0xffff  }
0x3d7: {  	v6 =	vmul.f32 v6, v11;
	v11 =	vld [tilespmem:$0x1FB60];
	_ =	sdelay $0x3  }
0x3d8: {  	v4 =	vadd.f32 v8, v4;
	v8 =	vor.u32 $0xA, v3;
	v7 =	vld.idx.msk [tilespmem:v7+s14+$0x0], $0xffff  }
0x3d9: {  	v5 =	vmul.f32 v5, v11;
	v11 =	vld [tilespmem:$0x1FB70];
	_ =	sdelay $0x3  }
0x3da: {  	v4 =	vadd.f32 v9, v4;
	v9 =	vor.u32 $0xB, v3;
	v8 =	vld.idx.msk [tilespmem:v8+s14+$0x0], $0xffff  }
0x3db: {  	v7 =	vmul.f32 v7, v11;
	v11 =	vld [tilespmem:$0x1FB80];
	_ =	sdelay $0x3  }
0x3dc: {  	v4 =	vadd.f32 v10, v4;
	v10 =	vor.u32 $0xC, v3;
	v9 =	vld.idx.msk [tilespmem:v9+s14+$0x0], $0xffff  }
0x3dd: {  	v8 =	vmul.f32 v8, v11;
	v11 =	vld [tilespmem:$0x1FB90];
	_ =	sdelay $0x3  }
0x3de: {  	v4 =	vadd.f32 v6, v4;
	v6 =	vor.u32 $0xD, v3;
	v10 =	vld.idx.msk [tilespmem:v10+s14+$0x0], $0xffff  }
0x3df: {  	v9 =	vmul.f32 v9, v11;
	v11 =	vld [tilespmem:$0x1FBA0];
	_ =	sdelay $0x3  }
0x3e0: {  	v4 =	vadd.f32 v5, v4;
	v5 =	vor.u32 $0xE, v3;
	v6 =	vld.idx.msk [tilespmem:v6+s14+$0x0], $0xffff  }
0x3e1: {  	v10 =	vmul.f32 v10, v11;
	v11 =	vld [tilespmem:$0x1FBB0];
	_ =	sdelay $0x3  }
0x3e2: {  	v4 =	vadd.f32 v7, v4;
	v7 =	vor.u32 $0xF, v3;
	v5 =	vld.idx.msk [tilespmem:v5+s14+$0x0], $0xffff  }
0x3e3: {  	v6 =	vmul.f32 v6, v11;
	v11 =	vld [tilespmem:$0x1FBC0];
	_ =	sdelay $0x3  }
0x3e4: {  	v4 =	vadd.f32 v8, v4;
	v8 =	vor.u32 $0x10, v3;
	v7 =	vld.idx.msk [tilespmem:v7+s14+$0x0], $0xffff  }
0x3e5: {  	v5 =	vmul.f32 v5, v11;
	v11 =	vld [tilespmem:$0x1FBD0];
	_ =	sdelay $0x3  }
0x3e6: {  	v4 =	vadd.f32 v9, v4;
	v9 =	vor.u32 $0x11, v3;
	v8 =	vld.idx.msk [tilespmem:v8+s14+$0x0], $0xffff  }
0x3e7: {  	v7 =	vmul.f32 v7, v11;
	v11 =	vld [tilespmem:$0x1FBE0];
	_ =	sdelay $0x3  }
0x3e8: {  	v4 =	vadd.f32 v10, v4;
	v10 =	vor.u32 $0x12, v3;
	v9 =	vld.idx.msk [tilespmem:v9+s14+$0x0], $0xffff  }
0x3e9: {  	v8 =	vmul.f32 v8, v11;
	v11 =	vld [tilespmem:$0x1FBF0];
	_ =	sdelay $0x3  }
0x3ea: {  	v4 =	vadd.f32 v6, v4;
	v6 =	vor.u32 $0x13, v3;
	v10 =	vld.idx.msk [tilespmem:v10+s14+$0x0], $0xffff  }
0x3eb: {  	v9 =	vmul.f32 v9, v11;
	v11 =	vld [tilespmem:$0x1FC00];
	_ =	sdelay $0x3  }
0x3ec: {  	v4 =	vadd.f32 v5, v4;
	v5 =	vor.u32 $0x14, v3;
	v6 =	vld.idx.msk [tilespmem:v6+s14+$0x0], $0xffff  }
0x3ed: {  	v10 =	vmul.f32 v10, v11;
	v11 =	vld [tilespmem:$0x1FC10];
	_ =	sdelay $0x3  }
0x3ee: {  	v4 =	vadd.f32 v7, v4;
	v7 =	vor.u32 $0x15, v3;
	v5 =	vld.idx.msk [tilespmem:v5+s14+$0x0], $0xffff  }
0x3ef: {  	v6 =	vmul.f32 v6, v11;
	v11 =	vld [tilespmem:$0x1FC20];
	_ =	sdelay $0x3  }
0x3f0: {  	v4 =	vadd.f32 v8, v4;
	v8 =	vor.u32 $0x16, v3;
	v7 =	vld.idx.msk [tilespmem:v7+s14+$0x0], $0xffff  }
0x3f1: {  	v5 =	vmul.f32 v5, v11;
	v11 =	vld [tilespmem:$0x1FC30];
	_ =	sdelay $0x3  }
0x3f2: {  	v4 =	vadd.f32 v9, v4;
	v9 =	vor.u32 $0x17, v3;
	v8 =	vld.idx.msk [tilespmem:v8+s14+$0x0], $0xffff  }
0x3f3: {  	v7 =	vmul.f32 v7, v11;
	v11 =	vld [tilespmem:$0x1FC40];
	_ =	sdelay $0x3  }
0x3f4: {  	v4 =	vadd.f32 v10, v4;
	v10 =	vor.u32 $0x18, v3;
	v9 =	vld.idx.msk [tilespmem:v9+s14+$0x0], $0xffff  }
0x3f5: {  	v8 =	vmul.f32 v8, v11;
	v11 =	vld [tilespmem:$0x1FC50];
	_ =	sdelay $0x3  }
0x3f6: {  	v4 =	vadd.f32 v6, v4;
	v6 =	vor.u32 $0x19, v3;
	v10 =	vld.idx.msk [tilespmem:v10+s14+$0x0], $0xffff  }
0x3f7: {  	v9 =	vmul.f32 v9, v11;
	v11 =	vld [tilespmem:$0x1FC60];
	_ =	sdelay $0x3  }
0x3f8: {  	v4 =	vadd.f32 v5, v4;
	v5 =	vor.u32 $0x1A, v3;
	v6 =	vld.idx.msk [tilespmem:v6+s14+$0x0], $0xffff  }
0x3f9: {  	v10 =	vmul.f32 v10, v11;
	v11 =	vld [tilespmem:$0x1FC70];
	_ =	sdelay $0x3  }
0x3fa: {  	v4 =	vadd.f32 v7, v4;
	v7 =	vor.u32 $0x1B, v3;
	v5 =	vld.idx.msk [tilespmem:v5+s14+$0x0], $0xffff  }
0x3fb: {  	v6 =	vmul.f32 v6, v11;
	v11 =	vld [tilespmem:$0x1FC80];
	_ =	sdelay $0x3  }
0x3fc: {  	v4 =	vadd.f32 v8, v4;
	v8 =	vor.u32 $0x1C, v3;
	v7 =	vld.idx.msk [tilespmem:v7+s14+$0x0], $0xffff  }
0x3fd: {  	v5 =	vmul.f32 v5, v11;
	v11 =	vld [tilespmem:$0x1FC90];
	_ =	sdelay $0x3  }
0x3fe: {  	v4 =	vadd.f32 v9, v4;
	v9 =	vor.u32 $0x1D, v3;
	v8 =	vld.idx.msk [tilespmem:v8+s14+$0x0], $0xffff  }
0x3ff: {  	v7 =	vmul.f32 v7, v11;
	v11 =	vld [tilespmem:$0x1FCA0];
	_ =	sdelay $0x3  }
0x400: {  	v4 =	vadd.f32 v10, v4;
	v10 =	vor.u32 $0x1E, v3;
	v9 =	vld.idx.msk [tilespmem:v9+s14+$0x0], $0xffff  }
0x401: {  	v8 =	vmul.f32 v8, v11;
	v11 =	vld [tilespmem:$0x1FCB0];
	_ =	sdelay $0x3  }
0x402: {  	v4 =	vadd.f32 v6, v4;
	v6 =	vor.u32 $0x1F, v3;
	v10 =	vld.idx.msk [tilespmem:v10+s14+$0x0], $0xffff  }
0x403: {  	v9 =	vmul.f32 v9, v11;
	v11 =	vld [tilespmem:$0x1FCC0];
	_ =	sdelay $0x3  }
0x404: {  	v4 =	vadd.f32 v5, v4;
	v5 =	vor.u32 $0x20, v3;
	v6 =	vld.idx.msk [tilespmem:v6+s14+$0x0], $0xffff  }
0x405: {  	v10 =	vmul.f32 v10, v11;
	v11 =	vld [tilespmem:$0x1FCD0];
	_ =	sdelay $0x3  }
0x406: {  	v4 =	vadd.f32 v7, v4;
	v7 =	vor.u32 $0x21, v3;
	v5 =	vld.idx.msk [tilespmem:v5+s14+$0x0], $0xffff  }
0x407: {  	v6 =	vmul.f32 v6, v11;
	v11 =	vld [tilespmem:$0x1FCE0];
	_ =	sdelay $0x3  }
0x408: {  	v4 =	vadd.f32 v8, v4;
	v8 =	vor.u32 $0x22, v3;
	v7 =	vld.idx.msk [tilespmem:v7+s14+$0x0], $0xffff  }
0x409: {  	v5 =	vmul.f32 v5, v11;
	v11 =	vld [tilespmem:$0x1FCF0];
	_ =	sdelay $0x3  }
0x40a: {  	v4 =	vadd.f32 v9, v4;
	v9 =	vor.u32 $0x23, v3;
	v8 =	vld.idx.msk [tilespmem:v8+s14+$0x0], $0xffff  }
0x40b: {  	v7 =	vmul.f32 v7, v11;
	v11 =	vld [tilespmem:$0x1FD00];
	_ =	sdelay $0x3  }
0x40c: {  	v4 =	vadd.f32 v10, v4;
	v10 =	vor.u32 $0x24, v3;
	v9 =	vld.idx.msk [tilespmem:v9+s14+$0x0], $0xffff  }
0x40d: {  	v8 =	vmul.f32 v8, v11;
	v11 =	vld [tilespmem:$0x1FD10];
	_ =	sdelay $0x3  }
0x40e: {  	v4 =	vadd.f32 v6, v4;
	v6 =	vor.u32 $0x25, v3;
	v10 =	vld.idx.msk [tilespmem:v10+s14+$0x0], $0xffff  }
0x40f: {  	v9 =	vmul.f32 v9, v11;
	v11 =	vld [tilespmem:$0x1FD20];
	_ =	sdelay $0x3  }
0x410: {  	v4 =	vadd.f32 v5, v4;
	v5 =	vor.u32 $0x26, v3;
	v6 =	vld.idx.msk [tilespmem:v6+s14+$0x0], $0xffff  }
0x411: {  	v10 =	vmul.f32 v10, v11;
	v11 =	vld [tilespmem:$0x1FD30];
	_ =	sdelay $0x3  }
0x412: {  	v4 =	vadd.f32 v7, v4;
	v7 =	vor.u32 $0x27, v3;
	v5 =	vld.idx.msk [tilespmem:v5+s14+$0x0], $0xffff  }
0x413: {  	v6 =	vmul.f32 v6, v11;
	v11 =	vld [tilespmem:$0x1FD40];
	_ =	sdelay $0x3  }
0x414: {  	v4 =	vadd.f32 v8, v4;
	v8 =	vor.u32 $0x28, v3;
	v7 =	vld.idx.msk [tilespmem:v7+s14+$0x0], $0xffff  }
0x415: {  	v5 =	vmul.f32 v5, v11;
	v11 =	vld [tilespmem:$0x1FD50];
	_ =	sdelay $0x3  }
0x416: {  	v4 =	vadd.f32 v9, v4;
	v9 =	vor.u32 $0x29, v3;
	v8 =	vld.idx.msk [tilespmem:v8+s14+$0x0], $0xffff  }
0x417: {  	v7 =	vmul.f32 v7, v11;
	v11 =	vld [tilespmem:$0x1FD60];
	_ =	sdelay $0x3  }
0x418: {  	v4 =	vadd.f32 v10, v4;
	v10 =	vor.u32 $0x2A, v3;
	v9 =	vld.idx.msk [tilespmem:v9+s14+$0x0], $0xffff  }
0x419: {  	v8 =	vmul.f32 v8, v11;
	v11 =	vld [tilespmem:$0x1FD70];
	_ =	sdelay $0x3  }
0x41a: {  	v4 =	vadd.f32 v6, v4;
	v6 =	vor.u32 $0x2B, v3;
	v10 =	vld.idx.msk [tilespmem:v10+s14+$0x0], $0xffff  }
0x41b: {  	v9 =	vmul.f32 v9, v11;
	v11 =	vld [tilespmem:$0x1FD80];
	_ =	sdelay $0x3  }
0x41c: {  	v4 =	vadd.f32 v5, v4;
	v5 =	vor.u32 $0x2C, v3;
	v6 =	vld.idx.msk [tilespmem:v6+s14+$0x0], $0xffff  }
0x41d: {  	v10 =	vmul.f32 v10, v11;
	v11 =	vld [tilespmem:$0x1FD90];
	_ =	sdelay $0x3  }
0x41e: {  	v4 =	vadd.f32 v7, v4;
	v7 =	vor.u32 $0x2D, v3;
	v5 =	vld.idx.msk [tilespmem:v5+s14+$0x0], $0xffff  }
0x41f: {  	v6 =	vmul.f32 v6, v11;
	v11 =	vld [tilespmem:$0x1FDA0];
	_ =	sdelay $0x3  }
0x420: {  	v4 =	vadd.f32 v8, v4;
	v8 =	vor.u32 $0x2E, v3;
	v7 =	vld.idx.msk [tilespmem:v7+s14+$0x0], $0xffff  }
0x421: {  	v5 =	vmul.f32 v5, v11;
	v11 =	vld [tilespmem:$0x1FDB0];
	_ =	sdelay $0x3  }
0x422: {  	v4 =	vadd.f32 v9, v4;
	v9 =	vor.u32 $0x2F, v3;
	v8 =	vld.idx.msk [tilespmem:v8+s14+$0x0], $0xffff  }
0x423: {  	v7 =	vmul.f32 v7, v11;
	v11 =	vld [tilespmem:$0x1FDC0];
	_ =	sdelay $0x3  }
0x424: {  	v4 =	vadd.f32 v10, v4;
	v10 =	vor.u32 $0x30, v3;
	v9 =	vld.idx.msk [tilespmem:v9+s14+$0x0], $0xffff  }
0x425: {  	v8 =	vmul.f32 v8, v11;
	v11 =	vld [tilespmem:$0x1FDD0];
	_ =	sdelay $0x3  }
0x426: {  	v4 =	vadd.f32 v6, v4;
	v6 =	vor.u32 $0x31, v3;
	v10 =	vld.idx.msk [tilespmem:v10+s14+$0x0], $0xffff  }
0x427: {  	v9 =	vmul.f32 v9, v11;
	v11 =	vld [tilespmem:$0x1FDE0];
	_ =	sdelay $0x3  }
0x428: {  	v4 =	vadd.f32 v5, v4;
	v5 =	vor.u32 $0x32, v3;
	v6 =	vld.idx.msk [tilespmem:v6+s14+$0x0], $0xffff  }
0x429: {  	v10 =	vmul.f32 v10, v11;
	v11 =	vld [tilespmem:$0x1FDF0];
	_ =	sdelay $0x3  }
0x42a: {  	v4 =	vadd.f32 v7, v4;
	v7 =	vor.u32 $0x33, v3;
	v5 =	vld.idx.msk [tilespmem:v5+s14+$0x0], $0xffff  }
0x42b: {  	v6 =	vmul.f32 v6, v11;
	v11 =	vld [tilespmem:$0x1FE10];
	_ =	sdelay $0x3  }
0x42c: {  	v4 =	vadd.f32 v8, v4;
	v8 =	vor.u32 $0x34, v3;
	v7 =	vld.idx.msk [tilespmem:v7+s14+$0x0], $0xffff  }
0x42d: {  	v5 =	vmul.f32 v5, v11;
	v11 =	vld [tilespmem:$0x1FE30];
	_ =	sdelay $0x3  }
0x42e: {  	v4 =	vadd.f32 v9, v4;
	v9 =	vor.u32 $0x35, v3;
	v8 =	vld.idx.msk [tilespmem:v8+s14+$0x0], $0xffff  }
0x42f: {  	v7 =	vmul.f32 v7, v11;
	v11 =	vld [tilespmem:$0x1FE50];
	_ =	sdelay $0x3  }
0x430: {  	v4 =	vadd.f32 v10, v4;
	v10 =	vor.u32 $0x36, v3;
	v9 =	vld.idx.msk [tilespmem:v9+s14+$0x0], $0xffff  }
0x431: {  	v8 =	vmul.f32 v8, v11;
	v11 =	vld [tilespmem:$0x1FE80];
	_ =	sdelay $0x3  }
0x432: {  	v4 =	vadd.f32 v6, v4;
	v6 =	vor.u32 $0x37, v3;
	v10 =	vld.idx.msk [tilespmem:v10+s14+$0x0], $0xffff  }
0x433: {  	v9 =	vmul.f32 v9, v11;
	v11 =	vld [tilespmem:$0x1FEB0];
	_ =	sdelay $0x3  }
0x434: {  	v4 =	vadd.f32 v5, v4;
	v5 =	vor.u32 $0x38, v3;
	v6 =	vld.idx.msk [tilespmem:v6+s14+$0x0], $0xffff  }
0x435: {  	v10 =	vmul.f32 v10, v11;
	v11 =	vld [tilespmem:$0x1FED0];
	_ =	sdelay $0x3  }
0x436: {  	v4 =	vadd.f32 v7, v4;
	v7 =	vor.u32 $0x39, v3;
	v5 =	vld.idx.msk [tilespmem:v5+s14+$0x0], $0xffff  }
0x437: {  	v6 =	vmul.f32 v6, v11;
	v11 =	vld [tilespmem:$0x1FF00];
	_ =	sdelay $0x1  }
0x438: {  	v4 =	vadd.f32 v8, v4;
	_ =	sdelay $0x1  }
0x439: {  	v7 =	vld.idx.msk [tilespmem:v7+s14+$0x0], $0xffff;
	v4 =	vadd.f32 v9, v4  }
0x43a: {  	v5 =	vmul.f32 v5, v11;
	v11 =	vld [tilespmem:$0x1FF30]  }
0x43b: {  	v8 =	vor.u32 $0x3A, v3;
	v4 =	vadd.f32 v10, v4;
	_ =	sdelay $0x1  }
0x43c: {  	v4 =	vadd.f32 v6, v4;
	_ =	sdelay $0x1  }
0x43d: {  	v4 =	vadd.f32 v5, v4;
	v7 =	vmul.f32 v7, v11  }
0x43e: {  	v8 =	vld.idx.msk [tilespmem:v8+s14+$0x0], $0xffff  }
0x43f: {  	v4 =	vadd.f32 v7, v4;
	v7 =	vld [tilespmem:$0x1FF60]  }
0x440: {  	v9 =	vor.u32 $0x3B, v3;
	_ =	sdelay $0x3  }
0x441: {  	v7 =	vmul.f32 v8, v7  }
0x442: {  	v9 =	vld.idx.msk [tilespmem:v9+s14+$0x0], $0xffff  }
0x443: {  	v4 =	vadd.f32 v7, v4;
	v7 =	vld [tilespmem:$0x1FF90]  }
0x444: {  	v10 =	vor.u32 $0x3C, v3;
	_ =	sdelay $0x3  }
0x445: {  	v7 =	vmul.f32 v9, v7  }
0x446: {  	v10 =	vld.idx.msk [tilespmem:v10+s14+$0x0], $0xffff  }
0x447: {  	v4 =	vadd.f32 v7, v4;
	v7 =	vld [tilespmem:$0x1FFB0]  }
0x448: {  	v6 =	vor.u32 $0x3D, v3;
	_ =	sdelay $0x3  }
0x449: {  	v7 =	vmul.f32 v10, v7  }
0x44a: {  	v6 =	vld.idx.msk [tilespmem:v6+s14+$0x0], $0xffff  }
0x44b: {  	v4 =	vadd.f32 v7, v4;
	v7 =	vld [tilespmem:$0x1FFD0]  }
0x44c: {  	v5 =	vor.u32 $0x3E, v3;
	_ =	sdelay $0x3  }
0x44d: {  	v6 =	vmul.f32 v6, v7  }
0x44e: {  	v5 =	vld.idx.msk [tilespmem:v5+s14+$0x0], $0xffff  }
0x44f: {  	v3 =	vor.u32 $0x3F, v3;
	v4 =	vadd.f32 v6, v4;
	v6 =	vld [tilespmem:$0x1FFF0];
	_ =	sdelay $0x4  }
0x450: {  	s23 =	simm.s32 $0x30;
	s24 =	simm.s32 $0xF0;
	v3 =	vld.idx.msk [tilespmem:v3+s14+$0x0], $0xffff;
	v5 =	vmul.f32 v5, v6  }
.LBB2_5:
0x451: {  	_ =	sdelay $0x2  }
0x452: {  	v6 =	vmov s24  }
0x453: {  	v6 =	vshll.u32 v6, $0x6;
	v4 =	vadd.f32 v5, v4;
	v5 =	vmul.f32 v3, v0  }
0x454: {  	v3 =	vor.u32 v1, v6  }
0x455: {  	v4 =	vadd.f32 v5, v4;
	v5 =	vmov s20  }
0x456: {  	v6 =	vor.u32 $0x1, v3;
	vm0 =	vlt.u32 v5, v2  }
0x457: {  	s22 =	sadd.s32 $0x10, s22;
	v4 =	vnsel vm0, $0xC1F00000, v4  }
0x458: {  	[tilespmem:s22+$0x0] =	vst v4  }
0x459: {  	v4 =	vld.idx.msk [tilespmem:v3+s14+$0x0], $0xffff;
	_ =	sdelay $0x1  }
0x45a: {  	v6 =	vld.idx.msk [tilespmem:v6+s14+$0x0], $0xffff  }
0x45b: {  	v5 =	vor.u32 $0x2, v3;
	_ =	sdelay $0x1  }
0x45c: {  	v4 =	vmul.f32 v4, v14  }
0x45d: {  	v7 =	vor.u32 $0x3, v3  }
0x45e: {  	v6 =	vmul.f32 v6, v15;
	v4 =	vadd.f32 $0.0e+00, v4  }
0x45f: {  	v8 =	vor.u32 $0x4, v3;
	v5 =	vld.idx.msk [tilespmem:v5+s14+$0x0], $0xffff  }
0x460: {  	v4 =	vadd.f32 v6, v4;
	v6 =	vld [tilespmem:$0x1FB00]  }
0x461: {  	v9 =	vor.u32 $0x5, v3  }
0x462: {  	v7 =	vld.idx.msk [tilespmem:v7+s14+$0x0], $0xffff  }
0x463: {  	v10 =	vor.u32 $0x6, v3  }
0x464: {  	v8 =	vld.idx.msk [tilespmem:v8+s14+$0x0], $0xffff  }
0x465: {  	v11 =	vor.u32 $0x7, v3;
	v5 =	vmul.f32 v5, v6  }
0x466: {  	v6 =	vld.idx.msk [tilespmem:v9+s14+$0x0], $0xffff  }
0x467: {  	v9 =	vor.u32 $0x8, v3;
	v4 =	vadd.f32 v5, v4;
	v5 =	vmul.f32 v7, v13  }
0x468: {  	v7 =	vld.idx.msk [tilespmem:v10+s14+$0x0], $0xffff  }
0x469: {  	v10 =	vor.u32 $0x9, v3;
	v4 =	vadd.f32 v5, v4;
	v5 =	vmul.f32 v8, v16  }
0x46a: {  	v8 =	vld.idx.msk [tilespmem:v11+s14+$0x0], $0xffff  }
0x46b: {  	v11 =	vor.u32 $0xA, v3;
	v4 =	vadd.f32 v5, v4;
	v5 =	vmul.f32 v6, v17  }
0x46c: {  	v6 =	vld.idx.msk [tilespmem:v9+s14+$0x0], $0xffff  }
0x46d: {  	v9 =	vor.u32 $0xB, v3;
	v4 =	vadd.f32 v5, v4;
	v5 =	vmul.f32 v7, v18  }
0x46e: {  	v7 =	vld.idx.msk [tilespmem:v10+s14+$0x0], $0xffff  }
0x46f: {  	v10 =	vor.u32 $0xC, v3;
	v4 =	vadd.f32 v5, v4;
	v5 =	vmul.f32 v8, v19  }
0x470: {  	v8 =	vld.idx.msk [tilespmem:v11+s14+$0x0], $0xffff  }
0x471: {  	v11 =	vor.u32 $0xD, v3;
	v4 =	vadd.f32 v5, v4;
	v5 =	vmul.f32 v6, v20  }
0x472: {  	v6 =	vld.idx.msk [tilespmem:v9+s14+$0x0], $0xffff  }
0x473: {  	v9 =	vor.u32 $0xE, v3;
	v4 =	vadd.f32 v5, v4;
	v5 =	vmul.f32 v7, v21  }
0x474: {  	v7 =	vld.idx.msk [tilespmem:v10+s14+$0x0], $0xffff  }
0x475: {  	v10 =	vor.u32 $0xF, v3;
	v4 =	vadd.f32 v5, v4;
	v5 =	vmul.f32 v8, v22  }
0x476: {  	v8 =	vld.idx.msk [tilespmem:v11+s14+$0x0], $0xffff  }
0x477: {  	v11 =	vor.u32 $0x10, v3;
	v4 =	vadd.f32 v5, v4;
	v5 =	vmul.f32 v6, v23  }
0x478: {  	v6 =	vld.idx.msk [tilespmem:v9+s14+$0x0], $0xffff  }
0x479: {  	v9 =	vor.u32 $0x11, v3;
	v4 =	vadd.f32 v5, v4;
	v5 =	vmul.f32 v7, v24  }
0x47a: {  	v7 =	vld.idx.msk [tilespmem:v10+s14+$0x0], $0xffff  }
0x47b: {  	v10 =	vor.u32 $0x12, v3;
	v4 =	vadd.f32 v5, v4;
	v5 =	vmul.f32 v8, v25  }
0x47c: {  	v8 =	vld.idx.msk [tilespmem:v11+s14+$0x0], $0xffff  }
0x47d: {  	v11 =	vor.u32 $0x13, v3;
	v4 =	vadd.f32 v5, v4;
	v5 =	vmul.f32 v6, v26  }
0x47e: {  	v6 =	vld.idx.msk [tilespmem:v9+s14+$0x0], $0xffff  }
0x47f: {  	v9 =	vor.u32 $0x14, v3;
	v4 =	vadd.f32 v5, v4;
	v5 =	vmul.f32 v7, v27  }
0x480: {  	v7 =	vld.idx.msk [tilespmem:v10+s14+$0x0], $0xffff  }
0x481: {  	v10 =	vor.u32 $0x15, v3;
	v4 =	vadd.f32 v5, v4;
	v5 =	vmul.f32 v8, v28  }
0x482: {  	v8 =	vld.idx.msk [tilespmem:v11+s14+$0x0], $0xffff  }
0x483: {  	v11 =	vor.u32 $0x16, v3;
	v4 =	vadd.f32 v5, v4;
	v5 =	vmul.f32 v6, v29  }
0x484: {  	v6 =	vld.idx.msk [tilespmem:v9+s14+$0x0], $0xffff  }
0x485: {  	v9 =	vor.u32 $0x17, v3;
	v4 =	vadd.f32 v5, v4;
	v5 =	vmul.f32 v7, v30  }
0x486: {  	v7 =	vld.idx.msk [tilespmem:v10+s14+$0x0], $0xffff  }
0x487: {  	v10 =	vor.u32 $0x18, v3;
	v4 =	vadd.f32 v5, v4;
	v5 =	vmul.f32 v8, v31  }
0x488: {  	v8 =	vld.idx.msk [tilespmem:v11+s14+$0x0], $0xffff  }
0x489: {  	v11 =	vor.u32 $0x19, v3;
	v4 =	vadd.f32 v5, v4;
	v5 =	vmul.f32 v6, v32  }
0x48a: {  	v6 =	vld.idx.msk [tilespmem:v9+s14+$0x0], $0xffff  }
0x48b: {  	v9 =	vor.u32 $0x1A, v3;
	v4 =	vadd.f32 v5, v4;
	v5 =	vmul.f32 v7, v33  }
0x48c: {  	v7 =	vld.idx.msk [tilespmem:v10+s14+$0x0], $0xffff  }
0x48d: {  	v10 =	vor.u32 $0x1B, v3;
	v4 =	vadd.f32 v5, v4;
	v5 =	vmul.f32 v8, v34  }
0x48e: {  	v8 =	vld.idx.msk [tilespmem:v11+s14+$0x0], $0xffff  }
0x48f: {  	v11 =	vor.u32 $0x1C, v3;
	v4 =	vadd.f32 v5, v4;
	v5 =	vmul.f32 v6, v35  }
0x490: {  	v6 =	vld.idx.msk [tilespmem:v9+s14+$0x0], $0xffff  }
0x491: {  	v9 =	vor.u32 $0x1D, v3;
	v4 =	vadd.f32 v5, v4;
	v5 =	vmul.f32 v7, v36  }
0x492: {  	v7 =	vld.idx.msk [tilespmem:v10+s14+$0x0], $0xffff  }
0x493: {  	v10 =	vor.u32 $0x1E, v3;
	v4 =	vadd.f32 v5, v4;
	v5 =	vmul.f32 v8, v37  }
0x494: {  	v8 =	vld.idx.msk [tilespmem:v11+s14+$0x0], $0xffff  }
0x495: {  	v11 =	vor.u32 $0x1F, v3;
	v4 =	vadd.f32 v5, v4;
	v5 =	vmul.f32 v6, v38  }
0x496: {  	v6 =	vld.idx.msk [tilespmem:v9+s14+$0x0], $0xffff  }
0x497: {  	v9 =	vor.u32 $0x20, v3;
	v4 =	vadd.f32 v5, v4;
	v5 =	vmul.f32 v7, v39  }
0x498: {  	v7 =	vld.idx.msk [tilespmem:v10+s14+$0x0], $0xffff  }
0x499: {  	v10 =	vor.u32 $0x21, v3;
	v4 =	vadd.f32 v5, v4;
	v5 =	vmul.f32 v8, v40  }
0x49a: {  	v8 =	vld.idx.msk [tilespmem:v11+s14+$0x0], $0xffff  }
0x49b: {  	v11 =	vor.u32 $0x22, v3;
	v4 =	vadd.f32 v5, v4;
	v5 =	vmul.f32 v6, v41  }
0x49c: {  	v6 =	vld.idx.msk [tilespmem:v9+s14+$0x0], $0xffff  }
0x49d: {  	v9 =	vor.u32 $0x23, v3;
	v4 =	vadd.f32 v5, v4;
	v5 =	vmul.f32 v7, v42  }
0x49e: {  	v7 =	vld.idx.msk [tilespmem:v10+s14+$0x0], $0xffff  }
0x49f: {  	v10 =	vor.u32 $0x24, v3;
	v4 =	vadd.f32 v5, v4;
	v5 =	vmul.f32 v8, v43  }
0x4a0: {  	v8 =	vld.idx.msk [tilespmem:v11+s14+$0x0], $0xffff  }
0x4a1: {  	v11 =	vor.u32 $0x25, v3;
	v4 =	vadd.f32 v5, v4;
	v5 =	vmul.f32 v6, v44  }
0x4a2: {  	v6 =	vld.idx.msk [tilespmem:v9+s14+$0x0], $0xffff  }
0x4a3: {  	v9 =	vor.u32 $0x26, v3;
	v4 =	vadd.f32 v5, v4;
	v5 =	vmul.f32 v7, v45  }
0x4a4: {  	v7 =	vld.idx.msk [tilespmem:v10+s14+$0x0], $0xffff  }
0x4a5: {  	v10 =	vor.u32 $0x27, v3;
	v4 =	vadd.f32 v5, v4;
	v5 =	vmul.f32 v8, v46  }
0x4a6: {  	v8 =	vld.idx.msk [tilespmem:v11+s14+$0x0], $0xffff  }
0x4a7: {  	v11 =	vor.u32 $0x28, v3;
	v4 =	vadd.f32 v5, v4;
	v5 =	vmul.f32 v6, v47  }
0x4a8: {  	v6 =	vld.idx.msk [tilespmem:v9+s14+$0x0], $0xffff  }
0x4a9: {  	v9 =	vor.u32 $0x29, v3;
	v4 =	vadd.f32 v5, v4;
	v5 =	vmul.f32 v7, v48  }
0x4aa: {  	v7 =	vld.idx.msk [tilespmem:v10+s14+$0x0], $0xffff  }
0x4ab: {  	v10 =	vor.u32 $0x2A, v3;
	v4 =	vadd.f32 v5, v4;
	v5 =	vmul.f32 v8, v49  }
0x4ac: {  	v8 =	vld.idx.msk [tilespmem:v11+s14+$0x0], $0xffff  }
0x4ad: {  	v11 =	vor.u32 $0x2B, v3;
	v4 =	vadd.f32 v5, v4;
	v5 =	vmul.f32 v6, v50  }
0x4ae: {  	v6 =	vld.idx.msk [tilespmem:v9+s14+$0x0], $0xffff  }
0x4af: {  	v9 =	vor.u32 $0x2C, v3;
	v4 =	vadd.f32 v5, v4;
	v5 =	vmul.f32 v7, v51  }
0x4b0: {  	v7 =	vld.idx.msk [tilespmem:v10+s14+$0x0], $0xffff  }
0x4b1: {  	v10 =	vor.u32 $0x2D, v3;
	v4 =	vadd.f32 v5, v4;
	v5 =	vmul.f32 v8, v52  }
0x4b2: {  	v8 =	vld.idx.msk [tilespmem:v11+s14+$0x0], $0xffff  }
0x4b3: {  	v11 =	vor.u32 $0x2E, v3;
	v4 =	vadd.f32 v5, v4;
	v5 =	vmul.f32 v6, v53  }
0x4b4: {  	v6 =	vld.idx.msk [tilespmem:v9+s14+$0x0], $0xffff  }
0x4b5: {  	v9 =	vor.u32 $0x2F, v3;
	v4 =	vadd.f32 v5, v4;
	v5 =	vmul.f32 v7, v54  }
0x4b6: {  	v7 =	vld.idx.msk [tilespmem:v10+s14+$0x0], $0xffff  }
0x4b7: {  	v10 =	vor.u32 $0x30, v3;
	v4 =	vadd.f32 v5, v4;
	v5 =	vmul.f32 v8, v55  }
0x4b8: {  	v8 =	vld.idx.msk [tilespmem:v11+s14+$0x0], $0xffff  }
0x4b9: {  	v11 =	vor.u32 $0x31, v3;
	v4 =	vadd.f32 v5, v4;
	v5 =	vmul.f32 v6, v56  }
0x4ba: {  	v6 =	vld.idx.msk [tilespmem:v9+s14+$0x0], $0xffff  }
0x4bb: {  	v9 =	vor.u32 $0x32, v3;
	v4 =	vadd.f32 v5, v4;
	v5 =	vmul.f32 v7, v57  }
0x4bc: {  	v7 =	vld.idx.msk [tilespmem:v10+s14+$0x0], $0xffff  }
0x4bd: {  	v4 =	vadd.f32 v5, v4;
	v5 =	vmul.f32 v8, v58  }
0x4be: {  	v8 =	vld.idx.msk [tilespmem:v11+s14+$0x0], $0xffff  }
0x4bf: {  	v4 =	vadd.f32 v5, v4;
	v5 =	vmul.f32 v6, v59  }
0x4c0: {  	v6 =	vld.idx.msk [tilespmem:v9+s14+$0x0], $0xffff  }
0x4c1: {  	v10 =	vor.u32 $0x33, v3;
	v4 =	vadd.f32 v5, v4;
	v5 =	vmul.f32 v7, v60;
	_ =	sdelay $0x1  }
0x4c2: {  	v4 =	vadd.f32 v5, v4;
	v5 =	vmul.f32 v8, v61  }
0x4c3: {  	v11 =	vor.u32 $0x34, v3  }
0x4c4: {  	v4 =	vadd.f32 v5, v4;
	v5 =	vmul.f32 v6, v62  }
0x4c5: {  	v7 =	vld.idx.msk [tilespmem:v10+s14+$0x0], $0xffff  }
0x4c6: {  	v4 =	vadd.f32 v5, v4;
	v5 =	vld [tilespmem:$0x1FE30];
	_ =	sdelay $0x1  }
0x4c7: {  	v8 =	vld.idx.msk [tilespmem:v11+s14+$0x0], $0xffff  }
0x4c8: {  	v9 =	vor.u32 $0x35, v3;
	_ =	sdelay $0x1  }
0x4c9: {  	v5 =	vmul.f32 v7, v5;
	_ =	sdelay $0x1  }
0x4ca: {  	v4 =	vadd.f32 v5, v4;
	v5 =	vmul.f32 v8, v63  }
0x4cb: {  	v6 =	vld.idx.msk [tilespmem:v9+s14+$0x0], $0xffff  }
0x4cc: {  	v4 =	vadd.f32 v5, v4;
	v5 =	vld [tilespmem:$0x1FE80]  }
0x4cd: {  	v10 =	vor.u32 $0x36, v3;
	_ =	sdelay $0x3  }
0x4ce: {  	v5 =	vmul.f32 v6, v5  }
0x4cf: {  	v7 =	vld.idx.msk [tilespmem:v10+s14+$0x0], $0xffff  }
0x4d0: {  	v4 =	vadd.f32 v5, v4;
	v5 =	vld [tilespmem:$0x1FEB0]  }
0x4d1: {  	v11 =	vor.u32 $0x37, v3;
	_ =	sdelay $0x3  }
0x4d2: {  	v5 =	vmul.f32 v7, v5  }
0x4d3: {  	v8 =	vld.idx.msk [tilespmem:v11+s14+$0x0], $0xffff  }
0x4d4: {  	v4 =	vadd.f32 v5, v4;
	v5 =	vld [tilespmem:$0x1FED0]  }
0x4d5: {  	v9 =	vor.u32 $0x38, v3;
	_ =	sdelay $0x3  }
0x4d6: {  	v5 =	vmul.f32 v8, v5  }
0x4d7: {  	v6 =	vld.idx.msk [tilespmem:v9+s14+$0x0], $0xffff  }
0x4d8: {  	v4 =	vadd.f32 v5, v4;
	v5 =	vld [tilespmem:$0x1FF00]  }
0x4d9: {  	v10 =	vor.u32 $0x39, v3;
	_ =	sdelay $0x2  }
0x4da: {  	v11 =	vor.u32 $0x3A, v3  }
0x4db: {  	v5 =	vmul.f32 v6, v5  }
0x4dc: {  	v7 =	vld.idx.msk [tilespmem:v10+s14+$0x0], $0xffff  }
0x4dd: {  	v4 =	vadd.f32 v5, v4;
	v5 =	vld [tilespmem:$0x1FF30];
	_ =	sdelay $0x1  }
0x4de: {  	v8 =	vld.idx.msk [tilespmem:v11+s14+$0x0], $0xffff  }
0x4df: {  	v9 =	vor.u32 $0x3B, v3;
	_ =	sdelay $0x1  }
0x4e0: {  	v5 =	vmul.f32 v7, v5;
	_ =	sdelay $0x1  }
0x4e1: {  	v4 =	vadd.f32 v5, v4;
	v5 =	vmul.f32 v8, v12  }
0x4e2: {  	v6 =	vld.idx.msk [tilespmem:v9+s14+$0x0], $0xffff  }
0x4e3: {  	v4 =	vadd.f32 v5, v4;
	v5 =	vld [tilespmem:$0x1FF90]  }
0x4e4: {  	v10 =	vor.u32 $0x3C, v3;
	_ =	sdelay $0x3  }
0x4e5: {  	v5 =	vmul.f32 v6, v5  }
0x4e6: {  	v7 =	vld.idx.msk [tilespmem:v10+s14+$0x0], $0xffff  }
0x4e7: {  	v4 =	vadd.f32 v5, v4;
	v5 =	vld [tilespmem:$0x1FFB0]  }
0x4e8: {  	v11 =	vor.u32 $0x3D, v3;
	_ =	sdelay $0x3  }
0x4e9: {  	v5 =	vmul.f32 v7, v5  }
0x4ea: {  	v8 =	vld.idx.msk [tilespmem:v11+s14+$0x0], $0xffff  }
0x4eb: {  	v4 =	vadd.f32 v5, v4;
	v5 =	vld [tilespmem:$0x1FFD0]  }
0x4ec: {  	v9 =	vor.u32 $0x3E, v3;
	_ =	sdelay $0x3  }
0x4ed: {  	v5 =	vmul.f32 v8, v5  }
0x4ee: {  	v6 =	vld.idx.msk [tilespmem:v9+s14+$0x0], $0xffff  }
0x4ef: {  	p0 =	sne.s32 s23, $0x3E0;
	v3 =	vor.u32 $0x3F, v3;
	v4 =	vadd.f32 v5, v4;
	v5 =	vld [tilespmem:$0x1FFF0]  }
.Ltmp1:
0x4f0: {  	_ = 	snop;
	(pc) =	sbr.rel @p0 .LBB2_5-.Ltmp1, $3  }
0x4f1: {  	_ =	sdelay $0x1  }
0x4f2: {  	s20 =	smov.u32 s21;
	s21 =	smov.u32 s23  }
0x4f3: {  	s23 =	sadd.s32 $0x10, s23;
	s24 =	sadd.s32 $0xD0, s21;
	v3 =	vld.idx.msk [tilespmem:v3+s14+$0x0], $0xffff;
	v5 =	vmul.f32 v6, v5  }
0x4f4: {  	_ =	sdelay $0x2  }
0x4f5: {  	v6 =	vmov s24  }
0x4f6: {  	v4 =	vadd.f32 v5, v4;
	v5 =	vshll.u32 v6, $0x6;
	v3 =	vmul.f32 v3, v0  }
0x4f7: {  	v1 =	vor.u32 v1, v5  }
0x4f8: {  	v8 =	vmov s20;
	v3 =	vadd.f32 v3, v4  }
0x4f9: {  	vm0 =	vlt.u32 v8, v2;
	v9 =	vor.u32 $0x1, v1  }
0x4fa: {  	s23 =	sadd.s32 $0x10, s22;
	v3 =	vnsel vm0, $0xC1F00000, v3  }
0x4fb: {  	[tilespmem:s23+$0x0] =	vst v3;
	v3 =	vor.u32 $0x2, v1  }
0x4fc: {  	v5 =	vld.idx.msk [tilespmem:v1+s14+$0x0], $0xffff  }
0x4fd: {  	v6 =	vor.u32 $0x3, v1  }
0x4fe: {  	v4 =	vld.idx.msk [tilespmem:v9+s14+$0x0], $0xffff  }
0x4ff: {  	v11 =	vld [tilespmem:$0x1FB00];
	v7 =	vor.u32 $0x4, v1  }
0x500: {  	v3 =	vld.idx.msk [tilespmem:v3+s14+$0x0], $0xffff  }
0x501: {  	v8 =	vor.u32 $0x5, v1;
	v5 =	vmul.f32 v5, v14  }
0x502: {  	v6 =	vld.idx.msk [tilespmem:v6+s14+$0x0], $0xffff  }
0x503: {  	v9 =	vor.u32 $0x6, v1;
	v4 =	vmul.f32 v4, v15;
	v5 =	vadd.f32 $0.0e+00, v5  }
0x504: {  	v7 =	vld.idx.msk [tilespmem:v7+s14+$0x0], $0xffff  }
0x505: {  	v4 =	vadd.f32 v4, v5;
	v3 =	vmul.f32 v3, v11;
	v5 =	vor.u32 $0x7, v1  }
0x506: {  	v8 =	vld.idx.msk [tilespmem:v8+s14+$0x0], $0xffff  }
0x507: {  	v14 =	vmul.f32 v6, v13;
	v15 =	vor.u32 $0x8, v1;
	v3 =	vadd.f32 v3, v4  }
0x508: {  	v9 =	vld.idx.msk [tilespmem:v9+s14+$0x0], $0xffff  }
0x509: {  	v11 =	vmul.f32 v7, v16;
	v7 =	vor.u32 $0x9, v1;
	v3 =	vadd.f32 v14, v3  }
0x50a: {  	v5 =	vld.idx.msk [tilespmem:v5+s14+$0x0], $0xffff  }
0x50b: {  	v13 =	vmul.f32 v8, v17;
	v14 =	vor.u32 $0xA, v1;
	v3 =	vadd.f32 v11, v3  }
0x50c: {  	v6 =	vld.idx.msk [tilespmem:v15+s14+$0x0], $0xffff  }
0x50d: {  	v16 =	vor.u32 $0xB, v1;
	v15 =	vmul.f32 v9, v18;
	v3 =	vadd.f32 v13, v3  }
0x50e: {  	v7 =	vld.idx.msk [tilespmem:v7+s14+$0x0], $0xffff  }
0x50f: {  	v18 =	vor.u32 $0xC, v1;
	v3 =	vadd.f32 v15, v3;
	v17 =	vmul.f32 v5, v19  }
0x510: {  	v8 =	vld.idx.msk [tilespmem:v14+s14+$0x0], $0xffff  }
0x511: {  	v19 =	vmul.f32 v6, v20;
	v20 =	vor.u32 $0xD, v1;
	v3 =	vadd.f32 v17, v3  }
0x512: {  	v9 =	vld.idx.msk [tilespmem:v16+s14+$0x0], $0xffff  }
0x513: {  	v13 =	vor.u32 $0xE, v1;
	v11 =	vmul.f32 v7, v21;
	v3 =	vadd.f32 v19, v3  }
0x514: {  	v5 =	vld.idx.msk [tilespmem:v18+s14+$0x0], $0xffff  }
0x515: {  	v15 =	vor.u32 $0xF, v1;
	v14 =	vmul.f32 v8, v22;
	v3 =	vadd.f32 v11, v3  }
0x516: {  	v6 =	vld.idx.msk [tilespmem:v20+s14+$0x0], $0xffff  }
0x517: {  	v16 =	vmul.f32 v9, v23;
	v17 =	vor.u32 $0x10, v1;
	v3 =	vadd.f32 v14, v3  }
0x518: {  	v7 =	vld.idx.msk [tilespmem:v13+s14+$0x0], $0xffff  }
0x519: {  	v19 =	vor.u32 $0x11, v1;
	v18 =	vmul.f32 v5, v24;
	v3 =	vadd.f32 v16, v3  }
0x51a: {  	v8 =	vld.idx.msk [tilespmem:v15+s14+$0x0], $0xffff  }
0x51b: {  	v21 =	vor.u32 $0x12, v1;
	v20 =	vmul.f32 v6, v25;
	v3 =	vadd.f32 v18, v3  }
0x51c: {  	v9 =	vld.idx.msk [tilespmem:v17+s14+$0x0], $0xffff  }
0x51d: {  	v23 =	vor.u32 $0x13, v1;
	v22 =	vmul.f32 v7, v26;
	v3 =	vadd.f32 v20, v3  }
0x51e: {  	v5 =	vld.idx.msk [tilespmem:v19+s14+$0x0], $0xffff  }
0x51f: {  	v24 =	vmul.f32 v8, v27;
	v25 =	vor.u32 $0x14, v1;
	v3 =	vadd.f32 v22, v3  }
0x520: {  	v6 =	vld.idx.msk [tilespmem:v21+s14+$0x0], $0xffff  }
0x521: {  	v27 =	vor.u32 $0x15, v1;
	v26 =	vmul.f32 v9, v28;
	v3 =	vadd.f32 v24, v3  }
0x522: {  	v7 =	vld.idx.msk [tilespmem:v23+s14+$0x0], $0xffff  }
0x523: {  	v28 =	vmul.f32 v5, v29;
	v29 =	vor.u32 $0x16, v1;
	v3 =	vadd.f32 v26, v3  }
0x524: {  	v8 =	vld.idx.msk [tilespmem:v25+s14+$0x0], $0xffff  }
0x525: {  	v14 =	vor.u32 $0x17, v1;
	v13 =	vmul.f32 v6, v30;
	v3 =	vadd.f32 v28, v3  }
0x526: {  	v9 =	vld.idx.msk [tilespmem:v27+s14+$0x0], $0xffff  }
0x527: {  	v16 =	vor.u32 $0x18, v1;
	v15 =	vmul.f32 v7, v31;
	v3 =	vadd.f32 v13, v3  }
0x528: {  	v5 =	vld.idx.msk [tilespmem:v29+s14+$0x0], $0xffff  }
0x529: {  	v18 =	vor.u32 $0x19, v1;
	v17 =	vmul.f32 v8, v32;
	v3 =	vadd.f32 v15, v3  }
0x52a: {  	v6 =	vld.idx.msk [tilespmem:v14+s14+$0x0], $0xffff  }
0x52b: {  	v20 =	vor.u32 $0x1A, v1;
	v19 =	vmul.f32 v9, v33;
	v3 =	vadd.f32 v17, v3  }
0x52c: {  	v7 =	vld.idx.msk [tilespmem:v16+s14+$0x0], $0xffff;
	v22 =	vor.u32 $0x1B, v1  }
0x52d: {  	v24 =	vor.u32 $0x1C, v1;
	v21 =	vmul.f32 v5, v34;
	v3 =	vadd.f32 v19, v3  }
0x52e: {  	v8 =	vld.idx.msk [tilespmem:v18+s14+$0x0], $0xffff  }
0x52f: {  	v23 =	vmul.f32 v6, v35;
	v3 =	vadd.f32 v21, v3  }
0x530: {  	v9 =	vld.idx.msk [tilespmem:v20+s14+$0x0], $0xffff;
	v26 =	vor.u32 $0x1D, v1  }
0x531: {  	v25 =	vmul.f32 v7, v36;
	v32 =	vor.u32 $0x20, v1;
	v5 =	vld.idx.msk [tilespmem:v22+s14+$0x0], $0xffff;
	v3 =	vadd.f32 v23, v3  }
0x532: {  	v30 =	vor.u32 $0x1F, v1;
	v6 =	vld.idx.msk [tilespmem:v24+s14+$0x0], $0xffff  }
0x533: {  	v28 =	vor.u32 $0x1E, v1;
	v27 =	vmul.f32 v8, v37;
	v3 =	vadd.f32 v25, v3  }
0x534: {  	v34 =	vor.u32 $0x21, v1  }
0x535: {  	v36 =	vor.u32 $0x22, v1;
	v29 =	vmul.f32 v9, v38;
	v7 =	vld.idx.msk [tilespmem:v26+s14+$0x0], $0xffff;
	v3 =	vadd.f32 v27, v3  }
0x536: {  	v31 =	vmul.f32 v5, v39;
	v5 =	vld.idx.msk [tilespmem:v32+s14+$0x0], $0xffff  }
0x537: {  	v9 =	vld.idx.msk [tilespmem:v30+s14+$0x0], $0xffff;
	v33 =	vmul.f32 v6, v40;
	v40 =	vor.u32 $0x24, v1;
	v3 =	vadd.f32 v29, v3  }
0x538: {  	v8 =	vld.idx.msk [tilespmem:v28+s14+$0x0], $0xffff  }
0x539: {  	v6 =	vld.idx.msk [tilespmem:v34+s14+$0x0], $0xffff;
	v3 =	vadd.f32 v31, v3  }
0x53a: {  	v35 =	vmul.f32 v7, v41;
	v7 =	vld.idx.msk [tilespmem:v36+s14+$0x0], $0xffff  }
0x53b: {  	v41 =	vmul.f32 v5, v44;
	v44 =	vor.u32 $0x26, v1;
	v3 =	vadd.f32 v33, v3  }
0x53c: {  	v15 =	vor.u32 $0x29, v1;
	v39 =	vmul.f32 v9, v43;
	v9 =	vld.idx.msk [tilespmem:v40+s14+$0x0], $0xffff  }
0x53d: {  	v38 =	vor.u32 $0x23, v1;
	v37 =	vmul.f32 v8, v42;
	v3 =	vadd.f32 v35, v3  }
0x53e: {  	v42 =	vor.u32 $0x25, v1;
	v43 =	vmul.f32 v6, v45  }
0x53f: {  	v45 =	vmul.f32 v7, v46;
	v46 =	vor.u32 $0x27, v1;
	v3 =	vadd.f32 v37, v3  }
0x540: {  	v19 =	vor.u32 $0x2B, v1;
	v6 =	vld.idx.msk [tilespmem:v44+s14+$0x0], $0xffff  }
0x541: {  	v25 =	vor.u32 $0x2E, v1;
	v14 =	vmul.f32 v9, v48;
	v9 =	vld.idx.msk [tilespmem:v15+s14+$0x0], $0xffff;
	v3 =	vadd.f32 v39, v3  }
0x542: {  	v8 =	vld.idx.msk [tilespmem:v38+s14+$0x0], $0xffff  }
0x543: {  	v13 =	vor.u32 $0x28, v1;
	v5 =	vld.idx.msk [tilespmem:v42+s14+$0x0], $0xffff;
	v3 =	vadd.f32 v41, v3  }
0x544: {  	v21 =	vor.u32 $0x2C, v1;
	v7 =	vld.idx.msk [tilespmem:v46+s14+$0x0], $0xffff  }
0x545: {  	v29 =	vor.u32 $0x30, v1;
	v18 =	vmul.f32 v6, v50;
	v6 =	vld.idx.msk [tilespmem:v19+s14+$0x0], $0xffff;
	v3 =	vadd.f32 v43, v3  }
0x546: {  	v24 =	vmul.f32 v9, v53;
	v9 =	vld.idx.msk [tilespmem:v25+s14+$0x0], $0xffff;
	v35 =	vor.u32 $0x33, v1  }
0x547: {  	v10 =	vmovc v0;
	v0 =	vld [tilespmem:$0x1FE30];
	v17 =	vor.u32 $0x2A, v1;
	v47 =	vmul.f32 v8, v47;
	v3 =	vadd.f32 v45, v3  }
0x548: {  	v23 =	vor.u32 $0x2D, v1;
	v8 =	vld.idx.msk [tilespmem:v13+s14+$0x0], $0xffff  }
0x549: {  	v31 =	vor.u32 $0x31, v1;
	v20 =	vmul.f32 v7, v51;
	v7 =	vld.idx.msk [tilespmem:v21+s14+$0x0], $0xffff;
	v3 =	vadd.f32 v47, v3  }
0x54a: {  	v28 =	vmul.f32 v6, v55;
	v6 =	vld.idx.msk [tilespmem:v29+s14+$0x0], $0xffff;
	v39 =	vor.u32 $0x35, v1  }
0x54b: {  	v16 =	vmul.f32 v5, v49;
	v34 =	vmul.f32 v9, v58;
	v9 =	vld.idx.msk [tilespmem:v35+s14+$0x0], $0xffff;
	v3 =	vadd.f32 v14, v3  }
0x54c: {  	v5 =	vld.idx.msk [tilespmem:v17+s14+$0x0], $0xffff  }
0x54d: {  	v22 =	vmul.f32 v8, v52;
	v8 =	vld.idx.msk [tilespmem:v23+s14+$0x0], $0xffff;
	v3 =	vadd.f32 v16, v3  }
0x54e: {  	v33 =	vor.u32 $0x32, v1;
	v30 =	vmul.f32 v7, v56;
	v7 =	vld.idx.msk [tilespmem:v31+s14+$0x0], $0xffff  }
0x54f: {  	v41 =	vor.u32 $0x36, v1;
	v38 =	vmul.f32 v6, v60;
	v6 =	vld.idx.msk [tilespmem:v39+s14+$0x0], $0xffff;
	v3 =	vadd.f32 v18, v3  }
0x550: {  	v44 =	vmul.f32 v9, v0;
	v0 =	vld [tilespmem:$0x1FE80]  }
0x551: {  	v3 =	vadd.f32 v20, v3;
	_ =	sdelay $0x1  }
0x552: {  	v27 =	vor.u32 $0x2F, v1;
	v32 =	vmul.f32 v8, v57;
	v8 =	vld.idx.msk [tilespmem:v33+s14+$0x0], $0xffff;
	v3 =	vadd.f32 v22, v3  }
0x553: {  	v43 =	vor.u32 $0x37, v1;
	v40 =	vmul.f32 v7, v61;
	v7 =	vld.idx.msk [tilespmem:v41+s14+$0x0], $0xffff  }
0x554: {  	v26 =	vmul.f32 v5, v54;
	v48 =	vmul.f32 v6, v0;
	v0 =	vld [tilespmem:$0x1FEB0];
	v3 =	vadd.f32 v24, v3;
	_ =	sdelay $0x1  }
0x555: {  	v3 =	vadd.f32 v26, v3  }
0x556: {  	v5 =	vld.idx.msk [tilespmem:v27+s14+$0x0], $0xffff;
	v37 =	vor.u32 $0x34, v1  }
0x557: {  	v42 =	vmul.f32 v8, v62;
	v45 =	vor.u32 $0x38, v1;
	v8 =	vld.idx.msk [tilespmem:v43+s14+$0x0], $0xffff;
	v3 =	vadd.f32 v28, v3  }
0x558: {  	v50 =	vmul.f32 v7, v0;
	v0 =	vld [tilespmem:$0x1FED0]  }
0x559: {  	v3 =	vadd.f32 v30, v3;
	_ =	sdelay $0x1  }
0x55a: {  	v36 =	vmul.f32 v5, v59;
	v5 =	vld.idx.msk [tilespmem:v37+s14+$0x0], $0xffff;
	v3 =	vadd.f32 v32, v3  }
0x55b: {  	v47 =	vor.u32 $0x39, v1;
	v9 =	vld.idx.msk [tilespmem:v45+s14+$0x0], $0xffff  }
0x55c: {  	v52 =	vmul.f32 v8, v0;
	v0 =	vld [tilespmem:$0x1FF00];
	v3 =	vadd.f32 v34, v3;
	_ =	sdelay $0x1  }
0x55d: {  	v3 =	vadd.f32 v36, v3;
	_ =	sdelay $0x1  }
0x55e: {  	v51 =	vor.u32 $0x3B, v1;
	v46 =	vmul.f32 v5, v63;
	v5 =	vld.idx.msk [tilespmem:v47+s14+$0x0], $0xffff;
	v3 =	vadd.f32 v38, v3  }
0x55f: {  	v54 =	vmul.f32 v9, v0;
	v0 =	vld [tilespmem:$0x1FF30]  }
0x560: {  	v3 =	vadd.f32 v40, v3;
	_ =	sdelay $0x1  }
0x561: {  	v3 =	vadd.f32 v42, v3  }
0x562: {  	v53 =	vor.u32 $0x3C, v1;
	v7 =	vld.idx.msk [tilespmem:v51+s14+$0x0], $0xffff  }
0x563: {  	v56 =	vmul.f32 v5, v0;
	v0 =	vld [tilespmem:$0x1FF90];
	v3 =	vadd.f32 v44, v3;
	_ =	sdelay $0x1  }
0x564: {  	v49 =	vor.u32 $0x3A, v1;
	v3 =	vadd.f32 v46, v3;
	_ =	sdelay $0x1  }
0x565: {  	v55 =	vor.u32 $0x3D, v1;
	v8 =	vld.idx.msk [tilespmem:v53+s14+$0x0], $0xffff;
	v3 =	vadd.f32 v48, v3  }
0x566: {  	v60 =	vmul.f32 v7, v0;
	v0 =	vld [tilespmem:$0x1FFB0]  }
0x567: {  	v3 =	vadd.f32 v50, v3  }
0x568: {  	v6 =	vld.idx.msk [tilespmem:v49+s14+$0x0], $0xffff  }
0x569: {  	v3 =	vadd.f32 v52, v3  }
0x56a: {  	v57 =	vor.u32 $0x3E, v1;
	v59 =	vld.idx.msk [tilespmem:v55+s14+$0x0], $0xffff  }
0x56b: {  	v61 =	vmul.f32 v8, v0;
	v0 =	vld [tilespmem:$0x1FFD0];
	v3 =	vadd.f32 v54, v3;
	_ =	sdelay $0x1  }
0x56c: {  	v1 =	vor.u32 $0x3F, v1;
	v58 =	vmul.f32 v6, v12;
	v3 =	vadd.f32 v56, v3;
	_ =	sdelay $0x1  }
0x56d: {  	v5 =	vld.idx.msk [tilespmem:v57+s14+$0x0], $0xffff;
	v3 =	vadd.f32 v58, v3  }
0x56e: {  	v62 =	vmul.f32 v59, v0;
	v0 =	vld [tilespmem:$0x1FFF0]  }
0x56f: {  	v3 =	vadd.f32 v60, v3  }
0x570: {  	v1 =	vld.idx.msk [tilespmem:v1+s14+$0x0], $0xffff  }
0x571: {  	v3 =	vadd.f32 v61, v3;
	_ =	sdelay $0x1  }
0x572: {  	v63 =	vmul.f32 v5, v0;
	v3 =	vadd.f32 v62, v3;
	_ =	sdelay $0x1  }
0x573: {  	v0 =	vmul.f32 v1, v10;
	v3 =	vadd.f32 v63, v3;
	_ =	sdelay $0x1  }
0x574: {  	v1 =	vmov s21;
	v0 =	vadd.f32 v0, v3  }
0x575: {  	s19 =	smul.u32 $0x98, s19;
	s18 =	sadd.s32 $0x1, s18;
	vm15 =	vlt.u32 v1, v2  }
0x576: {  	s20 =	sadd.s32 $0x10, s23;
	p0 =	sne.s32 s18, $0x20;
	v0 =	vnsel vm15, $0xC1F00000, v0  }
.Ltmp2:
0x577: {  	s24 =	simm.s32 $0x0;
	s19 =	sadd.s32 s7, s19;
	[tilespmem:s20+$0x0] =	vst v0;
	(pc) =	sbr.rel @p0 .LBB2_2-.Ltmp2, $4  }
0x578: {  	[hbm4b:s19+s24] =	stream.linear.scatter [tilespmem:s16], [sflag:$0x2], $0x4C0, $0x38;
	[tilespmem:$0x139C0] =	vst v63  }
0x579: {  	_ =	swait.ge [sflag:s10], $0x4C0  }
0x57a: {  	[sflag:s10] =	ssyncset.done $0x0  }
0x57b: {  	v0 =	vlaneseq.u32;
	[sflag:s10] =	ssyncadd.s32 $0xFFFFFB40  }
0x57c: {  	s19 =	rddreg [dreg:$0x3]  }
0x57d: {  	s18 =	rddreg [dreg:$0x2];
	s19 =	sadd.s32 $0x1, s19  }
0x57e: {  	p0 =	sne.s32 s19, s18  }
.Ltmp3:
0x57f: {  	_ = 	snop;
	(pc) =	sbr.rel @p0 .LBB2_1-.Ltmp3, $1  }
0x580: {  	_ =	sdelay $0x3  }
0x581: {  	_ =	sfence.sel $0x180000  }
0x582: {  	[bflag:$0x0] =	sbarrier.arrive $0xFFFF  }
0x583: {  	_ =	strace $0x90000050  }
0x584: {  	s0 =	stileid.u32;
	[bflag:$0x2] =	sbarrier.arrive $0xFFFF  }
0x585: {  	p0 =	sne.s32 s0, $0x0;
	s0 =	rddreg [dreg:$0x1]  }
0x586: {  	s0 =	sadd.s32 @!p0 $0x100000, s0  }
0x587: {  	[sflag:s0] =	ssyncadd.tile.s32 @!p0 $0x1;
	_ =	shalt  }
.Lfunc_end2:
_tile_overlayer_lowered:
.L_overlay_start_2:
0x588: {  	(tag) =	ssettag $0x2  }
0x589: {  	s0 =	rddreg [dreg:$0x0];
	s2 =	stileid.u32  }
0x58a: {  	s1 =	rddreg [dreg:$0x1];
	p0 =	sne.s32 s2, $0x0  }
0x58b: {  	s3 =	rddreg [dreg:$0x2];
	[bflag:$0x3] =	sbarrier.arrive $0xFFFF;
	s2 =	simm.s32 @!p0 $0x1C02  }
0x58c: {  	[timem:s3], [sflag:s2] =	dma.local @!p0 [hbm:s0], s1  }
0x58d: {  	s0 =	simm.s32 @!p0 $0x2  }
0x58e: {  	_ =	swait.ge @!p0 [sflag:s0], s1  }
0x58f: {  	s1 =	ssub.s32 @!p0 $0x0, s1;
	[sflag:s0] =	ssyncset.done @!p0 $0x0  }
0x590: {  	[sflag:s0] =	ssyncadd.s32 @!p0 s1  }
0x591: {  	[bflag:$0x3] =	sbarrier.arrive $0xFFFF  }
0x592: {  	_ =	shalt  }

// kernel: kernel.8.cloned.1.call-start
scs
__scs_entry_jumppad:
0x0: {  	(pc) =	sbr.rel $0x88, $3  }
0x1: {  	(tag) =	ssettag $0x0;
	lr =	simm.s32 $0x1  }
0x2: {  	[smem:$0x3F9D] =	sst lr;
	_ =	strace $0xD0000000  }
0x3: {  	_ = 	snop  }
0x4: {  	_ = 	snop  }
0x5: {  	_ = 	snop  }
0x6: {  	_ = 	snop  }
0x7: {  	_ = 	snop  }
__scs_overlays_trampoline_lowered:
0x8: {  	[smem:$0x3FAC] =	sst s0  }
0x9: {  	[smem:$0x3FAD] =	sst s1  }
0xa: {  	[smem:$0x3FAE] =	sst s2  }
0xb: {  	[smem:$0x3FAF] =	sst s3  }
0xc: {  	[smem:$0x3FB0] =	sst s4  }
0xd: {  	[smem:$0x3FB1] =	sst s5  }
0xe: {  	[smem:$0x3FB2] =	sst s6  }
0xf: {  	[smem:$0x3FB3] =	sst s7  }
0x10: {  	[smem:$0x3FB4] =	sst s8  }
0x11: {  	[smem:$0x3FB5] =	sst s9;
	s0 =	simm.s32 @!p0 $0x0  }
0x12: {  	s1 =	sld [smem:$0x3F9B];
	s0 =	simm.s32 @p0 $0x1  }
0x13: {  	[smem:$0x3FB6] =	sst s0;
	s0 =	simm.s32 @!p1 $0x0  }
0x14: {  	s2 =	sld [smem:$0x3F9A];
	s0 =	simm.s32 @p1 $0x1  }
0x15: {  	[smem:$0x3FB7] =	sst s0;
	s0 =	simm.s32 @!p2 $0x0  }
0x16: {  	s3 =	sld [smem:$0x3FDB];
	s0 =	simm.s32 @p2 $0x1  }
0x17: {  	s4 =	simm.s32 $0x1BF5;
	[smem:$0x3FB9] =	sst s0  }
0x18: {  	s0 =	sld [smem:$0x3F9C];
	_ =	swait.ge [sflag:s4], $0x0  }
0x19: {  	s7 =	sld [smem:$0x3F9D]  }
0x1a: {  	s8 =	sadd.s32 $0xFFFFE003, lr  }
0x1b: {  	s9 =	sadd.s32 $0xFFFFFEF7, lr;
	s5 =	simm.s32 $0xFFFFFFFF;
	p2 =	slt.u32 s8, $0xFFFFF086  }
0x1c: {  	p1 =	slt.u32 s9, $0xF7A;
	s5 =	simm.s32 @!p2 $0x0  }
0x1d: {  	s5 =	simm.s32 @p1 $0x1;
	p0 =	seq.s32 s7, s2  }
0x1e: {  	s7 =	smul.u32 @!p0 $0xF7A, s2;
	p2 =	seq.s32 @!p0 s5, $0x0  }
0x1f: {  	s9 =	smul.u32 $0xF7A, s1;
	s8 =	simm.s32 @!p0 $0x1BF5;
	p2 =	por !p2, p0  }
0x20: {  	[sflag:s8] =	ssyncset.s32 @!p0 $0xFFFFF086;
	s6 =	sadd.s32 @!p0 s3, s7;
	s7 =	simm.s32 @!p0 $0x108  }
0x21: {  	s3 =	sadd.s32 s3, s9;
	s6 =	sadd.s32 @!p0 $0x88, s6;
	s7 =	simm.s32 @p2 $0x1082  }
0x22: {  	[simem:s7], [sflag:s8] =	dma.local @!p0 [hbm:s6], $0xF7A  }
0x23: {  	s9 =	sor.u32 $0xD0000000, s2;
	s6 =	simm.s32 $0x108;
	_ =	swait.ge @!p0 [sflag:s8], $0x0  }
0x24: {  	s3 =	sadd.s32 $0x88, s3;
	s6 =	simm.s32 @!p1 $0x1082;
	[sflag:s4] =	ssyncset.s32 $0xFFFFF086  }
0x25: {  	[simem:s6], [sflag:s4] =	dma.local [hbm:s3], $0xF7A  }
0x26: {  	[smem:$0x3F9D] =	sst s1;
	(tag) =	ssettag s2;
	_ =	strace s9  }
0x27: {  	s1 =	sld [smem:$0x3FAD]  }
0x28: {  	s2 =	sld [smem:$0x3FAE]  }
0x29: {  	s4 =	sld [smem:$0x3FB0]  }
0x2a: {  	p0 =	seq.s32 s5, $0x0;
	s5 =	sld [smem:$0x3FB1]  }
0x2b: {  	s6 =	sld [smem:$0x3FB2]  }
0x2c: {  	s7 =	sld [smem:$0x3FB3]  }
0x2d: {  	s3 =	simm.s32 $0x108;
	s8 =	sld [smem:$0x3FB4]  }
0x2e: {  	s3 =	simm.s32 @!p0 $0x1082;
	s9 =	sld [smem:$0x3FB5]  }
0x2f: {  	lr =	sadd.s32 s0, s3;
	s0 =	sld [smem:$0x3FAC]  }
0x30: {  	s3 =	sld [smem:$0x3FAF]  }
0x31: {  	[smem:$0x3FB8] =	sst s10  }
0x32: {  	s10 =	sld [smem:$0x3FB6];
	_ =	sdelay $0x3  }
0x33: {  	p0 =	seq.s32 s10, $0x1;
	s10 =	sld [smem:$0x3FB8];
	_ =	sdelay $0x3  }
0x34: {  	[smem:$0x3FB8] =	sst s10  }
0x35: {  	s10 =	sld [smem:$0x3FB7];
	_ =	sdelay $0x3  }
0x36: {  	p1 =	seq.s32 s10, $0x1;
	s10 =	sld [smem:$0x3FB8];
	_ =	sdelay $0x3  }
0x37: {  	[smem:$0x3FB8] =	sst s10  }
0x38: {  	s10 =	sld [smem:$0x3FB9]  }
0x39: {  	_ = 	snop;
	(pc) =	sbr.ind lr, $3  }
0x3a: {  	_ = 	snop  }
0x3b: {  	_ = 	snop  }
0x3c: {  	p2 =	seq.s32 s10, $0x1;
	s10 =	sld [smem:$0x3FB8]  }
0x3d: {  	_ =	shalt  }
0x3e: {  	_ =	shalt  }
0x3f: {  	_ =	shalt  }
0x40: {  	_ =	shalt  }
0x41: {  	_ =	shalt  }
0x42: {  	_ =	shalt  }
0x43: {  	_ =	shalt  }
0x44: {  	_ =	shalt  }
0x45: {  	_ =	shalt  }
0x46: {  	_ =	shalt  }
0x47: {  	_ =	shalt  }
0x48: {  	_ =	shalt  }
0x49: {  	_ =	shalt  }
0x4a: {  	_ =	shalt  }
0x4b: {  	_ =	shalt  }
0x4c: {  	_ =	shalt  }
0x4d: {  	_ =	shalt  }
0x4e: {  	_ =	shalt  }
0x4f: {  	_ =	shalt  }
0x50: {  	_ =	shalt  }
0x51: {  	_ =	shalt  }
0x52: {  	_ =	shalt  }
0x53: {  	_ =	shalt  }
0x54: {  	_ =	shalt  }
0x55: {  	_ =	shalt  }
0x56: {  	_ =	shalt  }
0x57: {  	_ =	shalt  }
0x58: {  	_ =	shalt  }
0x59: {  	_ =	shalt  }
0x5a: {  	_ =	shalt  }
0x5b: {  	_ =	shalt  }
0x5c: {  	_ =	shalt  }
0x5d: {  	_ =	shalt  }
0x5e: {  	_ =	shalt  }
0x5f: {  	_ =	shalt  }
0x60: {  	_ =	shalt  }
0x61: {  	_ =	shalt  }
0x62: {  	_ =	shalt  }
0x63: {  	_ =	shalt  }
0x64: {  	_ =	shalt  }
0x65: {  	_ =	shalt  }
0x66: {  	_ =	shalt  }
0x67: {  	_ =	shalt  }
0x68: {  	_ =	shalt  }
0x69: {  	_ =	shalt  }
0x6a: {  	_ =	shalt  }
0x6b: {  	_ =	shalt  }
0x6c: {  	_ =	shalt  }
0x6d: {  	_ =	shalt  }
0x6e: {  	_ =	shalt  }
0x6f: {  	_ =	shalt  }
0x70: {  	_ =	shalt  }
0x71: {  	_ =	shalt  }
0x72: {  	_ =	shalt  }
0x73: {  	_ =	shalt  }
0x74: {  	_ =	shalt  }
0x75: {  	_ =	shalt  }
0x76: {  	_ =	shalt  }
0x77: {  	_ =	shalt  }
0x78: {  	_ =	shalt  }
0x79: {  	_ =	shalt  }
0x7a: {  	_ =	shalt  }
0x7b: {  	_ =	shalt  }
0x7c: {  	_ =	shalt  }
0x7d: {  	_ =	shalt  }
0x7e: {  	_ =	shalt  }
0x7f: {  	_ =	shalt  }
0x80: {  	_ =	shalt  }
0x81: {  	_ =	shalt  }
0x82: {  	_ =	shalt  }
0x83: {  	_ =	shalt  }
0x84: {  	_ =	shalt  }
0x85: {  	_ =	shalt  }
0x86: {  	_ =	shalt  }
0x87: {  	_ =	shalt  }
.Lfunc_end0:
.L_simem_size_0:
called_computation_lowered:
.L_overlay_start_0:
0x88: {  	s2 =	sld [smem:$0x3FD9]  }
0x89: {  	s3 =	sld [smem:$0x3FFE];
	_ =	sdelay $0x1  }
0x8a: {  	s1 =	srdreg.scid  }
0x8b: {  	s0 =	sand.u32 $0x1, s1  }
0x8c: {  	s16 =	sshll.u32 s0, $0xA;
	s2 =	sadd.s32 s3, s2  }
0x8d: {  	s2 =	sadd.s32 s2, s16  }
0x8e: {  	[smem:$0x3FC4] =	sst s2  }
0x8f: {  	_ = 	snop  }
0x90: {  	(tm) =	ssettm $0x1  }
0x91: {  	s17 =	sld [smem:$0x3FFB];
	_ =	sdelay $0x3  }
0x92: {  	_ =	strace s17  }
0x93: {  	s2 =	sld [smem:$0x3FFC];
	_ =	sdelay $0x3  }
0x94: {  	_ =	strace s2  }
0x95: {  	s2 =	sld [smem:$0x3FFD];
	_ =	sdelay $0x3  }
0x96: {  	_ =	strace s2  }
0x97: {  	_ =	strace $0x8FFFFFFF  }
0x98: {  	s18 =	sld [smem:$0x3FDB];
	_ =	sdelay $0x1  }
0x99: {  	s19 =	simm.s32 $_scs_section_size  }
0x9a: {  	s4 =	simm.s32 $_size__tile_overlayer_lowered;
	s5 =	simm.s32 $_tile_overlayer_lowered  }
0x9b: {  	s22 =	simm.s32 $0x1BFF;
	s21 =	sshll.u32 s5, $0x1;
	s2 =	sadd.s32 s19, s18  }
0x9c: {  	s6 =	simm.s32 $0x0;
	s20 =	sshll.u32 s4, $0x1;
	s4 =	sadd.s32 s21, s2  }
0x9d: {  	[timem:s6], [sflag:s22] =	dma.local [hbm:s4], s20  }
0x9e: {  	_ =	swait.ge [sflag:s22], s20  }
0x9f: {  	s3 =	ssub.s32 $0x0, s20;
	[sflag:s22] =	ssyncset.done $0x0  }
0xa0: {  	[sflag:s22] =	ssyncadd.s32 s3;
	_ =	sdelay $0x1  }
0xa1: {  	s23 =	simm.s32 $0x1B8B  }
0xa2: {  	_ =	swait.ge [sflag:s23], $0x1  }
0xa3: {  	[sflag:s23] =	ssyncset.done $0x0  }
0xa4: {  	s25 =	simm.s32 $0x1B8E;
	s24 =	sld [smem:$0x3FFE];
	[sflag:s23] =	ssyncadd.s32 $0xFFFFFFFF  }
0xa5: {  	s26 =	simm.s32 $execute0_lowered;
	[smem:$0x3FD2] =	sst s25  }
0xa6: {  	s4 =	sshll.u32 s26, $0x1;
	_ =	strace $0x80000046;
	[dreg:$0x1] =	wrdreg $0xFFFFFFFF  }
0xa7: {  	s28 =	simm.s32 $_size_execute0_lowered;
	s2 =	sadd.s32 s2, s4;
	[dreg:$0x0] =	wrdreg $0x0  }
0xa8: {  	s4 =	sshll.u32 s28, $0x1;
	[dreg:$0x2] =	wrdreg s2  }
0xa9: {  	[dreg:$0x3] =	wrdreg s4  }
0xaa: {  	[dreg:$0x4] =	wrdreg $0xC0  }
0xab: {  	_ =	task [dreg:s6], $0x5FFFF  }
0xac: {  	[dreg:$0x1] =	wrdreg $0xFFFFFFFF  }
0xad: {  	[dreg:$0x0] =	wrdreg $0x60  }
0xae: {  	[dreg:$0x2] =	wrdreg s24  }
0xaf: {  	[dreg:$0x3] =	wrdreg $0x9  }
0xb0: {  	_ =	task.clear_ibuf [dreg:s6], $0x4FFFF;
	_ =	strace $0x90000046  }
0xb1: {  	s29 =	simm.s32 $0x9;
	_ =	strace $0x80000048  }
0xb2: {  	_ =	swait.ge [sflag:s29], $0x1  }
0xb3: {  	[sflag:s29] =	ssyncadd.s32 $0xFFFFFFFF  }
0xb4: {  	_ =	strace $0x90000048  }
0xb5: {  	_ =	sfence  }
0xb6: {  	s30 =	sld [smem:$0x0];
	_ =	sdelay $0x2  }
0xb7: {  	s31 =	sshll.u32 s1, $0xD;
	s1 =	sshrl.u32 s1, $0x2  }
0xb8: {  	s3 =	sand.u32 $0x4000, s31;
	s1 =	sadd.s32 s1, s30  }
0xb9: {  	s0 =	sor.u32 s3, s0;
	s1 =	sshll.u32 s1, $0x11  }
0xba: {  	s0 =	sor.u32 s1, s0  }
0xbb: {  	s0 =	sadd.s32 $0x8F2B, s0  }
0xbc: {  	[sflag:s0] =	ssyncadd.remote.s32 $0x1  }
0xbd: {  	_ =	sfence.sel $0xFFFF  }
0xbe: {  	[dreg:$0x0] =	wrdreg $0xFFFFFFFF;
	(pc) =	sbr.abs _section_cstart, $3  }
0xbf: {  	[dreg:$0x1] =	wrdreg $0xFFFFFFFF  }
0xc0: {  	_ =	task.clear_ibuf [dreg:s6], $0x2FFFF;
	_ =	strace $0x9FFFFFFF  }
0xc1: {  	(tm) =	ssettm $0x7FFFFFFF  }
tec
execute0_lowered:
.L_overlay_start_1:
0x0: {  	(tag) =	ssettag $0x1  }
0x1: {  	s3 =	rddreg [dreg:$0x0]  }
0x2: {  	s0 =	rddreg [dreg:$0x1]  }
0x3: {  	s2 =	simm.s32 $0x0;
	s4 =	srdreg.scid;
	s1 =	stileid.u32  }
0x4: {  	[smem:$0x7FF] =	sst s2;
	s4 =	sand.u32 $0x1, s4;
	s5 =	sshll.u32 s1, $0x1  }
0x5: {  	s8 =	simm.s32 $0x0;
	_ =	strace $0x80000047;
	s5 =	sor.u32 s4, s5  }
0x6: {  	s4 =	ssub.s32 $0x2, s4;
	s6 =	sshll.u32 s5, $0xC;
	s5 =	sshll.u32 s5, $0x1  }
0x7: {  	s7 =	sshrl.u32 s4, $0x1;
	s6 =	sadd.s32 s6, s3;
	s5 =	sadd.s32 s5, s3  }
0x8: {  	s7 =	ssub.s32 s4, s7;
	s3 =	sadd.s32 $0x1C00, s6;
	s4 =	sadd.s32 $0x21C00, s5  }
0x9: {  	s5 =	smax.u32 s7, $0x1;
	s6 =	simm.s32 $0x1;
	s7 =	simm.s32 $0x8000  }
.LBB2_1:
0xa: {  	[tilespmem:s2], [sflag:$0x1] =	stream.linear.gather [hbm4b:s3+s2], $0x8000, $0x38;
	[tilespmem:$0x8010] =	vst v63  }
0xb: {  	_ =	swait.ge [sflag:s6], $0x8000  }
0xc: {  	[sflag:s6] =	ssyncset.done $0x0  }
0xd: {  	s10 =	simm.s32 $0x0;
	[sflag:s6] =	ssyncadd.s32 $0xFFFF8000  }
0xe: {  	v0 =	vimm.f32 $0.0e+00;
	s9 =	simm.s32 $0x40;
	v1 =	vld [tilespmem:s10+$0x0]  }
.LBB2_2:
0xf: {  	p0 =	sne.s32 s9, $0x1FFC0  }
.Ltmp0:
0x10: {  	_ = 	snop;
	(pc) =	sbr.rel @p0 .LBB2_2-.Ltmp0, $3  }
0x11: {  	_ =	sdelay $0x1  }
0x12: {  	s10 =	sshra.s32 s9, $0x2;
	s9 =	sadd.s32 $0x40, s9;
	v0 =	vadd.f32 v1, v0  }
0x13: {  	v1 =	vld [tilespmem:s10+$0x0]  }
0x14: {  	_ =	sdelay $0x3  }
0x15: {  	v0 =	vadd.f32 v1, v0;
	_ =	sdelay $0x1  }
0x16: {  	(xrf2) =	vadd.scan.msk.f32 $0xffff, v0;
	_ =	sdelay $0x9  }
0x17: {  	v0, _, _ =	vpop (xrf2)  }
0x18: {  	s8 =	sadd.s32 $0x1, s8;
	v0 =	vbroadcast v0, $0xF  }
0x19: {  	p0 =	sne.s32 s8, s5  }
.Ltmp1:
0x1a: {  	[tilespmem:$0x8000] =	vst v0;
	(pc) =	sbr.rel @p0 .LBB2_1-.Ltmp1, $4  }
0x1b: {  	[hbm4b:s4+s2] =	stream.linear.scatter [tilespmem:s7], [sflag:$0x1], $0x10, $0x38;
	[tilespmem:$0x8010] =	vst v63  }
0x1c: {  	_ =	swait.ge [sflag:s6], $0x10  }
0x1d: {  	[sflag:s6] =	ssyncset.done $0x0  }
0x1e: {  	[sflag:s6] =	ssyncadd.s32 $0xFFFFFFF0  }
0x1f: {  	_ =	sfence.sel $0x180000  }
0x20: {  	[bflag:$0x0] =	sbarrier.arrive $0xFFFF  }
0x21: {  	p0 =	sne.s32 s1, $0x0;
	_ =	strace $0x90000047  }
0x22: {  	s0 =	sadd.s32 @!p0 $0x100000, s0;
	[bflag:$0x2] =	sbarrier.arrive $0xFFFF  }
0x23: {  	[sflag:s0] =	ssyncadd.tile.s32 @!p0 $0x1;
	_ =	shalt  }
.Lfunc_end2:
_tile_overlayer_lowered:
.L_overlay_start_2:
0x24: {  	(tag) =	ssettag $0x2  }
0x25: {  	s0 =	rddreg [dreg:$0x0];
	s2 =	stileid.u32  }
0x26: {  	s1 =	rddreg [dreg:$0x1];
	p0 =	sne.s32 s2, $0x0  }
0x27: {  	s3 =	rddreg [dreg:$0x2];
	[bflag:$0x3] =	sbarrier.arrive $0xFFFF;
	s2 =	simm.s32 @!p0 $0x1C01  }
0x28: {  	[timem:s3], [sflag:s2] =	dma.local @!p0 [hbm:s0], s1  }
0x29: {  	s0 =	simm.s32 @!p0 $0x1  }
0x2a: {  	_ =	swait.ge @!p0 [sflag:s0], s1  }
0x2b: {  	s1 =	ssub.s32 @!p0 $0x0, s1;
	[sflag:s0] =	ssyncset.done @!p0 $0x0  }
0x2c: {  	[sflag:s0] =	ssyncadd.s32 @!p0 s1  }
0x2d: {  	[bflag:$0x3] =	sbarrier.arrive $0xFFFF  }
0x2e: {  	_ =	shalt  }

</sc_bundles>
